<compile_context>
chip_gen: v7x
topology: tpu7x:2x2x1
jax: 0.10.2.dev20260603
libtpu: 0.0.44.dev20260713+nightly
codegen_flags: <defaults>
</compile_context>

<pallas_src>
import functools

import jax
import jax.numpy as jnp
from jax import lax
from jax.experimental import pallas as pl
from jax.experimental.pallas import tpu as pltpu
from jax.experimental.pallas import tpu_sc as plsc

_N = 10000
_K = 32
_F_IN = 128
_F_OUT = 128

_NC = 2
_NS = 16
_NW = _NC * _NS

_SEGS = (10000,)
_CH = 80


def _sc_gather_body(table, idx_hbm, out_hbm,
                    xs, idx_v, rows0, rows1, gsem0, gsem1, wsem0, wsem1,
                    seg):
    nchunk = seg // _CH
    sid = lax.axis_index("s")
    wid = sid * _NC + lax.axis_index("c")
    ibase = pl.multiple_of(wid * seg, 8)
    col = pl.multiple_of(wid * _F_IN, _F_IN)
    pltpu.sync_copy(idx_hbm.at[pl.ds(ibase, seg)], idx_v)

    @pl.when(sid == 0)
    def _stage():
        pltpu.sync_copy(table, xs)
    plsc.subcore_barrier()

    bufs = (rows0, rows1)
    gsems = (gsem0, gsem1)
    wsems = (wsem0, wsem1)
    wb = [None, None]
    g = [None, None]

    g[0] = pltpu.async_copy(xs.at[idx_v.at[pl.ds(0, _CH)]], rows0, gsem0)
    for c in range(nchunk):
        b = c & 1
        nb = b ^ 1
        if c + 1 < nchunk:
            if wb[nb] is not None:
                wb[nb].wait()
            g[nb] = pltpu.async_copy(
                xs.at[idx_v.at[pl.ds((c + 1) * _CH, _CH)]],
                bufs[nb], gsems[nb])
        g[b].wait()
        wb[b] = pltpu.async_copy(
            bufs[b],
            out_hbm.at[pl.ds(c * _CH, _CH), pl.ds(col, _F_IN)],
            wsems[b])
    wb[(nchunk - 1) & 1].wait()
    if nchunk > 1:
        wb[nchunk & 1].wait()


@functools.cache
def _sc_gather(seg):
    return pl.kernel(
        functools.partial(_sc_gather_body, seg=seg),
        out_type=jax.ShapeDtypeStruct((seg, _K * _F_IN), jnp.float32),
        mesh=plsc.VectorSubcoreMesh(core_axis_name="c", subcore_axis_name="s"),
        scratch_types=[
            pltpu.VMEM_SHARED((_N, _F_IN), jnp.float32),
            pltpu.VMEM((seg,), jnp.int32),
            pltpu.VMEM((_CH, _F_IN), jnp.float32),
            pltpu.VMEM((_CH, _F_IN), jnp.float32),
            pltpu.SemaphoreType.DMA,
            pltpu.SemaphoreType.DMA,
            pltpu.SemaphoreType.DMA,
            pltpu.SemaphoreType.DMA,
        ],
    )


def _mm_body(xnh_ref, w_ref, b_ref, acc_ref, o_ref):
    del acc_ref
    o_ref[...] = (
        jnp.dot(xnh_ref[...].astype(jnp.bfloat16), w_ref[...],
                preferred_element_type=jnp.float32)
        + b_ref[...]
    )


_ROWS_BLK = 400


def _mm_seg(xnh, w, b, acc, blk_off):
    return pl.pallas_call(
        _mm_body,
        grid=(xnh.shape[0] // _ROWS_BLK,),
        in_specs=[
            pl.BlockSpec((_ROWS_BLK, _K * _F_IN), lambda i: (i, 0)),
            pl.BlockSpec((_K * _F_IN, _F_OUT), lambda i: (0, 0)),
            pl.BlockSpec((1, _F_OUT), lambda i: (0, 0)),
            pl.BlockSpec(memory_space=pl.ANY),
        ],
        out_specs=pl.BlockSpec((_ROWS_BLK, _F_OUT),
                               lambda i, o=blk_off: (i + o, 0)),
        out_shape=jax.ShapeDtypeStruct((_N, _F_OUT), jnp.float32),
        input_output_aliases={3: 0},
    )(xnh, w, b, acc)


def kernel(x, adjc, W, b):
    adjT = adjc.T
    wb = W.astype(jnp.bfloat16)
    b2 = b.reshape(1, _F_OUT)
    acc = jnp.zeros((_N, _F_OUT), jnp.float32)
    off = 0
    for seg in _SEGS:
        idx_s = adjT[:, off:off + seg].reshape(_K * seg)
        xnh = _sc_gather(seg)(x, idx_s)
        acc = _mm_seg(xnh, wb, b2, acc, off // _ROWS_BLK)
        off += seg
    return acc

# --- scband reference (transcript-rebuilt; emitter-appended) ---
"""Pipeline reference for scband-nhconv-274877907665 (READ-ONLY COPY).

The authoritative reference and input builder live on the scoring server;
editing this copy changes nothing except your own understanding.
"""

import jax, jax.numpy as jnp
import numpy as np

N = 10000      # number of grid nodes (healpix-style)
K = 32         # neighborhood size = grid_layer.adjc.shape[1]
F_IN = 128     # in_features
F_OUT = 128    # out_features


def setup_inputs(seed: int = 0) -> dict:
    key = jax.random.key(seed)
    k1, k2, k3 = jax.random.split(key, 3)
    x = jax.random.normal(k1, (N, F_IN), dtype=jnp.float32)
    # adjc: fixed-degree neighborhood index table of the grid layer, values in [0, N)
    adjc = jax.random.randint(k2, (N, K), 0, N, dtype=jnp.int32)
    # learned params of the inner layer: linear over flattened neighborhood [K, F_IN] -> F_OUT
    W = jax.random.normal(k3, (K * F_IN, F_OUT), dtype=jnp.float32) / np.sqrt(K * F_IN)
    b = jnp.zeros((F_OUT,), dtype=jnp.float32)
    return {"x": x, "adjc": adjc, "W": W, "b": b}


def reference(x, adjc, W, b):
    # grid_layer.get_nh: gather fixed-size neighborhood features -> [N, K, F_IN]
    x_nh = jnp.take(x, adjc, axis=0)
    # self.layer: linear applied over the (neighborhood, feature) dims -> [N, F_OUT]
    n = x_nh.shape[0]
    out = x_nh.reshape(n, -1) @ W + b
    return out

if __name__ == "__main__":
    import jax
    _d = setup_inputs()
    print(jax.jit(kernel)(*tuple(_d.values())))

</pallas_src>

<mosaic_0001>
#map = affine_map<(d0, d1) -> (0, 0)>
#map1 = affine_map<(d0, d1) -> (0)>
module attributes {stable_mosaic.version = 14 : i64} {
  func.func @_sc_gather_body(%arg0: i32, %arg1: i32, %arg2: memref<10000x128xf32, #tpu.memory_space<hbm>>, %arg3: memref<320000xi32, #tpu.memory_space<hbm>>, %arg4: memref<10000x4096xf32, #tpu.memory_space<hbm>>, %arg5: memref<10000x128xf32, #tpu.memory_space<vmem_shared>>, %arg6: memref<10000xi32, #tpu.memory_space<vmem>>, %arg7: memref<80x128xf32, #tpu.memory_space<vmem>>, %arg8: memref<80x128xf32, #tpu.memory_space<vmem>>, %arg9: memref<!tpu.dma_semaphore, #tpu.memory_space<semaphore_mem>>, %arg10: memref<!tpu.dma_semaphore, #tpu.memory_space<semaphore_mem>>, %arg11: memref<!tpu.dma_semaphore, #tpu.memory_space<semaphore_mem>>, %arg12: memref<!tpu.dma_semaphore, #tpu.memory_space<semaphore_mem>>) attributes {dimension_semantics = [#tpu.dimension_semantics<core_parallel>, #tpu.dimension_semantics<subcore_parallel>], iteration_bounds = array<i64: 2, 16>, scalar_prefetch = 0 : i64, scratch_operands = 8 : i64, tpu.core_type = #tpu.core_type<sc_vector_subcore>, window_params = [{transform_indices = #map}, {transform_indices = #map1}, {transform_indices = #map}]} {
    %mul3A = arith.constant 2 : i32
    %mul3A_0 = arith.muli %arg1, %mul3A : i32
    %add3A = arith.addi %mul3A_0, %arg0 : i32
    %mul3A_1 = arith.constant 10000 : i32
    %mul3A_2 = arith.muli %add3A, %mul3A_1 : i32
    %multiple_of3A = tpu.assume_multiple %mul3A_2, 8 : i32
    %mul3A_3 = arith.constant 128 : i32
    %mul3A_4 = arith.muli %add3A, %mul3A_3 : i32
    %multiple_of3A_5 = tpu.assume_multiple %mul3A_4, 128 : i32
    "tpu.region"() ({
      %run_scoped3A = tpu.sem_alloc : memref<!tpu.dma_semaphore, #tpu.memory_space<semaphore_mem>>
      %dma_start3A_2256 = tpu.memref_slice %arg3[%multiple_of3A] : memref<320000xi32, #tpu.memory_space<hbm>> -> memref<10000xi32, #tpu.memory_space<hbm>>
      %dma_start3A_2257 = tpu.memref_slice %arg3[%multiple_of3A] : memref<320000xi32, #tpu.memory_space<hbm>> -> memref<10000xi32, #tpu.memory_space<hbm>>
      tpu.enqueue_dma source(%dma_start3A_2257 : memref<10000xi32, #tpu.memory_space<hbm>>) target(%arg6 : memref<10000xi32, #tpu.memory_space<vmem>>) target_semaphore(%run_scoped3A : memref<!tpu.dma_semaphore, #tpu.memory_space<semaphore_mem>>)
      %dma_wait3A_2258 = tpu.memref_slice %arg3[%multiple_of3A] : memref<320000xi32, #tpu.memory_space<hbm>> -> memref<10000xi32, #tpu.memory_space<hbm>>
      %dma_wait3A_2259 = tpu.memref_slice %arg3[%multiple_of3A] : memref<320000xi32, #tpu.memory_space<hbm>> -> memref<10000xi32, #tpu.memory_space<hbm>>
      tpu.wait_dma2 semaphore(%run_scoped3A : memref<!tpu.dma_semaphore, #tpu.memory_space<semaphore_mem>>) src(%dma_wait3A_2259 : memref<10000xi32, #tpu.memory_space<hbm>>) dst(%arg6 : memref<10000xi32, #tpu.memory_space<vmem>>)
      tpu.yield
    }) : () -> ()
    %eq3A = arith.constant 0 : i32
    %eq3A_6 = arith.cmpi eq, %arg1, %eq3A : i32
    %convert_element_type3A = arith.extui %eq3A_6 : i1 to i32
    %cond3A = arith.constant 0 : i32
    %cond3A_7 = arith.cmpi ne, %convert_element_type3A, %cond3A : i32
    scf.if %cond3A_7 {
      "tpu.region"() ({
        %run_scoped3A = tpu.sem_alloc : memref<!tpu.dma_semaphore, #tpu.memory_space<semaphore_mem>>
        tpu.enqueue_dma source(%arg2 : memref<10000x128xf32, #tpu.memory_space<hbm>>) target(%arg5 : memref<10000x128xf32, #tpu.memory_space<vmem_shared>>) target_semaphore(%run_scoped3A : memref<!tpu.dma_semaphore, #tpu.memory_space<semaphore_mem>>)
        tpu.wait_dma2 semaphore(%run_scoped3A : memref<!tpu.dma_semaphore, #tpu.memory_space<semaphore_mem>>) src(%arg2 : memref<10000x128xf32, #tpu.memory_space<hbm>>) dst(%arg5 : memref<10000x128xf32, #tpu.memory_space<vmem_shared>>)
        tpu.yield
      }) : () -> ()
    } else {
    }
    %barrier3A = arith.constant 0 : index
    tpu.barrier barrier_id(%barrier3A)
    %dma_start3A = arith.constant 0 : i32
    %dma_start3A_8 = tpu.memref_slice %arg6[%dma_start3A] : memref<10000xi32, #tpu.memory_space<vmem>> -> memref<80xi32, #tpu.memory_space<vmem>>
    %dma_start3A_9 = arith.constant 0 : i32
    %dma_start3A_10 = arith.constant 0 : i32
    %dma_start3A_11 = tpu.memref_slice %arg5[%dma_start3A_9, %dma_start3A_10] : memref<10000x128xf32, #tpu.memory_space<vmem_shared>> -> memref<10000x128xf32, #tpu.memory_space<vmem_shared>>
    tpu.enqueue_indirect_dma source(%dma_start3A_11 : memref<10000x128xf32, #tpu.memory_space<vmem_shared>>) target(%arg7 : memref<80x128xf32, #tpu.memory_space<vmem>>) offsets(%dma_start3A_8 : memref<80xi32, #tpu.memory_space<vmem>>) semaphore(%arg9 : memref<!tpu.dma_semaphore, #tpu.memory_space<semaphore_mem>>)
    %dma_start3A_12 = arith.constant 80 : i32
    %dma_start3A_13 = tpu.memref_slice %arg6[%dma_start3A_12] : memref<10000xi32, #tpu.memory_space<vmem>> -> memref<80xi32, #tpu.memory_space<vmem>>
    %dma_start3A_14 = arith.constant 0 : i32
    %dma_start3A_15 = arith.constant 0 : i32
    %dma_start3A_16 = tpu.memref_slice %arg5[%dma_start3A_14, %dma_start3A_15] : memref<10000x128xf32, #tpu.memory_space<vmem_shared>> -> memref<10000x128xf32, #tpu.memory_space<vmem_shared>>
    tpu.enqueue_indirect_dma source(%dma_start3A_16 : memref<10000x128xf32, #tpu.memory_space<vmem_shared>>) target(%arg8 : memref<80x128xf32, #tpu.memory_space<vmem>>) offsets(%dma_start3A_13 : memref<80xi32, #tpu.memory_space<vmem>>) semaphore(%arg10 : memref<!tpu.dma_semaphore, #tpu.memory_space<semaphore_mem>>)
    %dma_wait3A = arith.constant 0 : i32
    %dma_wait3A_17 = tpu.memref_slice %arg6[%dma_wait3A] : memref<10000xi32, #tpu.memory_space<vmem>> -> memref<80xi32, #tpu.memory_space<vmem>>
    %dma_wait3A_18 = arith.constant 0 : i32
    %dma_wait3A_19 = arith.constant 0 : i32
    %dma_wait3A_20 = tpu.memref_slice %arg5[%dma_wait3A_18, %dma_wait3A_19] : memref<10000x128xf32, #tpu.memory_space<vmem_shared>> -> memref<10000x128xf32, #tpu.memory_space<vmem_shared>>
    tpu.wait_indirect_dma semaphore(%arg9 : memref<!tpu.dma_semaphore, #tpu.memory_space<semaphore_mem>>) src(%dma_wait3A_20 : memref<10000x128xf32, #tpu.memory_space<vmem_shared>>) dst(%arg7 : memref<80x128xf32, #tpu.memory_space<vmem>>)
    %dma_start3A_21 = arith.constant 0 : i32
    %dma_start3A_22 = tpu.memref_slice %arg4[%dma_start3A_21, %multiple_of3A_5] : memref<10000x4096xf32, #tpu.memory_space<hbm>> -> memref<80x128xf32, #tpu.memory_space<hbm>>
    %dma_start3A_23 = arith.constant 0 : i32
    %dma_start3A_24 = tpu.memref_slice %arg4[%dma_start3A_23, %multiple_of3A_5] : memref<10000x4096xf32, #tpu.memory_space<hbm>> -> memref<80x128xf32, #tpu.memory_space<hbm>>
    tpu.enqueue_dma source(%arg7 : memref<80x128xf32, #tpu.memory_space<vmem>>) target(%dma_start3A_24 : memref<80x128xf32, #tpu.memory_space<hbm>>) target_semaphore(%arg11 : memref<!tpu.dma_semaphore, #tpu.memory_space<semaphore_mem>>)
    %dma_wait3A_25 = arith.constant 0 : i32
    %dma_wait3A_26 = tpu.memref_slice %arg4[%dma_wait3A_25, %multiple_of3A_5] : memref<10000x4096xf32, #tpu.memory_space<hbm>> -> memref<80x128xf32, #tpu.memory_space<hbm>>
    %dma_wait3A_27 = arith.constant 0 : i32
    %dma_wait3A_28 = tpu.memref_slice %arg4[%dma_wait3A_27, %multiple_of3A_5] : memref<10000x4096xf32, #tpu.memory_space<hbm>> -> memref<80x128xf32, #tpu.memory_space<hbm>>
    tpu.wait_dma2 semaphore(%arg11 : memref<!tpu.dma_semaphore, #tpu.memory_space<semaphore_mem>>) src(%arg7 : memref<80x128xf32, #tpu.memory_space<vmem>>) dst(%dma_wait3A_28 : memref<80x128xf32, #tpu.memory_space<hbm>>)
    %dma_start3A_29 = arith.constant 160 : i32
    %dma_start3A_30 = tpu.memref_slice %arg6[%dma_start3A_29] : memref<10000xi32, #tpu.memory_space<vmem>> -> memref<80xi32, #tpu.memory_space<vmem>>
    %dma_start3A_31 = arith.constant 0 : i32
    %dma_start3A_32 = arith.constant 0 : i32
    %dma_start3A_33 = tpu.memref_slice %arg5[%dma_start3A_31, %dma_start3A_32] : memref<10000x128xf32, #tpu.memory_space<vmem_shared>> -> memref<10000x128xf32, #tpu.memory_space<vmem_shared>>
    tpu.enqueue_indirect_dma source(%dma_start3A_33 : memref<10000x128xf32, #tpu.memory_space<vmem_shared>>) target(%arg7 : memref<80x128xf32, #tpu.memory_space<vmem>>) offsets(%dma_start3A_30 : memref<80xi32, #tpu.memory_space<vmem>>) semaphore(%arg9 : memref<!tpu.dma_semaphore, #tpu.memory_space<semaphore_mem>>)
    %dma_wait3A_34 = arith.constant 80 : i32
    %dma_wait3A_35 = tpu.memref_slice %arg6[%dma_wait3A_34] : memref<10000xi32, #tpu.memory_space<vmem>> -> memref<80xi32, #tpu.memory_space<vmem>>
    %dma_wait3A_36 = arith.constant 0 : i32
    %dma_wait3A_37 = arith.constant 0 : i32
    %dma_wait3A_38 = tpu.memref_slice %arg5[%dma_wait3A_36, %dma_wait3A_37] : memref<10000x128xf32, #tpu.memory_space<vmem_shared>> -> memref<10000x128xf32, #tpu.memory_space<vmem_shared>>
    tpu.wait_indirect_dma semaphore(%arg10 : memref<!tpu.dma_semaphore, #tpu.memory_space<semaphore_mem>>) src(%dma_wait3A_38 : memref<10000x128xf32, #tpu.memory_space<vmem_shared>>) dst(%arg8 : memref<80x128xf32, #tpu.memory_space<vmem>>)
    %dma_start3A_39 = arith.constant 80 : i32
    %dma_start3A_40 = tpu.memref_slice %arg4[%dma_start3A_39, %multiple_of3A_5] : memref<10000x4096xf32, #tpu.memory_space<hbm>> -> memref<80x128xf32, #tpu.memory_space<hbm>>
    %dma_start3A_41 = arith.constant 80 : i32
    %dma_start3A_42 = tpu.memref_slice %arg4[%dma_start3A_41, %multiple_of3A_5] : memref<10000x4096xf32, #tpu.memory_space<hbm>> -> memref<80x128xf32, #tpu.memory_space<hbm>>
    tpu.enqueue_dma source(%arg8 : memref<80x128xf32, #tpu.memory_space<vmem>>) target(%dma_start3A_42 : memref<80x128xf32, #tpu.memory_space<hbm>>) target_semaphore(%arg12 : memref<!tpu.dma_semaphore, #tpu.memory_space<semaphore_mem>>)
    %dma_wait3A_43 = arith.constant 80 : i32
    %dma_wait3A_44 = tpu.memref_slice %arg4[%dma_wait3A_43, %multiple_of3A_5] : memref<10000x4096xf32, #tpu.memory_space<hbm>> -> memref<80x128xf32, #tpu.memory_space<hbm>>
    %dma_wait3A_45 = arith.constant 80 : i32
    %dma_wait3A_46 = tpu.memref_slice %arg4[%dma_wait3A_45, %multiple_of3A_5] : memref<10000x4096xf32, #tpu.memory_space<hbm>> -> memref<80x128xf32, #tpu.memory_space<hbm>>
    tpu.wait_dma2 semaphore(%arg12 : memref<!tpu.dma_semaphore, #tpu.memory_space<semaphore_mem>>) src(%arg8 : memref<80x128xf32, #tpu.memory_space<vmem>>) dst(%dma_wait3A_46 : memref<80x128xf32, #tpu.memory_space<hbm>>)
    %dma_start3A_47 = arith.constant 240 : i32
    %dma_start3A_48 = tpu.memref_slice %arg6[%dma_start3A_47] : memref<10000xi32, #tpu.memory_space<vmem>> -> memref<80xi32, #tpu.memory_space<vmem>>
    %dma_start3A_49 = arith.constant 0 : i32
    %dma_start3A_50 = arith.constant 0 : i32
    %dma_start3A_51 = tpu.memref_slice %arg5[%dma_start3A_49, %dma_start3A_50] : memref<10000x128xf32, #tpu.memory_space<vmem_shared>> -> memref<10000x128xf32, #tpu.memory_space<vmem_shared>>
    tpu.enqueue_indirect_dma source(%dma_start3A_51 : memref<10000x128xf32, #tpu.memory_space<vmem_shared>>) target(%arg8 : memref<80x128xf32, #tpu.memory_space<vmem>>) offsets(%dma_start3A_48 : memref<80xi32, #tpu.memory_space<vmem>>) semaphore(%arg10 : memref<!tpu.dma_semaphore, #tpu.memory_space<semaphore_mem>>)
    %dma_wait3A_52 = arith.constant 160 : i32
    %dma_wait3A_53 = tpu.memref_slice %arg6[%dma_wait3A_52] : memref<10000xi32, #tpu.memory_space<vmem>> -> memref<80xi32, #tpu.memory_space<vmem>>
    %dma_wait3A_54 = arith.constant 0 : i32
    %dma_wait3A_55 = arith.constant 0 : i32
    %dma_wait3A_56 = tpu.memref_slice %arg5[%dma_wait3A_54, %dma_wait3A_55] : memref<10000x128xf32, #tpu.memory_space<vmem_shared>> -> memref<10000x128xf32, #tpu.memory_space<vmem_shared>>
    tpu.wait_indirect_dma semaphore(%arg9 : memref<!tpu.dma_semaphore, #tpu.memory_space<semaphore_mem>>) src(%dma_wait3A_56 : memref<10000x128xf32, #tpu.memory_space<vmem_shared>>) dst(%arg7 : memref<80x128xf32, #tpu.memory_space<vmem>>)
    %dma_start3A_57 = arith.constant 160 : i32
    %dma_start3A_58 = tpu.memref_slice %arg4[%dma_start3A_57, %multiple_of3A_5] : memref<10000x4096xf32, #tpu.memory_space<hbm>> -> memref<80x128xf32, #tpu.memory_space<hbm>>
    %dma_start3A_59 = arith.constant 160 : i32
    %dma_start3A_60 = tpu.memref_slice %arg4[%dma_start3A_59, %multiple_of3A_5] : memref<10000x4096xf32, #tpu.memory_space<hbm>> -> memref<80x128xf32, #tpu.memory_space<hbm>>
    tpu.enqueue_dma source(%arg7 : memref<80x128xf32, #tpu.memory_space<vmem>>) target(%dma_start3A_60 : memref<80x128xf32, #tpu.memory_space<hbm>>) target_semaphore(%arg11 : memref<!tpu.dma_semaphore, #tpu.memory_space<semaphore_mem>>)
    %dma_wait3A_61 = arith.constant 160 : i32
    %dma_wait3A_62 = tpu.memref_slice %arg4[%dma_wait3A_61, %multiple_of3A_5] : memref<10000x4096xf32, #tpu.memory_space<hbm>> -> memref<80x128xf32, #tpu.memory_space<hbm>>
    %dma_wait3A_63 = arith.constant 160 : i32
    %dma_wait3A_64 = tpu.memref_slice %arg4[%dma_wait3A_63, %multiple_of3A_5] : memref<10000x4096xf32, #tpu.memory_space<hbm>> -> memref<80x128xf32, #tpu.memory_space<hbm>>
    tpu.wait_dma2 semaphore(%arg11 : memref<!tpu.dma_semaphore, #tpu.memory_space<semaphore_mem>>) src(%arg7 : memref<80x128xf32, #tpu.memory_space<vmem>>) dst(%dma_wait3A_64 : memref<80x128xf32, #tpu.memory_space<hbm>>)
    %dma_start3A_65 = arith.constant 320 : i32
    %dma_start3A_66 = tpu.memref_slice %arg6[%dma_start3A_65] : memref<10000xi32, #tpu.memory_space<vmem>> -> memref<80xi32, #tpu.memory_space<vmem>>
    %dma_start3A_67 = arith.constant 0 : i32
    %dma_start3A_68 = arith.constant 0 : i32
    %dma_start3A_69 = tpu.memref_slice %arg5[%dma_start3A_67, %dma_start3A_68] : memref<10000x128xf32, #tpu.memory_space<vmem_shared>> -> memref<10000x128xf32, #tpu.memory_space<vmem_shared>>
    tpu.enqueue_indirect_dma source(%dma_start3A_69 : memref<10000x128xf32, #tpu.memory_space<vmem_shared>>) target(%arg7 : memref<80x128xf32, #tpu.memory_space<vmem>>) offsets(%dma_start3A_66 : memref<80xi32, #tpu.memory_space<vmem>>) semaphore(%arg9 : memref<!tpu.dma_semaphore, #tpu.memory_space<semaphore_mem>>)
    %dma_wait3A_70 = arith.constant 240 : i32
    %dma_wait3A_71 = tpu.memref_slice %arg6[%dma_wait3A_70] : memref<10000xi32, #tpu.memory_space<vmem>> -> memref<80xi32, #tpu.memory_space<vmem>>
    %dma_wait3A_72 = arith.constant 0 : i32
    %dma_wait3A_73 = arith.constant 0 : i32
    %dma_wait3A_74 = tpu.memref_slice %arg5[%dma_wait3A_72, %dma_wait3A_73] : memref<10000x128xf32, #tpu.memory_space<vmem_shared>> -> memref<10000x128xf32, #tpu.memory_space<vmem_shared>>
    tpu.wait_indirect_dma semaphore(%arg10 : memref<!tpu.dma_semaphore, #tpu.memory_space<semaphore_mem>>) src(%dma_wait3A_74 : memref<10000x128xf32, #tpu.memory_space<vmem_shared>>) dst(%arg8 : memref<80x128xf32, #tpu.memory_space<vmem>>)
    %dma_start3A_75 = arith.constant 240 : i32
    %dma_start3A_76 = tpu.memref_slice %arg4[%dma_start3A_75, %multiple_of3A_5] : memref<10000x4096xf32, #tpu.memory_space<hbm>> -> memref<80x128xf32, #tpu.memory_space<hbm>>
    %dma_start3A_77 = arith.constant 240 : i32
    %dma_start3A_78 = tpu.memref_slice %arg4[%dma_start3A_77, %multiple_of3A_5] : memref<10000x4096xf32, #tpu.memory_space<hbm>> -> memref<80x128xf32, #tpu.memory_space<hbm>>
    tpu.enqueue_dma source(%arg8 : memref<80x128xf32, #tpu.memory_space<vmem>>) target(%dma_start3A_78 : memref<80x128xf32, #tpu.memory_space<hbm>>) target_semaphore(%arg12 : memref<!tpu.dma_semaphore, #tpu.memory_space<semaphore_mem>>)
    %dma_wait3A_79 = arith.constant 240 : i32
    %dma_wait3A_80 = tpu.memref_slice %arg4[%dma_wait3A_79, %multiple_of3A_5] : memref<10000x4096xf32, #tpu.memory_space<hbm>> -> memref<80x128xf32, #tpu.memory_space<hbm>>
    %dma_wait3A_81 = arith.constant 240 : i32
    %dma_wait3A_82 = tpu.memref_slice %arg4[%dma_wait3A_81, %multiple_of3A_5] : memref<10000x4096xf32, #tpu.memory_space<hbm>> -> memref<80x128xf32, #tpu.memory_space<hbm>>
    tpu.wait_dma2 semaphore(%arg12 : memref<!tpu.dma_semaphore, #tpu.memory_space<semaphore_mem>>) src(%arg8 : memref<80x128xf32, #tpu.memory_space<vmem>>) dst(%dma_wait3A_82 : memref<80x128xf32, #tpu.memory_space<hbm>>)
    %dma_start3A_83 = arith.constant 400 : i32
    %dma_start3A_84 = tpu.memref_slice %arg6[%dma_start3A_83] : memref<10000xi32, #tpu.memory_space<vmem>> -> memref<80xi32, #tpu.memory_space<vmem>>
    %dma_start3A_85 = arith.constant 0 : i32
    %dma_start3A_86 = arith.constant 0 : i32
    %dma_start3A_87 = tpu.memref_slice %arg5[%dma_start3A_85, %dma_start3A_86] : memref<10000x128xf32, #tpu.memory_space<vmem_shared>> -> memref<10000x128xf32, #tpu.memory_space<vmem_shared>>
    tpu.enqueue_indirect_dma source(%dma_start3A_87 : memref<10000x128xf32, #tpu.memory_space<vmem_shared>>) target(%arg8 : memref<80x128xf32, #tpu.memory_space<vmem>>) offsets(%dma_start3A_84 : memref<80xi32, #tpu.memory_space<vmem>>) semaphore(%arg10 : memref<!tpu.dma_semaphore, #tpu.memory_space<semaphore_mem>>)
    %dma_wait3A_88 = arith.constant 320 : i32
    %dma_wait3A_89 = tpu.memref_slice %arg6[%dma_wait3A_88] : memref<10000xi32, #tpu.memory_space<vmem>> -> memref<80xi32, #tpu.memory_space<vmem>>
    %dma_wait3A_90 = arith.constant 0 : i32
    %dma_wait3A_91 = arith.constant 0 : i32
    %dma_wait3A_92 = tpu.memref_slice %arg5[%dma_wait3A_90, %dma_wait3A_91] : memref<10000x128xf32, #tpu.memory_space<vmem_shared>> -> memref<10000x128xf32, #tpu.memory_space<vmem_shared>>
    tpu.wait_indirect_dma semaphore(%arg9 : memref<!tpu.dma_semaphore, #tpu.memory_space<semaphore_mem>>) src(%dma_wait3A_92 : memref<10000x128xf32, #tpu.memory_space<vmem_shared>>) dst(%arg7 : memref<80x128xf32, #tpu.memory_space<vmem>>)
    %dma_start3A_93 = arith.constant 320 : i32
    %dma_start3A_94 = tpu.memref_slice %arg4[%dma_start3A_93, %multiple_of3A_5] : memref<10000x4096xf32, #tpu.memory_space<hbm>> -> memref<80x128xf32, #tpu.memory_space<hbm>>
    %dma_start3A_95 = arith.constant 320 : i32
    %dma_start3A_96 = tpu.memref_slice %arg4[%dma_start3A_95, %multiple_of3A_5] : memref<10000x4096xf32, #tpu.memory_space<hbm>> -> memref<80x128xf32, #tpu.memory_space<hbm>>
    tpu.enqueue_dma source(%arg7 : memref<80x128xf32, #tpu.memory_space<vmem>>) target(%dma_start3A_96 : memref<80x128xf32, #tpu.memory_space<hbm>>) target_semaphore(%arg11 : memref<!tpu.dma_semaphore, #tpu.memory_space<semaphore_mem>>)
    %dma_wait3A_97 = arith.constant 320 : i32
    %dma_wait3A_98 = tpu.memref_slice %arg4[%dma_wait3A_97, %multiple_of3A_5] : memref<10000x4096xf32, #tpu.memory_space<hbm>> -> memref<80x128xf32, #tpu.memory_space<hbm>>
    %dma_wait3A_99 = arith.constant 320 : i32
    %dma_wait3A_100 = tpu.memref_slice %arg4[%dma_wait3A_99, %multiple_of3A_5] : memref<10000x4096xf32, #tpu.memory_space<hbm>> -> memref<80x128xf32, #tpu.memory_space<hbm>>
    tpu.wait_dma2 semaphore(%arg11 : memref<!tpu.dma_semaphore, #tpu.memory_space<semaphore_mem>>) src(%arg7 : memref<80x128xf32, #tpu.memory_space<vmem>>) dst(%dma_wait3A_100 : memref<80x128xf32, #tpu.memory_space<hbm>>)
    %dma_start3A_101 = arith.constant 480 : i32
    %dma_start3A_102 = tpu.memref_slice %arg6[%dma_start3A_101] : memref<10000xi32, #tpu.memory_space<vmem>> -> memref<80xi32, #tpu.memory_space<vmem>>
    %dma_start3A_103 = arith.constant 0 : i32
    %dma_start3A_104 = arith.constant 0 : i32
    %dma_start3A_105 = tpu.memref_slice %arg5[%dma_start3A_103, %dma_start3A_104] : memref<10000x128xf32, #tpu.memory_space<vmem_shared>> -> memref<10000x128xf32, #tpu.memory_space<vmem_shared>>
    tpu.enqueue_indirect_dma source(%dma_start3A_105 : memref<10000x128xf32, #tpu.memory_space<vmem_shared>>) target(%arg7 : memref<80x128xf32, #tpu.memory_space<vmem>>) offsets(%dma_start3A_102 : memref<80xi32, #tpu.memory_space<vmem>>) semaphore(%arg9 : memref<!tpu.dma_semaphore, #tpu.memory_space<semaphore_mem>>)
    %dma_wait3A_106 = arith.constant 400 : i32
    %dma_wait3A_107 = tpu.memref_slice %arg6[%dma_wait3A_106] : memref<10000xi32, #tpu.memory_space<vmem>> -> memref<80xi32, #tpu.memory_space<vmem>>
    %dma_wait3A_108 = arith.constant 0 : i32
    %dma_wait3A_109 = arith.constant 0 : i32
    %dma_wait3A_110 = tpu.memref_slice %arg5[%dma_wait3A_108, %dma_wait3A_109] : memref<10000x128xf32, #tpu.memory_space<vmem_shared>> -> memref<10000x128xf32, #tpu.memory_space<vmem_shared>>
    tpu.wait_indirect_dma semaphore(%arg10 : memref<!tpu.dma_semaphore, #tpu.memory_space<semaphore_mem>>) src(%dma_wait3A_110 : memref<10000x128xf32, #tpu.memory_space<vmem_shared>>) dst(%arg8 : memref<80x128xf32, #tpu.memory_space<vmem>>)
    %dma_start3A_111 = arith.constant 400 : i32
    %dma_start3A_112 = tpu.memref_slice %arg4[%dma_start3A_111, %multiple_of3A_5] : memref<10000x4096xf32, #tpu.memory_space<hbm>> -> memref<80x128xf32, #tpu.memory_space<hbm>>
    %dma_start3A_113 = arith.constant 400 : i32
    %dma_start3A_114 = tpu.memref_slice %arg4[%dma_start3A_113, %multiple_of3A_5] : memref<10000x4096xf32, #tpu.memory_space<hbm>> -> memref<80x128xf32, #tpu.memory_space<hbm>>
    tpu.enqueue_dma source(%arg8 : memref<80x128xf32, #tpu.memory_space<vmem>>) target(%dma_start3A_114 : memref<80x128xf32, #tpu.memory_space<hbm>>) target_semaphore(%arg12 : memref<!tpu.dma_semaphore, #tpu.memory_space<semaphore_mem>>)
    %dma_wait3A_115 = arith.constant 400 : i32
    %dma_wait3A_116 = tpu.memref_slice %arg4[%dma_wait3A_115, %multiple_of3A_5] : memref<10000x4096xf32, #tpu.memory_space<hbm>> -> memref<80x128xf32, #tpu.memory_space<hbm>>
    %dma_wait3A_117 = arith.constant 400 : i32
    %dma_wait3A_118 = tpu.memref_slice %arg4[%dma_wait3A_117, %multiple_of3A_5] : memref<10000x4096xf32, #tpu.memory_space<hbm>> -> memref<80x128xf32, #tpu.memory_space<hbm>>
    tpu.wait_dma2 semaphore(%arg12 : memref<!tpu.dma_semaphore, #tpu.memory_space<semaphore_mem>>) src(%arg8 : memref<80x128xf32, #tpu.memory_space<vmem>>) dst(%dma_wait3A_118 : memref<80x128xf32, #tpu.memory_space<hbm>>)
    %dma_start3A_119 = arith.constant 560 : i32
    %dma_start3A_120 = tpu.memref_slice %arg6[%dma_start3A_119] : memref<10000xi32, #tpu.memory_space<vmem>> -> memref<80xi32, #tpu.memory_space<vmem>>
    %dma_start3A_121 = arith.constant 0 : i32
    %dma_start3A_122 = arith.constant 0 : i32
    %dma_start3A_123 = tpu.memref_slice %arg5[%dma_start3A_121, %dma_start3A_122] : memref<10000x128xf32, #tpu.memory_space<vmem_shared>> -> memref<10000x128xf32, #tpu.memory_space<vmem_shared>>
    tpu.enqueue_indirect_dma source(%dma_start3A_123 : memref<10000x128xf32, #tpu.memory_space<vmem_shared>>) target(%arg8 : memref<80x128xf32, #tpu.memory_space<vmem>>) offsets(%dma_start3A_120 : memref<80xi32, #tpu.memory_space<vmem>>) semaphore(%arg10 : memref<!tpu.dma_semaphore, #tpu.memory_space<semaphore_mem>>)
    %dma_wait3A_124 = arith.constant 480 : i32
    %dma_wait3A_125 = tpu.memref_slice %arg6[%dma_wait3A_124] : memref<10000xi32, #tpu.memory_space<vmem>> -> memref<80xi32, #tpu.memory_space<vmem>>
    %dma_wait3A_126 = arith.constant 0 : i32
    %dma_wait3A_127 = arith.constant 0 : i32
    %dma_wait3A_128 = tpu.memref_slice %arg5[%dma_wait3A_126, %dma_wait3A_127] : memref<10000x128xf32, #tpu.memory_space<vmem_shared>> -> memref<10000x128xf32, #tpu.memory_space<vmem_shared>>
    tpu.wait_indirect_dma semaphore(%arg9 : memref<!tpu.dma_semaphore, #tpu.memory_space<semaphore_mem>>) src(%dma_wait3A_128 : memref<10000x128xf32, #tpu.memory_space<vmem_shared>>) dst(%arg7 : memref<80x128xf32, #tpu.memory_space<vmem>>)
    %dma_start3A_129 = arith.constant 480 : i32
    %dma_start3A_130 = tpu.memref_slice %arg4[%dma_start3A_129, %multiple_of3A_5] : memref<10000x4096xf32, #tpu.memory_space<hbm>> -> memref<80x128xf32, #tpu.memory_space<hbm>>
    %dma_start3A_131 = arith.constant 480 : i32
    %dma_start3A_132 = tpu.memref_slice %arg4[%dma_start3A_131, %multiple_of3A_5] : memref<10000x4096xf32, #tpu.memory_space<hbm>> -> memref<80x128xf32, #tpu.memory_space<hbm>>
    tpu.enqueue_dma source(%arg7 : memref<80x128xf32, #tpu.memory_space<vmem>>) target(%dma_start3A_132 : memref<80x128xf32, #tpu.memory_space<hbm>>) target_semaphore(%arg11 : memref<!tpu.dma_semaphore, #tpu.memory_space<semaphore_mem>>)
    %dma_wait3A_133 = arith.constant 480 : i32
    %dma_wait3A_134 = tpu.memref_slice %arg4[%dma_wait3A_133, %multiple_of3A_5] : memref<10000x4096xf32, #tpu.memory_space<hbm>> -> memref<80x128xf32, #tpu.memory_space<hbm>>
    %dma_wait3A_135 = arith.constant 480 : i32
    %dma_wait3A_136 = tpu.memref_slice %arg4[%dma_wait3A_135, %multiple_of3A_5] : memref<10000x4096xf32, #tpu.memory_space<hbm>> -> memref<80x128xf32, #tpu.memory_space<hbm>>
    tpu.wait_dma2 semaphore(%arg11 : memref<!tpu.dma_semaphore, #tpu.memory_space<semaphore_mem>>) src(%arg7 : memref<80x128xf32, #tpu.memory_space<vmem>>) dst(%dma_wait3A_136 : memref<80x128xf32, #tpu.memory_space<hbm>>)
    %dma_start3A_137 = arith.constant 640 : i32
    %dma_start3A_138 = tpu.memref_slice %arg6[%dma_start3A_137] : memref<10000xi32, #tpu.memory_space<vmem>> -> memref<80xi32, #tpu.memory_space<vmem>>
    %dma_start3A_139 = arith.constant 0 : i32
    %dma_start3A_140 = arith.constant 0 : i32
    %dma_start3A_141 = tpu.memref_slice %arg5[%dma_start3A_139, %dma_start3A_140] : memref<10000x128xf32, #tpu.memory_space<vmem_shared>> -> memref<10000x128xf32, #tpu.memory_space<vmem_shared>>
    tpu.enqueue_indirect_dma source(%dma_start3A_141 : memref<10000x128xf32, #tpu.memory_space<vmem_shared>>) target(%arg7 : memref<80x128xf32, #tpu.memory_space<vmem>>) offsets(%dma_start3A_138 : memref<80xi32, #tpu.memory_space<vmem>>) semaphore(%arg9 : memref<!tpu.dma_semaphore, #tpu.memory_space<semaphore_mem>>)
    %dma_wait3A_142 = arith.constant 560 : i32
    %dma_wait3A_143 = tpu.memref_slice %arg6[%dma_wait3A_142] : memref<10000xi32, #tpu.memory_space<vmem>> -> memref<80xi32, #tpu.memory_space<vmem>>
    %dma_wait3A_144 = arith.constant 0 : i32
    %dma_wait3A_145 = arith.constant 0 : i32
    %dma_wait3A_146 = tpu.memref_slice %arg5[%dma_wait3A_144, %dma_wait3A_145] : memref<10000x128xf32, #tpu.memory_space<vmem_shared>> -> memref<10000x128xf32, #tpu.memory_space<vmem_shared>>
    tpu.wait_indirect_dma semaphore(%arg10 : memref<!tpu.dma_semaphore, #tpu.memory_space<semaphore_mem>>) src(%dma_wait3A_146 : memref<10000x128xf32, #tpu.memory_space<vmem_shared>>) dst(%arg8 : memref<80x128xf32, #tpu.memory_space<vmem>>)
    %dma_start3A_147 = arith.constant 560 : i32
    %dma_start3A_148 = tpu.memref_slice %arg4[%dma_start3A_147, %multiple_of3A_5] : memref<10000x4096xf32, #tpu.memory_space<hbm>> -> memref<80x128xf32, #tpu.memory_space<hbm>>
    %dma_start3A_149 = arith.constant 560 : i32
    %dma_start3A_150 = tpu.memref_slice %arg4[%dma_start3A_149, %multiple_of3A_5] : memref<10000x4096xf32, #tpu.memory_space<hbm>> -> memref<80x128xf32, #tpu.memory_space<hbm>>
    tpu.enqueue_dma source(%arg8 : memref<80x128xf32, #tpu.memory_space<vmem>>) target(%dma_start3A_150 : memref<80x128xf32, #tpu.memory_space<hbm>>) target_semaphore(%arg12 : memref<!tpu.dma_semaphore, #tpu.memory_space<semaphore_mem>>)
    %dma_wait3A_151 = arith.constant 560 : i32
    %dma_wait3A_152 = tpu.memref_slice %arg4[%dma_wait3A_151, %multiple_of3A_5] : memref<10000x4096xf32, #tpu.memory_space<hbm>> -> memref<80x128xf32, #tpu.memory_space<hbm>>
    %dma_wait3A_153 = arith.constant 560 : i32
    %dma_wait3A_154 = tpu.memref_slice %arg4[%dma_wait3A_153, %multiple_of3A_5] : memref<10000x4096xf32, #tpu.memory_space<hbm>> -> memref<80x128xf32, #tpu.memory_space<hbm>>
    tpu.wait_dma2 semaphore(%arg12 : memref<!tpu.dma_semaphore, #tpu.memory_space<semaphore_mem>>) src(%arg8 : memref<80x128xf32, #tpu.memory_space<vmem>>) dst(%dma_wait3A_154 : memref<80x128xf32, #tpu.memory_space<hbm>>)
    %dma_start3A_155 = arith.constant 720 : i32
    %dma_start3A_156 = tpu.memref_slice %arg6[%dma_start3A_155] : memref<10000xi32, #tpu.memory_space<vmem>> -> memref<80xi32, #tpu.memory_space<vmem>>
    %dma_start3A_157 = arith.constant 0 : i32
    %dma_start3A_158 = arith.constant 0 : i32
    %dma_start3A_159 = tpu.memref_slice %arg5[%dma_start3A_157, %dma_start3A_158] : memref<10000x128xf32, #tpu.memory_space<vmem_shared>> -> memref<10000x128xf32, #tpu.memory_space<vmem_shared>>
    tpu.enqueue_indirect_dma source(%dma_start3A_159 : memref<10000x128xf32, #tpu.memory_space<vmem_shared>>) target(%arg8 : memref<80x128xf32, #tpu.memory_space<vmem>>) offsets(%dma_start3A_156 : memref<80xi32, #tpu.memory_space<vmem>>) semaphore(%arg10 : memref<!tpu.dma_semaphore, #tpu.memory_space<semaphore_mem>>)
    %dma_wait3A_160 = arith.constant 640 : i32
    %dma_wait3A_161 = tpu.memref_slice %arg6[%dma_wait3A_160] : memref<10000xi32, #tpu.memory_space<vmem>> -> memref<80xi32, #tpu.memory_space<vmem>>
    %dma_wait3A_162 = arith.constant 0 : i32
    %dma_wait3A_163 = arith.constant 0 : i32
    %dma_wait3A_164 = tpu.memref_slice %arg5[%dma_wait3A_162, %dma_wait3A_163] : memref<10000x128xf32, #tpu.memory_space<vmem_shared>> -> memref<10000x128xf32, #tpu.memory_space<vmem_shared>>
    tpu.wait_indirect_dma semaphore(%arg9 : memref<!tpu.dma_semaphore, #tpu.memory_space<semaphore_mem>>) src(%dma_wait3A_164 : memref<10000x128xf32, #tpu.memory_space<vmem_shared>>) dst(%arg7 : memref<80x128xf32, #tpu.memory_space<vmem>>)
    %dma_start3A_165 = arith.constant 640 : i32
    %dma_start3A_166 = tpu.memref_slice %arg4[%dma_start3A_165, %multiple_of3A_5] : memref<10000x4096xf32, #tpu.memory_space<hbm>> -> memref<80x128xf32, #tpu.memory_space<hbm>>
    %dma_start3A_167 = arith.constant 640 : i32
    %dma_start3A_168 = tpu.memref_slice %arg4[%dma_start3A_167, %multiple_of3A_5] : memref<10000x4096xf32, #tpu.memory_space<hbm>> -> memref<80x128xf32, #tpu.memory_space<hbm>>
    tpu.enqueue_dma source(%arg7 : memref<80x128xf32, #tpu.memory_space<vmem>>) target(%dma_start3A_168 : memref<80x128xf32, #tpu.memory_space<hbm>>) target_semaphore(%arg11 : memref<!tpu.dma_semaphore, #tpu.memory_space<semaphore_mem>>)
    %dma_wait3A_169 = arith.constant 640 : i32
    %dma_wait3A_170 = tpu.memref_slice %arg4[%dma_wait3A_169, %multiple_of3A_5] : memref<10000x4096xf32, #tpu.memory_space<hbm>> -> memref<80x128xf32, #tpu.memory_space<hbm>>
    %dma_wait3A_171 = arith.constant 640 : i32
    %dma_wait3A_172 = tpu.memref_slice %arg4[%dma_wait3A_171, %multiple_of3A_5] : memref<10000x4096xf32, #tpu.memory_space<hbm>> -> memref<80x128xf32, #tpu.memory_space<hbm>>
    tpu.wait_dma2 semaphore(%arg11 : memref<!tpu.dma_semaphore, #tpu.memory_space<semaphore_mem>>) src(%arg7 : memref<80x128xf32, #tpu.memory_space<vmem>>) dst(%dma_wait3A_172 : memref<80x128xf32, #tpu.memory_space<hbm>>)
    %dma_start3A_173 = arith.constant 800 : i32
    %dma_start3A_174 = tpu.memref_slice %arg6[%dma_start3A_173] : memref<10000xi32, #tpu.memory_space<vmem>> -> memref<80xi32, #tpu.memory_space<vmem>>
    %dma_start3A_175 = arith.constant 0 : i32
    %dma_start3A_176 = arith.constant 0 : i32
    %dma_start3A_177 = tpu.memref_slice %arg5[%dma_start3A_175, %dma_start3A_176] : memref<10000x128xf32, #tpu.memory_space<vmem_shared>> -> memref<10000x128xf32, #tpu.memory_space<vmem_shared>>
    tpu.enqueue_indirect_dma source(%dma_start3A_177 : memref<10000x128xf32, #tpu.memory_space<vmem_shared>>) target(%arg7 : memref<80x128xf32, #tpu.memory_space<vmem>>) offsets(%dma_start3A_174 : memref<80xi32, #tpu.memory_space<vmem>>) semaphore(%arg9 : memref<!tpu.dma_semaphore, #tpu.memory_space<semaphore_mem>>)
    %dma_wait3A_178 = arith.constant 720 : i32
    %dma_wait3A_179 = tpu.memref_slice %arg6[%dma_wait3A_178] : memref<10000xi32, #tpu.memory_space<vmem>> -> memref<80xi32, #tpu.memory_space<vmem>>
    %dma_wait3A_180 = arith.constant 0 : i32
    %dma_wait3A_181 = arith.constant 0 : i32
    %dma_wait3A_182 = tpu.memref_slice %arg5[%dma_wait3A_180, %dma_wait3A_181] : memref<10000x128xf32, #tpu.memory_space<vmem_shared>> -> memref<10000x128xf32, #tpu.memory_space<vmem_shared>>
    tpu.wait_indirect_dma semaphore(%arg10 : memref<!tpu.dma_semaphore, #tpu.memory_space<semaphore_mem>>) src(%dma_wait3A_182 : memref<10000x128xf32, #tpu.memory_space<vmem_shared>>) dst(%arg8 : memref<80x128xf32, #tpu.memory_space<vmem>>)
    %dma_start3A_183 = arith.constant 720 : i32
    %dma_start3A_184 = tpu.memref_slice %arg4[%dma_start3A_183, %multiple_of3A_5] : memref<10000x4096xf32, #tpu.memory_space<hbm>> -> memref<80x128xf32, #tpu.memory_space<hbm>>
    %dma_start3A_185 = arith.constant 720 : i32
    %dma_start3A_186 = tpu.memref_slice %arg4[%dma_start3A_185, %multiple_of3A_5] : memref<10000x4096xf32, #tpu.memory_space<hbm>> -> memref<80x128xf32, #tpu.memory_space<hbm>>
    tpu.enqueue_dma source(%arg8 : memref<80x128xf32, #tpu.memory_space<vmem>>) target(%dma_start3A_186 : memref<80x128xf32, #tpu.memory_space<hbm>>) target_semaphore(%arg12 : memref<!tpu.dma_semaphore, #tpu.memory_space<semaphore_mem>>)
    %dma_wait3A_187 = arith.constant 720 : i32
    %dma_wait3A_188 = tpu.memref_slice %arg4[%dma_wait3A_187, %multiple_of3A_5] : memref<10000x4096xf32, #tpu.memory_space<hbm>> -> memref<80x128xf32, #tpu.memory_space<hbm>>
    %dma_wait3A_189 = arith.constant 720 : i32
    %dma_wait3A_190 = tpu.memref_slice %arg4[%dma_wait3A_189, %multiple_of3A_5] : memref<10000x4096xf32, #tpu.memory_space<hbm>> -> memref<80x128xf32, #tpu.memory_space<hbm>>
    tpu.wait_dma2 semaphore(%arg12 : memref<!tpu.dma_semaphore, #tpu.memory_space<semaphore_mem>>) src(%arg8 : memref<80x128xf32, #tpu.memory_space<vmem>>) dst(%dma_wait3A_190 : memref<80x128xf32, #tpu.memory_space<hbm>>)
    %dma_start3A_191 = arith.constant 880 : i32
    %dma_start3A_192 = tpu.memref_slice %arg6[%dma_start3A_191] : memref<10000xi32, #tpu.memory_space<vmem>> -> memref<80xi32, #tpu.memory_space<vmem>>
    %dma_start3A_193 = arith.constant 0 : i32
    %dma_start3A_194 = arith.constant 0 : i32
    %dma_start3A_195 = tpu.memref_slice %arg5[%dma_start3A_193, %dma_start3A_194] : memref<10000x128xf32, #tpu.memory_space<vmem_shared>> -> memref<10000x128xf32, #tpu.memory_space<vmem_shared>>
    tpu.enqueue_indirect_dma source(%dma_start3A_195 : memref<10000x128xf32, #tpu.memory_space<vmem_shared>>) target(%arg8 : memref<80x128xf32, #tpu.memory_space<vmem>>) offsets(%dma_start3A_192 : memref<80xi32, #tpu.memory_space<vmem>>) semaphore(%arg10 : memref<!tpu.dma_semaphore, #tpu.memory_space<semaphore_mem>>)
    %dma_wait3A_196 = arith.constant 800 : i32
    %dma_wait3A_197 = tpu.memref_slice %arg6[%dma_wait3A_196] : memref<10000xi32, #tpu.memory_space<vmem>> -> memref<80xi32, #tpu.memory_space<vmem>>
    %dma_wait3A_198 = arith.constant 0 : i32
    %dma_wait3A_199 = arith.constant 0 : i32
    %dma_wait3A_200 = tpu.memref_slice %arg5[%dma_wait3A_198, %dma_wait3A_199] : memref<10000x128xf32, #tpu.memory_space<vmem_shared>> -> memref<10000x128xf32, #tpu.memory_space<vmem_shared>>
    tpu.wait_indirect_dma semaphore(%arg9 : memref<!tpu.dma_semaphore, #tpu.memory_space<semaphore_mem>>) src(%dma_wait3A_200 : memref<10000x128xf32, #tpu.memory_space<vmem_shared>>) dst(%arg7 : memref<80x128xf32, #tpu.memory_space<vmem>>)
    %dma_start3A_201 = arith.constant 800 : i32
    %dma_start3A_202 = tpu.memref_slice %arg4[%dma_start3A_201, %multiple_of3A_5] : memref<10000x4096xf32, #tpu.memory_space<hbm>> -> memref<80x128xf32, #tpu.memory_space<hbm>>
    %dma_start3A_203 = arith.constant 800 : i32
    %dma_start3A_204 = tpu.memref_slice %arg4[%dma_start3A_203, %multiple_of3A_5] : memref<10000x4096xf32, #tpu.memory_space<hbm>> -> memref<80x128xf32, #tpu.memory_space<hbm>>
    tpu.enqueue_dma source(%arg7 : memref<80x128xf32, #tpu.memory_space<vmem>>) target(%dma_start3A_204 : memref<80x128xf32, #tpu.memory_space<hbm>>) target_semaphore(%arg11 : memref<!tpu.dma_semaphore, #tpu.memory_space<semaphore_mem>>)
    %dma_wait3A_205 = arith.constant 800 : i32
    %dma_wait3A_206 = tpu.memref_slice %arg4[%dma_wait3A_205, %multiple_of3A_5] : memref<10000x4096xf32, #tpu.memory_space<hbm>> -> memref<80x128xf32, #tpu.memory_space<hbm>>
    %dma_wait3A_207 = arith.constant 800 : i32
    %dma_wait3A_208 = tpu.memref_slice %arg4[%dma_wait3A_207, %multiple_of3A_5] : memref<10000x4096xf32, #tpu.memory_space<hbm>> -> memref<80x128xf32, #tpu.memory_space<hbm>>
    tpu.wait_dma2 semaphore(%arg11 : memref<!tpu.dma_semaphore, #tpu.memory_space<semaphore_mem>>) src(%arg7 : memref<80x128xf32, #tpu.memory_space<vmem>>) dst(%dma_wait3A_208 : memref<80x128xf32, #tpu.memory_space<hbm>>)
    %dma_start3A_209 = arith.constant 960 : i32
    %dma_start3A_210 = tpu.memref_slice %arg6[%dma_start3A_209] : memref<10000xi32, #tpu.memory_space<vmem>> -> memref<80xi32, #tpu.memory_space<vmem>>
    %dma_start3A_211 = arith.constant 0 : i32
    %dma_start3A_212 = arith.constant 0 : i32
    %dma_start3A_213 = tpu.memref_slice %arg5[%dma_start3A_211, %dma_start3A_212] : memref<10000x128xf32, #tpu.memory_space<vmem_shared>> -> memref<10000x128xf32, #tpu.memory_space<vmem_shared>>
    tpu.enqueue_indirect_dma source(%dma_start3A_213 : memref<10000x128xf32, #tpu.memory_space<vmem_shared>>) target(%arg7 : memref<80x128xf32, #tpu.memory_space<vmem>>) offsets(%dma_start3A_210 : memref<80xi32, #tpu.memory_space<vmem>>) semaphore(%arg9 : memref<!tpu.dma_semaphore, #tpu.memory_space<semaphore_mem>>)
    %dma_wait3A_214 = arith.constant 880 : i32
    %dma_wait3A_215 = tpu.memref_slice %arg6[%dma_wait3A_214] : memref<10000xi32, #tpu.memory_space<vmem>> -> memref<80xi32, #tpu.memory_space<vmem>>
    %dma_wait3A_216 = arith.constant 0 : i32
    %dma_wait3A_217 = arith.constant 0 : i32
    %dma_wait3A_218 = tpu.memref_slice %arg5[%dma_wait3A_216, %dma_wait3A_217] : memref<10000x128xf32, #tpu.memory_space<vmem_shared>> -> memref<10000x128xf32, #tpu.memory_space<vmem_shared>>
    tpu.wait_indirect_dma semaphore(%arg10 : memref<!tpu.dma_semaphore, #tpu.memory_space<semaphore_mem>>) src(%dma_wait3A_218 : memref<10000x128xf32, #tpu.memory_space<vmem_shared>>) dst(%arg8 : memref<80x128xf32, #tpu.memory_space<vmem>>)
    %dma_start3A_219 = arith.constant 880 : i32
    %dma_start3A_220 = tpu.memref_slice %arg4[%dma_start3A_219, %multiple_of3A_5] : memref<10000x4096xf32, #tpu.memory_space<hbm>> -> memref<80x128xf32, #tpu.memory_space<hbm>>
    %dma_start3A_221 = arith.constant 880 : i32
    %dma_start3A_222 = tpu.memref_slice %arg4[%dma_start3A_221, %multiple_of3A_5] : memref<10000x4096xf32, #tpu.memory_space<hbm>> -> memref<80x128xf32, #tpu.memory_space<hbm>>
    tpu.enqueue_dma source(%arg8 : memref<80x128xf32, #tpu.memory_space<vmem>>) target(%dma_start3A_222 : memref<80x128xf32, #tpu.memory_space<hbm>>) target_semaphore(%arg12 : memref<!tpu.dma_semaphore, #tpu.memory_space<semaphore_mem>>)
    %dma_wait3A_223 = arith.constant 880 : i32
    %dma_wait3A_224 = tpu.memref_slice %arg4[%dma_wait3A_223, %multiple_of3A_5] : memref<10000x4096xf32, #tpu.memory_space<hbm>> -> memref<80x128xf32, #tpu.memory_space<hbm>>
    %dma_wait3A_225 = arith.constant 880 : i32
    %dma_wait3A_226 = tpu.memref_slice %arg4[%dma_wait3A_225, %multiple_of3A_5] : memref<10000x4096xf32, #tpu.memory_space<hbm>> -> memref<80x128xf32, #tpu.memory_space<hbm>>
    tpu.wait_dma2 semaphore(%arg12 : memref<!tpu.dma_semaphore, #tpu.memory_space<semaphore_mem>>) src(%arg8 : memref<80x128xf32, #tpu.memory_space<vmem>>) dst(%dma_wait3A_226 : memref<80x128xf32, #tpu.memory_space<hbm>>)
    %dma_start3A_227 = arith.constant 1040 : i32
    %dma_start3A_228 = tpu.memref_slice %arg6[%dma_start3A_227] : memref<10000xi32, #tpu.memory_space<vmem>> -> memref<80xi32, #tpu.memory_space<vmem>>
    %dma_start3A_229 = arith.constant 0 : i32
    %dma_start3A_230 = arith.constant 0 : i32
    %dma_start3A_231 = tpu.memref_slice %arg5[%dma_start3A_229, %dma_start3A_230] : memref<10000x128xf32, #tpu.memory_space<vmem_shared>> -> memref<10000x128xf32, #tpu.memory_space<vmem_shared>>
    tpu.enqueue_indirect_dma source(%dma_start3A_231 : memref<10000x128xf32, #tpu.memory_space<vmem_shared>>) target(%arg8 : memref<80x128xf32, #tpu.memory_space<vmem>>) offsets(%dma_start3A_228 : memref<80xi32, #tpu.memory_space<vmem>>) semaphore(%arg10 : memref<!tpu.dma_semaphore, #tpu.memory_space<semaphore_mem>>)
    %dma_wait3A_232 = arith.constant 960 : i32
    %dma_wait3A_233 = tpu.memref_slice %arg6[%dma_wait3A_232] : memref<10000xi32, #tpu.memory_space<vmem>> -> memref<80xi32, #tpu.memory_space<vmem>>
    %dma_wait3A_234 = arith.constant 0 : i32
    %dma_wait3A_235 = arith.constant 0 : i32
    %dma_wait3A_236 = tpu.memref_slice %arg5[%dma_wait3A_234, %dma_wait3A_235] : memref<10000x128xf32, #tpu.memory_space<vmem_shared>> -> memref<10000x128xf32, #tpu.memory_space<vmem_shared>>
    tpu.wait_indirect_dma semaphore(%arg9 : memref<!tpu.dma_semaphore, #tpu.memory_space<semaphore_mem>>) src(%dma_wait3A_236 : memref<10000x128xf32, #tpu.memory_space<vmem_shared>>) dst(%arg7 : memref<80x128xf32, #tpu.memory_space<vmem>>)
    %dma_start3A_237 = arith.constant 960 : i32
    %dma_start3A_238 = tpu.memref_slice %arg4[%dma_start3A_237, %multiple_of3A_5] : memref<10000x4096xf32, #tpu.memory_space<hbm>> -> memref<80x128xf32, #tpu.memory_space<hbm>>
    %dma_start3A_239 = arith.constant 960 : i32
    %dma_start3A_240 = tpu.memref_slice %arg4[%dma_start3A_239, %multiple_of3A_5] : memref<10000x4096xf32, #tpu.memory_space<hbm>> -> memref<80x128xf32, #tpu.memory_space<hbm>>
    tpu.enqueue_dma source(%arg7 : memref<80x128xf32, #tpu.memory_space<vmem>>) target(%dma_start3A_240 : memref<80x128xf32, #tpu.memory_space<hbm>>) target_semaphore(%arg11 : memref<!tpu.dma_semaphore, #tpu.memory_space<semaphore_mem>>)
    %dma_wait3A_241 = arith.constant 960 : i32
    %dma_wait3A_242 = tpu.memref_slice %arg4[%dma_wait3A_241, %multiple_of3A_5] : memref<10000x4096xf32, #tpu.memory_space<hbm>> -> memref<80x128xf32, #tpu.memory_space<hbm>>
    %dma_wait3A_243 = arith.constant 960 : i32
    %dma_wait3A_244 = tpu.memref_slice %arg4[%dma_wait3A_243, %multiple_of3A_5] : memref<10000x4096xf32, #tpu.memory_space<hbm>> -> memref<80x128xf32, #tpu.memory_space<hbm>>
    tpu.wait_dma2 semaphore(%arg11 : memref<!tpu.dma_semaphore, #tpu.memory_space<semaphore_mem>>) src(%arg7 : memref<80x128xf32, #tpu.memory_space<vmem>>) dst(%dma_wait3A_244 : memref<80x128xf32, #tpu.memory_space<hbm>>)
    %dma_start3A_245 = arith.constant 1120 : i32
    %dma_start3A_246 = tpu.memref_slice %arg6[%dma_start3A_245] : memref<10000xi32, #tpu.memory_space<vmem>> -> memref<80xi32, #tpu.memory_space<vmem>>
    %dma_start3A_247 = arith.constant 0 : i32
    %dma_start3A_248 = arith.constant 0 : i32
    %dma_start3A_249 = tpu.memref_slice %arg5[%dma_start3A_247, %dma_start3A_248] : memref<10000x128xf32, #tpu.memory_space<vmem_shared>> -> memref<10000x128xf32, #tpu.memory_space<vmem_shared>>
    tpu.enqueue_indirect_dma source(%dma_start3A_249 : memref<10000x128xf32, #tpu.memory_space<vmem_shared>>) target(%arg7 : memref<80x128xf32, #tpu.memory_space<vmem>>) offsets(%dma_start3A_246 : memref<80xi32, #tpu.memory_space<vmem>>) semaphore(%arg9 : memref<!tpu.dma_semaphore, #tpu.memory_space<semaphore_mem>>)
    %dma_wait3A_250 = arith.constant 1040 : i32
    %dma_wait3A_251 = tpu.memref_slice %arg6[%dma_wait3A_250] : memref<10000xi32, #tpu.memory_space<vmem>> -> memref<80xi32, #tpu.memory_space<vmem>>
    %dma_wait3A_252 = arith.constant 0 : i32
    %dma_wait3A_253 = arith.constant 0 : i32
    %dma_wait3A_254 = tpu.memref_slice %arg5[%dma_wait3A_252, %dma_wait3A_253] : memref<10000x128xf32, #tpu.memory_space<vmem_shared>> -> memref<10000x128xf32, #tpu.memory_space<vmem_shared>>
    tpu.wait_indirect_dma semaphore(%arg10 : memref<!tpu.dma_semaphore, #tpu.memory_space<semaphore_mem>>) src(%dma_wait3A_254 : memref<10000x128xf32, #tpu.memory_space<vmem_shared>>) dst(%arg8 : memref<80x128xf32, #tpu.memory_space<vmem>>)
    %dma_start3A_255 = arith.constant 1040 : i32
    %dma_start3A_256 = tpu.memref_slice %arg4[%dma_start3A_255, %multiple_of3A_5] : memref<10000x4096xf32, #tpu.memory_space<hbm>> -> memref<80x128xf32, #tpu.memory_space<hbm>>
    %dma_start3A_257 = arith.constant 1040 : i32
    %dma_start3A_258 = tpu.memref_slice %arg4[%dma_start3A_257, %multiple_of3A_5] : memref<10000x4096xf32, #tpu.memory_space<hbm>> -> memref<80x128xf32, #tpu.memory_space<hbm>>
    tpu.enqueue_dma source(%arg8 : memref<80x128xf32, #tpu.memory_space<vmem>>) target(%dma_start3A_258 : memref<80x128xf32, #tpu.memory_space<hbm>>) target_semaphore(%arg12 : memref<!tpu.dma_semaphore, #tpu.memory_space<semaphore_mem>>)
    %dma_wait3A_259 = arith.constant 1040 : i32
    %dma_wait3A_260 = tpu.memref_slice %arg4[%dma_wait3A_259, %multiple_of3A_5] : memref<10000x4096xf32, #tpu.memory_space<hbm>> -> memref<80x128xf32, #tpu.memory_space<hbm>>
    %dma_wait3A_261 = arith.constant 1040 : i32
    %dma_wait3A_262 = tpu.memref_slice %arg4[%dma_wait3A_261, %multiple_of3A_5] : memref<10000x4096xf32, #tpu.memory_space<hbm>> -> memref<80x128xf32, #tpu.memory_space<hbm>>
    tpu.wait_dma2 semaphore(%arg12 : memref<!tpu.dma_semaphore, #tpu.memory_space<semaphore_mem>>) src(%arg8 : memref<80x128xf32, #tpu.memory_space<vmem>>) dst(%dma_wait3A_262 : memref<80x128xf32, #tpu.memory_space<hbm>>)
    %dma_start3A_263 = arith.constant 1200 : i32
    %dma_start3A_264 = tpu.memref_slice %arg6[%dma_start3A_263] : memref<10000xi32, #tpu.memory_space<vmem>> -> memref<80xi32, #tpu.memory_space<vmem>>
    %dma_start3A_265 = arith.constant 0 : i32
    %dma_start3A_266 = arith.constant 0 : i32
    %dma_start3A_267 = tpu.memref_slice %arg5[%dma_start3A_265, %dma_start3A_266] : memref<10000x128xf32, #tpu.memory_space<vmem_shared>> -> memref<10000x128xf32, #tpu.memory_space<vmem_shared>>
    tpu.enqueue_indirect_dma source(%dma_start3A_267 : memref<10000x128xf32, #tpu.memory_space<vmem_shared>>) target(%arg8 : memref<80x128xf32, #tpu.memory_space<vmem>>) offsets(%dma_start3A_264 : memref<80xi32, #tpu.memory_space<vmem>>) semaphore(%arg10 : memref<!tpu.dma_semaphore, #tpu.memory_space<semaphore_mem>>)
    %dma_wait3A_268 = arith.constant 1120 : i32
    %dma_wait3A_269 = tpu.memref_slice %arg6[%dma_wait3A_268] : memref<10000xi32, #tpu.memory_space<vmem>> -> memref<80xi32, #tpu.memory_space<vmem>>
    %dma_wait3A_270 = arith.constant 0 : i32
    %dma_wait3A_271 = arith.constant 0 : i32
    %dma_wait3A_272 = tpu.memref_slice %arg5[%dma_wait3A_270, %dma_wait3A_271] : memref<10000x128xf32, #tpu.memory_space<vmem_shared>> -> memref<10000x128xf32, #tpu.memory_space<vmem_shared>>
    tpu.wait_indirect_dma semaphore(%arg9 : memref<!tpu.dma_semaphore, #tpu.memory_space<semaphore_mem>>) src(%dma_wait3A_272 : memref<10000x128xf32, #tpu.memory_space<vmem_shared>>) dst(%arg7 : memref<80x128xf32, #tpu.memory_space<vmem>>)
    %dma_start3A_273 = arith.constant 1120 : i32
    %dma_start3A_274 = tpu.memref_slice %arg4[%dma_start3A_273, %multiple_of3A_5] : memref<10000x4096xf32, #tpu.memory_space<hbm>> -> memref<80x128xf32, #tpu.memory_space<hbm>>
    %dma_start3A_275 = arith.constant 1120 : i32
    %dma_start3A_276 = tpu.memref_slice %arg4[%dma_start3A_275, %multiple_of3A_5] : memref<10000x4096xf32, #tpu.memory_space<hbm>> -> memref<80x128xf32, #tpu.memory_space<hbm>>
    tpu.enqueue_dma source(%arg7 : memref<80x128xf32, #tpu.memory_space<vmem>>) target(%dma_start3A_276 : memref<80x128xf32, #tpu.memory_space<hbm>>) target_semaphore(%arg11 : memref<!tpu.dma_semaphore, #tpu.memory_space<semaphore_mem>>)
    %dma_wait3A_277 = arith.constant 1120 : i32
    %dma_wait3A_278 = tpu.memref_slice %arg4[%dma_wait3A_277, %multiple_of3A_5] : memref<10000x4096xf32, #tpu.memory_space<hbm>> -> memref<80x128xf32, #tpu.memory_space<hbm>>
    %dma_wait3A_279 = arith.constant 1120 : i32
    %dma_wait3A_280 = tpu.memref_slice %arg4[%dma_wait3A_279, %multiple_of3A_5] : memref<10000x4096xf32, #tpu.memory_space<hbm>> -> memref<80x128xf32, #tpu.memory_space<hbm>>
    tpu.wait_dma2 semaphore(%arg11 : memref<!tpu.dma_semaphore, #tpu.memory_space<semaphore_mem>>) src(%arg7 : memref<80x128xf32, #tpu.memory_space<vmem>>) dst(%dma_wait3A_280 : memref<80x128xf32, #tpu.memory_space<hbm>>)
    %dma_start3A_281 = arith.constant 1280 : i32
    %dma_start3A_282 = tpu.memref_slice %arg6[%dma_start3A_281] : memref<10000xi32, #tpu.memory_space<vmem>> -> memref<80xi32, #tpu.memory_space<vmem>>
    %dma_start3A_283 = arith.constant 0 : i32
    %dma_start3A_284 = arith.constant 0 : i32
    %dma_start3A_285 = tpu.memref_slice %arg5[%dma_start3A_283, %dma_start3A_284] : memref<10000x128xf32, #tpu.memory_space<vmem_shared>> -> memref<10000x128xf32, #tpu.memory_space<vmem_shared>>
    tpu.enqueue_indirect_dma source(%dma_start3A_285 : memref<10000x128xf32, #tpu.memory_space<vmem_shared>>) target(%arg7 : memref<80x128xf32, #tpu.memory_space<vmem>>) offsets(%dma_start3A_282 : memref<80xi32, #tpu.memory_space<vmem>>) semaphore(%arg9 : memref<!tpu.dma_semaphore, #tpu.memory_space<semaphore_mem>>)
    %dma_wait3A_286 = arith.constant 1200 : i32
    %dma_wait3A_287 = tpu.memref_slice %arg6[%dma_wait3A_286] : memref<10000xi32, #tpu.memory_space<vmem>> -> memref<80xi32, #tpu.memory_space<vmem>>
    %dma_wait3A_288 = arith.constant 0 : i32
    %dma_wait3A_289 = arith.constant 0 : i32
    %dma_wait3A_290 = tpu.memref_slice %arg5[%dma_wait3A_288, %dma_wait3A_289] : memref<10000x128xf32, #tpu.memory_space<vmem_shared>> -> memref<10000x128xf32, #tpu.memory_space<vmem_shared>>
    tpu.wait_indirect_dma semaphore(%arg10 : memref<!tpu.dma_semaphore, #tpu.memory_space<semaphore_mem>>) src(%dma_wait3A_290 : memref<10000x128xf32, #tpu.memory_space<vmem_shared>>) dst(%arg8 : memref<80x128xf32, #tpu.memory_space<vmem>>)
    %dma_start3A_291 = arith.constant 1200 : i32
    %dma_start3A_292 = tpu.memref_slice %arg4[%dma_start3A_291, %multiple_of3A_5] : memref<10000x4096xf32, #tpu.memory_space<hbm>> -> memref<80x128xf32, #tpu.memory_space<hbm>>
    %dma_start3A_293 = arith.constant 1200 : i32
    %dma_start3A_294 = tpu.memref_slice %arg4[%dma_start3A_293, %multiple_of3A_5] : memref<10000x4096xf32, #tpu.memory_space<hbm>> -> memref<80x128xf32, #tpu.memory_space<hbm>>
    tpu.enqueue_dma source(%arg8 : memref<80x128xf32, #tpu.memory_space<vmem>>) target(%dma_start3A_294 : memref<80x128xf32, #tpu.memory_space<hbm>>) target_semaphore(%arg12 : memref<!tpu.dma_semaphore, #tpu.memory_space<semaphore_mem>>)
    %dma_wait3A_295 = arith.constant 1200 : i32
    %dma_wait3A_296 = tpu.memref_slice %arg4[%dma_wait3A_295, %multiple_of3A_5] : memref<10000x4096xf32, #tpu.memory_space<hbm>> -> memref<80x128xf32, #tpu.memory_space<hbm>>
    %dma_wait3A_297 = arith.constant 1200 : i32
    %dma_wait3A_298 = tpu.memref_slice %arg4[%dma_wait3A_297, %multiple_of3A_5] : memref<10000x4096xf32, #tpu.memory_space<hbm>> -> memref<80x128xf32, #tpu.memory_space<hbm>>
    tpu.wait_dma2 semaphore(%arg12 : memref<!tpu.dma_semaphore, #tpu.memory_space<semaphore_mem>>) src(%arg8 : memref<80x128xf32, #tpu.memory_space<vmem>>) dst(%dma_wait3A_298 : memref<80x128xf32, #tpu.memory_space<hbm>>)
    %dma_start3A_299 = arith.constant 1360 : i32
    %dma_start3A_300 = tpu.memref_slice %arg6[%dma_start3A_299] : memref<10000xi32, #tpu.memory_space<vmem>> -> memref<80xi32, #tpu.memory_space<vmem>>
    %dma_start3A_301 = arith.constant 0 : i32
    %dma_start3A_302 = arith.constant 0 : i32
    %dma_start3A_303 = tpu.memref_slice %arg5[%dma_start3A_301, %dma_start3A_302] : memref<10000x128xf32, #tpu.memory_space<vmem_shared>> -> memref<10000x128xf32, #tpu.memory_space<vmem_shared>>
    tpu.enqueue_indirect_dma source(%dma_start3A_303 : memref<10000x128xf32, #tpu.memory_space<vmem_shared>>) target(%arg8 : memref<80x128xf32, #tpu.memory_space<vmem>>) offsets(%dma_start3A_300 : memref<80xi32, #tpu.memory_space<vmem>>) semaphore(%arg10 : memref<!tpu.dma_semaphore, #tpu.memory_space<semaphore_mem>>)
    %dma_wait3A_304 = arith.constant 1280 : i32
    %dma_wait3A_305 = tpu.memref_slice %arg6[%dma_wait3A_304] : memref<10000xi32, #tpu.memory_space<vmem>> -> memref<80xi32, #tpu.memory_space<vmem>>
    %dma_wait3A_306 = arith.constant 0 : i32
    %dma_wait3A_307 = arith.constant 0 : i32
    %dma_wait3A_308 = tpu.memref_slice %arg5[%dma_wait3A_306, %dma_wait3A_307] : memref<10000x128xf32, #tpu.memory_space<vmem_shared>> -> memref<10000x128xf32, #tpu.memory_space<vmem_shared>>
    tpu.wait_indirect_dma semaphore(%arg9 : memref<!tpu.dma_semaphore, #tpu.memory_space<semaphore_mem>>) src(%dma_wait3A_308 : memref<10000x128xf32, #tpu.memory_space<vmem_shared>>) dst(%arg7 : memref<80x128xf32, #tpu.memory_space<vmem>>)
    %dma_start3A_309 = arith.constant 1280 : i32
    %dma_start3A_310 = tpu.memref_slice %arg4[%dma_start3A_309, %multiple_of3A_5] : memref<10000x4096xf32, #tpu.memory_space<hbm>> -> memref<80x128xf32, #tpu.memory_space<hbm>>
    %dma_start3A_311 = arith.constant 1280 : i32
    %dma_start3A_312 = tpu.memref_slice %arg4[%dma_start3A_311, %multiple_of3A_5] : memref<10000x4096xf32, #tpu.memory_space<hbm>> -> memref<80x128xf32, #tpu.memory_space<hbm>>
    tpu.enqueue_dma source(%arg7 : memref<80x128xf32, #tpu.memory_space<vmem>>) target(%dma_start3A_312 : memref<80x128xf32, #tpu.memory_space<hbm>>) target_semaphore(%arg11 : memref<!tpu.dma_semaphore, #tpu.memory_space<semaphore_mem>>)
    %dma_wait3A_313 = arith.constant 1280 : i32
    %dma_wait3A_314 = tpu.memref_slice %arg4[%dma_wait3A_313, %multiple_of3A_5] : memref<10000x4096xf32, #tpu.memory_space<hbm>> -> memref<80x128xf32, #tpu.memory_space<hbm>>
    %dma_wait3A_315 = arith.constant 1280 : i32
    %dma_wait3A_316 = tpu.memref_slice %arg4[%dma_wait3A_315, %multiple_of3A_5] : memref<10000x4096xf32, #tpu.memory_space<hbm>> -> memref<80x128xf32, #tpu.memory_space<hbm>>
    tpu.wait_dma2 semaphore(%arg11 : memref<!tpu.dma_semaphore, #tpu.memory_space<semaphore_mem>>) src(%arg7 : memref<80x128xf32, #tpu.memory_space<vmem>>) dst(%dma_wait3A_316 : memref<80x128xf32, #tpu.memory_space<hbm>>)
    %dma_start3A_317 = arith.constant 1440 : i32
    %dma_start3A_318 = tpu.memref_slice %arg6[%dma_start3A_317] : memref<10000xi32, #tpu.memory_space<vmem>> -> memref<80xi32, #tpu.memory_space<vmem>>
    %dma_start3A_319 = arith.constant 0 : i32
    %dma_start3A_320 = arith.constant 0 : i32
    %dma_start3A_321 = tpu.memref_slice %arg5[%dma_start3A_319, %dma_start3A_320] : memref<10000x128xf32, #tpu.memory_space<vmem_shared>> -> memref<10000x128xf32, #tpu.memory_space<vmem_shared>>
    tpu.enqueue_indirect_dma source(%dma_start3A_321 : memref<10000x128xf32, #tpu.memory_space<vmem_shared>>) target(%arg7 : memref<80x128xf32, #tpu.memory_space<vmem>>) offsets(%dma_start3A_318 : memref<80xi32, #tpu.memory_space<vmem>>) semaphore(%arg9 : memref<!tpu.dma_semaphore, #tpu.memory_space<semaphore_mem>>)
    %dma_wait3A_322 = arith.constant 1360 : i32
    %dma_wait3A_323 = tpu.memref_slice %arg6[%dma_wait3A_322] : memref<10000xi32, #tpu.memory_space<vmem>> -> memref<80xi32, #tpu.memory_space<vmem>>
    %dma_wait3A_324 = arith.constant 0 : i32
    %dma_wait3A_325 = arith.constant 0 : i32
    %dma_wait3A_326 = tpu.memref_slice %arg5[%dma_wait3A_324, %dma_wait3A_325] : memref<10000x128xf32, #tpu.memory_space<vmem_shared>> -> memref<10000x128xf32, #tpu.memory_space<vmem_shared>>
    tpu.wait_indirect_dma semaphore(%arg10 : memref<!tpu.dma_semaphore, #tpu.memory_space<semaphore_mem>>) src(%dma_wait3A_326 : memref<10000x128xf32, #tpu.memory_space<vmem_shared>>) dst(%arg8 : memref<80x128xf32, #tpu.memory_space<vmem>>)
    %dma_start3A_327 = arith.constant 1360 : i32
    %dma_start3A_328 = tpu.memref_slice %arg4[%dma_start3A_327, %multiple_of3A_5] : memref<10000x4096xf32, #tpu.memory_space<hbm>> -> memref<80x128xf32, #tpu.memory_space<hbm>>
    %dma_start3A_329 = arith.constant 1360 : i32
    %dma_start3A_330 = tpu.memref_slice %arg4[%dma_start3A_329, %multiple_of3A_5] : memref<10000x4096xf32, #tpu.memory_space<hbm>> -> memref<80x128xf32, #tpu.memory_space<hbm>>
    tpu.enqueue_dma source(%arg8 : memref<80x128xf32, #tpu.memory_space<vmem>>) target(%dma_start3A_330 : memref<80x128xf32, #tpu.memory_space<hbm>>) target_semaphore(%arg12 : memref<!tpu.dma_semaphore, #tpu.memory_space<semaphore_mem>>)
    %dma_wait3A_331 = arith.constant 1360 : i32
    %dma_wait3A_332 = tpu.memref_slice %arg4[%dma_wait3A_331, %multiple_of3A_5] : memref<10000x4096xf32, #tpu.memory_space<hbm>> -> memref<80x128xf32, #tpu.memory_space<hbm>>
    %dma_wait3A_333 = arith.constant 1360 : i32
    %dma_wait3A_334 = tpu.memref_slice %arg4[%dma_wait3A_333, %multiple_of3A_5] : memref<10000x4096xf32, #tpu.memory_space<hbm>> -> memref<80x128xf32, #tpu.memory_space<hbm>>
    tpu.wait_dma2 semaphore(%arg12 : memref<!tpu.dma_semaphore, #tpu.memory_space<semaphore_mem>>) src(%arg8 : memref<80x128xf32, #tpu.memory_space<vmem>>) dst(%dma_wait3A_334 : memref<80x128xf32, #tpu.memory_space<hbm>>)
    %dma_start3A_335 = arith.constant 1520 : i32
    %dma_start3A_336 = tpu.memref_slice %arg6[%dma_start3A_335] : memref<10000xi32, #tpu.memory_space<vmem>> -> memref<80xi32, #tpu.memory_space<vmem>>
    %dma_start3A_337 = arith.constant 0 : i32
    %dma_start3A_338 = arith.constant 0 : i32
    %dma_start3A_339 = tpu.memref_slice %arg5[%dma_start3A_337, %dma_start3A_338] : memref<10000x128xf32, #tpu.memory_space<vmem_shared>> -> memref<10000x128xf32, #tpu.memory_space<vmem_shared>>
    tpu.enqueue_indirect_dma source(%dma_start3A_339 : memref<10000x128xf32, #tpu.memory_space<vmem_shared>>) target(%arg8 : memref<80x128xf32, #tpu.memory_space<vmem>>) offsets(%dma_start3A_336 : memref<80xi32, #tpu.memory_space<vmem>>) semaphore(%arg10 : memref<!tpu.dma_semaphore, #tpu.memory_space<semaphore_mem>>)
    %dma_wait3A_340 = arith.constant 1440 : i32
    %dma_wait3A_341 = tpu.memref_slice %arg6[%dma_wait3A_340] : memref<10000xi32, #tpu.memory_space<vmem>> -> memref<80xi32, #tpu.memory_space<vmem>>
    %dma_wait3A_342 = arith.constant 0 : i32
    %dma_wait3A_343 = arith.constant 0 : i32
    %dma_wait3A_344 = tpu.memref_slice %arg5[%dma_wait3A_342, %dma_wait3A_343] : memref<10000x128xf32, #tpu.memory_space<vmem_shared>> -> memref<10000x128xf32, #tpu.memory_space<vmem_shared>>
    tpu.wait_indirect_dma semaphore(%arg9 : memref<!tpu.dma_semaphore, #tpu.memory_space<semaphore_mem>>) src(%dma_wait3A_344 : memref<10000x128xf32, #tpu.memory_space<vmem_shared>>) dst(%arg7 : memref<80x128xf32, #tpu.memory_space<vmem>>)
    %dma_start3A_345 = arith.constant 1440 : i32
    %dma_start3A_346 = tpu.memref_slice %arg4[%dma_start3A_345, %multiple_of3A_5] : memref<10000x4096xf32, #tpu.memory_space<hbm>> -> memref<80x128xf32, #tpu.memory_space<hbm>>
    %dma_start3A_347 = arith.constant 1440 : i32
    %dma_start3A_348 = tpu.memref_slice %arg4[%dma_start3A_347, %multiple_of3A_5] : memref<10000x4096xf32, #tpu.memory_space<hbm>> -> memref<80x128xf32, #tpu.memory_space<hbm>>
    tpu.enqueue_dma source(%arg7 : memref<80x128xf32, #tpu.memory_space<vmem>>) target(%dma_start3A_348 : memref<80x128xf32, #tpu.memory_space<hbm>>) target_semaphore(%arg11 : memref<!tpu.dma_semaphore, #tpu.memory_space<semaphore_mem>>)
    %dma_wait3A_349 = arith.constant 1440 : i32
    %dma_wait3A_350 = tpu.memref_slice %arg4[%dma_wait3A_349, %multiple_of3A_5] : memref<10000x4096xf32, #tpu.memory_space<hbm>> -> memref<80x128xf32, #tpu.memory_space<hbm>>
    %dma_wait3A_351 = arith.constant 1440 : i32
    %dma_wait3A_352 = tpu.memref_slice %arg4[%dma_wait3A_351, %multiple_of3A_5] : memref<10000x4096xf32, #tpu.memory_space<hbm>> -> memref<80x128xf32, #tpu.memory_space<hbm>>
    tpu.wait_dma2 semaphore(%arg11 : memref<!tpu.dma_semaphore, #tpu.memory_space<semaphore_mem>>) src(%arg7 : memref<80x128xf32, #tpu.memory_space<vmem>>) dst(%dma_wait3A_352 : memref<80x128xf32, #tpu.memory_space<hbm>>)
    %dma_start3A_353 = arith.constant 1600 : i32
    %dma_start3A_354 = tpu.memref_slice %arg6[%dma_start3A_353] : memref<10000xi32, #tpu.memory_space<vmem>> -> memref<80xi32, #tpu.memory_space<vmem>>
    %dma_start3A_355 = arith.constant 0 : i32
    %dma_start3A_356 = arith.constant 0 : i32
    %dma_start3A_357 = tpu.memref_slice %arg5[%dma_start3A_355, %dma_start3A_356] : memref<10000x128xf32, #tpu.memory_space<vmem_shared>> -> memref<10000x128xf32, #tpu.memory_space<vmem_shared>>
    tpu.enqueue_indirect_dma source(%dma_start3A_357 : memref<10000x128xf32, #tpu.memory_space<vmem_shared>>) target(%arg7 : memref<80x128xf32, #tpu.memory_space<vmem>>) offsets(%dma_start3A_354 : memref<80xi32, #tpu.memory_space<vmem>>) semaphore(%arg9 : memref<!tpu.dma_semaphore, #tpu.memory_space<semaphore_mem>>)
    %dma_wait3A_358 = arith.constant 1520 : i32
    %dma_wait3A_359 = tpu.memref_slice %arg6[%dma_wait3A_358] : memref<10000xi32, #tpu.memory_space<vmem>> -> memref<80xi32, #tpu.memory_space<vmem>>
    %dma_wait3A_360 = arith.constant 0 : i32
    %dma_wait3A_361 = arith.constant 0 : i32
    %dma_wait3A_362 = tpu.memref_slice %arg5[%dma_wait3A_360, %dma_wait3A_361] : memref<10000x128xf32, #tpu.memory_space<vmem_shared>> -> memref<10000x128xf32, #tpu.memory_space<vmem_shared>>
    tpu.wait_indirect_dma semaphore(%arg10 : memref<!tpu.dma_semaphore, #tpu.memory_space<semaphore_mem>>) src(%dma_wait3A_362 : memref<10000x128xf32, #tpu.memory_space<vmem_shared>>) dst(%arg8 : memref<80x128xf32, #tpu.memory_space<vmem>>)
    %dma_start3A_363 = arith.constant 1520 : i32
    %dma_start3A_364 = tpu.memref_slice %arg4[%dma_start3A_363, %multiple_of3A_5] : memref<10000x4096xf32, #tpu.memory_space<hbm>> -> memref<80x128xf32, #tpu.memory_space<hbm>>
    %dma_start3A_365 = arith.constant 1520 : i32
    %dma_start3A_366 = tpu.memref_slice %arg4[%dma_start3A_365, %multiple_of3A_5] : memref<10000x4096xf32, #tpu.memory_space<hbm>> -> memref<80x128xf32, #tpu.memory_space<hbm>>
    tpu.enqueue_dma source(%arg8 : memref<80x128xf32, #tpu.memory_space<vmem>>) target(%dma_start3A_366 : memref<80x128xf32, #tpu.memory_space<hbm>>) target_semaphore(%arg12 : memref<!tpu.dma_semaphore, #tpu.memory_space<semaphore_mem>>)
    %dma_wait3A_367 = arith.constant 1520 : i32
    %dma_wait3A_368 = tpu.memref_slice %arg4[%dma_wait3A_367, %multiple_of3A_5] : memref<10000x4096xf32, #tpu.memory_space<hbm>> -> memref<80x128xf32, #tpu.memory_space<hbm>>
    %dma_wait3A_369 = arith.constant 1520 : i32
    %dma_wait3A_370 = tpu.memref_slice %arg4[%dma_wait3A_369, %multiple_of3A_5] : memref<10000x4096xf32, #tpu.memory_space<hbm>> -> memref<80x128xf32, #tpu.memory_space<hbm>>
    tpu.wait_dma2 semaphore(%arg12 : memref<!tpu.dma_semaphore, #tpu.memory_space<semaphore_mem>>) src(%arg8 : memref<80x128xf32, #tpu.memory_space<vmem>>) dst(%dma_wait3A_370 : memref<80x128xf32, #tpu.memory_space<hbm>>)
    %dma_start3A_371 = arith.constant 1680 : i32
    %dma_start3A_372 = tpu.memref_slice %arg6[%dma_start3A_371] : memref<10000xi32, #tpu.memory_space<vmem>> -> memref<80xi32, #tpu.memory_space<vmem>>
    %dma_start3A_373 = arith.constant 0 : i32
    %dma_start3A_374 = arith.constant 0 : i32
    %dma_start3A_375 = tpu.memref_slice %arg5[%dma_start3A_373, %dma_start3A_374] : memref<10000x128xf32, #tpu.memory_space<vmem_shared>> -> memref<10000x128xf32, #tpu.memory_space<vmem_shared>>
    tpu.enqueue_indirect_dma source(%dma_start3A_375 : memref<10000x128xf32, #tpu.memory_space<vmem_shared>>) target(%arg8 : memref<80x128xf32, #tpu.memory_space<vmem>>) offsets(%dma_start3A_372 : memref<80xi32, #tpu.memory_space<vmem>>) semaphore(%arg10 : memref<!tpu.dma_semaphore, #tpu.memory_space<semaphore_mem>>)
    %dma_wait3A_376 = arith.constant 1600 : i32
    %dma_wait3A_377 = tpu.memref_slice %arg6[%dma_wait3A_376] : memref<10000xi32, #tpu.memory_space<vmem>> -> memref<80xi32, #tpu.memory_space<vmem>>
    %dma_wait3A_378 = arith.constant 0 : i32
    %dma_wait3A_379 = arith.constant 0 : i32
    %dma_wait3A_380 = tpu.memref_slice %arg5[%dma_wait3A_378, %dma_wait3A_379] : memref<10000x128xf32, #tpu.memory_space<vmem_shared>> -> memref<10000x128xf32, #tpu.memory_space<vmem_shared>>
    tpu.wait_indirect_dma semaphore(%arg9 : memref<!tpu.dma_semaphore, #tpu.memory_space<semaphore_mem>>) src(%dma_wait3A_380 : memref<10000x128xf32, #tpu.memory_space<vmem_shared>>) dst(%arg7 : memref<80x128xf32, #tpu.memory_space<vmem>>)
    %dma_start3A_381 = arith.constant 1600 : i32
    %dma_start3A_382 = tpu.memref_slice %arg4[%dma_start3A_381, %multiple_of3A_5] : memref<10000x4096xf32, #tpu.memory_space<hbm>> -> memref<80x128xf32, #tpu.memory_space<hbm>>
    %dma_start3A_383 = arith.constant 1600 : i32
    %dma_start3A_384 = tpu.memref_slice %arg4[%dma_start3A_383, %multiple_of3A_5] : memref<10000x4096xf32, #tpu.memory_space<hbm>> -> memref<80x128xf32, #tpu.memory_space<hbm>>
    tpu.enqueue_dma source(%arg7 : memref<80x128xf32, #tpu.memory_space<vmem>>) target(%dma_start3A_384 : memref<80x128xf32, #tpu.memory_space<hbm>>) target_semaphore(%arg11 : memref<!tpu.dma_semaphore, #tpu.memory_space<semaphore_mem>>)
    %dma_wait3A_385 = arith.constant 1600 : i32
    %dma_wait3A_386 = tpu.memref_slice %arg4[%dma_wait3A_385, %multiple_of3A_5] : memref<10000x4096xf32, #tpu.memory_space<hbm>> -> memref<80x128xf32, #tpu.memory_space<hbm>>
    %dma_wait3A_387 = arith.constant 1600 : i32
    %dma_wait3A_388 = tpu.memref_slice %arg4[%dma_wait3A_387, %multiple_of3A_5] : memref<10000x4096xf32, #tpu.memory_space<hbm>> -> memref<80x128xf32, #tpu.memory_space<hbm>>
    tpu.wait_dma2 semaphore(%arg11 : memref<!tpu.dma_semaphore, #tpu.memory_space<semaphore_mem>>) src(%arg7 : memref<80x128xf32, #tpu.memory_space<vmem>>) dst(%dma_wait3A_388 : memref<80x128xf32, #tpu.memory_space<hbm>>)
    %dma_start3A_389 = arith.constant 1760 : i32
    %dma_start3A_390 = tpu.memref_slice %arg6[%dma_start3A_389] : memref<10000xi32, #tpu.memory_space<vmem>> -> memref<80xi32, #tpu.memory_space<vmem>>
    %dma_start3A_391 = arith.constant 0 : i32
    %dma_start3A_392 = arith.constant 0 : i32
    %dma_start3A_393 = tpu.memref_slice %arg5[%dma_start3A_391, %dma_start3A_392] : memref<10000x128xf32, #tpu.memory_space<vmem_shared>> -> memref<10000x128xf32, #tpu.memory_space<vmem_shared>>
    tpu.enqueue_indirect_dma source(%dma_start3A_393 : memref<10000x128xf32, #tpu.memory_space<vmem_shared>>) target(%arg7 : memref<80x128xf32, #tpu.memory_space<vmem>>) offsets(%dma_start3A_390 : memref<80xi32, #tpu.memory_space<vmem>>) semaphore(%arg9 : memref<!tpu.dma_semaphore, #tpu.memory_space<semaphore_mem>>)
    %dma_wait3A_394 = arith.constant 1680 : i32
    %dma_wait3A_395 = tpu.memref_slice %arg6[%dma_wait3A_394] : memref<10000xi32, #tpu.memory_space<vmem>> -> memref<80xi32, #tpu.memory_space<vmem>>
    %dma_wait3A_396 = arith.constant 0 : i32
    %dma_wait3A_397 = arith.constant 0 : i32
    %dma_wait3A_398 = tpu.memref_slice %arg5[%dma_wait3A_396, %dma_wait3A_397] : memref<10000x128xf32, #tpu.memory_space<vmem_shared>> -> memref<10000x128xf32, #tpu.memory_space<vmem_shared>>
    tpu.wait_indirect_dma semaphore(%arg10 : memref<!tpu.dma_semaphore, #tpu.memory_space<semaphore_mem>>) src(%dma_wait3A_398 : memref<10000x128xf32, #tpu.memory_space<vmem_shared>>) dst(%arg8 : memref<80x128xf32, #tpu.memory_space<vmem>>)
    %dma_start3A_399 = arith.constant 1680 : i32
    %dma_start3A_400 = tpu.memref_slice %arg4[%dma_start3A_399, %multiple_of3A_5] : memref<10000x4096xf32, #tpu.memory_space<hbm>> -> memref<80x128xf32, #tpu.memory_space<hbm>>
    %dma_start3A_401 = arith.constant 1680 : i32
    %dma_start3A_402 = tpu.memref_slice %arg4[%dma_start3A_401, %multiple_of3A_5] : memref<10000x4096xf32, #tpu.memory_space<hbm>> -> memref<80x128xf32, #tpu.memory_space<hbm>>
    tpu.enqueue_dma source(%arg8 : memref<80x128xf32, #tpu.memory_space<vmem>>) target(%dma_start3A_402 : memref<80x128xf32, #tpu.memory_space<hbm>>) target_semaphore(%arg12 : memref<!tpu.dma_semaphore, #tpu.memory_space<semaphore_mem>>)
    %dma_wait3A_403 = arith.constant 1680 : i32
    %dma_wait3A_404 = tpu.memref_slice %arg4[%dma_wait3A_403, %multiple_of3A_5] : memref<10000x4096xf32, #tpu.memory_space<hbm>> -> memref<80x128xf32, #tpu.memory_space<hbm>>
    %dma_wait3A_405 = arith.constant 1680 : i32
    %dma_wait3A_406 = tpu.memref_slice %arg4[%dma_wait3A_405, %multiple_of3A_5] : memref<10000x4096xf32, #tpu.memory_space<hbm>> -> memref<80x128xf32, #tpu.memory_space<hbm>>
    tpu.wait_dma2 semaphore(%arg12 : memref<!tpu.dma_semaphore, #tpu.memory_space<semaphore_mem>>) src(%arg8 : memref<80x128xf32, #tpu.memory_space<vmem>>) dst(%dma_wait3A_406 : memref<80x128xf32, #tpu.memory_space<hbm>>)
    %dma_start3A_407 = arith.constant 1840 : i32
    %dma_start3A_408 = tpu.memref_slice %arg6[%dma_start3A_407] : memref<10000xi32, #tpu.memory_space<vmem>> -> memref<80xi32, #tpu.memory_space<vmem>>
    %dma_start3A_409 = arith.constant 0 : i32
    %dma_start3A_410 = arith.constant 0 : i32
    %dma_start3A_411 = tpu.memref_slice %arg5[%dma_start3A_409, %dma_start3A_410] : memref<10000x128xf32, #tpu.memory_space<vmem_shared>> -> memref<10000x128xf32, #tpu.memory_space<vmem_shared>>
    tpu.enqueue_indirect_dma source(%dma_start3A_411 : memref<10000x128xf32, #tpu.memory_space<vmem_shared>>) target(%arg8 : memref<80x128xf32, #tpu.memory_space<vmem>>) offsets(%dma_start3A_408 : memref<80xi32, #tpu.memory_space<vmem>>) semaphore(%arg10 : memref<!tpu.dma_semaphore, #tpu.memory_space<semaphore_mem>>)
    %dma_wait3A_412 = arith.constant 1760 : i32
    %dma_wait3A_413 = tpu.memref_slice %arg6[%dma_wait3A_412] : memref<10000xi32, #tpu.memory_space<vmem>> -> memref<80xi32, #tpu.memory_space<vmem>>
    %dma_wait3A_414 = arith.constant 0 : i32
    %dma_wait3A_415 = arith.constant 0 : i32
    %dma_wait3A_416 = tpu.memref_slice %arg5[%dma_wait3A_414, %dma_wait3A_415] : memref<10000x128xf32, #tpu.memory_space<vmem_shared>> -> memref<10000x128xf32, #tpu.memory_space<vmem_shared>>
    tpu.wait_indirect_dma semaphore(%arg9 : memref<!tpu.dma_semaphore, #tpu.memory_space<semaphore_mem>>) src(%dma_wait3A_416 : memref<10000x128xf32, #tpu.memory_space<vmem_shared>>) dst(%arg7 : memref<80x128xf32, #tpu.memory_space<vmem>>)
    %dma_start3A_417 = arith.constant 1760 : i32
    %dma_start3A_418 = tpu.memref_slice %arg4[%dma_start3A_417, %multiple_of3A_5] : memref<10000x4096xf32, #tpu.memory_space<hbm>> -> memref<80x128xf32, #tpu.memory_space<hbm>>
    %dma_start3A_419 = arith.constant 1760 : i32
    %dma_start3A_420 = tpu.memref_slice %arg4[%dma_start3A_419, %multiple_of3A_5] : memref<10000x4096xf32, #tpu.memory_space<hbm>> -> memref<80x128xf32, #tpu.memory_space<hbm>>
    tpu.enqueue_dma source(%arg7 : memref<80x128xf32, #tpu.memory_space<vmem>>) target(%dma_start3A_420 : memref<80x128xf32, #tpu.memory_space<hbm>>) target_semaphore(%arg11 : memref<!tpu.dma_semaphore, #tpu.memory_space<semaphore_mem>>)
    %dma_wait3A_421 = arith.constant 1760 : i32
    %dma_wait3A_422 = tpu.memref_slice %arg4[%dma_wait3A_421, %multiple_of3A_5] : memref<10000x4096xf32, #tpu.memory_space<hbm>> -> memref<80x128xf32, #tpu.memory_space<hbm>>
    %dma_wait3A_423 = arith.constant 1760 : i32
    %dma_wait3A_424 = tpu.memref_slice %arg4[%dma_wait3A_423, %multiple_of3A_5] : memref<10000x4096xf32, #tpu.memory_space<hbm>> -> memref<80x128xf32, #tpu.memory_space<hbm>>
    tpu.wait_dma2 semaphore(%arg11 : memref<!tpu.dma_semaphore, #tpu.memory_space<semaphore_mem>>) src(%arg7 : memref<80x128xf32, #tpu.memory_space<vmem>>) dst(%dma_wait3A_424 : memref<80x128xf32, #tpu.memory_space<hbm>>)
    %dma_start3A_425 = arith.constant 1920 : i32
    %dma_start3A_426 = tpu.memref_slice %arg6[%dma_start3A_425] : memref<10000xi32, #tpu.memory_space<vmem>> -> memref<80xi32, #tpu.memory_space<vmem>>
    %dma_start3A_427 = arith.constant 0 : i32
    %dma_start3A_428 = arith.constant 0 : i32
    %dma_start3A_429 = tpu.memref_slice %arg5[%dma_start3A_427, %dma_start3A_428] : memref<10000x128xf32, #tpu.memory_space<vmem_shared>> -> memref<10000x128xf32, #tpu.memory_space<vmem_shared>>
    tpu.enqueue_indirect_dma source(%dma_start3A_429 : memref<10000x128xf32, #tpu.memory_space<vmem_shared>>) target(%arg7 : memref<80x128xf32, #tpu.memory_space<vmem>>) offsets(%dma_start3A_426 : memref<80xi32, #tpu.memory_space<vmem>>) semaphore(%arg9 : memref<!tpu.dma_semaphore, #tpu.memory_space<semaphore_mem>>)
    %dma_wait3A_430 = arith.constant 1840 : i32
    %dma_wait3A_431 = tpu.memref_slice %arg6[%dma_wait3A_430] : memref<10000xi32, #tpu.memory_space<vmem>> -> memref<80xi32, #tpu.memory_space<vmem>>
    %dma_wait3A_432 = arith.constant 0 : i32
    %dma_wait3A_433 = arith.constant 0 : i32
    %dma_wait3A_434 = tpu.memref_slice %arg5[%dma_wait3A_432, %dma_wait3A_433] : memref<10000x128xf32, #tpu.memory_space<vmem_shared>> -> memref<10000x128xf32, #tpu.memory_space<vmem_shared>>
    tpu.wait_indirect_dma semaphore(%arg10 : memref<!tpu.dma_semaphore, #tpu.memory_space<semaphore_mem>>) src(%dma_wait3A_434 : memref<10000x128xf32, #tpu.memory_space<vmem_shared>>) dst(%arg8 : memref<80x128xf32, #tpu.memory_space<vmem>>)
    %dma_start3A_435 = arith.constant 1840 : i32
    %dma_start3A_436 = tpu.memref_slice %arg4[%dma_start3A_435, %multiple_of3A_5] : memref<10000x4096xf32, #tpu.memory_space<hbm>> -> memref<80x128xf32, #tpu.memory_space<hbm>>
    %dma_start3A_437 = arith.constant 1840 : i32
    %dma_start3A_438 = tpu.memref_slice %arg4[%dma_start3A_437, %multiple_of3A_5] : memref<10000x4096xf32, #tpu.memory_space<hbm>> -> memref<80x128xf32, #tpu.memory_space<hbm>>
    tpu.enqueue_dma source(%arg8 : memref<80x128xf32, #tpu.memory_space<vmem>>) target(%dma_start3A_438 : memref<80x128xf32, #tpu.memory_space<hbm>>) target_semaphore(%arg12 : memref<!tpu.dma_semaphore, #tpu.memory_space<semaphore_mem>>)
    %dma_wait3A_439 = arith.constant 1840 : i32
    %dma_wait3A_440 = tpu.memref_slice %arg4[%dma_wait3A_439, %multiple_of3A_5] : memref<10000x4096xf32, #tpu.memory_space<hbm>> -> memref<80x128xf32, #tpu.memory_space<hbm>>
    %dma_wait3A_441 = arith.constant 1840 : i32
    %dma_wait3A_442 = tpu.memref_slice %arg4[%dma_wait3A_441, %multiple_of3A_5] : memref<10000x4096xf32, #tpu.memory_space<hbm>> -> memref<80x128xf32, #tpu.memory_space<hbm>>
    tpu.wait_dma2 semaphore(%arg12 : memref<!tpu.dma_semaphore, #tpu.memory_space<semaphore_mem>>) src(%arg8 : memref<80x128xf32, #tpu.memory_space<vmem>>) dst(%dma_wait3A_442 : memref<80x128xf32, #tpu.memory_space<hbm>>)
    %dma_start3A_443 = arith.constant 2000 : i32
    %dma_start3A_444 = tpu.memref_slice %arg6[%dma_start3A_443] : memref<10000xi32, #tpu.memory_space<vmem>> -> memref<80xi32, #tpu.memory_space<vmem>>
    %dma_start3A_445 = arith.constant 0 : i32
    %dma_start3A_446 = arith.constant 0 : i32
    %dma_start3A_447 = tpu.memref_slice %arg5[%dma_start3A_445, %dma_start3A_446] : memref<10000x128xf32, #tpu.memory_space<vmem_shared>> -> memref<10000x128xf32, #tpu.memory_space<vmem_shared>>
    tpu.enqueue_indirect_dma source(%dma_start3A_447 : memref<10000x128xf32, #tpu.memory_space<vmem_shared>>) target(%arg8 : memref<80x128xf32, #tpu.memory_space<vmem>>) offsets(%dma_start3A_444 : memref<80xi32, #tpu.memory_space<vmem>>) semaphore(%arg10 : memref<!tpu.dma_semaphore, #tpu.memory_space<semaphore_mem>>)
    %dma_wait3A_448 = arith.constant 1920 : i32
    %dma_wait3A_449 = tpu.memref_slice %arg6[%dma_wait3A_448] : memref<10000xi32, #tpu.memory_space<vmem>> -> memref<80xi32, #tpu.memory_space<vmem>>
    %dma_wait3A_450 = arith.constant 0 : i32
    %dma_wait3A_451 = arith.constant 0 : i32
    %dma_wait3A_452 = tpu.memref_slice %arg5[%dma_wait3A_450, %dma_wait3A_451] : memref<10000x128xf32, #tpu.memory_space<vmem_shared>> -> memref<10000x128xf32, #tpu.memory_space<vmem_shared>>
    tpu.wait_indirect_dma semaphore(%arg9 : memref<!tpu.dma_semaphore, #tpu.memory_space<semaphore_mem>>) src(%dma_wait3A_452 : memref<10000x128xf32, #tpu.memory_space<vmem_shared>>) dst(%arg7 : memref<80x128xf32, #tpu.memory_space<vmem>>)
    %dma_start3A_453 = arith.constant 1920 : i32
    %dma_start3A_454 = tpu.memref_slice %arg4[%dma_start3A_453, %multiple_of3A_5] : memref<10000x4096xf32, #tpu.memory_space<hbm>> -> memref<80x128xf32, #tpu.memory_space<hbm>>
    %dma_start3A_455 = arith.constant 1920 : i32
    %dma_start3A_456 = tpu.memref_slice %arg4[%dma_start3A_455, %multiple_of3A_5] : memref<10000x4096xf32, #tpu.memory_space<hbm>> -> memref<80x128xf32, #tpu.memory_space<hbm>>
    tpu.enqueue_dma source(%arg7 : memref<80x128xf32, #tpu.memory_space<vmem>>) target(%dma_start3A_456 : memref<80x128xf32, #tpu.memory_space<hbm>>) target_semaphore(%arg11 : memref<!tpu.dma_semaphore, #tpu.memory_space<semaphore_mem>>)
    %dma_wait3A_457 = arith.constant 1920 : i32
    %dma_wait3A_458 = tpu.memref_slice %arg4[%dma_wait3A_457, %multiple_of3A_5] : memref<10000x4096xf32, #tpu.memory_space<hbm>> -> memref<80x128xf32, #tpu.memory_space<hbm>>
    %dma_wait3A_459 = arith.constant 1920 : i32
    %dma_wait3A_460 = tpu.memref_slice %arg4[%dma_wait3A_459, %multiple_of3A_5] : memref<10000x4096xf32, #tpu.memory_space<hbm>> -> memref<80x128xf32, #tpu.memory_space<hbm>>
    tpu.wait_dma2 semaphore(%arg11 : memref<!tpu.dma_semaphore, #tpu.memory_space<semaphore_mem>>) src(%arg7 : memref<80x128xf32, #tpu.memory_space<vmem>>) dst(%dma_wait3A_460 : memref<80x128xf32, #tpu.memory_space<hbm>>)
    %dma_start3A_461 = arith.constant 2080 : i32
    %dma_start3A_462 = tpu.memref_slice %arg6[%dma_start3A_461] : memref<10000xi32, #tpu.memory_space<vmem>> -> memref<80xi32, #tpu.memory_space<vmem>>
    %dma_start3A_463 = arith.constant 0 : i32
    %dma_start3A_464 = arith.constant 0 : i32
    %dma_start3A_465 = tpu.memref_slice %arg5[%dma_start3A_463, %dma_start3A_464] : memref<10000x128xf32, #tpu.memory_space<vmem_shared>> -> memref<10000x128xf32, #tpu.memory_space<vmem_shared>>
    tpu.enqueue_indirect_dma source(%dma_start3A_465 : memref<10000x128xf32, #tpu.memory_space<vmem_shared>>) target(%arg7 : memref<80x128xf32, #tpu.memory_space<vmem>>) offsets(%dma_start3A_462 : memref<80xi32, #tpu.memory_space<vmem>>) semaphore(%arg9 : memref<!tpu.dma_semaphore, #tpu.memory_space<semaphore_mem>>)
    %dma_wait3A_466 = arith.constant 2000 : i32
    %dma_wait3A_467 = tpu.memref_slice %arg6[%dma_wait3A_466] : memref<10000xi32, #tpu.memory_space<vmem>> -> memref<80xi32, #tpu.memory_space<vmem>>
    %dma_wait3A_468 = arith.constant 0 : i32
    %dma_wait3A_469 = arith.constant 0 : i32
    %dma_wait3A_470 = tpu.memref_slice %arg5[%dma_wait3A_468, %dma_wait3A_469] : memref<10000x128xf32, #tpu.memory_space<vmem_shared>> -> memref<10000x128xf32, #tpu.memory_space<vmem_shared>>
    tpu.wait_indirect_dma semaphore(%arg10 : memref<!tpu.dma_semaphore, #tpu.memory_space<semaphore_mem>>) src(%dma_wait3A_470 : memref<10000x128xf32, #tpu.memory_space<vmem_shared>>) dst(%arg8 : memref<80x128xf32, #tpu.memory_space<vmem>>)
    %dma_start3A_471 = arith.constant 2000 : i32
    %dma_start3A_472 = tpu.memref_slice %arg4[%dma_start3A_471, %multiple_of3A_5] : memref<10000x4096xf32, #tpu.memory_space<hbm>> -> memref<80x128xf32, #tpu.memory_space<hbm>>
    %dma_start3A_473 = arith.constant 2000 : i32
    %dma_start3A_474 = tpu.memref_slice %arg4[%dma_start3A_473, %multiple_of3A_5] : memref<10000x4096xf32, #tpu.memory_space<hbm>> -> memref<80x128xf32, #tpu.memory_space<hbm>>
    tpu.enqueue_dma source(%arg8 : memref<80x128xf32, #tpu.memory_space<vmem>>) target(%dma_start3A_474 : memref<80x128xf32, #tpu.memory_space<hbm>>) target_semaphore(%arg12 : memref<!tpu.dma_semaphore, #tpu.memory_space<semaphore_mem>>)
    %dma_wait3A_475 = arith.constant 2000 : i32
    %dma_wait3A_476 = tpu.memref_slice %arg4[%dma_wait3A_475, %multiple_of3A_5] : memref<10000x4096xf32, #tpu.memory_space<hbm>> -> memref<80x128xf32, #tpu.memory_space<hbm>>
    %dma_wait3A_477 = arith.constant 2000 : i32
    %dma_wait3A_478 = tpu.memref_slice %arg4[%dma_wait3A_477, %multiple_of3A_5] : memref<10000x4096xf32, #tpu.memory_space<hbm>> -> memref<80x128xf32, #tpu.memory_space<hbm>>
    tpu.wait_dma2 semaphore(%arg12 : memref<!tpu.dma_semaphore, #tpu.memory_space<semaphore_mem>>) src(%arg8 : memref<80x128xf32, #tpu.memory_space<vmem>>) dst(%dma_wait3A_478 : memref<80x128xf32, #tpu.memory_space<hbm>>)
    %dma_start3A_479 = arith.constant 2160 : i32
    %dma_start3A_480 = tpu.memref_slice %arg6[%dma_start3A_479] : memref<10000xi32, #tpu.memory_space<vmem>> -> memref<80xi32, #tpu.memory_space<vmem>>
    %dma_start3A_481 = arith.constant 0 : i32
    %dma_start3A_482 = arith.constant 0 : i32
    %dma_start3A_483 = tpu.memref_slice %arg5[%dma_start3A_481, %dma_start3A_482] : memref<10000x128xf32, #tpu.memory_space<vmem_shared>> -> memref<10000x128xf32, #tpu.memory_space<vmem_shared>>
    tpu.enqueue_indirect_dma source(%dma_start3A_483 : memref<10000x128xf32, #tpu.memory_space<vmem_shared>>) target(%arg8 : memref<80x128xf32, #tpu.memory_space<vmem>>) offsets(%dma_start3A_480 : memref<80xi32, #tpu.memory_space<vmem>>) semaphore(%arg10 : memref<!tpu.dma_semaphore, #tpu.memory_space<semaphore_mem>>)
    %dma_wait3A_484 = arith.constant 2080 : i32
    %dma_wait3A_485 = tpu.memref_slice %arg6[%dma_wait3A_484] : memref<10000xi32, #tpu.memory_space<vmem>> -> memref<80xi32, #tpu.memory_space<vmem>>
    %dma_wait3A_486 = arith.constant 0 : i32
    %dma_wait3A_487 = arith.constant 0 : i32
    %dma_wait3A_488 = tpu.memref_slice %arg5[%dma_wait3A_486, %dma_wait3A_487] : memref<10000x128xf32, #tpu.memory_space<vmem_shared>> -> memref<10000x128xf32, #tpu.memory_space<vmem_shared>>
    tpu.wait_indirect_dma semaphore(%arg9 : memref<!tpu.dma_semaphore, #tpu.memory_space<semaphore_mem>>) src(%dma_wait3A_488 : memref<10000x128xf32, #tpu.memory_space<vmem_shared>>) dst(%arg7 : memref<80x128xf32, #tpu.memory_space<vmem>>)
    %dma_start3A_489 = arith.constant 2080 : i32
    %dma_start3A_490 = tpu.memref_slice %arg4[%dma_start3A_489, %multiple_of3A_5] : memref<10000x4096xf32, #tpu.memory_space<hbm>> -> memref<80x128xf32, #tpu.memory_space<hbm>>
    %dma_start3A_491 = arith.constant 2080 : i32
    %dma_start3A_492 = tpu.memref_slice %arg4[%dma_start3A_491, %multiple_of3A_5] : memref<10000x4096xf32, #tpu.memory_space<hbm>> -> memref<80x128xf32, #tpu.memory_space<hbm>>
    tpu.enqueue_dma source(%arg7 : memref<80x128xf32, #tpu.memory_space<vmem>>) target(%dma_start3A_492 : memref<80x128xf32, #tpu.memory_space<hbm>>) target_semaphore(%arg11 : memref<!tpu.dma_semaphore, #tpu.memory_space<semaphore_mem>>)
    %dma_wait3A_493 = arith.constant 2080 : i32
    %dma_wait3A_494 = tpu.memref_slice %arg4[%dma_wait3A_493, %multiple_of3A_5] : memref<10000x4096xf32, #tpu.memory_space<hbm>> -> memref<80x128xf32, #tpu.memory_space<hbm>>
    %dma_wait3A_495 = arith.constant 2080 : i32
    %dma_wait3A_496 = tpu.memref_slice %arg4[%dma_wait3A_495, %multiple_of3A_5] : memref<10000x4096xf32, #tpu.memory_space<hbm>> -> memref<80x128xf32, #tpu.memory_space<hbm>>
    tpu.wait_dma2 semaphore(%arg11 : memref<!tpu.dma_semaphore, #tpu.memory_space<semaphore_mem>>) src(%arg7 : memref<80x128xf32, #tpu.memory_space<vmem>>) dst(%dma_wait3A_496 : memref<80x128xf32, #tpu.memory_space<hbm>>)
    %dma_start3A_497 = arith.constant 2240 : i32
    %dma_start3A_498 = tpu.memref_slice %arg6[%dma_start3A_497] : memref<10000xi32, #tpu.memory_space<vmem>> -> memref<80xi32, #tpu.memory_space<vmem>>
    %dma_start3A_499 = arith.constant 0 : i32
    %dma_start3A_500 = arith.constant 0 : i32
    %dma_start3A_501 = tpu.memref_slice %arg5[%dma_start3A_499, %dma_start3A_500] : memref<10000x128xf32, #tpu.memory_space<vmem_shared>> -> memref<10000x128xf32, #tpu.memory_space<vmem_shared>>
    tpu.enqueue_indirect_dma source(%dma_start3A_501 : memref<10000x128xf32, #tpu.memory_space<vmem_shared>>) target(%arg7 : memref<80x128xf32, #tpu.memory_space<vmem>>) offsets(%dma_start3A_498 : memref<80xi32, #tpu.memory_space<vmem>>) semaphore(%arg9 : memref<!tpu.dma_semaphore, #tpu.memory_space<semaphore_mem>>)
    %dma_wait3A_502 = arith.constant 2160 : i32
    %dma_wait3A_503 = tpu.memref_slice %arg6[%dma_wait3A_502] : memref<10000xi32, #tpu.memory_space<vmem>> -> memref<80xi32, #tpu.memory_space<vmem>>
    %dma_wait3A_504 = arith.constant 0 : i32
    %dma_wait3A_505 = arith.constant 0 : i32
    %dma_wait3A_506 = tpu.memref_slice %arg5[%dma_wait3A_504, %dma_wait3A_505] : memref<10000x128xf32, #tpu.memory_space<vmem_shared>> -> memref<10000x128xf32, #tpu.memory_space<vmem_shared>>
    tpu.wait_indirect_dma semaphore(%arg10 : memref<!tpu.dma_semaphore, #tpu.memory_space<semaphore_mem>>) src(%dma_wait3A_506 : memref<10000x128xf32, #tpu.memory_space<vmem_shared>>) dst(%arg8 : memref<80x128xf32, #tpu.memory_space<vmem>>)
    %dma_start3A_507 = arith.constant 2160 : i32
    %dma_start3A_508 = tpu.memref_slice %arg4[%dma_start3A_507, %multiple_of3A_5] : memref<10000x4096xf32, #tpu.memory_space<hbm>> -> memref<80x128xf32, #tpu.memory_space<hbm>>
    %dma_start3A_509 = arith.constant 2160 : i32
    %dma_start3A_510 = tpu.memref_slice %arg4[%dma_start3A_509, %multiple_of3A_5] : memref<10000x4096xf32, #tpu.memory_space<hbm>> -> memref<80x128xf32, #tpu.memory_space<hbm>>
    tpu.enqueue_dma source(%arg8 : memref<80x128xf32, #tpu.memory_space<vmem>>) target(%dma_start3A_510 : memref<80x128xf32, #tpu.memory_space<hbm>>) target_semaphore(%arg12 : memref<!tpu.dma_semaphore, #tpu.memory_space<semaphore_mem>>)
    %dma_wait3A_511 = arith.constant 2160 : i32
    %dma_wait3A_512 = tpu.memref_slice %arg4[%dma_wait3A_511, %multiple_of3A_5] : memref<10000x4096xf32, #tpu.memory_space<hbm>> -> memref<80x128xf32, #tpu.memory_space<hbm>>
    %dma_wait3A_513 = arith.constant 2160 : i32
    %dma_wait3A_514 = tpu.memref_slice %arg4[%dma_wait3A_513, %multiple_of3A_5] : memref<10000x4096xf32, #tpu.memory_space<hbm>> -> memref<80x128xf32, #tpu.memory_space<hbm>>
    tpu.wait_dma2 semaphore(%arg12 : memref<!tpu.dma_semaphore, #tpu.memory_space<semaphore_mem>>) src(%arg8 : memref<80x128xf32, #tpu.memory_space<vmem>>) dst(%dma_wait3A_514 : memref<80x128xf32, #tpu.memory_space<hbm>>)
    %dma_start3A_515 = arith.constant 2320 : i32
    %dma_start3A_516 = tpu.memref_slice %arg6[%dma_start3A_515] : memref<10000xi32, #tpu.memory_space<vmem>> -> memref<80xi32, #tpu.memory_space<vmem>>
    %dma_start3A_517 = arith.constant 0 : i32
    %dma_start3A_518 = arith.constant 0 : i32
    %dma_start3A_519 = tpu.memref_slice %arg5[%dma_start3A_517, %dma_start3A_518] : memref<10000x128xf32, #tpu.memory_space<vmem_shared>> -> memref<10000x128xf32, #tpu.memory_space<vmem_shared>>
    tpu.enqueue_indirect_dma source(%dma_start3A_519 : memref<10000x128xf32, #tpu.memory_space<vmem_shared>>) target(%arg8 : memref<80x128xf32, #tpu.memory_space<vmem>>) offsets(%dma_start3A_516 : memref<80xi32, #tpu.memory_space<vmem>>) semaphore(%arg10 : memref<!tpu.dma_semaphore, #tpu.memory_space<semaphore_mem>>)
    %dma_wait3A_520 = arith.constant 2240 : i32
    %dma_wait3A_521 = tpu.memref_slice %arg6[%dma_wait3A_520] : memref<10000xi32, #tpu.memory_space<vmem>> -> memref<80xi32, #tpu.memory_space<vmem>>
    %dma_wait3A_522 = arith.constant 0 : i32
    %dma_wait3A_523 = arith.constant 0 : i32
    %dma_wait3A_524 = tpu.memref_slice %arg5[%dma_wait3A_522, %dma_wait3A_523] : memref<10000x128xf32, #tpu.memory_space<vmem_shared>> -> memref<10000x128xf32, #tpu.memory_space<vmem_shared>>
    tpu.wait_indirect_dma semaphore(%arg9 : memref<!tpu.dma_semaphore, #tpu.memory_space<semaphore_mem>>) src(%dma_wait3A_524 : memref<10000x128xf32, #tpu.memory_space<vmem_shared>>) dst(%arg7 : memref<80x128xf32, #tpu.memory_space<vmem>>)
    %dma_start3A_525 = arith.constant 2240 : i32
    %dma_start3A_526 = tpu.memref_slice %arg4[%dma_start3A_525, %multiple_of3A_5] : memref<10000x4096xf32, #tpu.memory_space<hbm>> -> memref<80x128xf32, #tpu.memory_space<hbm>>
    %dma_start3A_527 = arith.constant 2240 : i32
    %dma_start3A_528 = tpu.memref_slice %arg4[%dma_start3A_527, %multiple_of3A_5] : memref<10000x4096xf32, #tpu.memory_space<hbm>> -> memref<80x128xf32, #tpu.memory_space<hbm>>
    tpu.enqueue_dma source(%arg7 : memref<80x128xf32, #tpu.memory_space<vmem>>) target(%dma_start3A_528 : memref<80x128xf32, #tpu.memory_space<hbm>>) target_semaphore(%arg11 : memref<!tpu.dma_semaphore, #tpu.memory_space<semaphore_mem>>)
    %dma_wait3A_529 = arith.constant 2240 : i32
    %dma_wait3A_530 = tpu.memref_slice %arg4[%dma_wait3A_529, %multiple_of3A_5] : memref<10000x4096xf32, #tpu.memory_space<hbm>> -> memref<80x128xf32, #tpu.memory_space<hbm>>
    %dma_wait3A_531 = arith.constant 2240 : i32
    %dma_wait3A_532 = tpu.memref_slice %arg4[%dma_wait3A_531, %multiple_of3A_5] : memref<10000x4096xf32, #tpu.memory_space<hbm>> -> memref<80x128xf32, #tpu.memory_space<hbm>>
    tpu.wait_dma2 semaphore(%arg11 : memref<!tpu.dma_semaphore, #tpu.memory_space<semaphore_mem>>) src(%arg7 : memref<80x128xf32, #tpu.memory_space<vmem>>) dst(%dma_wait3A_532 : memref<80x128xf32, #tpu.memory_space<hbm>>)
    %dma_start3A_533 = arith.constant 2400 : i32
    %dma_start3A_534 = tpu.memref_slice %arg6[%dma_start3A_533] : memref<10000xi32, #tpu.memory_space<vmem>> -> memref<80xi32, #tpu.memory_space<vmem>>
    %dma_start3A_535 = arith.constant 0 : i32
    %dma_start3A_536 = arith.constant 0 : i32
    %dma_start3A_537 = tpu.memref_slice %arg5[%dma_start3A_535, %dma_start3A_536] : memref<10000x128xf32, #tpu.memory_space<vmem_shared>> -> memref<10000x128xf32, #tpu.memory_space<vmem_shared>>
    tpu.enqueue_indirect_dma source(%dma_start3A_537 : memref<10000x128xf32, #tpu.memory_space<vmem_shared>>) target(%arg7 : memref<80x128xf32, #tpu.memory_space<vmem>>) offsets(%dma_start3A_534 : memref<80xi32, #tpu.memory_space<vmem>>) semaphore(%arg9 : memref<!tpu.dma_semaphore, #tpu.memory_space<semaphore_mem>>)
    %dma_wait3A_538 = arith.constant 2320 : i32
    %dma_wait3A_539 = tpu.memref_slice %arg6[%dma_wait3A_538] : memref<10000xi32, #tpu.memory_space<vmem>> -> memref<80xi32, #tpu.memory_space<vmem>>
    %dma_wait3A_540 = arith.constant 0 : i32
    %dma_wait3A_541 = arith.constant 0 : i32
    %dma_wait3A_542 = tpu.memref_slice %arg5[%dma_wait3A_540, %dma_wait3A_541] : memref<10000x128xf32, #tpu.memory_space<vmem_shared>> -> memref<10000x128xf32, #tpu.memory_space<vmem_shared>>
    tpu.wait_indirect_dma semaphore(%arg10 : memref<!tpu.dma_semaphore, #tpu.memory_space<semaphore_mem>>) src(%dma_wait3A_542 : memref<10000x128xf32, #tpu.memory_space<vmem_shared>>) dst(%arg8 : memref<80x128xf32, #tpu.memory_space<vmem>>)
    %dma_start3A_543 = arith.constant 2320 : i32
    %dma_start3A_544 = tpu.memref_slice %arg4[%dma_start3A_543, %multiple_of3A_5] : memref<10000x4096xf32, #tpu.memory_space<hbm>> -> memref<80x128xf32, #tpu.memory_space<hbm>>
    %dma_start3A_545 = arith.constant 2320 : i32
    %dma_start3A_546 = tpu.memref_slice %arg4[%dma_start3A_545, %multiple_of3A_5] : memref<10000x4096xf32, #tpu.memory_space<hbm>> -> memref<80x128xf32, #tpu.memory_space<hbm>>
    tpu.enqueue_dma source(%arg8 : memref<80x128xf32, #tpu.memory_space<vmem>>) target(%dma_start3A_546 : memref<80x128xf32, #tpu.memory_space<hbm>>) target_semaphore(%arg12 : memref<!tpu.dma_semaphore, #tpu.memory_space<semaphore_mem>>)
    %dma_wait3A_547 = arith.constant 2320 : i32
    %dma_wait3A_548 = tpu.memref_slice %arg4[%dma_wait3A_547, %multiple_of3A_5] : memref<10000x4096xf32, #tpu.memory_space<hbm>> -> memref<80x128xf32, #tpu.memory_space<hbm>>
    %dma_wait3A_549 = arith.constant 2320 : i32
    %dma_wait3A_550 = tpu.memref_slice %arg4[%dma_wait3A_549, %multiple_of3A_5] : memref<10000x4096xf32, #tpu.memory_space<hbm>> -> memref<80x128xf32, #tpu.memory_space<hbm>>
    tpu.wait_dma2 semaphore(%arg12 : memref<!tpu.dma_semaphore, #tpu.memory_space<semaphore_mem>>) src(%arg8 : memref<80x128xf32, #tpu.memory_space<vmem>>) dst(%dma_wait3A_550 : memref<80x128xf32, #tpu.memory_space<hbm>>)
    %dma_start3A_551 = arith.constant 2480 : i32
    %dma_start3A_552 = tpu.memref_slice %arg6[%dma_start3A_551] : memref<10000xi32, #tpu.memory_space<vmem>> -> memref<80xi32, #tpu.memory_space<vmem>>
    %dma_start3A_553 = arith.constant 0 : i32
    %dma_start3A_554 = arith.constant 0 : i32
    %dma_start3A_555 = tpu.memref_slice %arg5[%dma_start3A_553, %dma_start3A_554] : memref<10000x128xf32, #tpu.memory_space<vmem_shared>> -> memref<10000x128xf32, #tpu.memory_space<vmem_shared>>
    tpu.enqueue_indirect_dma source(%dma_start3A_555 : memref<10000x128xf32, #tpu.memory_space<vmem_shared>>) target(%arg8 : memref<80x128xf32, #tpu.memory_space<vmem>>) offsets(%dma_start3A_552 : memref<80xi32, #tpu.memory_space<vmem>>) semaphore(%arg10 : memref<!tpu.dma_semaphore, #tpu.memory_space<semaphore_mem>>)
    %dma_wait3A_556 = arith.constant 2400 : i32
    %dma_wait3A_557 = tpu.memref_slice %arg6[%dma_wait3A_556] : memref<10000xi32, #tpu.memory_space<vmem>> -> memref<80xi32, #tpu.memory_space<vmem>>
    %dma_wait3A_558 = arith.constant 0 : i32
    %dma_wait3A_559 = arith.constant 0 : i32
    %dma_wait3A_560 = tpu.memref_slice %arg5[%dma_wait3A_558, %dma_wait3A_559] : memref<10000x128xf32, #tpu.memory_space<vmem_shared>> -> memref<10000x128xf32, #tpu.memory_space<vmem_shared>>
    tpu.wait_indirect_dma semaphore(%arg9 : memref<!tpu.dma_semaphore, #tpu.memory_space<semaphore_mem>>) src(%dma_wait3A_560 : memref<10000x128xf32, #tpu.memory_space<vmem_shared>>) dst(%arg7 : memref<80x128xf32, #tpu.memory_space<vmem>>)
    %dma_start3A_561 = arith.constant 2400 : i32
    %dma_start3A_562 = tpu.memref_slice %arg4[%dma_start3A_561, %multiple_of3A_5] : memref<10000x4096xf32, #tpu.memory_space<hbm>> -> memref<80x128xf32, #tpu.memory_space<hbm>>
    %dma_start3A_563 = arith.constant 2400 : i32
    %dma_start3A_564 = tpu.memref_slice %arg4[%dma_start3A_563, %multiple_of3A_5] : memref<10000x4096xf32, #tpu.memory_space<hbm>> -> memref<80x128xf32, #tpu.memory_space<hbm>>
    tpu.enqueue_dma source(%arg7 : memref<80x128xf32, #tpu.memory_space<vmem>>) target(%dma_start3A_564 : memref<80x128xf32, #tpu.memory_space<hbm>>) target_semaphore(%arg11 : memref<!tpu.dma_semaphore, #tpu.memory_space<semaphore_mem>>)
    %dma_wait3A_565 = arith.constant 2400 : i32
    %dma_wait3A_566 = tpu.memref_slice %arg4[%dma_wait3A_565, %multiple_of3A_5] : memref<10000x4096xf32, #tpu.memory_space<hbm>> -> memref<80x128xf32, #tpu.memory_space<hbm>>
    %dma_wait3A_567 = arith.constant 2400 : i32
    %dma_wait3A_568 = tpu.memref_slice %arg4[%dma_wait3A_567, %multiple_of3A_5] : memref<10000x4096xf32, #tpu.memory_space<hbm>> -> memref<80x128xf32, #tpu.memory_space<hbm>>
    tpu.wait_dma2 semaphore(%arg11 : memref<!tpu.dma_semaphore, #tpu.memory_space<semaphore_mem>>) src(%arg7 : memref<80x128xf32, #tpu.memory_space<vmem>>) dst(%dma_wait3A_568 : memref<80x128xf32, #tpu.memory_space<hbm>>)
    %dma_start3A_569 = arith.constant 2560 : i32
    %dma_start3A_570 = tpu.memref_slice %arg6[%dma_start3A_569] : memref<10000xi32, #tpu.memory_space<vmem>> -> memref<80xi32, #tpu.memory_space<vmem>>
    %dma_start3A_571 = arith.constant 0 : i32
    %dma_start3A_572 = arith.constant 0 : i32
    %dma_start3A_573 = tpu.memref_slice %arg5[%dma_start3A_571, %dma_start3A_572] : memref<10000x128xf32, #tpu.memory_space<vmem_shared>> -> memref<10000x128xf32, #tpu.memory_space<vmem_shared>>
    tpu.enqueue_indirect_dma source(%dma_start3A_573 : memref<10000x128xf32, #tpu.memory_space<vmem_shared>>) target(%arg7 : memref<80x128xf32, #tpu.memory_space<vmem>>) offsets(%dma_start3A_570 : memref<80xi32, #tpu.memory_space<vmem>>) semaphore(%arg9 : memref<!tpu.dma_semaphore, #tpu.memory_space<semaphore_mem>>)
    %dma_wait3A_574 = arith.constant 2480 : i32
    %dma_wait3A_575 = tpu.memref_slice %arg6[%dma_wait3A_574] : memref<10000xi32, #tpu.memory_space<vmem>> -> memref<80xi32, #tpu.memory_space<vmem>>
    %dma_wait3A_576 = arith.constant 0 : i32
    %dma_wait3A_577 = arith.constant 0 : i32
    %dma_wait3A_578 = tpu.memref_slice %arg5[%dma_wait3A_576, %dma_wait3A_577] : memref<10000x128xf32, #tpu.memory_space<vmem_shared>> -> memref<10000x128xf32, #tpu.memory_space<vmem_shared>>
    tpu.wait_indirect_dma semaphore(%arg10 : memref<!tpu.dma_semaphore, #tpu.memory_space<semaphore_mem>>) src(%dma_wait3A_578 : memref<10000x128xf32, #tpu.memory_space<vmem_shared>>) dst(%arg8 : memref<80x128xf32, #tpu.memory_space<vmem>>)
    %dma_start3A_579 = arith.constant 2480 : i32
    %dma_start3A_580 = tpu.memref_slice %arg4[%dma_start3A_579, %multiple_of3A_5] : memref<10000x4096xf32, #tpu.memory_space<hbm>> -> memref<80x128xf32, #tpu.memory_space<hbm>>
    %dma_start3A_581 = arith.constant 2480 : i32
    %dma_start3A_582 = tpu.memref_slice %arg4[%dma_start3A_581, %multiple_of3A_5] : memref<10000x4096xf32, #tpu.memory_space<hbm>> -> memref<80x128xf32, #tpu.memory_space<hbm>>
    tpu.enqueue_dma source(%arg8 : memref<80x128xf32, #tpu.memory_space<vmem>>) target(%dma_start3A_582 : memref<80x128xf32, #tpu.memory_space<hbm>>) target_semaphore(%arg12 : memref<!tpu.dma_semaphore, #tpu.memory_space<semaphore_mem>>)
    %dma_wait3A_583 = arith.constant 2480 : i32
    %dma_wait3A_584 = tpu.memref_slice %arg4[%dma_wait3A_583, %multiple_of3A_5] : memref<10000x4096xf32, #tpu.memory_space<hbm>> -> memref<80x128xf32, #tpu.memory_space<hbm>>
    %dma_wait3A_585 = arith.constant 2480 : i32
    %dma_wait3A_586 = tpu.memref_slice %arg4[%dma_wait3A_585, %multiple_of3A_5] : memref<10000x4096xf32, #tpu.memory_space<hbm>> -> memref<80x128xf32, #tpu.memory_space<hbm>>
    tpu.wait_dma2 semaphore(%arg12 : memref<!tpu.dma_semaphore, #tpu.memory_space<semaphore_mem>>) src(%arg8 : memref<80x128xf32, #tpu.memory_space<vmem>>) dst(%dma_wait3A_586 : memref<80x128xf32, #tpu.memory_space<hbm>>)
    %dma_start3A_587 = arith.constant 2640 : i32
    %dma_start3A_588 = tpu.memref_slice %arg6[%dma_start3A_587] : memref<10000xi32, #tpu.memory_space<vmem>> -> memref<80xi32, #tpu.memory_space<vmem>>
    %dma_start3A_589 = arith.constant 0 : i32
    %dma_start3A_590 = arith.constant 0 : i32
    %dma_start3A_591 = tpu.memref_slice %arg5[%dma_start3A_589, %dma_start3A_590] : memref<10000x128xf32, #tpu.memory_space<vmem_shared>> -> memref<10000x128xf32, #tpu.memory_space<vmem_shared>>
    tpu.enqueue_indirect_dma source(%dma_start3A_591 : memref<10000x128xf32, #tpu.memory_space<vmem_shared>>) target(%arg8 : memref<80x128xf32, #tpu.memory_space<vmem>>) offsets(%dma_start3A_588 : memref<80xi32, #tpu.memory_space<vmem>>) semaphore(%arg10 : memref<!tpu.dma_semaphore, #tpu.memory_space<semaphore_mem>>)
    %dma_wait3A_592 = arith.constant 2560 : i32
    %dma_wait3A_593 = tpu.memref_slice %arg6[%dma_wait3A_592] : memref<10000xi32, #tpu.memory_space<vmem>> -> memref<80xi32, #tpu.memory_space<vmem>>
    %dma_wait3A_594 = arith.constant 0 : i32
    %dma_wait3A_595 = arith.constant 0 : i32
    %dma_wait3A_596 = tpu.memref_slice %arg5[%dma_wait3A_594, %dma_wait3A_595] : memref<10000x128xf32, #tpu.memory_space<vmem_shared>> -> memref<10000x128xf32, #tpu.memory_space<vmem_shared>>
    tpu.wait_indirect_dma semaphore(%arg9 : memref<!tpu.dma_semaphore, #tpu.memory_space<semaphore_mem>>) src(%dma_wait3A_596 : memref<10000x128xf32, #tpu.memory_space<vmem_shared>>) dst(%arg7 : memref<80x128xf32, #tpu.memory_space<vmem>>)
    %dma_start3A_597 = arith.constant 2560 : i32
    %dma_start3A_598 = tpu.memref_slice %arg4[%dma_start3A_597, %multiple_of3A_5] : memref<10000x4096xf32, #tpu.memory_space<hbm>> -> memref<80x128xf32, #tpu.memory_space<hbm>>
    %dma_start3A_599 = arith.constant 2560 : i32
    %dma_start3A_600 = tpu.memref_slice %arg4[%dma_start3A_599, %multiple_of3A_5] : memref<10000x4096xf32, #tpu.memory_space<hbm>> -> memref<80x128xf32, #tpu.memory_space<hbm>>
    tpu.enqueue_dma source(%arg7 : memref<80x128xf32, #tpu.memory_space<vmem>>) target(%dma_start3A_600 : memref<80x128xf32, #tpu.memory_space<hbm>>) target_semaphore(%arg11 : memref<!tpu.dma_semaphore, #tpu.memory_space<semaphore_mem>>)
    %dma_wait3A_601 = arith.constant 2560 : i32
    %dma_wait3A_602 = tpu.memref_slice %arg4[%dma_wait3A_601, %multiple_of3A_5] : memref<10000x4096xf32, #tpu.memory_space<hbm>> -> memref<80x128xf32, #tpu.memory_space<hbm>>
    %dma_wait3A_603 = arith.constant 2560 : i32
    %dma_wait3A_604 = tpu.memref_slice %arg4[%dma_wait3A_603, %multiple_of3A_5] : memref<10000x4096xf32, #tpu.memory_space<hbm>> -> memref<80x128xf32, #tpu.memory_space<hbm>>
    tpu.wait_dma2 semaphore(%arg11 : memref<!tpu.dma_semaphore, #tpu.memory_space<semaphore_mem>>) src(%arg7 : memref<80x128xf32, #tpu.memory_space<vmem>>) dst(%dma_wait3A_604 : memref<80x128xf32, #tpu.memory_space<hbm>>)
    %dma_start3A_605 = arith.constant 2720 : i32
    %dma_start3A_606 = tpu.memref_slice %arg6[%dma_start3A_605] : memref<10000xi32, #tpu.memory_space<vmem>> -> memref<80xi32, #tpu.memory_space<vmem>>
    %dma_start3A_607 = arith.constant 0 : i32
    %dma_start3A_608 = arith.constant 0 : i32
    %dma_start3A_609 = tpu.memref_slice %arg5[%dma_start3A_607, %dma_start3A_608] : memref<10000x128xf32, #tpu.memory_space<vmem_shared>> -> memref<10000x128xf32, #tpu.memory_space<vmem_shared>>
    tpu.enqueue_indirect_dma source(%dma_start3A_609 : memref<10000x128xf32, #tpu.memory_space<vmem_shared>>) target(%arg7 : memref<80x128xf32, #tpu.memory_space<vmem>>) offsets(%dma_start3A_606 : memref<80xi32, #tpu.memory_space<vmem>>) semaphore(%arg9 : memref<!tpu.dma_semaphore, #tpu.memory_space<semaphore_mem>>)
    %dma_wait3A_610 = arith.constant 2640 : i32
    %dma_wait3A_611 = tpu.memref_slice %arg6[%dma_wait3A_610] : memref<10000xi32, #tpu.memory_space<vmem>> -> memref<80xi32, #tpu.memory_space<vmem>>
    %dma_wait3A_612 = arith.constant 0 : i32
    %dma_wait3A_613 = arith.constant 0 : i32
    %dma_wait3A_614 = tpu.memref_slice %arg5[%dma_wait3A_612, %dma_wait3A_613] : memref<10000x128xf32, #tpu.memory_space<vmem_shared>> -> memref<10000x128xf32, #tpu.memory_space<vmem_shared>>
    tpu.wait_indirect_dma semaphore(%arg10 : memref<!tpu.dma_semaphore, #tpu.memory_space<semaphore_mem>>) src(%dma_wait3A_614 : memref<10000x128xf32, #tpu.memory_space<vmem_shared>>) dst(%arg8 : memref<80x128xf32, #tpu.memory_space<vmem>>)
    %dma_start3A_615 = arith.constant 2640 : i32
    %dma_start3A_616 = tpu.memref_slice %arg4[%dma_start3A_615, %multiple_of3A_5] : memref<10000x4096xf32, #tpu.memory_space<hbm>> -> memref<80x128xf32, #tpu.memory_space<hbm>>
    %dma_start3A_617 = arith.constant 2640 : i32
    %dma_start3A_618 = tpu.memref_slice %arg4[%dma_start3A_617, %multiple_of3A_5] : memref<10000x4096xf32, #tpu.memory_space<hbm>> -> memref<80x128xf32, #tpu.memory_space<hbm>>
    tpu.enqueue_dma source(%arg8 : memref<80x128xf32, #tpu.memory_space<vmem>>) target(%dma_start3A_618 : memref<80x128xf32, #tpu.memory_space<hbm>>) target_semaphore(%arg12 : memref<!tpu.dma_semaphore, #tpu.memory_space<semaphore_mem>>)
    %dma_wait3A_619 = arith.constant 2640 : i32
    %dma_wait3A_620 = tpu.memref_slice %arg4[%dma_wait3A_619, %multiple_of3A_5] : memref<10000x4096xf32, #tpu.memory_space<hbm>> -> memref<80x128xf32, #tpu.memory_space<hbm>>
    %dma_wait3A_621 = arith.constant 2640 : i32
    %dma_wait3A_622 = tpu.memref_slice %arg4[%dma_wait3A_621, %multiple_of3A_5] : memref<10000x4096xf32, #tpu.memory_space<hbm>> -> memref<80x128xf32, #tpu.memory_space<hbm>>
    tpu.wait_dma2 semaphore(%arg12 : memref<!tpu.dma_semaphore, #tpu.memory_space<semaphore_mem>>) src(%arg8 : memref<80x128xf32, #tpu.memory_space<vmem>>) dst(%dma_wait3A_622 : memref<80x128xf32, #tpu.memory_space<hbm>>)
    %dma_start3A_623 = arith.constant 2800 : i32
    %dma_start3A_624 = tpu.memref_slice %arg6[%dma_start3A_623] : memref<10000xi32, #tpu.memory_space<vmem>> -> memref<80xi32, #tpu.memory_space<vmem>>
    %dma_start3A_625 = arith.constant 0 : i32
    %dma_start3A_626 = arith.constant 0 : i32
    %dma_start3A_627 = tpu.memref_slice %arg5[%dma_start3A_625, %dma_start3A_626] : memref<10000x128xf32, #tpu.memory_space<vmem_shared>> -> memref<10000x128xf32, #tpu.memory_space<vmem_shared>>
    tpu.enqueue_indirect_dma source(%dma_start3A_627 : memref<10000x128xf32, #tpu.memory_space<vmem_shared>>) target(%arg8 : memref<80x128xf32, #tpu.memory_space<vmem>>) offsets(%dma_start3A_624 : memref<80xi32, #tpu.memory_space<vmem>>) semaphore(%arg10 : memref<!tpu.dma_semaphore, #tpu.memory_space<semaphore_mem>>)
    %dma_wait3A_628 = arith.constant 2720 : i32
    %dma_wait3A_629 = tpu.memref_slice %arg6[%dma_wait3A_628] : memref<10000xi32, #tpu.memory_space<vmem>> -> memref<80xi32, #tpu.memory_space<vmem>>
    %dma_wait3A_630 = arith.constant 0 : i32
    %dma_wait3A_631 = arith.constant 0 : i32
    %dma_wait3A_632 = tpu.memref_slice %arg5[%dma_wait3A_630, %dma_wait3A_631] : memref<10000x128xf32, #tpu.memory_space<vmem_shared>> -> memref<10000x128xf32, #tpu.memory_space<vmem_shared>>
    tpu.wait_indirect_dma semaphore(%arg9 : memref<!tpu.dma_semaphore, #tpu.memory_space<semaphore_mem>>) src(%dma_wait3A_632 : memref<10000x128xf32, #tpu.memory_space<vmem_shared>>) dst(%arg7 : memref<80x128xf32, #tpu.memory_space<vmem>>)
    %dma_start3A_633 = arith.constant 2720 : i32
    %dma_start3A_634 = tpu.memref_slice %arg4[%dma_start3A_633, %multiple_of3A_5] : memref<10000x4096xf32, #tpu.memory_space<hbm>> -> memref<80x128xf32, #tpu.memory_space<hbm>>
    %dma_start3A_635 = arith.constant 2720 : i32
    %dma_start3A_636 = tpu.memref_slice %arg4[%dma_start3A_635, %multiple_of3A_5] : memref<10000x4096xf32, #tpu.memory_space<hbm>> -> memref<80x128xf32, #tpu.memory_space<hbm>>
    tpu.enqueue_dma source(%arg7 : memref<80x128xf32, #tpu.memory_space<vmem>>) target(%dma_start3A_636 : memref<80x128xf32, #tpu.memory_space<hbm>>) target_semaphore(%arg11 : memref<!tpu.dma_semaphore, #tpu.memory_space<semaphore_mem>>)
    %dma_wait3A_637 = arith.constant 2720 : i32
    %dma_wait3A_638 = tpu.memref_slice %arg4[%dma_wait3A_637, %multiple_of3A_5] : memref<10000x4096xf32, #tpu.memory_space<hbm>> -> memref<80x128xf32, #tpu.memory_space<hbm>>
    %dma_wait3A_639 = arith.constant 2720 : i32
    %dma_wait3A_640 = tpu.memref_slice %arg4[%dma_wait3A_639, %multiple_of3A_5] : memref<10000x4096xf32, #tpu.memory_space<hbm>> -> memref<80x128xf32, #tpu.memory_space<hbm>>
    tpu.wait_dma2 semaphore(%arg11 : memref<!tpu.dma_semaphore, #tpu.memory_space<semaphore_mem>>) src(%arg7 : memref<80x128xf32, #tpu.memory_space<vmem>>) dst(%dma_wait3A_640 : memref<80x128xf32, #tpu.memory_space<hbm>>)
    %dma_start3A_641 = arith.constant 2880 : i32
    %dma_start3A_642 = tpu.memref_slice %arg6[%dma_start3A_641] : memref<10000xi32, #tpu.memory_space<vmem>> -> memref<80xi32, #tpu.memory_space<vmem>>
    %dma_start3A_643 = arith.constant 0 : i32
    %dma_start3A_644 = arith.constant 0 : i32
    %dma_start3A_645 = tpu.memref_slice %arg5[%dma_start3A_643, %dma_start3A_644] : memref<10000x128xf32, #tpu.memory_space<vmem_shared>> -> memref<10000x128xf32, #tpu.memory_space<vmem_shared>>
    tpu.enqueue_indirect_dma source(%dma_start3A_645 : memref<10000x128xf32, #tpu.memory_space<vmem_shared>>) target(%arg7 : memref<80x128xf32, #tpu.memory_space<vmem>>) offsets(%dma_start3A_642 : memref<80xi32, #tpu.memory_space<vmem>>) semaphore(%arg9 : memref<!tpu.dma_semaphore, #tpu.memory_space<semaphore_mem>>)
    %dma_wait3A_646 = arith.constant 2800 : i32
    %dma_wait3A_647 = tpu.memref_slice %arg6[%dma_wait3A_646] : memref<10000xi32, #tpu.memory_space<vmem>> -> memref<80xi32, #tpu.memory_space<vmem>>
    %dma_wait3A_648 = arith.constant 0 : i32
    %dma_wait3A_649 = arith.constant 0 : i32
    %dma_wait3A_650 = tpu.memref_slice %arg5[%dma_wait3A_648, %dma_wait3A_649] : memref<10000x128xf32, #tpu.memory_space<vmem_shared>> -> memref<10000x128xf32, #tpu.memory_space<vmem_shared>>
    tpu.wait_indirect_dma semaphore(%arg10 : memref<!tpu.dma_semaphore, #tpu.memory_space<semaphore_mem>>) src(%dma_wait3A_650 : memref<10000x128xf32, #tpu.memory_space<vmem_shared>>) dst(%arg8 : memref<80x128xf32, #tpu.memory_space<vmem>>)
    %dma_start3A_651 = arith.constant 2800 : i32
    %dma_start3A_652 = tpu.memref_slice %arg4[%dma_start3A_651, %multiple_of3A_5] : memref<10000x4096xf32, #tpu.memory_space<hbm>> -> memref<80x128xf32, #tpu.memory_space<hbm>>
    %dma_start3A_653 = arith.constant 2800 : i32
    %dma_start3A_654 = tpu.memref_slice %arg4[%dma_start3A_653, %multiple_of3A_5] : memref<10000x4096xf32, #tpu.memory_space<hbm>> -> memref<80x128xf32, #tpu.memory_space<hbm>>
    tpu.enqueue_dma source(%arg8 : memref<80x128xf32, #tpu.memory_space<vmem>>) target(%dma_start3A_654 : memref<80x128xf32, #tpu.memory_space<hbm>>) target_semaphore(%arg12 : memref<!tpu.dma_semaphore, #tpu.memory_space<semaphore_mem>>)
    %dma_wait3A_655 = arith.constant 2800 : i32
    %dma_wait3A_656 = tpu.memref_slice %arg4[%dma_wait3A_655, %multiple_of3A_5] : memref<10000x4096xf32, #tpu.memory_space<hbm>> -> memref<80x128xf32, #tpu.memory_space<hbm>>
    %dma_wait3A_657 = arith.constant 2800 : i32
    %dma_wait3A_658 = tpu.memref_slice %arg4[%dma_wait3A_657, %multiple_of3A_5] : memref<10000x4096xf32, #tpu.memory_space<hbm>> -> memref<80x128xf32, #tpu.memory_space<hbm>>
    tpu.wait_dma2 semaphore(%arg12 : memref<!tpu.dma_semaphore, #tpu.memory_space<semaphore_mem>>) src(%arg8 : memref<80x128xf32, #tpu.memory_space<vmem>>) dst(%dma_wait3A_658 : memref<80x128xf32, #tpu.memory_space<hbm>>)
    %dma_start3A_659 = arith.constant 2960 : i32
    %dma_start3A_660 = tpu.memref_slice %arg6[%dma_start3A_659] : memref<10000xi32, #tpu.memory_space<vmem>> -> memref<80xi32, #tpu.memory_space<vmem>>
    %dma_start3A_661 = arith.constant 0 : i32
    %dma_start3A_662 = arith.constant 0 : i32
    %dma_start3A_663 = tpu.memref_slice %arg5[%dma_start3A_661, %dma_start3A_662] : memref<10000x128xf32, #tpu.memory_space<vmem_shared>> -> memref<10000x128xf32, #tpu.memory_space<vmem_shared>>
    tpu.enqueue_indirect_dma source(%dma_start3A_663 : memref<10000x128xf32, #tpu.memory_space<vmem_shared>>) target(%arg8 : memref<80x128xf32, #tpu.memory_space<vmem>>) offsets(%dma_start3A_660 : memref<80xi32, #tpu.memory_space<vmem>>) semaphore(%arg10 : memref<!tpu.dma_semaphore, #tpu.memory_space<semaphore_mem>>)
    %dma_wait3A_664 = arith.constant 2880 : i32
    %dma_wait3A_665 = tpu.memref_slice %arg6[%dma_wait3A_664] : memref<10000xi32, #tpu.memory_space<vmem>> -> memref<80xi32, #tpu.memory_space<vmem>>
    %dma_wait3A_666 = arith.constant 0 : i32
    %dma_wait3A_667 = arith.constant 0 : i32
    %dma_wait3A_668 = tpu.memref_slice %arg5[%dma_wait3A_666, %dma_wait3A_667] : memref<10000x128xf32, #tpu.memory_space<vmem_shared>> -> memref<10000x128xf32, #tpu.memory_space<vmem_shared>>
    tpu.wait_indirect_dma semaphore(%arg9 : memref<!tpu.dma_semaphore, #tpu.memory_space<semaphore_mem>>) src(%dma_wait3A_668 : memref<10000x128xf32, #tpu.memory_space<vmem_shared>>) dst(%arg7 : memref<80x128xf32, #tpu.memory_space<vmem>>)
    %dma_start3A_669 = arith.constant 2880 : i32
    %dma_start3A_670 = tpu.memref_slice %arg4[%dma_start3A_669, %multiple_of3A_5] : memref<10000x4096xf32, #tpu.memory_space<hbm>> -> memref<80x128xf32, #tpu.memory_space<hbm>>
    %dma_start3A_671 = arith.constant 2880 : i32
    %dma_start3A_672 = tpu.memref_slice %arg4[%dma_start3A_671, %multiple_of3A_5] : memref<10000x4096xf32, #tpu.memory_space<hbm>> -> memref<80x128xf32, #tpu.memory_space<hbm>>
    tpu.enqueue_dma source(%arg7 : memref<80x128xf32, #tpu.memory_space<vmem>>) target(%dma_start3A_672 : memref<80x128xf32, #tpu.memory_space<hbm>>) target_semaphore(%arg11 : memref<!tpu.dma_semaphore, #tpu.memory_space<semaphore_mem>>)
    %dma_wait3A_673 = arith.constant 2880 : i32
    %dma_wait3A_674 = tpu.memref_slice %arg4[%dma_wait3A_673, %multiple_of3A_5] : memref<10000x4096xf32, #tpu.memory_space<hbm>> -> memref<80x128xf32, #tpu.memory_space<hbm>>
    %dma_wait3A_675 = arith.constant 2880 : i32
    %dma_wait3A_676 = tpu.memref_slice %arg4[%dma_wait3A_675, %multiple_of3A_5] : memref<10000x4096xf32, #tpu.memory_space<hbm>> -> memref<80x128xf32, #tpu.memory_space<hbm>>
    tpu.wait_dma2 semaphore(%arg11 : memref<!tpu.dma_semaphore, #tpu.memory_space<semaphore_mem>>) src(%arg7 : memref<80x128xf32, #tpu.memory_space<vmem>>) dst(%dma_wait3A_676 : memref<80x128xf32, #tpu.memory_space<hbm>>)
    %dma_start3A_677 = arith.constant 3040 : i32
    %dma_start3A_678 = tpu.memref_slice %arg6[%dma_start3A_677] : memref<10000xi32, #tpu.memory_space<vmem>> -> memref<80xi32, #tpu.memory_space<vmem>>
    %dma_start3A_679 = arith.constant 0 : i32
    %dma_start3A_680 = arith.constant 0 : i32
    %dma_start3A_681 = tpu.memref_slice %arg5[%dma_start3A_679, %dma_start3A_680] : memref<10000x128xf32, #tpu.memory_space<vmem_shared>> -> memref<10000x128xf32, #tpu.memory_space<vmem_shared>>
    tpu.enqueue_indirect_dma source(%dma_start3A_681 : memref<10000x128xf32, #tpu.memory_space<vmem_shared>>) target(%arg7 : memref<80x128xf32, #tpu.memory_space<vmem>>) offsets(%dma_start3A_678 : memref<80xi32, #tpu.memory_space<vmem>>) semaphore(%arg9 : memref<!tpu.dma_semaphore, #tpu.memory_space<semaphore_mem>>)
    %dma_wait3A_682 = arith.constant 2960 : i32
    %dma_wait3A_683 = tpu.memref_slice %arg6[%dma_wait3A_682] : memref<10000xi32, #tpu.memory_space<vmem>> -> memref<80xi32, #tpu.memory_space<vmem>>
    %dma_wait3A_684 = arith.constant 0 : i32
    %dma_wait3A_685 = arith.constant 0 : i32
    %dma_wait3A_686 = tpu.memref_slice %arg5[%dma_wait3A_684, %dma_wait3A_685] : memref<10000x128xf32, #tpu.memory_space<vmem_shared>> -> memref<10000x128xf32, #tpu.memory_space<vmem_shared>>
    tpu.wait_indirect_dma semaphore(%arg10 : memref<!tpu.dma_semaphore, #tpu.memory_space<semaphore_mem>>) src(%dma_wait3A_686 : memref<10000x128xf32, #tpu.memory_space<vmem_shared>>) dst(%arg8 : memref<80x128xf32, #tpu.memory_space<vmem>>)
    %dma_start3A_687 = arith.constant 2960 : i32
    %dma_start3A_688 = tpu.memref_slice %arg4[%dma_start3A_687, %multiple_of3A_5] : memref<10000x4096xf32, #tpu.memory_space<hbm>> -> memref<80x128xf32, #tpu.memory_space<hbm>>
    %dma_start3A_689 = arith.constant 2960 : i32
    %dma_start3A_690 = tpu.memref_slice %arg4[%dma_start3A_689, %multiple_of3A_5] : memref<10000x4096xf32, #tpu.memory_space<hbm>> -> memref<80x128xf32, #tpu.memory_space<hbm>>
    tpu.enqueue_dma source(%arg8 : memref<80x128xf32, #tpu.memory_space<vmem>>) target(%dma_start3A_690 : memref<80x128xf32, #tpu.memory_space<hbm>>) target_semaphore(%arg12 : memref<!tpu.dma_semaphore, #tpu.memory_space<semaphore_mem>>)
    %dma_wait3A_691 = arith.constant 2960 : i32
    %dma_wait3A_692 = tpu.memref_slice %arg4[%dma_wait3A_691, %multiple_of3A_5] : memref<10000x4096xf32, #tpu.memory_space<hbm>> -> memref<80x128xf32, #tpu.memory_space<hbm>>
    %dma_wait3A_693 = arith.constant 2960 : i32
    %dma_wait3A_694 = tpu.memref_slice %arg4[%dma_wait3A_693, %multiple_of3A_5] : memref<10000x4096xf32, #tpu.memory_space<hbm>> -> memref<80x128xf32, #tpu.memory_space<hbm>>
    tpu.wait_dma2 semaphore(%arg12 : memref<!tpu.dma_semaphore, #tpu.memory_space<semaphore_mem>>) src(%arg8 : memref<80x128xf32, #tpu.memory_space<vmem>>) dst(%dma_wait3A_694 : memref<80x128xf32, #tpu.memory_space<hbm>>)
    %dma_start3A_695 = arith.constant 3120 : i32
    %dma_start3A_696 = tpu.memref_slice %arg6[%dma_start3A_695] : memref<10000xi32, #tpu.memory_space<vmem>> -> memref<80xi32, #tpu.memory_space<vmem>>
    %dma_start3A_697 = arith.constant 0 : i32
    %dma_start3A_698 = arith.constant 0 : i32
    %dma_start3A_699 = tpu.memref_slice %arg5[%dma_start3A_697, %dma_start3A_698] : memref<10000x128xf32, #tpu.memory_space<vmem_shared>> -> memref<10000x128xf32, #tpu.memory_space<vmem_shared>>
    tpu.enqueue_indirect_dma source(%dma_start3A_699 : memref<10000x128xf32, #tpu.memory_space<vmem_shared>>) target(%arg8 : memref<80x128xf32, #tpu.memory_space<vmem>>) offsets(%dma_start3A_696 : memref<80xi32, #tpu.memory_space<vmem>>) semaphore(%arg10 : memref<!tpu.dma_semaphore, #tpu.memory_space<semaphore_mem>>)
    %dma_wait3A_700 = arith.constant 3040 : i32
    %dma_wait3A_701 = tpu.memref_slice %arg6[%dma_wait3A_700] : memref<10000xi32, #tpu.memory_space<vmem>> -> memref<80xi32, #tpu.memory_space<vmem>>
    %dma_wait3A_702 = arith.constant 0 : i32
    %dma_wait3A_703 = arith.constant 0 : i32
    %dma_wait3A_704 = tpu.memref_slice %arg5[%dma_wait3A_702, %dma_wait3A_703] : memref<10000x128xf32, #tpu.memory_space<vmem_shared>> -> memref<10000x128xf32, #tpu.memory_space<vmem_shared>>
    tpu.wait_indirect_dma semaphore(%arg9 : memref<!tpu.dma_semaphore, #tpu.memory_space<semaphore_mem>>) src(%dma_wait3A_704 : memref<10000x128xf32, #tpu.memory_space<vmem_shared>>) dst(%arg7 : memref<80x128xf32, #tpu.memory_space<vmem>>)
    %dma_start3A_705 = arith.constant 3040 : i32
    %dma_start3A_706 = tpu.memref_slice %arg4[%dma_start3A_705, %multiple_of3A_5] : memref<10000x4096xf32, #tpu.memory_space<hbm>> -> memref<80x128xf32, #tpu.memory_space<hbm>>
    %dma_start3A_707 = arith.constant 3040 : i32
    %dma_start3A_708 = tpu.memref_slice %arg4[%dma_start3A_707, %multiple_of3A_5] : memref<10000x4096xf32, #tpu.memory_space<hbm>> -> memref<80x128xf32, #tpu.memory_space<hbm>>
    tpu.enqueue_dma source(%arg7 : memref<80x128xf32, #tpu.memory_space<vmem>>) target(%dma_start3A_708 : memref<80x128xf32, #tpu.memory_space<hbm>>) target_semaphore(%arg11 : memref<!tpu.dma_semaphore, #tpu.memory_space<semaphore_mem>>)
    %dma_wait3A_709 = arith.constant 3040 : i32
    %dma_wait3A_710 = tpu.memref_slice %arg4[%dma_wait3A_709, %multiple_of3A_5] : memref<10000x4096xf32, #tpu.memory_space<hbm>> -> memref<80x128xf32, #tpu.memory_space<hbm>>
    %dma_wait3A_711 = arith.constant 3040 : i32
    %dma_wait3A_712 = tpu.memref_slice %arg4[%dma_wait3A_711, %multiple_of3A_5] : memref<10000x4096xf32, #tpu.memory_space<hbm>> -> memref<80x128xf32, #tpu.memory_space<hbm>>
    tpu.wait_dma2 semaphore(%arg11 : memref<!tpu.dma_semaphore, #tpu.memory_space<semaphore_mem>>) src(%arg7 : memref<80x128xf32, #tpu.memory_space<vmem>>) dst(%dma_wait3A_712 : memref<80x128xf32, #tpu.memory_space<hbm>>)
    %dma_start3A_713 = arith.constant 3200 : i32
    %dma_start3A_714 = tpu.memref_slice %arg6[%dma_start3A_713] : memref<10000xi32, #tpu.memory_space<vmem>> -> memref<80xi32, #tpu.memory_space<vmem>>
    %dma_start3A_715 = arith.constant 0 : i32
    %dma_start3A_716 = arith.constant 0 : i32
    %dma_start3A_717 = tpu.memref_slice %arg5[%dma_start3A_715, %dma_start3A_716] : memref<10000x128xf32, #tpu.memory_space<vmem_shared>> -> memref<10000x128xf32, #tpu.memory_space<vmem_shared>>
    tpu.enqueue_indirect_dma source(%dma_start3A_717 : memref<10000x128xf32, #tpu.memory_space<vmem_shared>>) target(%arg7 : memref<80x128xf32, #tpu.memory_space<vmem>>) offsets(%dma_start3A_714 : memref<80xi32, #tpu.memory_space<vmem>>) semaphore(%arg9 : memref<!tpu.dma_semaphore, #tpu.memory_space<semaphore_mem>>)
    %dma_wait3A_718 = arith.constant 3120 : i32
    %dma_wait3A_719 = tpu.memref_slice %arg6[%dma_wait3A_718] : memref<10000xi32, #tpu.memory_space<vmem>> -> memref<80xi32, #tpu.memory_space<vmem>>
    %dma_wait3A_720 = arith.constant 0 : i32
    %dma_wait3A_721 = arith.constant 0 : i32
    %dma_wait3A_722 = tpu.memref_slice %arg5[%dma_wait3A_720, %dma_wait3A_721] : memref<10000x128xf32, #tpu.memory_space<vmem_shared>> -> memref<10000x128xf32, #tpu.memory_space<vmem_shared>>
    tpu.wait_indirect_dma semaphore(%arg10 : memref<!tpu.dma_semaphore, #tpu.memory_space<semaphore_mem>>) src(%dma_wait3A_722 : memref<10000x128xf32, #tpu.memory_space<vmem_shared>>) dst(%arg8 : memref<80x128xf32, #tpu.memory_space<vmem>>)
    %dma_start3A_723 = arith.constant 3120 : i32
    %dma_start3A_724 = tpu.memref_slice %arg4[%dma_start3A_723, %multiple_of3A_5] : memref<10000x4096xf32, #tpu.memory_space<hbm>> -> memref<80x128xf32, #tpu.memory_space<hbm>>
    %dma_start3A_725 = arith.constant 3120 : i32
    %dma_start3A_726 = tpu.memref_slice %arg4[%dma_start3A_725, %multiple_of3A_5] : memref<10000x4096xf32, #tpu.memory_space<hbm>> -> memref<80x128xf32, #tpu.memory_space<hbm>>
    tpu.enqueue_dma source(%arg8 : memref<80x128xf32, #tpu.memory_space<vmem>>) target(%dma_start3A_726 : memref<80x128xf32, #tpu.memory_space<hbm>>) target_semaphore(%arg12 : memref<!tpu.dma_semaphore, #tpu.memory_space<semaphore_mem>>)
    %dma_wait3A_727 = arith.constant 3120 : i32
    %dma_wait3A_728 = tpu.memref_slice %arg4[%dma_wait3A_727, %multiple_of3A_5] : memref<10000x4096xf32, #tpu.memory_space<hbm>> -> memref<80x128xf32, #tpu.memory_space<hbm>>
    %dma_wait3A_729 = arith.constant 3120 : i32
    %dma_wait3A_730 = tpu.memref_slice %arg4[%dma_wait3A_729, %multiple_of3A_5] : memref<10000x4096xf32, #tpu.memory_space<hbm>> -> memref<80x128xf32, #tpu.memory_space<hbm>>
    tpu.wait_dma2 semaphore(%arg12 : memref<!tpu.dma_semaphore, #tpu.memory_space<semaphore_mem>>) src(%arg8 : memref<80x128xf32, #tpu.memory_space<vmem>>) dst(%dma_wait3A_730 : memref<80x128xf32, #tpu.memory_space<hbm>>)
    %dma_start3A_731 = arith.constant 3280 : i32
    %dma_start3A_732 = tpu.memref_slice %arg6[%dma_start3A_731] : memref<10000xi32, #tpu.memory_space<vmem>> -> memref<80xi32, #tpu.memory_space<vmem>>
    %dma_start3A_733 = arith.constant 0 : i32
    %dma_start3A_734 = arith.constant 0 : i32
    %dma_start3A_735 = tpu.memref_slice %arg5[%dma_start3A_733, %dma_start3A_734] : memref<10000x128xf32, #tpu.memory_space<vmem_shared>> -> memref<10000x128xf32, #tpu.memory_space<vmem_shared>>
    tpu.enqueue_indirect_dma source(%dma_start3A_735 : memref<10000x128xf32, #tpu.memory_space<vmem_shared>>) target(%arg8 : memref<80x128xf32, #tpu.memory_space<vmem>>) offsets(%dma_start3A_732 : memref<80xi32, #tpu.memory_space<vmem>>) semaphore(%arg10 : memref<!tpu.dma_semaphore, #tpu.memory_space<semaphore_mem>>)
    %dma_wait3A_736 = arith.constant 3200 : i32
    %dma_wait3A_737 = tpu.memref_slice %arg6[%dma_wait3A_736] : memref<10000xi32, #tpu.memory_space<vmem>> -> memref<80xi32, #tpu.memory_space<vmem>>
    %dma_wait3A_738 = arith.constant 0 : i32
    %dma_wait3A_739 = arith.constant 0 : i32
    %dma_wait3A_740 = tpu.memref_slice %arg5[%dma_wait3A_738, %dma_wait3A_739] : memref<10000x128xf32, #tpu.memory_space<vmem_shared>> -> memref<10000x128xf32, #tpu.memory_space<vmem_shared>>
    tpu.wait_indirect_dma semaphore(%arg9 : memref<!tpu.dma_semaphore, #tpu.memory_space<semaphore_mem>>) src(%dma_wait3A_740 : memref<10000x128xf32, #tpu.memory_space<vmem_shared>>) dst(%arg7 : memref<80x128xf32, #tpu.memory_space<vmem>>)
    %dma_start3A_741 = arith.constant 3200 : i32
    %dma_start3A_742 = tpu.memref_slice %arg4[%dma_start3A_741, %multiple_of3A_5] : memref<10000x4096xf32, #tpu.memory_space<hbm>> -> memref<80x128xf32, #tpu.memory_space<hbm>>
    %dma_start3A_743 = arith.constant 3200 : i32
    %dma_start3A_744 = tpu.memref_slice %arg4[%dma_start3A_743, %multiple_of3A_5] : memref<10000x4096xf32, #tpu.memory_space<hbm>> -> memref<80x128xf32, #tpu.memory_space<hbm>>
    tpu.enqueue_dma source(%arg7 : memref<80x128xf32, #tpu.memory_space<vmem>>) target(%dma_start3A_744 : memref<80x128xf32, #tpu.memory_space<hbm>>) target_semaphore(%arg11 : memref<!tpu.dma_semaphore, #tpu.memory_space<semaphore_mem>>)
    %dma_wait3A_745 = arith.constant 3200 : i32
    %dma_wait3A_746 = tpu.memref_slice %arg4[%dma_wait3A_745, %multiple_of3A_5] : memref<10000x4096xf32, #tpu.memory_space<hbm>> -> memref<80x128xf32, #tpu.memory_space<hbm>>
    %dma_wait3A_747 = arith.constant 3200 : i32
    %dma_wait3A_748 = tpu.memref_slice %arg4[%dma_wait3A_747, %multiple_of3A_5] : memref<10000x4096xf32, #tpu.memory_space<hbm>> -> memref<80x128xf32, #tpu.memory_space<hbm>>
    tpu.wait_dma2 semaphore(%arg11 : memref<!tpu.dma_semaphore, #tpu.memory_space<semaphore_mem>>) src(%arg7 : memref<80x128xf32, #tpu.memory_space<vmem>>) dst(%dma_wait3A_748 : memref<80x128xf32, #tpu.memory_space<hbm>>)
    %dma_start3A_749 = arith.constant 3360 : i32
    %dma_start3A_750 = tpu.memref_slice %arg6[%dma_start3A_749] : memref<10000xi32, #tpu.memory_space<vmem>> -> memref<80xi32, #tpu.memory_space<vmem>>
    %dma_start3A_751 = arith.constant 0 : i32
    %dma_start3A_752 = arith.constant 0 : i32
    %dma_start3A_753 = tpu.memref_slice %arg5[%dma_start3A_751, %dma_start3A_752] : memref<10000x128xf32, #tpu.memory_space<vmem_shared>> -> memref<10000x128xf32, #tpu.memory_space<vmem_shared>>
    tpu.enqueue_indirect_dma source(%dma_start3A_753 : memref<10000x128xf32, #tpu.memory_space<vmem_shared>>) target(%arg7 : memref<80x128xf32, #tpu.memory_space<vmem>>) offsets(%dma_start3A_750 : memref<80xi32, #tpu.memory_space<vmem>>) semaphore(%arg9 : memref<!tpu.dma_semaphore, #tpu.memory_space<semaphore_mem>>)
    %dma_wait3A_754 = arith.constant 3280 : i32
    %dma_wait3A_755 = tpu.memref_slice %arg6[%dma_wait3A_754] : memref<10000xi32, #tpu.memory_space<vmem>> -> memref<80xi32, #tpu.memory_space<vmem>>
    %dma_wait3A_756 = arith.constant 0 : i32
    %dma_wait3A_757 = arith.constant 0 : i32
    %dma_wait3A_758 = tpu.memref_slice %arg5[%dma_wait3A_756, %dma_wait3A_757] : memref<10000x128xf32, #tpu.memory_space<vmem_shared>> -> memref<10000x128xf32, #tpu.memory_space<vmem_shared>>
    tpu.wait_indirect_dma semaphore(%arg10 : memref<!tpu.dma_semaphore, #tpu.memory_space<semaphore_mem>>) src(%dma_wait3A_758 : memref<10000x128xf32, #tpu.memory_space<vmem_shared>>) dst(%arg8 : memref<80x128xf32, #tpu.memory_space<vmem>>)
    %dma_start3A_759 = arith.constant 3280 : i32
    %dma_start3A_760 = tpu.memref_slice %arg4[%dma_start3A_759, %multiple_of3A_5] : memref<10000x4096xf32, #tpu.memory_space<hbm>> -> memref<80x128xf32, #tpu.memory_space<hbm>>
    %dma_start3A_761 = arith.constant 3280 : i32
    %dma_start3A_762 = tpu.memref_slice %arg4[%dma_start3A_761, %multiple_of3A_5] : memref<10000x4096xf32, #tpu.memory_space<hbm>> -> memref<80x128xf32, #tpu.memory_space<hbm>>
    tpu.enqueue_dma source(%arg8 : memref<80x128xf32, #tpu.memory_space<vmem>>) target(%dma_start3A_762 : memref<80x128xf32, #tpu.memory_space<hbm>>) target_semaphore(%arg12 : memref<!tpu.dma_semaphore, #tpu.memory_space<semaphore_mem>>)
    %dma_wait3A_763 = arith.constant 3280 : i32
    %dma_wait3A_764 = tpu.memref_slice %arg4[%dma_wait3A_763, %multiple_of3A_5] : memref<10000x4096xf32, #tpu.memory_space<hbm>> -> memref<80x128xf32, #tpu.memory_space<hbm>>
    %dma_wait3A_765 = arith.constant 3280 : i32
    %dma_wait3A_766 = tpu.memref_slice %arg4[%dma_wait3A_765, %multiple_of3A_5] : memref<10000x4096xf32, #tpu.memory_space<hbm>> -> memref<80x128xf32, #tpu.memory_space<hbm>>
    tpu.wait_dma2 semaphore(%arg12 : memref<!tpu.dma_semaphore, #tpu.memory_space<semaphore_mem>>) src(%arg8 : memref<80x128xf32, #tpu.memory_space<vmem>>) dst(%dma_wait3A_766 : memref<80x128xf32, #tpu.memory_space<hbm>>)
    %dma_start3A_767 = arith.constant 3440 : i32
    %dma_start3A_768 = tpu.memref_slice %arg6[%dma_start3A_767] : memref<10000xi32, #tpu.memory_space<vmem>> -> memref<80xi32, #tpu.memory_space<vmem>>
    %dma_start3A_769 = arith.constant 0 : i32
    %dma_start3A_770 = arith.constant 0 : i32
    %dma_start3A_771 = tpu.memref_slice %arg5[%dma_start3A_769, %dma_start3A_770] : memref<10000x128xf32, #tpu.memory_space<vmem_shared>> -> memref<10000x128xf32, #tpu.memory_space<vmem_shared>>
    tpu.enqueue_indirect_dma source(%dma_start3A_771 : memref<10000x128xf32, #tpu.memory_space<vmem_shared>>) target(%arg8 : memref<80x128xf32, #tpu.memory_space<vmem>>) offsets(%dma_start3A_768 : memref<80xi32, #tpu.memory_space<vmem>>) semaphore(%arg10 : memref<!tpu.dma_semaphore, #tpu.memory_space<semaphore_mem>>)
    %dma_wait3A_772 = arith.constant 3360 : i32
    %dma_wait3A_773 = tpu.memref_slice %arg6[%dma_wait3A_772] : memref<10000xi32, #tpu.memory_space<vmem>> -> memref<80xi32, #tpu.memory_space<vmem>>
    %dma_wait3A_774 = arith.constant 0 : i32
    %dma_wait3A_775 = arith.constant 0 : i32
    %dma_wait3A_776 = tpu.memref_slice %arg5[%dma_wait3A_774, %dma_wait3A_775] : memref<10000x128xf32, #tpu.memory_space<vmem_shared>> -> memref<10000x128xf32, #tpu.memory_space<vmem_shared>>
    tpu.wait_indirect_dma semaphore(%arg9 : memref<!tpu.dma_semaphore, #tpu.memory_space<semaphore_mem>>) src(%dma_wait3A_776 : memref<10000x128xf32, #tpu.memory_space<vmem_shared>>) dst(%arg7 : memref<80x128xf32, #tpu.memory_space<vmem>>)
    %dma_start3A_777 = arith.constant 3360 : i32
    %dma_start3A_778 = tpu.memref_slice %arg4[%dma_start3A_777, %multiple_of3A_5] : memref<10000x4096xf32, #tpu.memory_space<hbm>> -> memref<80x128xf32, #tpu.memory_space<hbm>>
    %dma_start3A_779 = arith.constant 3360 : i32
    %dma_start3A_780 = tpu.memref_slice %arg4[%dma_start3A_779, %multiple_of3A_5] : memref<10000x4096xf32, #tpu.memory_space<hbm>> -> memref<80x128xf32, #tpu.memory_space<hbm>>
    tpu.enqueue_dma source(%arg7 : memref<80x128xf32, #tpu.memory_space<vmem>>) target(%dma_start3A_780 : memref<80x128xf32, #tpu.memory_space<hbm>>) target_semaphore(%arg11 : memref<!tpu.dma_semaphore, #tpu.memory_space<semaphore_mem>>)
    %dma_wait3A_781 = arith.constant 3360 : i32
    %dma_wait3A_782 = tpu.memref_slice %arg4[%dma_wait3A_781, %multiple_of3A_5] : memref<10000x4096xf32, #tpu.memory_space<hbm>> -> memref<80x128xf32, #tpu.memory_space<hbm>>
    %dma_wait3A_783 = arith.constant 3360 : i32
    %dma_wait3A_784 = tpu.memref_slice %arg4[%dma_wait3A_783, %multiple_of3A_5] : memref<10000x4096xf32, #tpu.memory_space<hbm>> -> memref<80x128xf32, #tpu.memory_space<hbm>>
    tpu.wait_dma2 semaphore(%arg11 : memref<!tpu.dma_semaphore, #tpu.memory_space<semaphore_mem>>) src(%arg7 : memref<80x128xf32, #tpu.memory_space<vmem>>) dst(%dma_wait3A_784 : memref<80x128xf32, #tpu.memory_space<hbm>>)
    %dma_start3A_785 = arith.constant 3520 : i32
    %dma_start3A_786 = tpu.memref_slice %arg6[%dma_start3A_785] : memref<10000xi32, #tpu.memory_space<vmem>> -> memref<80xi32, #tpu.memory_space<vmem>>
    %dma_start3A_787 = arith.constant 0 : i32
    %dma_start3A_788 = arith.constant 0 : i32
    %dma_start3A_789 = tpu.memref_slice %arg5[%dma_start3A_787, %dma_start3A_788] : memref<10000x128xf32, #tpu.memory_space<vmem_shared>> -> memref<10000x128xf32, #tpu.memory_space<vmem_shared>>
    tpu.enqueue_indirect_dma source(%dma_start3A_789 : memref<10000x128xf32, #tpu.memory_space<vmem_shared>>) target(%arg7 : memref<80x128xf32, #tpu.memory_space<vmem>>) offsets(%dma_start3A_786 : memref<80xi32, #tpu.memory_space<vmem>>) semaphore(%arg9 : memref<!tpu.dma_semaphore, #tpu.memory_space<semaphore_mem>>)
    %dma_wait3A_790 = arith.constant 3440 : i32
    %dma_wait3A_791 = tpu.memref_slice %arg6[%dma_wait3A_790] : memref<10000xi32, #tpu.memory_space<vmem>> -> memref<80xi32, #tpu.memory_space<vmem>>
    %dma_wait3A_792 = arith.constant 0 : i32
    %dma_wait3A_793 = arith.constant 0 : i32
    %dma_wait3A_794 = tpu.memref_slice %arg5[%dma_wait3A_792, %dma_wait3A_793] : memref<10000x128xf32, #tpu.memory_space<vmem_shared>> -> memref<10000x128xf32, #tpu.memory_space<vmem_shared>>
    tpu.wait_indirect_dma semaphore(%arg10 : memref<!tpu.dma_semaphore, #tpu.memory_space<semaphore_mem>>) src(%dma_wait3A_794 : memref<10000x128xf32, #tpu.memory_space<vmem_shared>>) dst(%arg8 : memref<80x128xf32, #tpu.memory_space<vmem>>)
    %dma_start3A_795 = arith.constant 3440 : i32
    %dma_start3A_796 = tpu.memref_slice %arg4[%dma_start3A_795, %multiple_of3A_5] : memref<10000x4096xf32, #tpu.memory_space<hbm>> -> memref<80x128xf32, #tpu.memory_space<hbm>>
    %dma_start3A_797 = arith.constant 3440 : i32
    %dma_start3A_798 = tpu.memref_slice %arg4[%dma_start3A_797, %multiple_of3A_5] : memref<10000x4096xf32, #tpu.memory_space<hbm>> -> memref<80x128xf32, #tpu.memory_space<hbm>>
    tpu.enqueue_dma source(%arg8 : memref<80x128xf32, #tpu.memory_space<vmem>>) target(%dma_start3A_798 : memref<80x128xf32, #tpu.memory_space<hbm>>) target_semaphore(%arg12 : memref<!tpu.dma_semaphore, #tpu.memory_space<semaphore_mem>>)
    %dma_wait3A_799 = arith.constant 3440 : i32
    %dma_wait3A_800 = tpu.memref_slice %arg4[%dma_wait3A_799, %multiple_of3A_5] : memref<10000x4096xf32, #tpu.memory_space<hbm>> -> memref<80x128xf32, #tpu.memory_space<hbm>>
    %dma_wait3A_801 = arith.constant 3440 : i32
    %dma_wait3A_802 = tpu.memref_slice %arg4[%dma_wait3A_801, %multiple_of3A_5] : memref<10000x4096xf32, #tpu.memory_space<hbm>> -> memref<80x128xf32, #tpu.memory_space<hbm>>
    tpu.wait_dma2 semaphore(%arg12 : memref<!tpu.dma_semaphore, #tpu.memory_space<semaphore_mem>>) src(%arg8 : memref<80x128xf32, #tpu.memory_space<vmem>>) dst(%dma_wait3A_802 : memref<80x128xf32, #tpu.memory_space<hbm>>)
    %dma_start3A_803 = arith.constant 3600 : i32
    %dma_start3A_804 = tpu.memref_slice %arg6[%dma_start3A_803] : memref<10000xi32, #tpu.memory_space<vmem>> -> memref<80xi32, #tpu.memory_space<vmem>>
    %dma_start3A_805 = arith.constant 0 : i32
    %dma_start3A_806 = arith.constant 0 : i32
    %dma_start3A_807 = tpu.memref_slice %arg5[%dma_start3A_805, %dma_start3A_806] : memref<10000x128xf32, #tpu.memory_space<vmem_shared>> -> memref<10000x128xf32, #tpu.memory_space<vmem_shared>>
    tpu.enqueue_indirect_dma source(%dma_start3A_807 : memref<10000x128xf32, #tpu.memory_space<vmem_shared>>) target(%arg8 : memref<80x128xf32, #tpu.memory_space<vmem>>) offsets(%dma_start3A_804 : memref<80xi32, #tpu.memory_space<vmem>>) semaphore(%arg10 : memref<!tpu.dma_semaphore, #tpu.memory_space<semaphore_mem>>)
    %dma_wait3A_808 = arith.constant 3520 : i32
    %dma_wait3A_809 = tpu.memref_slice %arg6[%dma_wait3A_808] : memref<10000xi32, #tpu.memory_space<vmem>> -> memref<80xi32, #tpu.memory_space<vmem>>
    %dma_wait3A_810 = arith.constant 0 : i32
    %dma_wait3A_811 = arith.constant 0 : i32
    %dma_wait3A_812 = tpu.memref_slice %arg5[%dma_wait3A_810, %dma_wait3A_811] : memref<10000x128xf32, #tpu.memory_space<vmem_shared>> -> memref<10000x128xf32, #tpu.memory_space<vmem_shared>>
    tpu.wait_indirect_dma semaphore(%arg9 : memref<!tpu.dma_semaphore, #tpu.memory_space<semaphore_mem>>) src(%dma_wait3A_812 : memref<10000x128xf32, #tpu.memory_space<vmem_shared>>) dst(%arg7 : memref<80x128xf32, #tpu.memory_space<vmem>>)
    %dma_start3A_813 = arith.constant 3520 : i32
    %dma_start3A_814 = tpu.memref_slice %arg4[%dma_start3A_813, %multiple_of3A_5] : memref<10000x4096xf32, #tpu.memory_space<hbm>> -> memref<80x128xf32, #tpu.memory_space<hbm>>
    %dma_start3A_815 = arith.constant 3520 : i32
    %dma_start3A_816 = tpu.memref_slice %arg4[%dma_start3A_815, %multiple_of3A_5] : memref<10000x4096xf32, #tpu.memory_space<hbm>> -> memref<80x128xf32, #tpu.memory_space<hbm>>
    tpu.enqueue_dma source(%arg7 : memref<80x128xf32, #tpu.memory_space<vmem>>) target(%dma_start3A_816 : memref<80x128xf32, #tpu.memory_space<hbm>>) target_semaphore(%arg11 : memref<!tpu.dma_semaphore, #tpu.memory_space<semaphore_mem>>)
    %dma_wait3A_817 = arith.constant 3520 : i32
    %dma_wait3A_818 = tpu.memref_slice %arg4[%dma_wait3A_817, %multiple_of3A_5] : memref<10000x4096xf32, #tpu.memory_space<hbm>> -> memref<80x128xf32, #tpu.memory_space<hbm>>
    %dma_wait3A_819 = arith.constant 3520 : i32
    %dma_wait3A_820 = tpu.memref_slice %arg4[%dma_wait3A_819, %multiple_of3A_5] : memref<10000x4096xf32, #tpu.memory_space<hbm>> -> memref<80x128xf32, #tpu.memory_space<hbm>>
    tpu.wait_dma2 semaphore(%arg11 : memref<!tpu.dma_semaphore, #tpu.memory_space<semaphore_mem>>) src(%arg7 : memref<80x128xf32, #tpu.memory_space<vmem>>) dst(%dma_wait3A_820 : memref<80x128xf32, #tpu.memory_space<hbm>>)
    %dma_start3A_821 = arith.constant 3680 : i32
    %dma_start3A_822 = tpu.memref_slice %arg6[%dma_start3A_821] : memref<10000xi32, #tpu.memory_space<vmem>> -> memref<80xi32, #tpu.memory_space<vmem>>
    %dma_start3A_823 = arith.constant 0 : i32
    %dma_start3A_824 = arith.constant 0 : i32
    %dma_start3A_825 = tpu.memref_slice %arg5[%dma_start3A_823, %dma_start3A_824] : memref<10000x128xf32, #tpu.memory_space<vmem_shared>> -> memref<10000x128xf32, #tpu.memory_space<vmem_shared>>
    tpu.enqueue_indirect_dma source(%dma_start3A_825 : memref<10000x128xf32, #tpu.memory_space<vmem_shared>>) target(%arg7 : memref<80x128xf32, #tpu.memory_space<vmem>>) offsets(%dma_start3A_822 : memref<80xi32, #tpu.memory_space<vmem>>) semaphore(%arg9 : memref<!tpu.dma_semaphore, #tpu.memory_space<semaphore_mem>>)
    %dma_wait3A_826 = arith.constant 3600 : i32
    %dma_wait3A_827 = tpu.memref_slice %arg6[%dma_wait3A_826] : memref<10000xi32, #tpu.memory_space<vmem>> -> memref<80xi32, #tpu.memory_space<vmem>>
    %dma_wait3A_828 = arith.constant 0 : i32
    %dma_wait3A_829 = arith.constant 0 : i32
    %dma_wait3A_830 = tpu.memref_slice %arg5[%dma_wait3A_828, %dma_wait3A_829] : memref<10000x128xf32, #tpu.memory_space<vmem_shared>> -> memref<10000x128xf32, #tpu.memory_space<vmem_shared>>
    tpu.wait_indirect_dma semaphore(%arg10 : memref<!tpu.dma_semaphore, #tpu.memory_space<semaphore_mem>>) src(%dma_wait3A_830 : memref<10000x128xf32, #tpu.memory_space<vmem_shared>>) dst(%arg8 : memref<80x128xf32, #tpu.memory_space<vmem>>)
    %dma_start3A_831 = arith.constant 3600 : i32
    %dma_start3A_832 = tpu.memref_slice %arg4[%dma_start3A_831, %multiple_of3A_5] : memref<10000x4096xf32, #tpu.memory_space<hbm>> -> memref<80x128xf32, #tpu.memory_space<hbm>>
    %dma_start3A_833 = arith.constant 3600 : i32
    %dma_start3A_834 = tpu.memref_slice %arg4[%dma_start3A_833, %multiple_of3A_5] : memref<10000x4096xf32, #tpu.memory_space<hbm>> -> memref<80x128xf32, #tpu.memory_space<hbm>>
    tpu.enqueue_dma source(%arg8 : memref<80x128xf32, #tpu.memory_space<vmem>>) target(%dma_start3A_834 : memref<80x128xf32, #tpu.memory_space<hbm>>) target_semaphore(%arg12 : memref<!tpu.dma_semaphore, #tpu.memory_space<semaphore_mem>>)
    %dma_wait3A_835 = arith.constant 3600 : i32
    %dma_wait3A_836 = tpu.memref_slice %arg4[%dma_wait3A_835, %multiple_of3A_5] : memref<10000x4096xf32, #tpu.memory_space<hbm>> -> memref<80x128xf32, #tpu.memory_space<hbm>>
    %dma_wait3A_837 = arith.constant 3600 : i32
    %dma_wait3A_838 = tpu.memref_slice %arg4[%dma_wait3A_837, %multiple_of3A_5] : memref<10000x4096xf32, #tpu.memory_space<hbm>> -> memref<80x128xf32, #tpu.memory_space<hbm>>
    tpu.wait_dma2 semaphore(%arg12 : memref<!tpu.dma_semaphore, #tpu.memory_space<semaphore_mem>>) src(%arg8 : memref<80x128xf32, #tpu.memory_space<vmem>>) dst(%dma_wait3A_838 : memref<80x128xf32, #tpu.memory_space<hbm>>)
    %dma_start3A_839 = arith.constant 3760 : i32
    %dma_start3A_840 = tpu.memref_slice %arg6[%dma_start3A_839] : memref<10000xi32, #tpu.memory_space<vmem>> -> memref<80xi32, #tpu.memory_space<vmem>>
    %dma_start3A_841 = arith.constant 0 : i32
    %dma_start3A_842 = arith.constant 0 : i32
    %dma_start3A_843 = tpu.memref_slice %arg5[%dma_start3A_841, %dma_start3A_842] : memref<10000x128xf32, #tpu.memory_space<vmem_shared>> -> memref<10000x128xf32, #tpu.memory_space<vmem_shared>>
    tpu.enqueue_indirect_dma source(%dma_start3A_843 : memref<10000x128xf32, #tpu.memory_space<vmem_shared>>) target(%arg8 : memref<80x128xf32, #tpu.memory_space<vmem>>) offsets(%dma_start3A_840 : memref<80xi32, #tpu.memory_space<vmem>>) semaphore(%arg10 : memref<!tpu.dma_semaphore, #tpu.memory_space<semaphore_mem>>)
    %dma_wait3A_844 = arith.constant 3680 : i32
    %dma_wait3A_845 = tpu.memref_slice %arg6[%dma_wait3A_844] : memref<10000xi32, #tpu.memory_space<vmem>> -> memref<80xi32, #tpu.memory_space<vmem>>
    %dma_wait3A_846 = arith.constant 0 : i32
    %dma_wait3A_847 = arith.constant 0 : i32
    %dma_wait3A_848 = tpu.memref_slice %arg5[%dma_wait3A_846, %dma_wait3A_847] : memref<10000x128xf32, #tpu.memory_space<vmem_shared>> -> memref<10000x128xf32, #tpu.memory_space<vmem_shared>>
    tpu.wait_indirect_dma semaphore(%arg9 : memref<!tpu.dma_semaphore, #tpu.memory_space<semaphore_mem>>) src(%dma_wait3A_848 : memref<10000x128xf32, #tpu.memory_space<vmem_shared>>) dst(%arg7 : memref<80x128xf32, #tpu.memory_space<vmem>>)
    %dma_start3A_849 = arith.constant 3680 : i32
    %dma_start3A_850 = tpu.memref_slice %arg4[%dma_start3A_849, %multiple_of3A_5] : memref<10000x4096xf32, #tpu.memory_space<hbm>> -> memref<80x128xf32, #tpu.memory_space<hbm>>
    %dma_start3A_851 = arith.constant 3680 : i32
    %dma_start3A_852 = tpu.memref_slice %arg4[%dma_start3A_851, %multiple_of3A_5] : memref<10000x4096xf32, #tpu.memory_space<hbm>> -> memref<80x128xf32, #tpu.memory_space<hbm>>
    tpu.enqueue_dma source(%arg7 : memref<80x128xf32, #tpu.memory_space<vmem>>) target(%dma_start3A_852 : memref<80x128xf32, #tpu.memory_space<hbm>>) target_semaphore(%arg11 : memref<!tpu.dma_semaphore, #tpu.memory_space<semaphore_mem>>)
    %dma_wait3A_853 = arith.constant 3680 : i32
    %dma_wait3A_854 = tpu.memref_slice %arg4[%dma_wait3A_853, %multiple_of3A_5] : memref<10000x4096xf32, #tpu.memory_space<hbm>> -> memref<80x128xf32, #tpu.memory_space<hbm>>
    %dma_wait3A_855 = arith.constant 3680 : i32
    %dma_wait3A_856 = tpu.memref_slice %arg4[%dma_wait3A_855, %multiple_of3A_5] : memref<10000x4096xf32, #tpu.memory_space<hbm>> -> memref<80x128xf32, #tpu.memory_space<hbm>>
    tpu.wait_dma2 semaphore(%arg11 : memref<!tpu.dma_semaphore, #tpu.memory_space<semaphore_mem>>) src(%arg7 : memref<80x128xf32, #tpu.memory_space<vmem>>) dst(%dma_wait3A_856 : memref<80x128xf32, #tpu.memory_space<hbm>>)
    %dma_start3A_857 = arith.constant 3840 : i32
    %dma_start3A_858 = tpu.memref_slice %arg6[%dma_start3A_857] : memref<10000xi32, #tpu.memory_space<vmem>> -> memref<80xi32, #tpu.memory_space<vmem>>
    %dma_start3A_859 = arith.constant 0 : i32
    %dma_start3A_860 = arith.constant 0 : i32
    %dma_start3A_861 = tpu.memref_slice %arg5[%dma_start3A_859, %dma_start3A_860] : memref<10000x128xf32, #tpu.memory_space<vmem_shared>> -> memref<10000x128xf32, #tpu.memory_space<vmem_shared>>
    tpu.enqueue_indirect_dma source(%dma_start3A_861 : memref<10000x128xf32, #tpu.memory_space<vmem_shared>>) target(%arg7 : memref<80x128xf32, #tpu.memory_space<vmem>>) offsets(%dma_start3A_858 : memref<80xi32, #tpu.memory_space<vmem>>) semaphore(%arg9 : memref<!tpu.dma_semaphore, #tpu.memory_space<semaphore_mem>>)
    %dma_wait3A_862 = arith.constant 3760 : i32
    %dma_wait3A_863 = tpu.memref_slice %arg6[%dma_wait3A_862] : memref<10000xi32, #tpu.memory_space<vmem>> -> memref<80xi32, #tpu.memory_space<vmem>>
    %dma_wait3A_864 = arith.constant 0 : i32
    %dma_wait3A_865 = arith.constant 0 : i32
    %dma_wait3A_866 = tpu.memref_slice %arg5[%dma_wait3A_864, %dma_wait3A_865] : memref<10000x128xf32, #tpu.memory_space<vmem_shared>> -> memref<10000x128xf32, #tpu.memory_space<vmem_shared>>
    tpu.wait_indirect_dma semaphore(%arg10 : memref<!tpu.dma_semaphore, #tpu.memory_space<semaphore_mem>>) src(%dma_wait3A_866 : memref<10000x128xf32, #tpu.memory_space<vmem_shared>>) dst(%arg8 : memref<80x128xf32, #tpu.memory_space<vmem>>)
    %dma_start3A_867 = arith.constant 3760 : i32
    %dma_start3A_868 = tpu.memref_slice %arg4[%dma_start3A_867, %multiple_of3A_5] : memref<10000x4096xf32, #tpu.memory_space<hbm>> -> memref<80x128xf32, #tpu.memory_space<hbm>>
    %dma_start3A_869 = arith.constant 3760 : i32
    %dma_start3A_870 = tpu.memref_slice %arg4[%dma_start3A_869, %multiple_of3A_5] : memref<10000x4096xf32, #tpu.memory_space<hbm>> -> memref<80x128xf32, #tpu.memory_space<hbm>>
    tpu.enqueue_dma source(%arg8 : memref<80x128xf32, #tpu.memory_space<vmem>>) target(%dma_start3A_870 : memref<80x128xf32, #tpu.memory_space<hbm>>) target_semaphore(%arg12 : memref<!tpu.dma_semaphore, #tpu.memory_space<semaphore_mem>>)
    %dma_wait3A_871 = arith.constant 3760 : i32
    %dma_wait3A_872 = tpu.memref_slice %arg4[%dma_wait3A_871, %multiple_of3A_5] : memref<10000x4096xf32, #tpu.memory_space<hbm>> -> memref<80x128xf32, #tpu.memory_space<hbm>>
    %dma_wait3A_873 = arith.constant 3760 : i32
    %dma_wait3A_874 = tpu.memref_slice %arg4[%dma_wait3A_873, %multiple_of3A_5] : memref<10000x4096xf32, #tpu.memory_space<hbm>> -> memref<80x128xf32, #tpu.memory_space<hbm>>
    tpu.wait_dma2 semaphore(%arg12 : memref<!tpu.dma_semaphore, #tpu.memory_space<semaphore_mem>>) src(%arg8 : memref<80x128xf32, #tpu.memory_space<vmem>>) dst(%dma_wait3A_874 : memref<80x128xf32, #tpu.memory_space<hbm>>)
    %dma_start3A_875 = arith.constant 3920 : i32
    %dma_start3A_876 = tpu.memref_slice %arg6[%dma_start3A_875] : memref<10000xi32, #tpu.memory_space<vmem>> -> memref<80xi32, #tpu.memory_space<vmem>>
    %dma_start3A_877 = arith.constant 0 : i32
    %dma_start3A_878 = arith.constant 0 : i32
    %dma_start3A_879 = tpu.memref_slice %arg5[%dma_start3A_877, %dma_start3A_878] : memref<10000x128xf32, #tpu.memory_space<vmem_shared>> -> memref<10000x128xf32, #tpu.memory_space<vmem_shared>>
    tpu.enqueue_indirect_dma source(%dma_start3A_879 : memref<10000x128xf32, #tpu.memory_space<vmem_shared>>) target(%arg8 : memref<80x128xf32, #tpu.memory_space<vmem>>) offsets(%dma_start3A_876 : memref<80xi32, #tpu.memory_space<vmem>>) semaphore(%arg10 : memref<!tpu.dma_semaphore, #tpu.memory_space<semaphore_mem>>)
    %dma_wait3A_880 = arith.constant 3840 : i32
    %dma_wait3A_881 = tpu.memref_slice %arg6[%dma_wait3A_880] : memref<10000xi32, #tpu.memory_space<vmem>> -> memref<80xi32, #tpu.memory_space<vmem>>
    %dma_wait3A_882 = arith.constant 0 : i32
    %dma_wait3A_883 = arith.constant 0 : i32
    %dma_wait3A_884 = tpu.memref_slice %arg5[%dma_wait3A_882, %dma_wait3A_883] : memref<10000x128xf32, #tpu.memory_space<vmem_shared>> -> memref<10000x128xf32, #tpu.memory_space<vmem_shared>>
    tpu.wait_indirect_dma semaphore(%arg9 : memref<!tpu.dma_semaphore, #tpu.memory_space<semaphore_mem>>) src(%dma_wait3A_884 : memref<10000x128xf32, #tpu.memory_space<vmem_shared>>) dst(%arg7 : memref<80x128xf32, #tpu.memory_space<vmem>>)
    %dma_start3A_885 = arith.constant 3840 : i32
    %dma_start3A_886 = tpu.memref_slice %arg4[%dma_start3A_885, %multiple_of3A_5] : memref<10000x4096xf32, #tpu.memory_space<hbm>> -> memref<80x128xf32, #tpu.memory_space<hbm>>
    %dma_start3A_887 = arith.constant 3840 : i32
    %dma_start3A_888 = tpu.memref_slice %arg4[%dma_start3A_887, %multiple_of3A_5] : memref<10000x4096xf32, #tpu.memory_space<hbm>> -> memref<80x128xf32, #tpu.memory_space<hbm>>
    tpu.enqueue_dma source(%arg7 : memref<80x128xf32, #tpu.memory_space<vmem>>) target(%dma_start3A_888 : memref<80x128xf32, #tpu.memory_space<hbm>>) target_semaphore(%arg11 : memref<!tpu.dma_semaphore, #tpu.memory_space<semaphore_mem>>)
    %dma_wait3A_889 = arith.constant 3840 : i32
    %dma_wait3A_890 = tpu.memref_slice %arg4[%dma_wait3A_889, %multiple_of3A_5] : memref<10000x4096xf32, #tpu.memory_space<hbm>> -> memref<80x128xf32, #tpu.memory_space<hbm>>
    %dma_wait3A_891 = arith.constant 3840 : i32
    %dma_wait3A_892 = tpu.memref_slice %arg4[%dma_wait3A_891, %multiple_of3A_5] : memref<10000x4096xf32, #tpu.memory_space<hbm>> -> memref<80x128xf32, #tpu.memory_space<hbm>>
    tpu.wait_dma2 semaphore(%arg11 : memref<!tpu.dma_semaphore, #tpu.memory_space<semaphore_mem>>) src(%arg7 : memref<80x128xf32, #tpu.memory_space<vmem>>) dst(%dma_wait3A_892 : memref<80x128xf32, #tpu.memory_space<hbm>>)
    %dma_start3A_893 = arith.constant 4000 : i32
    %dma_start3A_894 = tpu.memref_slice %arg6[%dma_start3A_893] : memref<10000xi32, #tpu.memory_space<vmem>> -> memref<80xi32, #tpu.memory_space<vmem>>
    %dma_start3A_895 = arith.constant 0 : i32
    %dma_start3A_896 = arith.constant 0 : i32
    %dma_start3A_897 = tpu.memref_slice %arg5[%dma_start3A_895, %dma_start3A_896] : memref<10000x128xf32, #tpu.memory_space<vmem_shared>> -> memref<10000x128xf32, #tpu.memory_space<vmem_shared>>
    tpu.enqueue_indirect_dma source(%dma_start3A_897 : memref<10000x128xf32, #tpu.memory_space<vmem_shared>>) target(%arg7 : memref<80x128xf32, #tpu.memory_space<vmem>>) offsets(%dma_start3A_894 : memref<80xi32, #tpu.memory_space<vmem>>) semaphore(%arg9 : memref<!tpu.dma_semaphore, #tpu.memory_space<semaphore_mem>>)
    %dma_wait3A_898 = arith.constant 3920 : i32
    %dma_wait3A_899 = tpu.memref_slice %arg6[%dma_wait3A_898] : memref<10000xi32, #tpu.memory_space<vmem>> -> memref<80xi32, #tpu.memory_space<vmem>>
    %dma_wait3A_900 = arith.constant 0 : i32
    %dma_wait3A_901 = arith.constant 0 : i32
    %dma_wait3A_902 = tpu.memref_slice %arg5[%dma_wait3A_900, %dma_wait3A_901] : memref<10000x128xf32, #tpu.memory_space<vmem_shared>> -> memref<10000x128xf32, #tpu.memory_space<vmem_shared>>
    tpu.wait_indirect_dma semaphore(%arg10 : memref<!tpu.dma_semaphore, #tpu.memory_space<semaphore_mem>>) src(%dma_wait3A_902 : memref<10000x128xf32, #tpu.memory_space<vmem_shared>>) dst(%arg8 : memref<80x128xf32, #tpu.memory_space<vmem>>)
    %dma_start3A_903 = arith.constant 3920 : i32
    %dma_start3A_904 = tpu.memref_slice %arg4[%dma_start3A_903, %multiple_of3A_5] : memref<10000x4096xf32, #tpu.memory_space<hbm>> -> memref<80x128xf32, #tpu.memory_space<hbm>>
    %dma_start3A_905 = arith.constant 3920 : i32
    %dma_start3A_906 = tpu.memref_slice %arg4[%dma_start3A_905, %multiple_of3A_5] : memref<10000x4096xf32, #tpu.memory_space<hbm>> -> memref<80x128xf32, #tpu.memory_space<hbm>>
    tpu.enqueue_dma source(%arg8 : memref<80x128xf32, #tpu.memory_space<vmem>>) target(%dma_start3A_906 : memref<80x128xf32, #tpu.memory_space<hbm>>) target_semaphore(%arg12 : memref<!tpu.dma_semaphore, #tpu.memory_space<semaphore_mem>>)
    %dma_wait3A_907 = arith.constant 3920 : i32
    %dma_wait3A_908 = tpu.memref_slice %arg4[%dma_wait3A_907, %multiple_of3A_5] : memref<10000x4096xf32, #tpu.memory_space<hbm>> -> memref<80x128xf32, #tpu.memory_space<hbm>>
    %dma_wait3A_909 = arith.constant 3920 : i32
    %dma_wait3A_910 = tpu.memref_slice %arg4[%dma_wait3A_909, %multiple_of3A_5] : memref<10000x4096xf32, #tpu.memory_space<hbm>> -> memref<80x128xf32, #tpu.memory_space<hbm>>
    tpu.wait_dma2 semaphore(%arg12 : memref<!tpu.dma_semaphore, #tpu.memory_space<semaphore_mem>>) src(%arg8 : memref<80x128xf32, #tpu.memory_space<vmem>>) dst(%dma_wait3A_910 : memref<80x128xf32, #tpu.memory_space<hbm>>)
    %dma_start3A_911 = arith.constant 4080 : i32
    %dma_start3A_912 = tpu.memref_slice %arg6[%dma_start3A_911] : memref<10000xi32, #tpu.memory_space<vmem>> -> memref<80xi32, #tpu.memory_space<vmem>>
    %dma_start3A_913 = arith.constant 0 : i32
    %dma_start3A_914 = arith.constant 0 : i32
    %dma_start3A_915 = tpu.memref_slice %arg5[%dma_start3A_913, %dma_start3A_914] : memref<10000x128xf32, #tpu.memory_space<vmem_shared>> -> memref<10000x128xf32, #tpu.memory_space<vmem_shared>>
    tpu.enqueue_indirect_dma source(%dma_start3A_915 : memref<10000x128xf32, #tpu.memory_space<vmem_shared>>) target(%arg8 : memref<80x128xf32, #tpu.memory_space<vmem>>) offsets(%dma_start3A_912 : memref<80xi32, #tpu.memory_space<vmem>>) semaphore(%arg10 : memref<!tpu.dma_semaphore, #tpu.memory_space<semaphore_mem>>)
    %dma_wait3A_916 = arith.constant 4000 : i32
    %dma_wait3A_917 = tpu.memref_slice %arg6[%dma_wait3A_916] : memref<10000xi32, #tpu.memory_space<vmem>> -> memref<80xi32, #tpu.memory_space<vmem>>
    %dma_wait3A_918 = arith.constant 0 : i32
    %dma_wait3A_919 = arith.constant 0 : i32
    %dma_wait3A_920 = tpu.memref_slice %arg5[%dma_wait3A_918, %dma_wait3A_919] : memref<10000x128xf32, #tpu.memory_space<vmem_shared>> -> memref<10000x128xf32, #tpu.memory_space<vmem_shared>>
    tpu.wait_indirect_dma semaphore(%arg9 : memref<!tpu.dma_semaphore, #tpu.memory_space<semaphore_mem>>) src(%dma_wait3A_920 : memref<10000x128xf32, #tpu.memory_space<vmem_shared>>) dst(%arg7 : memref<80x128xf32, #tpu.memory_space<vmem>>)
    %dma_start3A_921 = arith.constant 4000 : i32
    %dma_start3A_922 = tpu.memref_slice %arg4[%dma_start3A_921, %multiple_of3A_5] : memref<10000x4096xf32, #tpu.memory_space<hbm>> -> memref<80x128xf32, #tpu.memory_space<hbm>>
    %dma_start3A_923 = arith.constant 4000 : i32
    %dma_start3A_924 = tpu.memref_slice %arg4[%dma_start3A_923, %multiple_of3A_5] : memref<10000x4096xf32, #tpu.memory_space<hbm>> -> memref<80x128xf32, #tpu.memory_space<hbm>>
    tpu.enqueue_dma source(%arg7 : memref<80x128xf32, #tpu.memory_space<vmem>>) target(%dma_start3A_924 : memref<80x128xf32, #tpu.memory_space<hbm>>) target_semaphore(%arg11 : memref<!tpu.dma_semaphore, #tpu.memory_space<semaphore_mem>>)
    %dma_wait3A_925 = arith.constant 4000 : i32
    %dma_wait3A_926 = tpu.memref_slice %arg4[%dma_wait3A_925, %multiple_of3A_5] : memref<10000x4096xf32, #tpu.memory_space<hbm>> -> memref<80x128xf32, #tpu.memory_space<hbm>>
    %dma_wait3A_927 = arith.constant 4000 : i32
    %dma_wait3A_928 = tpu.memref_slice %arg4[%dma_wait3A_927, %multiple_of3A_5] : memref<10000x4096xf32, #tpu.memory_space<hbm>> -> memref<80x128xf32, #tpu.memory_space<hbm>>
    tpu.wait_dma2 semaphore(%arg11 : memref<!tpu.dma_semaphore, #tpu.memory_space<semaphore_mem>>) src(%arg7 : memref<80x128xf32, #tpu.memory_space<vmem>>) dst(%dma_wait3A_928 : memref<80x128xf32, #tpu.memory_space<hbm>>)
    %dma_start3A_929 = arith.constant 4160 : i32
    %dma_start3A_930 = tpu.memref_slice %arg6[%dma_start3A_929] : memref<10000xi32, #tpu.memory_space<vmem>> -> memref<80xi32, #tpu.memory_space<vmem>>
    %dma_start3A_931 = arith.constant 0 : i32
    %dma_start3A_932 = arith.constant 0 : i32
    %dma_start3A_933 = tpu.memref_slice %arg5[%dma_start3A_931, %dma_start3A_932] : memref<10000x128xf32, #tpu.memory_space<vmem_shared>> -> memref<10000x128xf32, #tpu.memory_space<vmem_shared>>
    tpu.enqueue_indirect_dma source(%dma_start3A_933 : memref<10000x128xf32, #tpu.memory_space<vmem_shared>>) target(%arg7 : memref<80x128xf32, #tpu.memory_space<vmem>>) offsets(%dma_start3A_930 : memref<80xi32, #tpu.memory_space<vmem>>) semaphore(%arg9 : memref<!tpu.dma_semaphore, #tpu.memory_space<semaphore_mem>>)
    %dma_wait3A_934 = arith.constant 4080 : i32
    %dma_wait3A_935 = tpu.memref_slice %arg6[%dma_wait3A_934] : memref<10000xi32, #tpu.memory_space<vmem>> -> memref<80xi32, #tpu.memory_space<vmem>>
    %dma_wait3A_936 = arith.constant 0 : i32
    %dma_wait3A_937 = arith.constant 0 : i32
    %dma_wait3A_938 = tpu.memref_slice %arg5[%dma_wait3A_936, %dma_wait3A_937] : memref<10000x128xf32, #tpu.memory_space<vmem_shared>> -> memref<10000x128xf32, #tpu.memory_space<vmem_shared>>
    tpu.wait_indirect_dma semaphore(%arg10 : memref<!tpu.dma_semaphore, #tpu.memory_space<semaphore_mem>>) src(%dma_wait3A_938 : memref<10000x128xf32, #tpu.memory_space<vmem_shared>>) dst(%arg8 : memref<80x128xf32, #tpu.memory_space<vmem>>)
    %dma_start3A_939 = arith.constant 4080 : i32
    %dma_start3A_940 = tpu.memref_slice %arg4[%dma_start3A_939, %multiple_of3A_5] : memref<10000x4096xf32, #tpu.memory_space<hbm>> -> memref<80x128xf32, #tpu.memory_space<hbm>>
    %dma_start3A_941 = arith.constant 4080 : i32
    %dma_start3A_942 = tpu.memref_slice %arg4[%dma_start3A_941, %multiple_of3A_5] : memref<10000x4096xf32, #tpu.memory_space<hbm>> -> memref<80x128xf32, #tpu.memory_space<hbm>>
    tpu.enqueue_dma source(%arg8 : memref<80x128xf32, #tpu.memory_space<vmem>>) target(%dma_start3A_942 : memref<80x128xf32, #tpu.memory_space<hbm>>) target_semaphore(%arg12 : memref<!tpu.dma_semaphore, #tpu.memory_space<semaphore_mem>>)
    %dma_wait3A_943 = arith.constant 4080 : i32
    %dma_wait3A_944 = tpu.memref_slice %arg4[%dma_wait3A_943, %multiple_of3A_5] : memref<10000x4096xf32, #tpu.memory_space<hbm>> -> memref<80x128xf32, #tpu.memory_space<hbm>>
    %dma_wait3A_945 = arith.constant 4080 : i32
    %dma_wait3A_946 = tpu.memref_slice %arg4[%dma_wait3A_945, %multiple_of3A_5] : memref<10000x4096xf32, #tpu.memory_space<hbm>> -> memref<80x128xf32, #tpu.memory_space<hbm>>
    tpu.wait_dma2 semaphore(%arg12 : memref<!tpu.dma_semaphore, #tpu.memory_space<semaphore_mem>>) src(%arg8 : memref<80x128xf32, #tpu.memory_space<vmem>>) dst(%dma_wait3A_946 : memref<80x128xf32, #tpu.memory_space<hbm>>)
    %dma_start3A_947 = arith.constant 4240 : i32
    %dma_start3A_948 = tpu.memref_slice %arg6[%dma_start3A_947] : memref<10000xi32, #tpu.memory_space<vmem>> -> memref<80xi32, #tpu.memory_space<vmem>>
    %dma_start3A_949 = arith.constant 0 : i32
    %dma_start3A_950 = arith.constant 0 : i32
    %dma_start3A_951 = tpu.memref_slice %arg5[%dma_start3A_949, %dma_start3A_950] : memref<10000x128xf32, #tpu.memory_space<vmem_shared>> -> memref<10000x128xf32, #tpu.memory_space<vmem_shared>>
    tpu.enqueue_indirect_dma source(%dma_start3A_951 : memref<10000x128xf32, #tpu.memory_space<vmem_shared>>) target(%arg8 : memref<80x128xf32, #tpu.memory_space<vmem>>) offsets(%dma_start3A_948 : memref<80xi32, #tpu.memory_space<vmem>>) semaphore(%arg10 : memref<!tpu.dma_semaphore, #tpu.memory_space<semaphore_mem>>)
    %dma_wait3A_952 = arith.constant 4160 : i32
    %dma_wait3A_953 = tpu.memref_slice %arg6[%dma_wait3A_952] : memref<10000xi32, #tpu.memory_space<vmem>> -> memref<80xi32, #tpu.memory_space<vmem>>
    %dma_wait3A_954 = arith.constant 0 : i32
    %dma_wait3A_955 = arith.constant 0 : i32
    %dma_wait3A_956 = tpu.memref_slice %arg5[%dma_wait3A_954, %dma_wait3A_955] : memref<10000x128xf32, #tpu.memory_space<vmem_shared>> -> memref<10000x128xf32, #tpu.memory_space<vmem_shared>>
    tpu.wait_indirect_dma semaphore(%arg9 : memref<!tpu.dma_semaphore, #tpu.memory_space<semaphore_mem>>) src(%dma_wait3A_956 : memref<10000x128xf32, #tpu.memory_space<vmem_shared>>) dst(%arg7 : memref<80x128xf32, #tpu.memory_space<vmem>>)
    %dma_start3A_957 = arith.constant 4160 : i32
    %dma_start3A_958 = tpu.memref_slice %arg4[%dma_start3A_957, %multiple_of3A_5] : memref<10000x4096xf32, #tpu.memory_space<hbm>> -> memref<80x128xf32, #tpu.memory_space<hbm>>
    %dma_start3A_959 = arith.constant 4160 : i32
    %dma_start3A_960 = tpu.memref_slice %arg4[%dma_start3A_959, %multiple_of3A_5] : memref<10000x4096xf32, #tpu.memory_space<hbm>> -> memref<80x128xf32, #tpu.memory_space<hbm>>
    tpu.enqueue_dma source(%arg7 : memref<80x128xf32, #tpu.memory_space<vmem>>) target(%dma_start3A_960 : memref<80x128xf32, #tpu.memory_space<hbm>>) target_semaphore(%arg11 : memref<!tpu.dma_semaphore, #tpu.memory_space<semaphore_mem>>)
    %dma_wait3A_961 = arith.constant 4160 : i32
    %dma_wait3A_962 = tpu.memref_slice %arg4[%dma_wait3A_961, %multiple_of3A_5] : memref<10000x4096xf32, #tpu.memory_space<hbm>> -> memref<80x128xf32, #tpu.memory_space<hbm>>
    %dma_wait3A_963 = arith.constant 4160 : i32
    %dma_wait3A_964 = tpu.memref_slice %arg4[%dma_wait3A_963, %multiple_of3A_5] : memref<10000x4096xf32, #tpu.memory_space<hbm>> -> memref<80x128xf32, #tpu.memory_space<hbm>>
    tpu.wait_dma2 semaphore(%arg11 : memref<!tpu.dma_semaphore, #tpu.memory_space<semaphore_mem>>) src(%arg7 : memref<80x128xf32, #tpu.memory_space<vmem>>) dst(%dma_wait3A_964 : memref<80x128xf32, #tpu.memory_space<hbm>>)
    %dma_start3A_965 = arith.constant 4320 : i32
    %dma_start3A_966 = tpu.memref_slice %arg6[%dma_start3A_965] : memref<10000xi32, #tpu.memory_space<vmem>> -> memref<80xi32, #tpu.memory_space<vmem>>
    %dma_start3A_967 = arith.constant 0 : i32
    %dma_start3A_968 = arith.constant 0 : i32
    %dma_start3A_969 = tpu.memref_slice %arg5[%dma_start3A_967, %dma_start3A_968] : memref<10000x128xf32, #tpu.memory_space<vmem_shared>> -> memref<10000x128xf32, #tpu.memory_space<vmem_shared>>
    tpu.enqueue_indirect_dma source(%dma_start3A_969 : memref<10000x128xf32, #tpu.memory_space<vmem_shared>>) target(%arg7 : memref<80x128xf32, #tpu.memory_space<vmem>>) offsets(%dma_start3A_966 : memref<80xi32, #tpu.memory_space<vmem>>) semaphore(%arg9 : memref<!tpu.dma_semaphore, #tpu.memory_space<semaphore_mem>>)
    %dma_wait3A_970 = arith.constant 4240 : i32
    %dma_wait3A_971 = tpu.memref_slice %arg6[%dma_wait3A_970] : memref<10000xi32, #tpu.memory_space<vmem>> -> memref<80xi32, #tpu.memory_space<vmem>>
    %dma_wait3A_972 = arith.constant 0 : i32
    %dma_wait3A_973 = arith.constant 0 : i32
    %dma_wait3A_974 = tpu.memref_slice %arg5[%dma_wait3A_972, %dma_wait3A_973] : memref<10000x128xf32, #tpu.memory_space<vmem_shared>> -> memref<10000x128xf32, #tpu.memory_space<vmem_shared>>
    tpu.wait_indirect_dma semaphore(%arg10 : memref<!tpu.dma_semaphore, #tpu.memory_space<semaphore_mem>>) src(%dma_wait3A_974 : memref<10000x128xf32, #tpu.memory_space<vmem_shared>>) dst(%arg8 : memref<80x128xf32, #tpu.memory_space<vmem>>)
    %dma_start3A_975 = arith.constant 4240 : i32
    %dma_start3A_976 = tpu.memref_slice %arg4[%dma_start3A_975, %multiple_of3A_5] : memref<10000x4096xf32, #tpu.memory_space<hbm>> -> memref<80x128xf32, #tpu.memory_space<hbm>>
    %dma_start3A_977 = arith.constant 4240 : i32
    %dma_start3A_978 = tpu.memref_slice %arg4[%dma_start3A_977, %multiple_of3A_5] : memref<10000x4096xf32, #tpu.memory_space<hbm>> -> memref<80x128xf32, #tpu.memory_space<hbm>>
    tpu.enqueue_dma source(%arg8 : memref<80x128xf32, #tpu.memory_space<vmem>>) target(%dma_start3A_978 : memref<80x128xf32, #tpu.memory_space<hbm>>) target_semaphore(%arg12 : memref<!tpu.dma_semaphore, #tpu.memory_space<semaphore_mem>>)
    %dma_wait3A_979 = arith.constant 4240 : i32
    %dma_wait3A_980 = tpu.memref_slice %arg4[%dma_wait3A_979, %multiple_of3A_5] : memref<10000x4096xf32, #tpu.memory_space<hbm>> -> memref<80x128xf32, #tpu.memory_space<hbm>>
    %dma_wait3A_981 = arith.constant 4240 : i32
    %dma_wait3A_982 = tpu.memref_slice %arg4[%dma_wait3A_981, %multiple_of3A_5] : memref<10000x4096xf32, #tpu.memory_space<hbm>> -> memref<80x128xf32, #tpu.memory_space<hbm>>
    tpu.wait_dma2 semaphore(%arg12 : memref<!tpu.dma_semaphore, #tpu.memory_space<semaphore_mem>>) src(%arg8 : memref<80x128xf32, #tpu.memory_space<vmem>>) dst(%dma_wait3A_982 : memref<80x128xf32, #tpu.memory_space<hbm>>)
    %dma_start3A_983 = arith.constant 4400 : i32
    %dma_start3A_984 = tpu.memref_slice %arg6[%dma_start3A_983] : memref<10000xi32, #tpu.memory_space<vmem>> -> memref<80xi32, #tpu.memory_space<vmem>>
    %dma_start3A_985 = arith.constant 0 : i32
    %dma_start3A_986 = arith.constant 0 : i32
    %dma_start3A_987 = tpu.memref_slice %arg5[%dma_start3A_985, %dma_start3A_986] : memref<10000x128xf32, #tpu.memory_space<vmem_shared>> -> memref<10000x128xf32, #tpu.memory_space<vmem_shared>>
    tpu.enqueue_indirect_dma source(%dma_start3A_987 : memref<10000x128xf32, #tpu.memory_space<vmem_shared>>) target(%arg8 : memref<80x128xf32, #tpu.memory_space<vmem>>) offsets(%dma_start3A_984 : memref<80xi32, #tpu.memory_space<vmem>>) semaphore(%arg10 : memref<!tpu.dma_semaphore, #tpu.memory_space<semaphore_mem>>)
    %dma_wait3A_988 = arith.constant 4320 : i32
    %dma_wait3A_989 = tpu.memref_slice %arg6[%dma_wait3A_988] : memref<10000xi32, #tpu.memory_space<vmem>> -> memref<80xi32, #tpu.memory_space<vmem>>
    %dma_wait3A_990 = arith.constant 0 : i32
    %dma_wait3A_991 = arith.constant 0 : i32
    %dma_wait3A_992 = tpu.memref_slice %arg5[%dma_wait3A_990, %dma_wait3A_991] : memref<10000x128xf32, #tpu.memory_space<vmem_shared>> -> memref<10000x128xf32, #tpu.memory_space<vmem_shared>>
    tpu.wait_indirect_dma semaphore(%arg9 : memref<!tpu.dma_semaphore, #tpu.memory_space<semaphore_mem>>) src(%dma_wait3A_992 : memref<10000x128xf32, #tpu.memory_space<vmem_shared>>) dst(%arg7 : memref<80x128xf32, #tpu.memory_space<vmem>>)
    %dma_start3A_993 = arith.constant 4320 : i32
    %dma_start3A_994 = tpu.memref_slice %arg4[%dma_start3A_993, %multiple_of3A_5] : memref<10000x4096xf32, #tpu.memory_space<hbm>> -> memref<80x128xf32, #tpu.memory_space<hbm>>
    %dma_start3A_995 = arith.constant 4320 : i32
    %dma_start3A_996 = tpu.memref_slice %arg4[%dma_start3A_995, %multiple_of3A_5] : memref<10000x4096xf32, #tpu.memory_space<hbm>> -> memref<80x128xf32, #tpu.memory_space<hbm>>
    tpu.enqueue_dma source(%arg7 : memref<80x128xf32, #tpu.memory_space<vmem>>) target(%dma_start3A_996 : memref<80x128xf32, #tpu.memory_space<hbm>>) target_semaphore(%arg11 : memref<!tpu.dma_semaphore, #tpu.memory_space<semaphore_mem>>)
    %dma_wait3A_997 = arith.constant 4320 : i32
    %dma_wait3A_998 = tpu.memref_slice %arg4[%dma_wait3A_997, %multiple_of3A_5] : memref<10000x4096xf32, #tpu.memory_space<hbm>> -> memref<80x128xf32, #tpu.memory_space<hbm>>
    %dma_wait3A_999 = arith.constant 4320 : i32
    %dma_wait3A_1000 = tpu.memref_slice %arg4[%dma_wait3A_999, %multiple_of3A_5] : memref<10000x4096xf32, #tpu.memory_space<hbm>> -> memref<80x128xf32, #tpu.memory_space<hbm>>
    tpu.wait_dma2 semaphore(%arg11 : memref<!tpu.dma_semaphore, #tpu.memory_space<semaphore_mem>>) src(%arg7 : memref<80x128xf32, #tpu.memory_space<vmem>>) dst(%dma_wait3A_1000 : memref<80x128xf32, #tpu.memory_space<hbm>>)
    %dma_start3A_1001 = arith.constant 4480 : i32
    %dma_start3A_1002 = tpu.memref_slice %arg6[%dma_start3A_1001] : memref<10000xi32, #tpu.memory_space<vmem>> -> memref<80xi32, #tpu.memory_space<vmem>>
    %dma_start3A_1003 = arith.constant 0 : i32
    %dma_start3A_1004 = arith.constant 0 : i32
    %dma_start3A_1005 = tpu.memref_slice %arg5[%dma_start3A_1003, %dma_start3A_1004] : memref<10000x128xf32, #tpu.memory_space<vmem_shared>> -> memref<10000x128xf32, #tpu.memory_space<vmem_shared>>
    tpu.enqueue_indirect_dma source(%dma_start3A_1005 : memref<10000x128xf32, #tpu.memory_space<vmem_shared>>) target(%arg7 : memref<80x128xf32, #tpu.memory_space<vmem>>) offsets(%dma_start3A_1002 : memref<80xi32, #tpu.memory_space<vmem>>) semaphore(%arg9 : memref<!tpu.dma_semaphore, #tpu.memory_space<semaphore_mem>>)
    %dma_wait3A_1006 = arith.constant 4400 : i32
    %dma_wait3A_1007 = tpu.memref_slice %arg6[%dma_wait3A_1006] : memref<10000xi32, #tpu.memory_space<vmem>> -> memref<80xi32, #tpu.memory_space<vmem>>
    %dma_wait3A_1008 = arith.constant 0 : i32
    %dma_wait3A_1009 = arith.constant 0 : i32
    %dma_wait3A_1010 = tpu.memref_slice %arg5[%dma_wait3A_1008, %dma_wait3A_1009] : memref<10000x128xf32, #tpu.memory_space<vmem_shared>> -> memref<10000x128xf32, #tpu.memory_space<vmem_shared>>
    tpu.wait_indirect_dma semaphore(%arg10 : memref<!tpu.dma_semaphore, #tpu.memory_space<semaphore_mem>>) src(%dma_wait3A_1010 : memref<10000x128xf32, #tpu.memory_space<vmem_shared>>) dst(%arg8 : memref<80x128xf32, #tpu.memory_space<vmem>>)
    %dma_start3A_1011 = arith.constant 4400 : i32
    %dma_start3A_1012 = tpu.memref_slice %arg4[%dma_start3A_1011, %multiple_of3A_5] : memref<10000x4096xf32, #tpu.memory_space<hbm>> -> memref<80x128xf32, #tpu.memory_space<hbm>>
    %dma_start3A_1013 = arith.constant 4400 : i32
    %dma_start3A_1014 = tpu.memref_slice %arg4[%dma_start3A_1013, %multiple_of3A_5] : memref<10000x4096xf32, #tpu.memory_space<hbm>> -> memref<80x128xf32, #tpu.memory_space<hbm>>
    tpu.enqueue_dma source(%arg8 : memref<80x128xf32, #tpu.memory_space<vmem>>) target(%dma_start3A_1014 : memref<80x128xf32, #tpu.memory_space<hbm>>) target_semaphore(%arg12 : memref<!tpu.dma_semaphore, #tpu.memory_space<semaphore_mem>>)
    %dma_wait3A_1015 = arith.constant 4400 : i32
    %dma_wait3A_1016 = tpu.memref_slice %arg4[%dma_wait3A_1015, %multiple_of3A_5] : memref<10000x4096xf32, #tpu.memory_space<hbm>> -> memref<80x128xf32, #tpu.memory_space<hbm>>
    %dma_wait3A_1017 = arith.constant 4400 : i32
    %dma_wait3A_1018 = tpu.memref_slice %arg4[%dma_wait3A_1017, %multiple_of3A_5] : memref<10000x4096xf32, #tpu.memory_space<hbm>> -> memref<80x128xf32, #tpu.memory_space<hbm>>
    tpu.wait_dma2 semaphore(%arg12 : memref<!tpu.dma_semaphore, #tpu.memory_space<semaphore_mem>>) src(%arg8 : memref<80x128xf32, #tpu.memory_space<vmem>>) dst(%dma_wait3A_1018 : memref<80x128xf32, #tpu.memory_space<hbm>>)
    %dma_start3A_1019 = arith.constant 4560 : i32
    %dma_start3A_1020 = tpu.memref_slice %arg6[%dma_start3A_1019] : memref<10000xi32, #tpu.memory_space<vmem>> -> memref<80xi32, #tpu.memory_space<vmem>>
    %dma_start3A_1021 = arith.constant 0 : i32
    %dma_start3A_1022 = arith.constant 0 : i32
    %dma_start3A_1023 = tpu.memref_slice %arg5[%dma_start3A_1021, %dma_start3A_1022] : memref<10000x128xf32, #tpu.memory_space<vmem_shared>> -> memref<10000x128xf32, #tpu.memory_space<vmem_shared>>
    tpu.enqueue_indirect_dma source(%dma_start3A_1023 : memref<10000x128xf32, #tpu.memory_space<vmem_shared>>) target(%arg8 : memref<80x128xf32, #tpu.memory_space<vmem>>) offsets(%dma_start3A_1020 : memref<80xi32, #tpu.memory_space<vmem>>) semaphore(%arg10 : memref<!tpu.dma_semaphore, #tpu.memory_space<semaphore_mem>>)
    %dma_wait3A_1024 = arith.constant 4480 : i32
    %dma_wait3A_1025 = tpu.memref_slice %arg6[%dma_wait3A_1024] : memref<10000xi32, #tpu.memory_space<vmem>> -> memref<80xi32, #tpu.memory_space<vmem>>
    %dma_wait3A_1026 = arith.constant 0 : i32
    %dma_wait3A_1027 = arith.constant 0 : i32
    %dma_wait3A_1028 = tpu.memref_slice %arg5[%dma_wait3A_1026, %dma_wait3A_1027] : memref<10000x128xf32, #tpu.memory_space<vmem_shared>> -> memref<10000x128xf32, #tpu.memory_space<vmem_shared>>
    tpu.wait_indirect_dma semaphore(%arg9 : memref<!tpu.dma_semaphore, #tpu.memory_space<semaphore_mem>>) src(%dma_wait3A_1028 : memref<10000x128xf32, #tpu.memory_space<vmem_shared>>) dst(%arg7 : memref<80x128xf32, #tpu.memory_space<vmem>>)
    %dma_start3A_1029 = arith.constant 4480 : i32
    %dma_start3A_1030 = tpu.memref_slice %arg4[%dma_start3A_1029, %multiple_of3A_5] : memref<10000x4096xf32, #tpu.memory_space<hbm>> -> memref<80x128xf32, #tpu.memory_space<hbm>>
    %dma_start3A_1031 = arith.constant 4480 : i32
    %dma_start3A_1032 = tpu.memref_slice %arg4[%dma_start3A_1031, %multiple_of3A_5] : memref<10000x4096xf32, #tpu.memory_space<hbm>> -> memref<80x128xf32, #tpu.memory_space<hbm>>
    tpu.enqueue_dma source(%arg7 : memref<80x128xf32, #tpu.memory_space<vmem>>) target(%dma_start3A_1032 : memref<80x128xf32, #tpu.memory_space<hbm>>) target_semaphore(%arg11 : memref<!tpu.dma_semaphore, #tpu.memory_space<semaphore_mem>>)
    %dma_wait3A_1033 = arith.constant 4480 : i32
    %dma_wait3A_1034 = tpu.memref_slice %arg4[%dma_wait3A_1033, %multiple_of3A_5] : memref<10000x4096xf32, #tpu.memory_space<hbm>> -> memref<80x128xf32, #tpu.memory_space<hbm>>
    %dma_wait3A_1035 = arith.constant 4480 : i32
    %dma_wait3A_1036 = tpu.memref_slice %arg4[%dma_wait3A_1035, %multiple_of3A_5] : memref<10000x4096xf32, #tpu.memory_space<hbm>> -> memref<80x128xf32, #tpu.memory_space<hbm>>
    tpu.wait_dma2 semaphore(%arg11 : memref<!tpu.dma_semaphore, #tpu.memory_space<semaphore_mem>>) src(%arg7 : memref<80x128xf32, #tpu.memory_space<vmem>>) dst(%dma_wait3A_1036 : memref<80x128xf32, #tpu.memory_space<hbm>>)
    %dma_start3A_1037 = arith.constant 4640 : i32
    %dma_start3A_1038 = tpu.memref_slice %arg6[%dma_start3A_1037] : memref<10000xi32, #tpu.memory_space<vmem>> -> memref<80xi32, #tpu.memory_space<vmem>>
    %dma_start3A_1039 = arith.constant 0 : i32
    %dma_start3A_1040 = arith.constant 0 : i32
    %dma_start3A_1041 = tpu.memref_slice %arg5[%dma_start3A_1039, %dma_start3A_1040] : memref<10000x128xf32, #tpu.memory_space<vmem_shared>> -> memref<10000x128xf32, #tpu.memory_space<vmem_shared>>
    tpu.enqueue_indirect_dma source(%dma_start3A_1041 : memref<10000x128xf32, #tpu.memory_space<vmem_shared>>) target(%arg7 : memref<80x128xf32, #tpu.memory_space<vmem>>) offsets(%dma_start3A_1038 : memref<80xi32, #tpu.memory_space<vmem>>) semaphore(%arg9 : memref<!tpu.dma_semaphore, #tpu.memory_space<semaphore_mem>>)
    %dma_wait3A_1042 = arith.constant 4560 : i32
    %dma_wait3A_1043 = tpu.memref_slice %arg6[%dma_wait3A_1042] : memref<10000xi32, #tpu.memory_space<vmem>> -> memref<80xi32, #tpu.memory_space<vmem>>
    %dma_wait3A_1044 = arith.constant 0 : i32
    %dma_wait3A_1045 = arith.constant 0 : i32
    %dma_wait3A_1046 = tpu.memref_slice %arg5[%dma_wait3A_1044, %dma_wait3A_1045] : memref<10000x128xf32, #tpu.memory_space<vmem_shared>> -> memref<10000x128xf32, #tpu.memory_space<vmem_shared>>
    tpu.wait_indirect_dma semaphore(%arg10 : memref<!tpu.dma_semaphore, #tpu.memory_space<semaphore_mem>>) src(%dma_wait3A_1046 : memref<10000x128xf32, #tpu.memory_space<vmem_shared>>) dst(%arg8 : memref<80x128xf32, #tpu.memory_space<vmem>>)
    %dma_start3A_1047 = arith.constant 4560 : i32
    %dma_start3A_1048 = tpu.memref_slice %arg4[%dma_start3A_1047, %multiple_of3A_5] : memref<10000x4096xf32, #tpu.memory_space<hbm>> -> memref<80x128xf32, #tpu.memory_space<hbm>>
    %dma_start3A_1049 = arith.constant 4560 : i32
    %dma_start3A_1050 = tpu.memref_slice %arg4[%dma_start3A_1049, %multiple_of3A_5] : memref<10000x4096xf32, #tpu.memory_space<hbm>> -> memref<80x128xf32, #tpu.memory_space<hbm>>
    tpu.enqueue_dma source(%arg8 : memref<80x128xf32, #tpu.memory_space<vmem>>) target(%dma_start3A_1050 : memref<80x128xf32, #tpu.memory_space<hbm>>) target_semaphore(%arg12 : memref<!tpu.dma_semaphore, #tpu.memory_space<semaphore_mem>>)
    %dma_wait3A_1051 = arith.constant 4560 : i32
    %dma_wait3A_1052 = tpu.memref_slice %arg4[%dma_wait3A_1051, %multiple_of3A_5] : memref<10000x4096xf32, #tpu.memory_space<hbm>> -> memref<80x128xf32, #tpu.memory_space<hbm>>
    %dma_wait3A_1053 = arith.constant 4560 : i32
    %dma_wait3A_1054 = tpu.memref_slice %arg4[%dma_wait3A_1053, %multiple_of3A_5] : memref<10000x4096xf32, #tpu.memory_space<hbm>> -> memref<80x128xf32, #tpu.memory_space<hbm>>
    tpu.wait_dma2 semaphore(%arg12 : memref<!tpu.dma_semaphore, #tpu.memory_space<semaphore_mem>>) src(%arg8 : memref<80x128xf32, #tpu.memory_space<vmem>>) dst(%dma_wait3A_1054 : memref<80x128xf32, #tpu.memory_space<hbm>>)
    %dma_start3A_1055 = arith.constant 4720 : i32
    %dma_start3A_1056 = tpu.memref_slice %arg6[%dma_start3A_1055] : memref<10000xi32, #tpu.memory_space<vmem>> -> memref<80xi32, #tpu.memory_space<vmem>>
    %dma_start3A_1057 = arith.constant 0 : i32
    %dma_start3A_1058 = arith.constant 0 : i32
    %dma_start3A_1059 = tpu.memref_slice %arg5[%dma_start3A_1057, %dma_start3A_1058] : memref<10000x128xf32, #tpu.memory_space<vmem_shared>> -> memref<10000x128xf32, #tpu.memory_space<vmem_shared>>
    tpu.enqueue_indirect_dma source(%dma_start3A_1059 : memref<10000x128xf32, #tpu.memory_space<vmem_shared>>) target(%arg8 : memref<80x128xf32, #tpu.memory_space<vmem>>) offsets(%dma_start3A_1056 : memref<80xi32, #tpu.memory_space<vmem>>) semaphore(%arg10 : memref<!tpu.dma_semaphore, #tpu.memory_space<semaphore_mem>>)
    %dma_wait3A_1060 = arith.constant 4640 : i32
    %dma_wait3A_1061 = tpu.memref_slice %arg6[%dma_wait3A_1060] : memref<10000xi32, #tpu.memory_space<vmem>> -> memref<80xi32, #tpu.memory_space<vmem>>
    %dma_wait3A_1062 = arith.constant 0 : i32
    %dma_wait3A_1063 = arith.constant 0 : i32
    %dma_wait3A_1064 = tpu.memref_slice %arg5[%dma_wait3A_1062, %dma_wait3A_1063] : memref<10000x128xf32, #tpu.memory_space<vmem_shared>> -> memref<10000x128xf32, #tpu.memory_space<vmem_shared>>
    tpu.wait_indirect_dma semaphore(%arg9 : memref<!tpu.dma_semaphore, #tpu.memory_space<semaphore_mem>>) src(%dma_wait3A_1064 : memref<10000x128xf32, #tpu.memory_space<vmem_shared>>) dst(%arg7 : memref<80x128xf32, #tpu.memory_space<vmem>>)
    %dma_start3A_1065 = arith.constant 4640 : i32
    %dma_start3A_1066 = tpu.memref_slice %arg4[%dma_start3A_1065, %multiple_of3A_5] : memref<10000x4096xf32, #tpu.memory_space<hbm>> -> memref<80x128xf32, #tpu.memory_space<hbm>>
    %dma_start3A_1067 = arith.constant 4640 : i32
    %dma_start3A_1068 = tpu.memref_slice %arg4[%dma_start3A_1067, %multiple_of3A_5] : memref<10000x4096xf32, #tpu.memory_space<hbm>> -> memref<80x128xf32, #tpu.memory_space<hbm>>
    tpu.enqueue_dma source(%arg7 : memref<80x128xf32, #tpu.memory_space<vmem>>) target(%dma_start3A_1068 : memref<80x128xf32, #tpu.memory_space<hbm>>) target_semaphore(%arg11 : memref<!tpu.dma_semaphore, #tpu.memory_space<semaphore_mem>>)
    %dma_wait3A_1069 = arith.constant 4640 : i32
    %dma_wait3A_1070 = tpu.memref_slice %arg4[%dma_wait3A_1069, %multiple_of3A_5] : memref<10000x4096xf32, #tpu.memory_space<hbm>> -> memref<80x128xf32, #tpu.memory_space<hbm>>
    %dma_wait3A_1071 = arith.constant 4640 : i32
    %dma_wait3A_1072 = tpu.memref_slice %arg4[%dma_wait3A_1071, %multiple_of3A_5] : memref<10000x4096xf32, #tpu.memory_space<hbm>> -> memref<80x128xf32, #tpu.memory_space<hbm>>
    tpu.wait_dma2 semaphore(%arg11 : memref<!tpu.dma_semaphore, #tpu.memory_space<semaphore_mem>>) src(%arg7 : memref<80x128xf32, #tpu.memory_space<vmem>>) dst(%dma_wait3A_1072 : memref<80x128xf32, #tpu.memory_space<hbm>>)
    %dma_start3A_1073 = arith.constant 4800 : i32
    %dma_start3A_1074 = tpu.memref_slice %arg6[%dma_start3A_1073] : memref<10000xi32, #tpu.memory_space<vmem>> -> memref<80xi32, #tpu.memory_space<vmem>>
    %dma_start3A_1075 = arith.constant 0 : i32
    %dma_start3A_1076 = arith.constant 0 : i32
    %dma_start3A_1077 = tpu.memref_slice %arg5[%dma_start3A_1075, %dma_start3A_1076] : memref<10000x128xf32, #tpu.memory_space<vmem_shared>> -> memref<10000x128xf32, #tpu.memory_space<vmem_shared>>
    tpu.enqueue_indirect_dma source(%dma_start3A_1077 : memref<10000x128xf32, #tpu.memory_space<vmem_shared>>) target(%arg7 : memref<80x128xf32, #tpu.memory_space<vmem>>) offsets(%dma_start3A_1074 : memref<80xi32, #tpu.memory_space<vmem>>) semaphore(%arg9 : memref<!tpu.dma_semaphore, #tpu.memory_space<semaphore_mem>>)
    %dma_wait3A_1078 = arith.constant 4720 : i32
    %dma_wait3A_1079 = tpu.memref_slice %arg6[%dma_wait3A_1078] : memref<10000xi32, #tpu.memory_space<vmem>> -> memref<80xi32, #tpu.memory_space<vmem>>
    %dma_wait3A_1080 = arith.constant 0 : i32
    %dma_wait3A_1081 = arith.constant 0 : i32
    %dma_wait3A_1082 = tpu.memref_slice %arg5[%dma_wait3A_1080, %dma_wait3A_1081] : memref<10000x128xf32, #tpu.memory_space<vmem_shared>> -> memref<10000x128xf32, #tpu.memory_space<vmem_shared>>
    tpu.wait_indirect_dma semaphore(%arg10 : memref<!tpu.dma_semaphore, #tpu.memory_space<semaphore_mem>>) src(%dma_wait3A_1082 : memref<10000x128xf32, #tpu.memory_space<vmem_shared>>) dst(%arg8 : memref<80x128xf32, #tpu.memory_space<vmem>>)
    %dma_start3A_1083 = arith.constant 4720 : i32
    %dma_start3A_1084 = tpu.memref_slice %arg4[%dma_start3A_1083, %multiple_of3A_5] : memref<10000x4096xf32, #tpu.memory_space<hbm>> -> memref<80x128xf32, #tpu.memory_space<hbm>>
    %dma_start3A_1085 = arith.constant 4720 : i32
    %dma_start3A_1086 = tpu.memref_slice %arg4[%dma_start3A_1085, %multiple_of3A_5] : memref<10000x4096xf32, #tpu.memory_space<hbm>> -> memref<80x128xf32, #tpu.memory_space<hbm>>
    tpu.enqueue_dma source(%arg8 : memref<80x128xf32, #tpu.memory_space<vmem>>) target(%dma_start3A_1086 : memref<80x128xf32, #tpu.memory_space<hbm>>) target_semaphore(%arg12 : memref<!tpu.dma_semaphore, #tpu.memory_space<semaphore_mem>>)
    %dma_wait3A_1087 = arith.constant 4720 : i32
    %dma_wait3A_1088 = tpu.memref_slice %arg4[%dma_wait3A_1087, %multiple_of3A_5] : memref<10000x4096xf32, #tpu.memory_space<hbm>> -> memref<80x128xf32, #tpu.memory_space<hbm>>
    %dma_wait3A_1089 = arith.constant 4720 : i32
    %dma_wait3A_1090 = tpu.memref_slice %arg4[%dma_wait3A_1089, %multiple_of3A_5] : memref<10000x4096xf32, #tpu.memory_space<hbm>> -> memref<80x128xf32, #tpu.memory_space<hbm>>
    tpu.wait_dma2 semaphore(%arg12 : memref<!tpu.dma_semaphore, #tpu.memory_space<semaphore_mem>>) src(%arg8 : memref<80x128xf32, #tpu.memory_space<vmem>>) dst(%dma_wait3A_1090 : memref<80x128xf32, #tpu.memory_space<hbm>>)
    %dma_start3A_1091 = arith.constant 4880 : i32
    %dma_start3A_1092 = tpu.memref_slice %arg6[%dma_start3A_1091] : memref<10000xi32, #tpu.memory_space<vmem>> -> memref<80xi32, #tpu.memory_space<vmem>>
    %dma_start3A_1093 = arith.constant 0 : i32
    %dma_start3A_1094 = arith.constant 0 : i32
    %dma_start3A_1095 = tpu.memref_slice %arg5[%dma_start3A_1093, %dma_start3A_1094] : memref<10000x128xf32, #tpu.memory_space<vmem_shared>> -> memref<10000x128xf32, #tpu.memory_space<vmem_shared>>
    tpu.enqueue_indirect_dma source(%dma_start3A_1095 : memref<10000x128xf32, #tpu.memory_space<vmem_shared>>) target(%arg8 : memref<80x128xf32, #tpu.memory_space<vmem>>) offsets(%dma_start3A_1092 : memref<80xi32, #tpu.memory_space<vmem>>) semaphore(%arg10 : memref<!tpu.dma_semaphore, #tpu.memory_space<semaphore_mem>>)
    %dma_wait3A_1096 = arith.constant 4800 : i32
    %dma_wait3A_1097 = tpu.memref_slice %arg6[%dma_wait3A_1096] : memref<10000xi32, #tpu.memory_space<vmem>> -> memref<80xi32, #tpu.memory_space<vmem>>
    %dma_wait3A_1098 = arith.constant 0 : i32
    %dma_wait3A_1099 = arith.constant 0 : i32
    %dma_wait3A_1100 = tpu.memref_slice %arg5[%dma_wait3A_1098, %dma_wait3A_1099] : memref<10000x128xf32, #tpu.memory_space<vmem_shared>> -> memref<10000x128xf32, #tpu.memory_space<vmem_shared>>
    tpu.wait_indirect_dma semaphore(%arg9 : memref<!tpu.dma_semaphore, #tpu.memory_space<semaphore_mem>>) src(%dma_wait3A_1100 : memref<10000x128xf32, #tpu.memory_space<vmem_shared>>) dst(%arg7 : memref<80x128xf32, #tpu.memory_space<vmem>>)
    %dma_start3A_1101 = arith.constant 4800 : i32
    %dma_start3A_1102 = tpu.memref_slice %arg4[%dma_start3A_1101, %multiple_of3A_5] : memref<10000x4096xf32, #tpu.memory_space<hbm>> -> memref<80x128xf32, #tpu.memory_space<hbm>>
    %dma_start3A_1103 = arith.constant 4800 : i32
    %dma_start3A_1104 = tpu.memref_slice %arg4[%dma_start3A_1103, %multiple_of3A_5] : memref<10000x4096xf32, #tpu.memory_space<hbm>> -> memref<80x128xf32, #tpu.memory_space<hbm>>
    tpu.enqueue_dma source(%arg7 : memref<80x128xf32, #tpu.memory_space<vmem>>) target(%dma_start3A_1104 : memref<80x128xf32, #tpu.memory_space<hbm>>) target_semaphore(%arg11 : memref<!tpu.dma_semaphore, #tpu.memory_space<semaphore_mem>>)
    %dma_wait3A_1105 = arith.constant 4800 : i32
    %dma_wait3A_1106 = tpu.memref_slice %arg4[%dma_wait3A_1105, %multiple_of3A_5] : memref<10000x4096xf32, #tpu.memory_space<hbm>> -> memref<80x128xf32, #tpu.memory_space<hbm>>
    %dma_wait3A_1107 = arith.constant 4800 : i32
    %dma_wait3A_1108 = tpu.memref_slice %arg4[%dma_wait3A_1107, %multiple_of3A_5] : memref<10000x4096xf32, #tpu.memory_space<hbm>> -> memref<80x128xf32, #tpu.memory_space<hbm>>
    tpu.wait_dma2 semaphore(%arg11 : memref<!tpu.dma_semaphore, #tpu.memory_space<semaphore_mem>>) src(%arg7 : memref<80x128xf32, #tpu.memory_space<vmem>>) dst(%dma_wait3A_1108 : memref<80x128xf32, #tpu.memory_space<hbm>>)
    %dma_start3A_1109 = arith.constant 4960 : i32
    %dma_start3A_1110 = tpu.memref_slice %arg6[%dma_start3A_1109] : memref<10000xi32, #tpu.memory_space<vmem>> -> memref<80xi32, #tpu.memory_space<vmem>>
    %dma_start3A_1111 = arith.constant 0 : i32
    %dma_start3A_1112 = arith.constant 0 : i32
    %dma_start3A_1113 = tpu.memref_slice %arg5[%dma_start3A_1111, %dma_start3A_1112] : memref<10000x128xf32, #tpu.memory_space<vmem_shared>> -> memref<10000x128xf32, #tpu.memory_space<vmem_shared>>
    tpu.enqueue_indirect_dma source(%dma_start3A_1113 : memref<10000x128xf32, #tpu.memory_space<vmem_shared>>) target(%arg7 : memref<80x128xf32, #tpu.memory_space<vmem>>) offsets(%dma_start3A_1110 : memref<80xi32, #tpu.memory_space<vmem>>) semaphore(%arg9 : memref<!tpu.dma_semaphore, #tpu.memory_space<semaphore_mem>>)
    %dma_wait3A_1114 = arith.constant 4880 : i32
    %dma_wait3A_1115 = tpu.memref_slice %arg6[%dma_wait3A_1114] : memref<10000xi32, #tpu.memory_space<vmem>> -> memref<80xi32, #tpu.memory_space<vmem>>
    %dma_wait3A_1116 = arith.constant 0 : i32
    %dma_wait3A_1117 = arith.constant 0 : i32
    %dma_wait3A_1118 = tpu.memref_slice %arg5[%dma_wait3A_1116, %dma_wait3A_1117] : memref<10000x128xf32, #tpu.memory_space<vmem_shared>> -> memref<10000x128xf32, #tpu.memory_space<vmem_shared>>
    tpu.wait_indirect_dma semaphore(%arg10 : memref<!tpu.dma_semaphore, #tpu.memory_space<semaphore_mem>>) src(%dma_wait3A_1118 : memref<10000x128xf32, #tpu.memory_space<vmem_shared>>) dst(%arg8 : memref<80x128xf32, #tpu.memory_space<vmem>>)
    %dma_start3A_1119 = arith.constant 4880 : i32
    %dma_start3A_1120 = tpu.memref_slice %arg4[%dma_start3A_1119, %multiple_of3A_5] : memref<10000x4096xf32, #tpu.memory_space<hbm>> -> memref<80x128xf32, #tpu.memory_space<hbm>>
    %dma_start3A_1121 = arith.constant 4880 : i32
    %dma_start3A_1122 = tpu.memref_slice %arg4[%dma_start3A_1121, %multiple_of3A_5] : memref<10000x4096xf32, #tpu.memory_space<hbm>> -> memref<80x128xf32, #tpu.memory_space<hbm>>
    tpu.enqueue_dma source(%arg8 : memref<80x128xf32, #tpu.memory_space<vmem>>) target(%dma_start3A_1122 : memref<80x128xf32, #tpu.memory_space<hbm>>) target_semaphore(%arg12 : memref<!tpu.dma_semaphore, #tpu.memory_space<semaphore_mem>>)
    %dma_wait3A_1123 = arith.constant 4880 : i32
    %dma_wait3A_1124 = tpu.memref_slice %arg4[%dma_wait3A_1123, %multiple_of3A_5] : memref<10000x4096xf32, #tpu.memory_space<hbm>> -> memref<80x128xf32, #tpu.memory_space<hbm>>
    %dma_wait3A_1125 = arith.constant 4880 : i32
    %dma_wait3A_1126 = tpu.memref_slice %arg4[%dma_wait3A_1125, %multiple_of3A_5] : memref<10000x4096xf32, #tpu.memory_space<hbm>> -> memref<80x128xf32, #tpu.memory_space<hbm>>
    tpu.wait_dma2 semaphore(%arg12 : memref<!tpu.dma_semaphore, #tpu.memory_space<semaphore_mem>>) src(%arg8 : memref<80x128xf32, #tpu.memory_space<vmem>>) dst(%dma_wait3A_1126 : memref<80x128xf32, #tpu.memory_space<hbm>>)
    %dma_start3A_1127 = arith.constant 5040 : i32
    %dma_start3A_1128 = tpu.memref_slice %arg6[%dma_start3A_1127] : memref<10000xi32, #tpu.memory_space<vmem>> -> memref<80xi32, #tpu.memory_space<vmem>>
    %dma_start3A_1129 = arith.constant 0 : i32
    %dma_start3A_1130 = arith.constant 0 : i32
    %dma_start3A_1131 = tpu.memref_slice %arg5[%dma_start3A_1129, %dma_start3A_1130] : memref<10000x128xf32, #tpu.memory_space<vmem_shared>> -> memref<10000x128xf32, #tpu.memory_space<vmem_shared>>
    tpu.enqueue_indirect_dma source(%dma_start3A_1131 : memref<10000x128xf32, #tpu.memory_space<vmem_shared>>) target(%arg8 : memref<80x128xf32, #tpu.memory_space<vmem>>) offsets(%dma_start3A_1128 : memref<80xi32, #tpu.memory_space<vmem>>) semaphore(%arg10 : memref<!tpu.dma_semaphore, #tpu.memory_space<semaphore_mem>>)
    %dma_wait3A_1132 = arith.constant 4960 : i32
    %dma_wait3A_1133 = tpu.memref_slice %arg6[%dma_wait3A_1132] : memref<10000xi32, #tpu.memory_space<vmem>> -> memref<80xi32, #tpu.memory_space<vmem>>
    %dma_wait3A_1134 = arith.constant 0 : i32
    %dma_wait3A_1135 = arith.constant 0 : i32
    %dma_wait3A_1136 = tpu.memref_slice %arg5[%dma_wait3A_1134, %dma_wait3A_1135] : memref<10000x128xf32, #tpu.memory_space<vmem_shared>> -> memref<10000x128xf32, #tpu.memory_space<vmem_shared>>
    tpu.wait_indirect_dma semaphore(%arg9 : memref<!tpu.dma_semaphore, #tpu.memory_space<semaphore_mem>>) src(%dma_wait3A_1136 : memref<10000x128xf32, #tpu.memory_space<vmem_shared>>) dst(%arg7 : memref<80x128xf32, #tpu.memory_space<vmem>>)
    %dma_start3A_1137 = arith.constant 4960 : i32
    %dma_start3A_1138 = tpu.memref_slice %arg4[%dma_start3A_1137, %multiple_of3A_5] : memref<10000x4096xf32, #tpu.memory_space<hbm>> -> memref<80x128xf32, #tpu.memory_space<hbm>>
    %dma_start3A_1139 = arith.constant 4960 : i32
    %dma_start3A_1140 = tpu.memref_slice %arg4[%dma_start3A_1139, %multiple_of3A_5] : memref<10000x4096xf32, #tpu.memory_space<hbm>> -> memref<80x128xf32, #tpu.memory_space<hbm>>
    tpu.enqueue_dma source(%arg7 : memref<80x128xf32, #tpu.memory_space<vmem>>) target(%dma_start3A_1140 : memref<80x128xf32, #tpu.memory_space<hbm>>) target_semaphore(%arg11 : memref<!tpu.dma_semaphore, #tpu.memory_space<semaphore_mem>>)
    %dma_wait3A_1141 = arith.constant 4960 : i32
    %dma_wait3A_1142 = tpu.memref_slice %arg4[%dma_wait3A_1141, %multiple_of3A_5] : memref<10000x4096xf32, #tpu.memory_space<hbm>> -> memref<80x128xf32, #tpu.memory_space<hbm>>
    %dma_wait3A_1143 = arith.constant 4960 : i32
    %dma_wait3A_1144 = tpu.memref_slice %arg4[%dma_wait3A_1143, %multiple_of3A_5] : memref<10000x4096xf32, #tpu.memory_space<hbm>> -> memref<80x128xf32, #tpu.memory_space<hbm>>
    tpu.wait_dma2 semaphore(%arg11 : memref<!tpu.dma_semaphore, #tpu.memory_space<semaphore_mem>>) src(%arg7 : memref<80x128xf32, #tpu.memory_space<vmem>>) dst(%dma_wait3A_1144 : memref<80x128xf32, #tpu.memory_space<hbm>>)
    %dma_start3A_1145 = arith.constant 5120 : i32
    %dma_start3A_1146 = tpu.memref_slice %arg6[%dma_start3A_1145] : memref<10000xi32, #tpu.memory_space<vmem>> -> memref<80xi32, #tpu.memory_space<vmem>>
    %dma_start3A_1147 = arith.constant 0 : i32
    %dma_start3A_1148 = arith.constant 0 : i32
    %dma_start3A_1149 = tpu.memref_slice %arg5[%dma_start3A_1147, %dma_start3A_1148] : memref<10000x128xf32, #tpu.memory_space<vmem_shared>> -> memref<10000x128xf32, #tpu.memory_space<vmem_shared>>
    tpu.enqueue_indirect_dma source(%dma_start3A_1149 : memref<10000x128xf32, #tpu.memory_space<vmem_shared>>) target(%arg7 : memref<80x128xf32, #tpu.memory_space<vmem>>) offsets(%dma_start3A_1146 : memref<80xi32, #tpu.memory_space<vmem>>) semaphore(%arg9 : memref<!tpu.dma_semaphore, #tpu.memory_space<semaphore_mem>>)
    %dma_wait3A_1150 = arith.constant 5040 : i32
    %dma_wait3A_1151 = tpu.memref_slice %arg6[%dma_wait3A_1150] : memref<10000xi32, #tpu.memory_space<vmem>> -> memref<80xi32, #tpu.memory_space<vmem>>
    %dma_wait3A_1152 = arith.constant 0 : i32
    %dma_wait3A_1153 = arith.constant 0 : i32
    %dma_wait3A_1154 = tpu.memref_slice %arg5[%dma_wait3A_1152, %dma_wait3A_1153] : memref<10000x128xf32, #tpu.memory_space<vmem_shared>> -> memref<10000x128xf32, #tpu.memory_space<vmem_shared>>
    tpu.wait_indirect_dma semaphore(%arg10 : memref<!tpu.dma_semaphore, #tpu.memory_space<semaphore_mem>>) src(%dma_wait3A_1154 : memref<10000x128xf32, #tpu.memory_space<vmem_shared>>) dst(%arg8 : memref<80x128xf32, #tpu.memory_space<vmem>>)
    %dma_start3A_1155 = arith.constant 5040 : i32
    %dma_start3A_1156 = tpu.memref_slice %arg4[%dma_start3A_1155, %multiple_of3A_5] : memref<10000x4096xf32, #tpu.memory_space<hbm>> -> memref<80x128xf32, #tpu.memory_space<hbm>>
    %dma_start3A_1157 = arith.constant 5040 : i32
    %dma_start3A_1158 = tpu.memref_slice %arg4[%dma_start3A_1157, %multiple_of3A_5] : memref<10000x4096xf32, #tpu.memory_space<hbm>> -> memref<80x128xf32, #tpu.memory_space<hbm>>
    tpu.enqueue_dma source(%arg8 : memref<80x128xf32, #tpu.memory_space<vmem>>) target(%dma_start3A_1158 : memref<80x128xf32, #tpu.memory_space<hbm>>) target_semaphore(%arg12 : memref<!tpu.dma_semaphore, #tpu.memory_space<semaphore_mem>>)
    %dma_wait3A_1159 = arith.constant 5040 : i32
    %dma_wait3A_1160 = tpu.memref_slice %arg4[%dma_wait3A_1159, %multiple_of3A_5] : memref<10000x4096xf32, #tpu.memory_space<hbm>> -> memref<80x128xf32, #tpu.memory_space<hbm>>
    %dma_wait3A_1161 = arith.constant 5040 : i32
    %dma_wait3A_1162 = tpu.memref_slice %arg4[%dma_wait3A_1161, %multiple_of3A_5] : memref<10000x4096xf32, #tpu.memory_space<hbm>> -> memref<80x128xf32, #tpu.memory_space<hbm>>
    tpu.wait_dma2 semaphore(%arg12 : memref<!tpu.dma_semaphore, #tpu.memory_space<semaphore_mem>>) src(%arg8 : memref<80x128xf32, #tpu.memory_space<vmem>>) dst(%dma_wait3A_1162 : memref<80x128xf32, #tpu.memory_space<hbm>>)
    %dma_start3A_1163 = arith.constant 5200 : i32
    %dma_start3A_1164 = tpu.memref_slice %arg6[%dma_start3A_1163] : memref<10000xi32, #tpu.memory_space<vmem>> -> memref<80xi32, #tpu.memory_space<vmem>>
    %dma_start3A_1165 = arith.constant 0 : i32
    %dma_start3A_1166 = arith.constant 0 : i32
    %dma_start3A_1167 = tpu.memref_slice %arg5[%dma_start3A_1165, %dma_start3A_1166] : memref<10000x128xf32, #tpu.memory_space<vmem_shared>> -> memref<10000x128xf32, #tpu.memory_space<vmem_shared>>
    tpu.enqueue_indirect_dma source(%dma_start3A_1167 : memref<10000x128xf32, #tpu.memory_space<vmem_shared>>) target(%arg8 : memref<80x128xf32, #tpu.memory_space<vmem>>) offsets(%dma_start3A_1164 : memref<80xi32, #tpu.memory_space<vmem>>) semaphore(%arg10 : memref<!tpu.dma_semaphore, #tpu.memory_space<semaphore_mem>>)
    %dma_wait3A_1168 = arith.constant 5120 : i32
    %dma_wait3A_1169 = tpu.memref_slice %arg6[%dma_wait3A_1168] : memref<10000xi32, #tpu.memory_space<vmem>> -> memref<80xi32, #tpu.memory_space<vmem>>
    %dma_wait3A_1170 = arith.constant 0 : i32
    %dma_wait3A_1171 = arith.constant 0 : i32
    %dma_wait3A_1172 = tpu.memref_slice %arg5[%dma_wait3A_1170, %dma_wait3A_1171] : memref<10000x128xf32, #tpu.memory_space<vmem_shared>> -> memref<10000x128xf32, #tpu.memory_space<vmem_shared>>
    tpu.wait_indirect_dma semaphore(%arg9 : memref<!tpu.dma_semaphore, #tpu.memory_space<semaphore_mem>>) src(%dma_wait3A_1172 : memref<10000x128xf32, #tpu.memory_space<vmem_shared>>) dst(%arg7 : memref<80x128xf32, #tpu.memory_space<vmem>>)
    %dma_start3A_1173 = arith.constant 5120 : i32
    %dma_start3A_1174 = tpu.memref_slice %arg4[%dma_start3A_1173, %multiple_of3A_5] : memref<10000x4096xf32, #tpu.memory_space<hbm>> -> memref<80x128xf32, #tpu.memory_space<hbm>>
    %dma_start3A_1175 = arith.constant 5120 : i32
    %dma_start3A_1176 = tpu.memref_slice %arg4[%dma_start3A_1175, %multiple_of3A_5] : memref<10000x4096xf32, #tpu.memory_space<hbm>> -> memref<80x128xf32, #tpu.memory_space<hbm>>
    tpu.enqueue_dma source(%arg7 : memref<80x128xf32, #tpu.memory_space<vmem>>) target(%dma_start3A_1176 : memref<80x128xf32, #tpu.memory_space<hbm>>) target_semaphore(%arg11 : memref<!tpu.dma_semaphore, #tpu.memory_space<semaphore_mem>>)
    %dma_wait3A_1177 = arith.constant 5120 : i32
    %dma_wait3A_1178 = tpu.memref_slice %arg4[%dma_wait3A_1177, %multiple_of3A_5] : memref<10000x4096xf32, #tpu.memory_space<hbm>> -> memref<80x128xf32, #tpu.memory_space<hbm>>
    %dma_wait3A_1179 = arith.constant 5120 : i32
    %dma_wait3A_1180 = tpu.memref_slice %arg4[%dma_wait3A_1179, %multiple_of3A_5] : memref<10000x4096xf32, #tpu.memory_space<hbm>> -> memref<80x128xf32, #tpu.memory_space<hbm>>
    tpu.wait_dma2 semaphore(%arg11 : memref<!tpu.dma_semaphore, #tpu.memory_space<semaphore_mem>>) src(%arg7 : memref<80x128xf32, #tpu.memory_space<vmem>>) dst(%dma_wait3A_1180 : memref<80x128xf32, #tpu.memory_space<hbm>>)
    %dma_start3A_1181 = arith.constant 5280 : i32
    %dma_start3A_1182 = tpu.memref_slice %arg6[%dma_start3A_1181] : memref<10000xi32, #tpu.memory_space<vmem>> -> memref<80xi32, #tpu.memory_space<vmem>>
    %dma_start3A_1183 = arith.constant 0 : i32
    %dma_start3A_1184 = arith.constant 0 : i32
    %dma_start3A_1185 = tpu.memref_slice %arg5[%dma_start3A_1183, %dma_start3A_1184] : memref<10000x128xf32, #tpu.memory_space<vmem_shared>> -> memref<10000x128xf32, #tpu.memory_space<vmem_shared>>
    tpu.enqueue_indirect_dma source(%dma_start3A_1185 : memref<10000x128xf32, #tpu.memory_space<vmem_shared>>) target(%arg7 : memref<80x128xf32, #tpu.memory_space<vmem>>) offsets(%dma_start3A_1182 : memref<80xi32, #tpu.memory_space<vmem>>) semaphore(%arg9 : memref<!tpu.dma_semaphore, #tpu.memory_space<semaphore_mem>>)
    %dma_wait3A_1186 = arith.constant 5200 : i32
    %dma_wait3A_1187 = tpu.memref_slice %arg6[%dma_wait3A_1186] : memref<10000xi32, #tpu.memory_space<vmem>> -> memref<80xi32, #tpu.memory_space<vmem>>
    %dma_wait3A_1188 = arith.constant 0 : i32
    %dma_wait3A_1189 = arith.constant 0 : i32
    %dma_wait3A_1190 = tpu.memref_slice %arg5[%dma_wait3A_1188, %dma_wait3A_1189] : memref<10000x128xf32, #tpu.memory_space<vmem_shared>> -> memref<10000x128xf32, #tpu.memory_space<vmem_shared>>
    tpu.wait_indirect_dma semaphore(%arg10 : memref<!tpu.dma_semaphore, #tpu.memory_space<semaphore_mem>>) src(%dma_wait3A_1190 : memref<10000x128xf32, #tpu.memory_space<vmem_shared>>) dst(%arg8 : memref<80x128xf32, #tpu.memory_space<vmem>>)
    %dma_start3A_1191 = arith.constant 5200 : i32
    %dma_start3A_1192 = tpu.memref_slice %arg4[%dma_start3A_1191, %multiple_of3A_5] : memref<10000x4096xf32, #tpu.memory_space<hbm>> -> memref<80x128xf32, #tpu.memory_space<hbm>>
    %dma_start3A_1193 = arith.constant 5200 : i32
    %dma_start3A_1194 = tpu.memref_slice %arg4[%dma_start3A_1193, %multiple_of3A_5] : memref<10000x4096xf32, #tpu.memory_space<hbm>> -> memref<80x128xf32, #tpu.memory_space<hbm>>
    tpu.enqueue_dma source(%arg8 : memref<80x128xf32, #tpu.memory_space<vmem>>) target(%dma_start3A_1194 : memref<80x128xf32, #tpu.memory_space<hbm>>) target_semaphore(%arg12 : memref<!tpu.dma_semaphore, #tpu.memory_space<semaphore_mem>>)
    %dma_wait3A_1195 = arith.constant 5200 : i32
    %dma_wait3A_1196 = tpu.memref_slice %arg4[%dma_wait3A_1195, %multiple_of3A_5] : memref<10000x4096xf32, #tpu.memory_space<hbm>> -> memref<80x128xf32, #tpu.memory_space<hbm>>
    %dma_wait3A_1197 = arith.constant 5200 : i32
    %dma_wait3A_1198 = tpu.memref_slice %arg4[%dma_wait3A_1197, %multiple_of3A_5] : memref<10000x4096xf32, #tpu.memory_space<hbm>> -> memref<80x128xf32, #tpu.memory_space<hbm>>
    tpu.wait_dma2 semaphore(%arg12 : memref<!tpu.dma_semaphore, #tpu.memory_space<semaphore_mem>>) src(%arg8 : memref<80x128xf32, #tpu.memory_space<vmem>>) dst(%dma_wait3A_1198 : memref<80x128xf32, #tpu.memory_space<hbm>>)
    %dma_start3A_1199 = arith.constant 5360 : i32
    %dma_start3A_1200 = tpu.memref_slice %arg6[%dma_start3A_1199] : memref<10000xi32, #tpu.memory_space<vmem>> -> memref<80xi32, #tpu.memory_space<vmem>>
    %dma_start3A_1201 = arith.constant 0 : i32
    %dma_start3A_1202 = arith.constant 0 : i32
    %dma_start3A_1203 = tpu.memref_slice %arg5[%dma_start3A_1201, %dma_start3A_1202] : memref<10000x128xf32, #tpu.memory_space<vmem_shared>> -> memref<10000x128xf32, #tpu.memory_space<vmem_shared>>
    tpu.enqueue_indirect_dma source(%dma_start3A_1203 : memref<10000x128xf32, #tpu.memory_space<vmem_shared>>) target(%arg8 : memref<80x128xf32, #tpu.memory_space<vmem>>) offsets(%dma_start3A_1200 : memref<80xi32, #tpu.memory_space<vmem>>) semaphore(%arg10 : memref<!tpu.dma_semaphore, #tpu.memory_space<semaphore_mem>>)
    %dma_wait3A_1204 = arith.constant 5280 : i32
    %dma_wait3A_1205 = tpu.memref_slice %arg6[%dma_wait3A_1204] : memref<10000xi32, #tpu.memory_space<vmem>> -> memref<80xi32, #tpu.memory_space<vmem>>
    %dma_wait3A_1206 = arith.constant 0 : i32
    %dma_wait3A_1207 = arith.constant 0 : i32
    %dma_wait3A_1208 = tpu.memref_slice %arg5[%dma_wait3A_1206, %dma_wait3A_1207] : memref<10000x128xf32, #tpu.memory_space<vmem_shared>> -> memref<10000x128xf32, #tpu.memory_space<vmem_shared>>
    tpu.wait_indirect_dma semaphore(%arg9 : memref<!tpu.dma_semaphore, #tpu.memory_space<semaphore_mem>>) src(%dma_wait3A_1208 : memref<10000x128xf32, #tpu.memory_space<vmem_shared>>) dst(%arg7 : memref<80x128xf32, #tpu.memory_space<vmem>>)
    %dma_start3A_1209 = arith.constant 5280 : i32
    %dma_start3A_1210 = tpu.memref_slice %arg4[%dma_start3A_1209, %multiple_of3A_5] : memref<10000x4096xf32, #tpu.memory_space<hbm>> -> memref<80x128xf32, #tpu.memory_space<hbm>>
    %dma_start3A_1211 = arith.constant 5280 : i32
    %dma_start3A_1212 = tpu.memref_slice %arg4[%dma_start3A_1211, %multiple_of3A_5] : memref<10000x4096xf32, #tpu.memory_space<hbm>> -> memref<80x128xf32, #tpu.memory_space<hbm>>
    tpu.enqueue_dma source(%arg7 : memref<80x128xf32, #tpu.memory_space<vmem>>) target(%dma_start3A_1212 : memref<80x128xf32, #tpu.memory_space<hbm>>) target_semaphore(%arg11 : memref<!tpu.dma_semaphore, #tpu.memory_space<semaphore_mem>>)
    %dma_wait3A_1213 = arith.constant 5280 : i32
    %dma_wait3A_1214 = tpu.memref_slice %arg4[%dma_wait3A_1213, %multiple_of3A_5] : memref<10000x4096xf32, #tpu.memory_space<hbm>> -> memref<80x128xf32, #tpu.memory_space<hbm>>
    %dma_wait3A_1215 = arith.constant 5280 : i32
    %dma_wait3A_1216 = tpu.memref_slice %arg4[%dma_wait3A_1215, %multiple_of3A_5] : memref<10000x4096xf32, #tpu.memory_space<hbm>> -> memref<80x128xf32, #tpu.memory_space<hbm>>
    tpu.wait_dma2 semaphore(%arg11 : memref<!tpu.dma_semaphore, #tpu.memory_space<semaphore_mem>>) src(%arg7 : memref<80x128xf32, #tpu.memory_space<vmem>>) dst(%dma_wait3A_1216 : memref<80x128xf32, #tpu.memory_space<hbm>>)
    %dma_start3A_1217 = arith.constant 5440 : i32
    %dma_start3A_1218 = tpu.memref_slice %arg6[%dma_start3A_1217] : memref<10000xi32, #tpu.memory_space<vmem>> -> memref<80xi32, #tpu.memory_space<vmem>>
    %dma_start3A_1219 = arith.constant 0 : i32
    %dma_start3A_1220 = arith.constant 0 : i32
    %dma_start3A_1221 = tpu.memref_slice %arg5[%dma_start3A_1219, %dma_start3A_1220] : memref<10000x128xf32, #tpu.memory_space<vmem_shared>> -> memref<10000x128xf32, #tpu.memory_space<vmem_shared>>
    tpu.enqueue_indirect_dma source(%dma_start3A_1221 : memref<10000x128xf32, #tpu.memory_space<vmem_shared>>) target(%arg7 : memref<80x128xf32, #tpu.memory_space<vmem>>) offsets(%dma_start3A_1218 : memref<80xi32, #tpu.memory_space<vmem>>) semaphore(%arg9 : memref<!tpu.dma_semaphore, #tpu.memory_space<semaphore_mem>>)
    %dma_wait3A_1222 = arith.constant 5360 : i32
    %dma_wait3A_1223 = tpu.memref_slice %arg6[%dma_wait3A_1222] : memref<10000xi32, #tpu.memory_space<vmem>> -> memref<80xi32, #tpu.memory_space<vmem>>
    %dma_wait3A_1224 = arith.constant 0 : i32
    %dma_wait3A_1225 = arith.constant 0 : i32
    %dma_wait3A_1226 = tpu.memref_slice %arg5[%dma_wait3A_1224, %dma_wait3A_1225] : memref<10000x128xf32, #tpu.memory_space<vmem_shared>> -> memref<10000x128xf32, #tpu.memory_space<vmem_shared>>
    tpu.wait_indirect_dma semaphore(%arg10 : memref<!tpu.dma_semaphore, #tpu.memory_space<semaphore_mem>>) src(%dma_wait3A_1226 : memref<10000x128xf32, #tpu.memory_space<vmem_shared>>) dst(%arg8 : memref<80x128xf32, #tpu.memory_space<vmem>>)
    %dma_start3A_1227 = arith.constant 5360 : i32
    %dma_start3A_1228 = tpu.memref_slice %arg4[%dma_start3A_1227, %multiple_of3A_5] : memref<10000x4096xf32, #tpu.memory_space<hbm>> -> memref<80x128xf32, #tpu.memory_space<hbm>>
    %dma_start3A_1229 = arith.constant 5360 : i32
    %dma_start3A_1230 = tpu.memref_slice %arg4[%dma_start3A_1229, %multiple_of3A_5] : memref<10000x4096xf32, #tpu.memory_space<hbm>> -> memref<80x128xf32, #tpu.memory_space<hbm>>
    tpu.enqueue_dma source(%arg8 : memref<80x128xf32, #tpu.memory_space<vmem>>) target(%dma_start3A_1230 : memref<80x128xf32, #tpu.memory_space<hbm>>) target_semaphore(%arg12 : memref<!tpu.dma_semaphore, #tpu.memory_space<semaphore_mem>>)
    %dma_wait3A_1231 = arith.constant 5360 : i32
    %dma_wait3A_1232 = tpu.memref_slice %arg4[%dma_wait3A_1231, %multiple_of3A_5] : memref<10000x4096xf32, #tpu.memory_space<hbm>> -> memref<80x128xf32, #tpu.memory_space<hbm>>
    %dma_wait3A_1233 = arith.constant 5360 : i32
    %dma_wait3A_1234 = tpu.memref_slice %arg4[%dma_wait3A_1233, %multiple_of3A_5] : memref<10000x4096xf32, #tpu.memory_space<hbm>> -> memref<80x128xf32, #tpu.memory_space<hbm>>
    tpu.wait_dma2 semaphore(%arg12 : memref<!tpu.dma_semaphore, #tpu.memory_space<semaphore_mem>>) src(%arg8 : memref<80x128xf32, #tpu.memory_space<vmem>>) dst(%dma_wait3A_1234 : memref<80x128xf32, #tpu.memory_space<hbm>>)
    %dma_start3A_1235 = arith.constant 5520 : i32
    %dma_start3A_1236 = tpu.memref_slice %arg6[%dma_start3A_1235] : memref<10000xi32, #tpu.memory_space<vmem>> -> memref<80xi32, #tpu.memory_space<vmem>>
    %dma_start3A_1237 = arith.constant 0 : i32
    %dma_start3A_1238 = arith.constant 0 : i32
    %dma_start3A_1239 = tpu.memref_slice %arg5[%dma_start3A_1237, %dma_start3A_1238] : memref<10000x128xf32, #tpu.memory_space<vmem_shared>> -> memref<10000x128xf32, #tpu.memory_space<vmem_shared>>
    tpu.enqueue_indirect_dma source(%dma_start3A_1239 : memref<10000x128xf32, #tpu.memory_space<vmem_shared>>) target(%arg8 : memref<80x128xf32, #tpu.memory_space<vmem>>) offsets(%dma_start3A_1236 : memref<80xi32, #tpu.memory_space<vmem>>) semaphore(%arg10 : memref<!tpu.dma_semaphore, #tpu.memory_space<semaphore_mem>>)
    %dma_wait3A_1240 = arith.constant 5440 : i32
    %dma_wait3A_1241 = tpu.memref_slice %arg6[%dma_wait3A_1240] : memref<10000xi32, #tpu.memory_space<vmem>> -> memref<80xi32, #tpu.memory_space<vmem>>
    %dma_wait3A_1242 = arith.constant 0 : i32
    %dma_wait3A_1243 = arith.constant 0 : i32
    %dma_wait3A_1244 = tpu.memref_slice %arg5[%dma_wait3A_1242, %dma_wait3A_1243] : memref<10000x128xf32, #tpu.memory_space<vmem_shared>> -> memref<10000x128xf32, #tpu.memory_space<vmem_shared>>
    tpu.wait_indirect_dma semaphore(%arg9 : memref<!tpu.dma_semaphore, #tpu.memory_space<semaphore_mem>>) src(%dma_wait3A_1244 : memref<10000x128xf32, #tpu.memory_space<vmem_shared>>) dst(%arg7 : memref<80x128xf32, #tpu.memory_space<vmem>>)
    %dma_start3A_1245 = arith.constant 5440 : i32
    %dma_start3A_1246 = tpu.memref_slice %arg4[%dma_start3A_1245, %multiple_of3A_5] : memref<10000x4096xf32, #tpu.memory_space<hbm>> -> memref<80x128xf32, #tpu.memory_space<hbm>>
    %dma_start3A_1247 = arith.constant 5440 : i32
    %dma_start3A_1248 = tpu.memref_slice %arg4[%dma_start3A_1247, %multiple_of3A_5] : memref<10000x4096xf32, #tpu.memory_space<hbm>> -> memref<80x128xf32, #tpu.memory_space<hbm>>
    tpu.enqueue_dma source(%arg7 : memref<80x128xf32, #tpu.memory_space<vmem>>) target(%dma_start3A_1248 : memref<80x128xf32, #tpu.memory_space<hbm>>) target_semaphore(%arg11 : memref<!tpu.dma_semaphore, #tpu.memory_space<semaphore_mem>>)
    %dma_wait3A_1249 = arith.constant 5440 : i32
    %dma_wait3A_1250 = tpu.memref_slice %arg4[%dma_wait3A_1249, %multiple_of3A_5] : memref<10000x4096xf32, #tpu.memory_space<hbm>> -> memref<80x128xf32, #tpu.memory_space<hbm>>
    %dma_wait3A_1251 = arith.constant 5440 : i32
    %dma_wait3A_1252 = tpu.memref_slice %arg4[%dma_wait3A_1251, %multiple_of3A_5] : memref<10000x4096xf32, #tpu.memory_space<hbm>> -> memref<80x128xf32, #tpu.memory_space<hbm>>
    tpu.wait_dma2 semaphore(%arg11 : memref<!tpu.dma_semaphore, #tpu.memory_space<semaphore_mem>>) src(%arg7 : memref<80x128xf32, #tpu.memory_space<vmem>>) dst(%dma_wait3A_1252 : memref<80x128xf32, #tpu.memory_space<hbm>>)
    %dma_start3A_1253 = arith.constant 5600 : i32
    %dma_start3A_1254 = tpu.memref_slice %arg6[%dma_start3A_1253] : memref<10000xi32, #tpu.memory_space<vmem>> -> memref<80xi32, #tpu.memory_space<vmem>>
    %dma_start3A_1255 = arith.constant 0 : i32
    %dma_start3A_1256 = arith.constant 0 : i32
    %dma_start3A_1257 = tpu.memref_slice %arg5[%dma_start3A_1255, %dma_start3A_1256] : memref<10000x128xf32, #tpu.memory_space<vmem_shared>> -> memref<10000x128xf32, #tpu.memory_space<vmem_shared>>
    tpu.enqueue_indirect_dma source(%dma_start3A_1257 : memref<10000x128xf32, #tpu.memory_space<vmem_shared>>) target(%arg7 : memref<80x128xf32, #tpu.memory_space<vmem>>) offsets(%dma_start3A_1254 : memref<80xi32, #tpu.memory_space<vmem>>) semaphore(%arg9 : memref<!tpu.dma_semaphore, #tpu.memory_space<semaphore_mem>>)
    %dma_wait3A_1258 = arith.constant 5520 : i32
    %dma_wait3A_1259 = tpu.memref_slice %arg6[%dma_wait3A_1258] : memref<10000xi32, #tpu.memory_space<vmem>> -> memref<80xi32, #tpu.memory_space<vmem>>
    %dma_wait3A_1260 = arith.constant 0 : i32
    %dma_wait3A_1261 = arith.constant 0 : i32
    %dma_wait3A_1262 = tpu.memref_slice %arg5[%dma_wait3A_1260, %dma_wait3A_1261] : memref<10000x128xf32, #tpu.memory_space<vmem_shared>> -> memref<10000x128xf32, #tpu.memory_space<vmem_shared>>
    tpu.wait_indirect_dma semaphore(%arg10 : memref<!tpu.dma_semaphore, #tpu.memory_space<semaphore_mem>>) src(%dma_wait3A_1262 : memref<10000x128xf32, #tpu.memory_space<vmem_shared>>) dst(%arg8 : memref<80x128xf32, #tpu.memory_space<vmem>>)
    %dma_start3A_1263 = arith.constant 5520 : i32
    %dma_start3A_1264 = tpu.memref_slice %arg4[%dma_start3A_1263, %multiple_of3A_5] : memref<10000x4096xf32, #tpu.memory_space<hbm>> -> memref<80x128xf32, #tpu.memory_space<hbm>>
    %dma_start3A_1265 = arith.constant 5520 : i32
    %dma_start3A_1266 = tpu.memref_slice %arg4[%dma_start3A_1265, %multiple_of3A_5] : memref<10000x4096xf32, #tpu.memory_space<hbm>> -> memref<80x128xf32, #tpu.memory_space<hbm>>
    tpu.enqueue_dma source(%arg8 : memref<80x128xf32, #tpu.memory_space<vmem>>) target(%dma_start3A_1266 : memref<80x128xf32, #tpu.memory_space<hbm>>) target_semaphore(%arg12 : memref<!tpu.dma_semaphore, #tpu.memory_space<semaphore_mem>>)
    %dma_wait3A_1267 = arith.constant 5520 : i32
    %dma_wait3A_1268 = tpu.memref_slice %arg4[%dma_wait3A_1267, %multiple_of3A_5] : memref<10000x4096xf32, #tpu.memory_space<hbm>> -> memref<80x128xf32, #tpu.memory_space<hbm>>
    %dma_wait3A_1269 = arith.constant 5520 : i32
    %dma_wait3A_1270 = tpu.memref_slice %arg4[%dma_wait3A_1269, %multiple_of3A_5] : memref<10000x4096xf32, #tpu.memory_space<hbm>> -> memref<80x128xf32, #tpu.memory_space<hbm>>
    tpu.wait_dma2 semaphore(%arg12 : memref<!tpu.dma_semaphore, #tpu.memory_space<semaphore_mem>>) src(%arg8 : memref<80x128xf32, #tpu.memory_space<vmem>>) dst(%dma_wait3A_1270 : memref<80x128xf32, #tpu.memory_space<hbm>>)
    %dma_start3A_1271 = arith.constant 5680 : i32
    %dma_start3A_1272 = tpu.memref_slice %arg6[%dma_start3A_1271] : memref<10000xi32, #tpu.memory_space<vmem>> -> memref<80xi32, #tpu.memory_space<vmem>>
    %dma_start3A_1273 = arith.constant 0 : i32
    %dma_start3A_1274 = arith.constant 0 : i32
    %dma_start3A_1275 = tpu.memref_slice %arg5[%dma_start3A_1273, %dma_start3A_1274] : memref<10000x128xf32, #tpu.memory_space<vmem_shared>> -> memref<10000x128xf32, #tpu.memory_space<vmem_shared>>
    tpu.enqueue_indirect_dma source(%dma_start3A_1275 : memref<10000x128xf32, #tpu.memory_space<vmem_shared>>) target(%arg8 : memref<80x128xf32, #tpu.memory_space<vmem>>) offsets(%dma_start3A_1272 : memref<80xi32, #tpu.memory_space<vmem>>) semaphore(%arg10 : memref<!tpu.dma_semaphore, #tpu.memory_space<semaphore_mem>>)
    %dma_wait3A_1276 = arith.constant 5600 : i32
    %dma_wait3A_1277 = tpu.memref_slice %arg6[%dma_wait3A_1276] : memref<10000xi32, #tpu.memory_space<vmem>> -> memref<80xi32, #tpu.memory_space<vmem>>
    %dma_wait3A_1278 = arith.constant 0 : i32
    %dma_wait3A_1279 = arith.constant 0 : i32
    %dma_wait3A_1280 = tpu.memref_slice %arg5[%dma_wait3A_1278, %dma_wait3A_1279] : memref<10000x128xf32, #tpu.memory_space<vmem_shared>> -> memref<10000x128xf32, #tpu.memory_space<vmem_shared>>
    tpu.wait_indirect_dma semaphore(%arg9 : memref<!tpu.dma_semaphore, #tpu.memory_space<semaphore_mem>>) src(%dma_wait3A_1280 : memref<10000x128xf32, #tpu.memory_space<vmem_shared>>) dst(%arg7 : memref<80x128xf32, #tpu.memory_space<vmem>>)
    %dma_start3A_1281 = arith.constant 5600 : i32
    %dma_start3A_1282 = tpu.memref_slice %arg4[%dma_start3A_1281, %multiple_of3A_5] : memref<10000x4096xf32, #tpu.memory_space<hbm>> -> memref<80x128xf32, #tpu.memory_space<hbm>>
    %dma_start3A_1283 = arith.constant 5600 : i32
    %dma_start3A_1284 = tpu.memref_slice %arg4[%dma_start3A_1283, %multiple_of3A_5] : memref<10000x4096xf32, #tpu.memory_space<hbm>> -> memref<80x128xf32, #tpu.memory_space<hbm>>
    tpu.enqueue_dma source(%arg7 : memref<80x128xf32, #tpu.memory_space<vmem>>) target(%dma_start3A_1284 : memref<80x128xf32, #tpu.memory_space<hbm>>) target_semaphore(%arg11 : memref<!tpu.dma_semaphore, #tpu.memory_space<semaphore_mem>>)
    %dma_wait3A_1285 = arith.constant 5600 : i32
    %dma_wait3A_1286 = tpu.memref_slice %arg4[%dma_wait3A_1285, %multiple_of3A_5] : memref<10000x4096xf32, #tpu.memory_space<hbm>> -> memref<80x128xf32, #tpu.memory_space<hbm>>
    %dma_wait3A_1287 = arith.constant 5600 : i32
    %dma_wait3A_1288 = tpu.memref_slice %arg4[%dma_wait3A_1287, %multiple_of3A_5] : memref<10000x4096xf32, #tpu.memory_space<hbm>> -> memref<80x128xf32, #tpu.memory_space<hbm>>
    tpu.wait_dma2 semaphore(%arg11 : memref<!tpu.dma_semaphore, #tpu.memory_space<semaphore_mem>>) src(%arg7 : memref<80x128xf32, #tpu.memory_space<vmem>>) dst(%dma_wait3A_1288 : memref<80x128xf32, #tpu.memory_space<hbm>>)
    %dma_start3A_1289 = arith.constant 5760 : i32
    %dma_start3A_1290 = tpu.memref_slice %arg6[%dma_start3A_1289] : memref<10000xi32, #tpu.memory_space<vmem>> -> memref<80xi32, #tpu.memory_space<vmem>>
    %dma_start3A_1291 = arith.constant 0 : i32
    %dma_start3A_1292 = arith.constant 0 : i32
    %dma_start3A_1293 = tpu.memref_slice %arg5[%dma_start3A_1291, %dma_start3A_1292] : memref<10000x128xf32, #tpu.memory_space<vmem_shared>> -> memref<10000x128xf32, #tpu.memory_space<vmem_shared>>
    tpu.enqueue_indirect_dma source(%dma_start3A_1293 : memref<10000x128xf32, #tpu.memory_space<vmem_shared>>) target(%arg7 : memref<80x128xf32, #tpu.memory_space<vmem>>) offsets(%dma_start3A_1290 : memref<80xi32, #tpu.memory_space<vmem>>) semaphore(%arg9 : memref<!tpu.dma_semaphore, #tpu.memory_space<semaphore_mem>>)
    %dma_wait3A_1294 = arith.constant 5680 : i32
    %dma_wait3A_1295 = tpu.memref_slice %arg6[%dma_wait3A_1294] : memref<10000xi32, #tpu.memory_space<vmem>> -> memref<80xi32, #tpu.memory_space<vmem>>
    %dma_wait3A_1296 = arith.constant 0 : i32
    %dma_wait3A_1297 = arith.constant 0 : i32
    %dma_wait3A_1298 = tpu.memref_slice %arg5[%dma_wait3A_1296, %dma_wait3A_1297] : memref<10000x128xf32, #tpu.memory_space<vmem_shared>> -> memref<10000x128xf32, #tpu.memory_space<vmem_shared>>
    tpu.wait_indirect_dma semaphore(%arg10 : memref<!tpu.dma_semaphore, #tpu.memory_space<semaphore_mem>>) src(%dma_wait3A_1298 : memref<10000x128xf32, #tpu.memory_space<vmem_shared>>) dst(%arg8 : memref<80x128xf32, #tpu.memory_space<vmem>>)
    %dma_start3A_1299 = arith.constant 5680 : i32
    %dma_start3A_1300 = tpu.memref_slice %arg4[%dma_start3A_1299, %multiple_of3A_5] : memref<10000x4096xf32, #tpu.memory_space<hbm>> -> memref<80x128xf32, #tpu.memory_space<hbm>>
    %dma_start3A_1301 = arith.constant 5680 : i32
    %dma_start3A_1302 = tpu.memref_slice %arg4[%dma_start3A_1301, %multiple_of3A_5] : memref<10000x4096xf32, #tpu.memory_space<hbm>> -> memref<80x128xf32, #tpu.memory_space<hbm>>
    tpu.enqueue_dma source(%arg8 : memref<80x128xf32, #tpu.memory_space<vmem>>) target(%dma_start3A_1302 : memref<80x128xf32, #tpu.memory_space<hbm>>) target_semaphore(%arg12 : memref<!tpu.dma_semaphore, #tpu.memory_space<semaphore_mem>>)
    %dma_wait3A_1303 = arith.constant 5680 : i32
    %dma_wait3A_1304 = tpu.memref_slice %arg4[%dma_wait3A_1303, %multiple_of3A_5] : memref<10000x4096xf32, #tpu.memory_space<hbm>> -> memref<80x128xf32, #tpu.memory_space<hbm>>
    %dma_wait3A_1305 = arith.constant 5680 : i32
    %dma_wait3A_1306 = tpu.memref_slice %arg4[%dma_wait3A_1305, %multiple_of3A_5] : memref<10000x4096xf32, #tpu.memory_space<hbm>> -> memref<80x128xf32, #tpu.memory_space<hbm>>
    tpu.wait_dma2 semaphore(%arg12 : memref<!tpu.dma_semaphore, #tpu.memory_space<semaphore_mem>>) src(%arg8 : memref<80x128xf32, #tpu.memory_space<vmem>>) dst(%dma_wait3A_1306 : memref<80x128xf32, #tpu.memory_space<hbm>>)
    %dma_start3A_1307 = arith.constant 5840 : i32
    %dma_start3A_1308 = tpu.memref_slice %arg6[%dma_start3A_1307] : memref<10000xi32, #tpu.memory_space<vmem>> -> memref<80xi32, #tpu.memory_space<vmem>>
    %dma_start3A_1309 = arith.constant 0 : i32
    %dma_start3A_1310 = arith.constant 0 : i32
    %dma_start3A_1311 = tpu.memref_slice %arg5[%dma_start3A_1309, %dma_start3A_1310] : memref<10000x128xf32, #tpu.memory_space<vmem_shared>> -> memref<10000x128xf32, #tpu.memory_space<vmem_shared>>
    tpu.enqueue_indirect_dma source(%dma_start3A_1311 : memref<10000x128xf32, #tpu.memory_space<vmem_shared>>) target(%arg8 : memref<80x128xf32, #tpu.memory_space<vmem>>) offsets(%dma_start3A_1308 : memref<80xi32, #tpu.memory_space<vmem>>) semaphore(%arg10 : memref<!tpu.dma_semaphore, #tpu.memory_space<semaphore_mem>>)
    %dma_wait3A_1312 = arith.constant 5760 : i32
    %dma_wait3A_1313 = tpu.memref_slice %arg6[%dma_wait3A_1312] : memref<10000xi32, #tpu.memory_space<vmem>> -> memref<80xi32, #tpu.memory_space<vmem>>
    %dma_wait3A_1314 = arith.constant 0 : i32
    %dma_wait3A_1315 = arith.constant 0 : i32
    %dma_wait3A_1316 = tpu.memref_slice %arg5[%dma_wait3A_1314, %dma_wait3A_1315] : memref<10000x128xf32, #tpu.memory_space<vmem_shared>> -> memref<10000x128xf32, #tpu.memory_space<vmem_shared>>
    tpu.wait_indirect_dma semaphore(%arg9 : memref<!tpu.dma_semaphore, #tpu.memory_space<semaphore_mem>>) src(%dma_wait3A_1316 : memref<10000x128xf32, #tpu.memory_space<vmem_shared>>) dst(%arg7 : memref<80x128xf32, #tpu.memory_space<vmem>>)
    %dma_start3A_1317 = arith.constant 5760 : i32
    %dma_start3A_1318 = tpu.memref_slice %arg4[%dma_start3A_1317, %multiple_of3A_5] : memref<10000x4096xf32, #tpu.memory_space<hbm>> -> memref<80x128xf32, #tpu.memory_space<hbm>>
    %dma_start3A_1319 = arith.constant 5760 : i32
    %dma_start3A_1320 = tpu.memref_slice %arg4[%dma_start3A_1319, %multiple_of3A_5] : memref<10000x4096xf32, #tpu.memory_space<hbm>> -> memref<80x128xf32, #tpu.memory_space<hbm>>
    tpu.enqueue_dma source(%arg7 : memref<80x128xf32, #tpu.memory_space<vmem>>) target(%dma_start3A_1320 : memref<80x128xf32, #tpu.memory_space<hbm>>) target_semaphore(%arg11 : memref<!tpu.dma_semaphore, #tpu.memory_space<semaphore_mem>>)
    %dma_wait3A_1321 = arith.constant 5760 : i32
    %dma_wait3A_1322 = tpu.memref_slice %arg4[%dma_wait3A_1321, %multiple_of3A_5] : memref<10000x4096xf32, #tpu.memory_space<hbm>> -> memref<80x128xf32, #tpu.memory_space<hbm>>
    %dma_wait3A_1323 = arith.constant 5760 : i32
    %dma_wait3A_1324 = tpu.memref_slice %arg4[%dma_wait3A_1323, %multiple_of3A_5] : memref<10000x4096xf32, #tpu.memory_space<hbm>> -> memref<80x128xf32, #tpu.memory_space<hbm>>
    tpu.wait_dma2 semaphore(%arg11 : memref<!tpu.dma_semaphore, #tpu.memory_space<semaphore_mem>>) src(%arg7 : memref<80x128xf32, #tpu.memory_space<vmem>>) dst(%dma_wait3A_1324 : memref<80x128xf32, #tpu.memory_space<hbm>>)
    %dma_start3A_1325 = arith.constant 5920 : i32
    %dma_start3A_1326 = tpu.memref_slice %arg6[%dma_start3A_1325] : memref<10000xi32, #tpu.memory_space<vmem>> -> memref<80xi32, #tpu.memory_space<vmem>>
    %dma_start3A_1327 = arith.constant 0 : i32
    %dma_start3A_1328 = arith.constant 0 : i32
    %dma_start3A_1329 = tpu.memref_slice %arg5[%dma_start3A_1327, %dma_start3A_1328] : memref<10000x128xf32, #tpu.memory_space<vmem_shared>> -> memref<10000x128xf32, #tpu.memory_space<vmem_shared>>
    tpu.enqueue_indirect_dma source(%dma_start3A_1329 : memref<10000x128xf32, #tpu.memory_space<vmem_shared>>) target(%arg7 : memref<80x128xf32, #tpu.memory_space<vmem>>) offsets(%dma_start3A_1326 : memref<80xi32, #tpu.memory_space<vmem>>) semaphore(%arg9 : memref<!tpu.dma_semaphore, #tpu.memory_space<semaphore_mem>>)
    %dma_wait3A_1330 = arith.constant 5840 : i32
    %dma_wait3A_1331 = tpu.memref_slice %arg6[%dma_wait3A_1330] : memref<10000xi32, #tpu.memory_space<vmem>> -> memref<80xi32, #tpu.memory_space<vmem>>
    %dma_wait3A_1332 = arith.constant 0 : i32
    %dma_wait3A_1333 = arith.constant 0 : i32
    %dma_wait3A_1334 = tpu.memref_slice %arg5[%dma_wait3A_1332, %dma_wait3A_1333] : memref<10000x128xf32, #tpu.memory_space<vmem_shared>> -> memref<10000x128xf32, #tpu.memory_space<vmem_shared>>
    tpu.wait_indirect_dma semaphore(%arg10 : memref<!tpu.dma_semaphore, #tpu.memory_space<semaphore_mem>>) src(%dma_wait3A_1334 : memref<10000x128xf32, #tpu.memory_space<vmem_shared>>) dst(%arg8 : memref<80x128xf32, #tpu.memory_space<vmem>>)
    %dma_start3A_1335 = arith.constant 5840 : i32
    %dma_start3A_1336 = tpu.memref_slice %arg4[%dma_start3A_1335, %multiple_of3A_5] : memref<10000x4096xf32, #tpu.memory_space<hbm>> -> memref<80x128xf32, #tpu.memory_space<hbm>>
    %dma_start3A_1337 = arith.constant 5840 : i32
    %dma_start3A_1338 = tpu.memref_slice %arg4[%dma_start3A_1337, %multiple_of3A_5] : memref<10000x4096xf32, #tpu.memory_space<hbm>> -> memref<80x128xf32, #tpu.memory_space<hbm>>
    tpu.enqueue_dma source(%arg8 : memref<80x128xf32, #tpu.memory_space<vmem>>) target(%dma_start3A_1338 : memref<80x128xf32, #tpu.memory_space<hbm>>) target_semaphore(%arg12 : memref<!tpu.dma_semaphore, #tpu.memory_space<semaphore_mem>>)
    %dma_wait3A_1339 = arith.constant 5840 : i32
    %dma_wait3A_1340 = tpu.memref_slice %arg4[%dma_wait3A_1339, %multiple_of3A_5] : memref<10000x4096xf32, #tpu.memory_space<hbm>> -> memref<80x128xf32, #tpu.memory_space<hbm>>
    %dma_wait3A_1341 = arith.constant 5840 : i32
    %dma_wait3A_1342 = tpu.memref_slice %arg4[%dma_wait3A_1341, %multiple_of3A_5] : memref<10000x4096xf32, #tpu.memory_space<hbm>> -> memref<80x128xf32, #tpu.memory_space<hbm>>
    tpu.wait_dma2 semaphore(%arg12 : memref<!tpu.dma_semaphore, #tpu.memory_space<semaphore_mem>>) src(%arg8 : memref<80x128xf32, #tpu.memory_space<vmem>>) dst(%dma_wait3A_1342 : memref<80x128xf32, #tpu.memory_space<hbm>>)
    %dma_start3A_1343 = arith.constant 6000 : i32
    %dma_start3A_1344 = tpu.memref_slice %arg6[%dma_start3A_1343] : memref<10000xi32, #tpu.memory_space<vmem>> -> memref<80xi32, #tpu.memory_space<vmem>>
    %dma_start3A_1345 = arith.constant 0 : i32
    %dma_start3A_1346 = arith.constant 0 : i32
    %dma_start3A_1347 = tpu.memref_slice %arg5[%dma_start3A_1345, %dma_start3A_1346] : memref<10000x128xf32, #tpu.memory_space<vmem_shared>> -> memref<10000x128xf32, #tpu.memory_space<vmem_shared>>
    tpu.enqueue_indirect_dma source(%dma_start3A_1347 : memref<10000x128xf32, #tpu.memory_space<vmem_shared>>) target(%arg8 : memref<80x128xf32, #tpu.memory_space<vmem>>) offsets(%dma_start3A_1344 : memref<80xi32, #tpu.memory_space<vmem>>) semaphore(%arg10 : memref<!tpu.dma_semaphore, #tpu.memory_space<semaphore_mem>>)
    %dma_wait3A_1348 = arith.constant 5920 : i32
    %dma_wait3A_1349 = tpu.memref_slice %arg6[%dma_wait3A_1348] : memref<10000xi32, #tpu.memory_space<vmem>> -> memref<80xi32, #tpu.memory_space<vmem>>
    %dma_wait3A_1350 = arith.constant 0 : i32
    %dma_wait3A_1351 = arith.constant 0 : i32
    %dma_wait3A_1352 = tpu.memref_slice %arg5[%dma_wait3A_1350, %dma_wait3A_1351] : memref<10000x128xf32, #tpu.memory_space<vmem_shared>> -> memref<10000x128xf32, #tpu.memory_space<vmem_shared>>
    tpu.wait_indirect_dma semaphore(%arg9 : memref<!tpu.dma_semaphore, #tpu.memory_space<semaphore_mem>>) src(%dma_wait3A_1352 : memref<10000x128xf32, #tpu.memory_space<vmem_shared>>) dst(%arg7 : memref<80x128xf32, #tpu.memory_space<vmem>>)
    %dma_start3A_1353 = arith.constant 5920 : i32
    %dma_start3A_1354 = tpu.memref_slice %arg4[%dma_start3A_1353, %multiple_of3A_5] : memref<10000x4096xf32, #tpu.memory_space<hbm>> -> memref<80x128xf32, #tpu.memory_space<hbm>>
    %dma_start3A_1355 = arith.constant 5920 : i32
    %dma_start3A_1356 = tpu.memref_slice %arg4[%dma_start3A_1355, %multiple_of3A_5] : memref<10000x4096xf32, #tpu.memory_space<hbm>> -> memref<80x128xf32, #tpu.memory_space<hbm>>
    tpu.enqueue_dma source(%arg7 : memref<80x128xf32, #tpu.memory_space<vmem>>) target(%dma_start3A_1356 : memref<80x128xf32, #tpu.memory_space<hbm>>) target_semaphore(%arg11 : memref<!tpu.dma_semaphore, #tpu.memory_space<semaphore_mem>>)
    %dma_wait3A_1357 = arith.constant 5920 : i32
    %dma_wait3A_1358 = tpu.memref_slice %arg4[%dma_wait3A_1357, %multiple_of3A_5] : memref<10000x4096xf32, #tpu.memory_space<hbm>> -> memref<80x128xf32, #tpu.memory_space<hbm>>
    %dma_wait3A_1359 = arith.constant 5920 : i32
    %dma_wait3A_1360 = tpu.memref_slice %arg4[%dma_wait3A_1359, %multiple_of3A_5] : memref<10000x4096xf32, #tpu.memory_space<hbm>> -> memref<80x128xf32, #tpu.memory_space<hbm>>
    tpu.wait_dma2 semaphore(%arg11 : memref<!tpu.dma_semaphore, #tpu.memory_space<semaphore_mem>>) src(%arg7 : memref<80x128xf32, #tpu.memory_space<vmem>>) dst(%dma_wait3A_1360 : memref<80x128xf32, #tpu.memory_space<hbm>>)
    %dma_start3A_1361 = arith.constant 6080 : i32
    %dma_start3A_1362 = tpu.memref_slice %arg6[%dma_start3A_1361] : memref<10000xi32, #tpu.memory_space<vmem>> -> memref<80xi32, #tpu.memory_space<vmem>>
    %dma_start3A_1363 = arith.constant 0 : i32
    %dma_start3A_1364 = arith.constant 0 : i32
    %dma_start3A_1365 = tpu.memref_slice %arg5[%dma_start3A_1363, %dma_start3A_1364] : memref<10000x128xf32, #tpu.memory_space<vmem_shared>> -> memref<10000x128xf32, #tpu.memory_space<vmem_shared>>
    tpu.enqueue_indirect_dma source(%dma_start3A_1365 : memref<10000x128xf32, #tpu.memory_space<vmem_shared>>) target(%arg7 : memref<80x128xf32, #tpu.memory_space<vmem>>) offsets(%dma_start3A_1362 : memref<80xi32, #tpu.memory_space<vmem>>) semaphore(%arg9 : memref<!tpu.dma_semaphore, #tpu.memory_space<semaphore_mem>>)
    %dma_wait3A_1366 = arith.constant 6000 : i32
    %dma_wait3A_1367 = tpu.memref_slice %arg6[%dma_wait3A_1366] : memref<10000xi32, #tpu.memory_space<vmem>> -> memref<80xi32, #tpu.memory_space<vmem>>
    %dma_wait3A_1368 = arith.constant 0 : i32
    %dma_wait3A_1369 = arith.constant 0 : i32
    %dma_wait3A_1370 = tpu.memref_slice %arg5[%dma_wait3A_1368, %dma_wait3A_1369] : memref<10000x128xf32, #tpu.memory_space<vmem_shared>> -> memref<10000x128xf32, #tpu.memory_space<vmem_shared>>
    tpu.wait_indirect_dma semaphore(%arg10 : memref<!tpu.dma_semaphore, #tpu.memory_space<semaphore_mem>>) src(%dma_wait3A_1370 : memref<10000x128xf32, #tpu.memory_space<vmem_shared>>) dst(%arg8 : memref<80x128xf32, #tpu.memory_space<vmem>>)
    %dma_start3A_1371 = arith.constant 6000 : i32
    %dma_start3A_1372 = tpu.memref_slice %arg4[%dma_start3A_1371, %multiple_of3A_5] : memref<10000x4096xf32, #tpu.memory_space<hbm>> -> memref<80x128xf32, #tpu.memory_space<hbm>>
    %dma_start3A_1373 = arith.constant 6000 : i32
    %dma_start3A_1374 = tpu.memref_slice %arg4[%dma_start3A_1373, %multiple_of3A_5] : memref<10000x4096xf32, #tpu.memory_space<hbm>> -> memref<80x128xf32, #tpu.memory_space<hbm>>
    tpu.enqueue_dma source(%arg8 : memref<80x128xf32, #tpu.memory_space<vmem>>) target(%dma_start3A_1374 : memref<80x128xf32, #tpu.memory_space<hbm>>) target_semaphore(%arg12 : memref<!tpu.dma_semaphore, #tpu.memory_space<semaphore_mem>>)
    %dma_wait3A_1375 = arith.constant 6000 : i32
    %dma_wait3A_1376 = tpu.memref_slice %arg4[%dma_wait3A_1375, %multiple_of3A_5] : memref<10000x4096xf32, #tpu.memory_space<hbm>> -> memref<80x128xf32, #tpu.memory_space<hbm>>
    %dma_wait3A_1377 = arith.constant 6000 : i32
    %dma_wait3A_1378 = tpu.memref_slice %arg4[%dma_wait3A_1377, %multiple_of3A_5] : memref<10000x4096xf32, #tpu.memory_space<hbm>> -> memref<80x128xf32, #tpu.memory_space<hbm>>
    tpu.wait_dma2 semaphore(%arg12 : memref<!tpu.dma_semaphore, #tpu.memory_space<semaphore_mem>>) src(%arg8 : memref<80x128xf32, #tpu.memory_space<vmem>>) dst(%dma_wait3A_1378 : memref<80x128xf32, #tpu.memory_space<hbm>>)
    %dma_start3A_1379 = arith.constant 6160 : i32
    %dma_start3A_1380 = tpu.memref_slice %arg6[%dma_start3A_1379] : memref<10000xi32, #tpu.memory_space<vmem>> -> memref<80xi32, #tpu.memory_space<vmem>>
    %dma_start3A_1381 = arith.constant 0 : i32
    %dma_start3A_1382 = arith.constant 0 : i32
    %dma_start3A_1383 = tpu.memref_slice %arg5[%dma_start3A_1381, %dma_start3A_1382] : memref<10000x128xf32, #tpu.memory_space<vmem_shared>> -> memref<10000x128xf32, #tpu.memory_space<vmem_shared>>
    tpu.enqueue_indirect_dma source(%dma_start3A_1383 : memref<10000x128xf32, #tpu.memory_space<vmem_shared>>) target(%arg8 : memref<80x128xf32, #tpu.memory_space<vmem>>) offsets(%dma_start3A_1380 : memref<80xi32, #tpu.memory_space<vmem>>) semaphore(%arg10 : memref<!tpu.dma_semaphore, #tpu.memory_space<semaphore_mem>>)
    %dma_wait3A_1384 = arith.constant 6080 : i32
    %dma_wait3A_1385 = tpu.memref_slice %arg6[%dma_wait3A_1384] : memref<10000xi32, #tpu.memory_space<vmem>> -> memref<80xi32, #tpu.memory_space<vmem>>
    %dma_wait3A_1386 = arith.constant 0 : i32
    %dma_wait3A_1387 = arith.constant 0 : i32
    %dma_wait3A_1388 = tpu.memref_slice %arg5[%dma_wait3A_1386, %dma_wait3A_1387] : memref<10000x128xf32, #tpu.memory_space<vmem_shared>> -> memref<10000x128xf32, #tpu.memory_space<vmem_shared>>
    tpu.wait_indirect_dma semaphore(%arg9 : memref<!tpu.dma_semaphore, #tpu.memory_space<semaphore_mem>>) src(%dma_wait3A_1388 : memref<10000x128xf32, #tpu.memory_space<vmem_shared>>) dst(%arg7 : memref<80x128xf32, #tpu.memory_space<vmem>>)
    %dma_start3A_1389 = arith.constant 6080 : i32
    %dma_start3A_1390 = tpu.memref_slice %arg4[%dma_start3A_1389, %multiple_of3A_5] : memref<10000x4096xf32, #tpu.memory_space<hbm>> -> memref<80x128xf32, #tpu.memory_space<hbm>>
    %dma_start3A_1391 = arith.constant 6080 : i32
    %dma_start3A_1392 = tpu.memref_slice %arg4[%dma_start3A_1391, %multiple_of3A_5] : memref<10000x4096xf32, #tpu.memory_space<hbm>> -> memref<80x128xf32, #tpu.memory_space<hbm>>
    tpu.enqueue_dma source(%arg7 : memref<80x128xf32, #tpu.memory_space<vmem>>) target(%dma_start3A_1392 : memref<80x128xf32, #tpu.memory_space<hbm>>) target_semaphore(%arg11 : memref<!tpu.dma_semaphore, #tpu.memory_space<semaphore_mem>>)
    %dma_wait3A_1393 = arith.constant 6080 : i32
    %dma_wait3A_1394 = tpu.memref_slice %arg4[%dma_wait3A_1393, %multiple_of3A_5] : memref<10000x4096xf32, #tpu.memory_space<hbm>> -> memref<80x128xf32, #tpu.memory_space<hbm>>
    %dma_wait3A_1395 = arith.constant 6080 : i32
    %dma_wait3A_1396 = tpu.memref_slice %arg4[%dma_wait3A_1395, %multiple_of3A_5] : memref<10000x4096xf32, #tpu.memory_space<hbm>> -> memref<80x128xf32, #tpu.memory_space<hbm>>
    tpu.wait_dma2 semaphore(%arg11 : memref<!tpu.dma_semaphore, #tpu.memory_space<semaphore_mem>>) src(%arg7 : memref<80x128xf32, #tpu.memory_space<vmem>>) dst(%dma_wait3A_1396 : memref<80x128xf32, #tpu.memory_space<hbm>>)
    %dma_start3A_1397 = arith.constant 6240 : i32
    %dma_start3A_1398 = tpu.memref_slice %arg6[%dma_start3A_1397] : memref<10000xi32, #tpu.memory_space<vmem>> -> memref<80xi32, #tpu.memory_space<vmem>>
    %dma_start3A_1399 = arith.constant 0 : i32
    %dma_start3A_1400 = arith.constant 0 : i32
    %dma_start3A_1401 = tpu.memref_slice %arg5[%dma_start3A_1399, %dma_start3A_1400] : memref<10000x128xf32, #tpu.memory_space<vmem_shared>> -> memref<10000x128xf32, #tpu.memory_space<vmem_shared>>
    tpu.enqueue_indirect_dma source(%dma_start3A_1401 : memref<10000x128xf32, #tpu.memory_space<vmem_shared>>) target(%arg7 : memref<80x128xf32, #tpu.memory_space<vmem>>) offsets(%dma_start3A_1398 : memref<80xi32, #tpu.memory_space<vmem>>) semaphore(%arg9 : memref<!tpu.dma_semaphore, #tpu.memory_space<semaphore_mem>>)
    %dma_wait3A_1402 = arith.constant 6160 : i32
    %dma_wait3A_1403 = tpu.memref_slice %arg6[%dma_wait3A_1402] : memref<10000xi32, #tpu.memory_space<vmem>> -> memref<80xi32, #tpu.memory_space<vmem>>
    %dma_wait3A_1404 = arith.constant 0 : i32
    %dma_wait3A_1405 = arith.constant 0 : i32
    %dma_wait3A_1406 = tpu.memref_slice %arg5[%dma_wait3A_1404, %dma_wait3A_1405] : memref<10000x128xf32, #tpu.memory_space<vmem_shared>> -> memref<10000x128xf32, #tpu.memory_space<vmem_shared>>
    tpu.wait_indirect_dma semaphore(%arg10 : memref<!tpu.dma_semaphore, #tpu.memory_space<semaphore_mem>>) src(%dma_wait3A_1406 : memref<10000x128xf32, #tpu.memory_space<vmem_shared>>) dst(%arg8 : memref<80x128xf32, #tpu.memory_space<vmem>>)
    %dma_start3A_1407 = arith.constant 6160 : i32
    %dma_start3A_1408 = tpu.memref_slice %arg4[%dma_start3A_1407, %multiple_of3A_5] : memref<10000x4096xf32, #tpu.memory_space<hbm>> -> memref<80x128xf32, #tpu.memory_space<hbm>>
    %dma_start3A_1409 = arith.constant 6160 : i32
    %dma_start3A_1410 = tpu.memref_slice %arg4[%dma_start3A_1409, %multiple_of3A_5] : memref<10000x4096xf32, #tpu.memory_space<hbm>> -> memref<80x128xf32, #tpu.memory_space<hbm>>
    tpu.enqueue_dma source(%arg8 : memref<80x128xf32, #tpu.memory_space<vmem>>) target(%dma_start3A_1410 : memref<80x128xf32, #tpu.memory_space<hbm>>) target_semaphore(%arg12 : memref<!tpu.dma_semaphore, #tpu.memory_space<semaphore_mem>>)
    %dma_wait3A_1411 = arith.constant 6160 : i32
    %dma_wait3A_1412 = tpu.memref_slice %arg4[%dma_wait3A_1411, %multiple_of3A_5] : memref<10000x4096xf32, #tpu.memory_space<hbm>> -> memref<80x128xf32, #tpu.memory_space<hbm>>
    %dma_wait3A_1413 = arith.constant 6160 : i32
    %dma_wait3A_1414 = tpu.memref_slice %arg4[%dma_wait3A_1413, %multiple_of3A_5] : memref<10000x4096xf32, #tpu.memory_space<hbm>> -> memref<80x128xf32, #tpu.memory_space<hbm>>
    tpu.wait_dma2 semaphore(%arg12 : memref<!tpu.dma_semaphore, #tpu.memory_space<semaphore_mem>>) src(%arg8 : memref<80x128xf32, #tpu.memory_space<vmem>>) dst(%dma_wait3A_1414 : memref<80x128xf32, #tpu.memory_space<hbm>>)
    %dma_start3A_1415 = arith.constant 6320 : i32
    %dma_start3A_1416 = tpu.memref_slice %arg6[%dma_start3A_1415] : memref<10000xi32, #tpu.memory_space<vmem>> -> memref<80xi32, #tpu.memory_space<vmem>>
    %dma_start3A_1417 = arith.constant 0 : i32
    %dma_start3A_1418 = arith.constant 0 : i32
    %dma_start3A_1419 = tpu.memref_slice %arg5[%dma_start3A_1417, %dma_start3A_1418] : memref<10000x128xf32, #tpu.memory_space<vmem_shared>> -> memref<10000x128xf32, #tpu.memory_space<vmem_shared>>
    tpu.enqueue_indirect_dma source(%dma_start3A_1419 : memref<10000x128xf32, #tpu.memory_space<vmem_shared>>) target(%arg8 : memref<80x128xf32, #tpu.memory_space<vmem>>) offsets(%dma_start3A_1416 : memref<80xi32, #tpu.memory_space<vmem>>) semaphore(%arg10 : memref<!tpu.dma_semaphore, #tpu.memory_space<semaphore_mem>>)
    %dma_wait3A_1420 = arith.constant 6240 : i32
    %dma_wait3A_1421 = tpu.memref_slice %arg6[%dma_wait3A_1420] : memref<10000xi32, #tpu.memory_space<vmem>> -> memref<80xi32, #tpu.memory_space<vmem>>
    %dma_wait3A_1422 = arith.constant 0 : i32
    %dma_wait3A_1423 = arith.constant 0 : i32
    %dma_wait3A_1424 = tpu.memref_slice %arg5[%dma_wait3A_1422, %dma_wait3A_1423] : memref<10000x128xf32, #tpu.memory_space<vmem_shared>> -> memref<10000x128xf32, #tpu.memory_space<vmem_shared>>
    tpu.wait_indirect_dma semaphore(%arg9 : memref<!tpu.dma_semaphore, #tpu.memory_space<semaphore_mem>>) src(%dma_wait3A_1424 : memref<10000x128xf32, #tpu.memory_space<vmem_shared>>) dst(%arg7 : memref<80x128xf32, #tpu.memory_space<vmem>>)
    %dma_start3A_1425 = arith.constant 6240 : i32
    %dma_start3A_1426 = tpu.memref_slice %arg4[%dma_start3A_1425, %multiple_of3A_5] : memref<10000x4096xf32, #tpu.memory_space<hbm>> -> memref<80x128xf32, #tpu.memory_space<hbm>>
    %dma_start3A_1427 = arith.constant 6240 : i32
    %dma_start3A_1428 = tpu.memref_slice %arg4[%dma_start3A_1427, %multiple_of3A_5] : memref<10000x4096xf32, #tpu.memory_space<hbm>> -> memref<80x128xf32, #tpu.memory_space<hbm>>
    tpu.enqueue_dma source(%arg7 : memref<80x128xf32, #tpu.memory_space<vmem>>) target(%dma_start3A_1428 : memref<80x128xf32, #tpu.memory_space<hbm>>) target_semaphore(%arg11 : memref<!tpu.dma_semaphore, #tpu.memory_space<semaphore_mem>>)
    %dma_wait3A_1429 = arith.constant 6240 : i32
    %dma_wait3A_1430 = tpu.memref_slice %arg4[%dma_wait3A_1429, %multiple_of3A_5] : memref<10000x4096xf32, #tpu.memory_space<hbm>> -> memref<80x128xf32, #tpu.memory_space<hbm>>
    %dma_wait3A_1431 = arith.constant 6240 : i32
    %dma_wait3A_1432 = tpu.memref_slice %arg4[%dma_wait3A_1431, %multiple_of3A_5] : memref<10000x4096xf32, #tpu.memory_space<hbm>> -> memref<80x128xf32, #tpu.memory_space<hbm>>
    tpu.wait_dma2 semaphore(%arg11 : memref<!tpu.dma_semaphore, #tpu.memory_space<semaphore_mem>>) src(%arg7 : memref<80x128xf32, #tpu.memory_space<vmem>>) dst(%dma_wait3A_1432 : memref<80x128xf32, #tpu.memory_space<hbm>>)
    %dma_start3A_1433 = arith.constant 6400 : i32
    %dma_start3A_1434 = tpu.memref_slice %arg6[%dma_start3A_1433] : memref<10000xi32, #tpu.memory_space<vmem>> -> memref<80xi32, #tpu.memory_space<vmem>>
    %dma_start3A_1435 = arith.constant 0 : i32
    %dma_start3A_1436 = arith.constant 0 : i32
    %dma_start3A_1437 = tpu.memref_slice %arg5[%dma_start3A_1435, %dma_start3A_1436] : memref<10000x128xf32, #tpu.memory_space<vmem_shared>> -> memref<10000x128xf32, #tpu.memory_space<vmem_shared>>
    tpu.enqueue_indirect_dma source(%dma_start3A_1437 : memref<10000x128xf32, #tpu.memory_space<vmem_shared>>) target(%arg7 : memref<80x128xf32, #tpu.memory_space<vmem>>) offsets(%dma_start3A_1434 : memref<80xi32, #tpu.memory_space<vmem>>) semaphore(%arg9 : memref<!tpu.dma_semaphore, #tpu.memory_space<semaphore_mem>>)
    %dma_wait3A_1438 = arith.constant 6320 : i32
    %dma_wait3A_1439 = tpu.memref_slice %arg6[%dma_wait3A_1438] : memref<10000xi32, #tpu.memory_space<vmem>> -> memref<80xi32, #tpu.memory_space<vmem>>
    %dma_wait3A_1440 = arith.constant 0 : i32
    %dma_wait3A_1441 = arith.constant 0 : i32
    %dma_wait3A_1442 = tpu.memref_slice %arg5[%dma_wait3A_1440, %dma_wait3A_1441] : memref<10000x128xf32, #tpu.memory_space<vmem_shared>> -> memref<10000x128xf32, #tpu.memory_space<vmem_shared>>
    tpu.wait_indirect_dma semaphore(%arg10 : memref<!tpu.dma_semaphore, #tpu.memory_space<semaphore_mem>>) src(%dma_wait3A_1442 : memref<10000x128xf32, #tpu.memory_space<vmem_shared>>) dst(%arg8 : memref<80x128xf32, #tpu.memory_space<vmem>>)
    %dma_start3A_1443 = arith.constant 6320 : i32
    %dma_start3A_1444 = tpu.memref_slice %arg4[%dma_start3A_1443, %multiple_of3A_5] : memref<10000x4096xf32, #tpu.memory_space<hbm>> -> memref<80x128xf32, #tpu.memory_space<hbm>>
    %dma_start3A_1445 = arith.constant 6320 : i32
    %dma_start3A_1446 = tpu.memref_slice %arg4[%dma_start3A_1445, %multiple_of3A_5] : memref<10000x4096xf32, #tpu.memory_space<hbm>> -> memref<80x128xf32, #tpu.memory_space<hbm>>
    tpu.enqueue_dma source(%arg8 : memref<80x128xf32, #tpu.memory_space<vmem>>) target(%dma_start3A_1446 : memref<80x128xf32, #tpu.memory_space<hbm>>) target_semaphore(%arg12 : memref<!tpu.dma_semaphore, #tpu.memory_space<semaphore_mem>>)
    %dma_wait3A_1447 = arith.constant 6320 : i32
    %dma_wait3A_1448 = tpu.memref_slice %arg4[%dma_wait3A_1447, %multiple_of3A_5] : memref<10000x4096xf32, #tpu.memory_space<hbm>> -> memref<80x128xf32, #tpu.memory_space<hbm>>
    %dma_wait3A_1449 = arith.constant 6320 : i32
    %dma_wait3A_1450 = tpu.memref_slice %arg4[%dma_wait3A_1449, %multiple_of3A_5] : memref<10000x4096xf32, #tpu.memory_space<hbm>> -> memref<80x128xf32, #tpu.memory_space<hbm>>
    tpu.wait_dma2 semaphore(%arg12 : memref<!tpu.dma_semaphore, #tpu.memory_space<semaphore_mem>>) src(%arg8 : memref<80x128xf32, #tpu.memory_space<vmem>>) dst(%dma_wait3A_1450 : memref<80x128xf32, #tpu.memory_space<hbm>>)
    %dma_start3A_1451 = arith.constant 6480 : i32
    %dma_start3A_1452 = tpu.memref_slice %arg6[%dma_start3A_1451] : memref<10000xi32, #tpu.memory_space<vmem>> -> memref<80xi32, #tpu.memory_space<vmem>>
    %dma_start3A_1453 = arith.constant 0 : i32
    %dma_start3A_1454 = arith.constant 0 : i32
    %dma_start3A_1455 = tpu.memref_slice %arg5[%dma_start3A_1453, %dma_start3A_1454] : memref<10000x128xf32, #tpu.memory_space<vmem_shared>> -> memref<10000x128xf32, #tpu.memory_space<vmem_shared>>
    tpu.enqueue_indirect_dma source(%dma_start3A_1455 : memref<10000x128xf32, #tpu.memory_space<vmem_shared>>) target(%arg8 : memref<80x128xf32, #tpu.memory_space<vmem>>) offsets(%dma_start3A_1452 : memref<80xi32, #tpu.memory_space<vmem>>) semaphore(%arg10 : memref<!tpu.dma_semaphore, #tpu.memory_space<semaphore_mem>>)
    %dma_wait3A_1456 = arith.constant 6400 : i32
    %dma_wait3A_1457 = tpu.memref_slice %arg6[%dma_wait3A_1456] : memref<10000xi32, #tpu.memory_space<vmem>> -> memref<80xi32, #tpu.memory_space<vmem>>
    %dma_wait3A_1458 = arith.constant 0 : i32
    %dma_wait3A_1459 = arith.constant 0 : i32
    %dma_wait3A_1460 = tpu.memref_slice %arg5[%dma_wait3A_1458, %dma_wait3A_1459] : memref<10000x128xf32, #tpu.memory_space<vmem_shared>> -> memref<10000x128xf32, #tpu.memory_space<vmem_shared>>
    tpu.wait_indirect_dma semaphore(%arg9 : memref<!tpu.dma_semaphore, #tpu.memory_space<semaphore_mem>>) src(%dma_wait3A_1460 : memref<10000x128xf32, #tpu.memory_space<vmem_shared>>) dst(%arg7 : memref<80x128xf32, #tpu.memory_space<vmem>>)
    %dma_start3A_1461 = arith.constant 6400 : i32
    %dma_start3A_1462 = tpu.memref_slice %arg4[%dma_start3A_1461, %multiple_of3A_5] : memref<10000x4096xf32, #tpu.memory_space<hbm>> -> memref<80x128xf32, #tpu.memory_space<hbm>>
    %dma_start3A_1463 = arith.constant 6400 : i32
    %dma_start3A_1464 = tpu.memref_slice %arg4[%dma_start3A_1463, %multiple_of3A_5] : memref<10000x4096xf32, #tpu.memory_space<hbm>> -> memref<80x128xf32, #tpu.memory_space<hbm>>
    tpu.enqueue_dma source(%arg7 : memref<80x128xf32, #tpu.memory_space<vmem>>) target(%dma_start3A_1464 : memref<80x128xf32, #tpu.memory_space<hbm>>) target_semaphore(%arg11 : memref<!tpu.dma_semaphore, #tpu.memory_space<semaphore_mem>>)
    %dma_wait3A_1465 = arith.constant 6400 : i32
    %dma_wait3A_1466 = tpu.memref_slice %arg4[%dma_wait3A_1465, %multiple_of3A_5] : memref<10000x4096xf32, #tpu.memory_space<hbm>> -> memref<80x128xf32, #tpu.memory_space<hbm>>
    %dma_wait3A_1467 = arith.constant 6400 : i32
    %dma_wait3A_1468 = tpu.memref_slice %arg4[%dma_wait3A_1467, %multiple_of3A_5] : memref<10000x4096xf32, #tpu.memory_space<hbm>> -> memref<80x128xf32, #tpu.memory_space<hbm>>
    tpu.wait_dma2 semaphore(%arg11 : memref<!tpu.dma_semaphore, #tpu.memory_space<semaphore_mem>>) src(%arg7 : memref<80x128xf32, #tpu.memory_space<vmem>>) dst(%dma_wait3A_1468 : memref<80x128xf32, #tpu.memory_space<hbm>>)
    %dma_start3A_1469 = arith.constant 6560 : i32
    %dma_start3A_1470 = tpu.memref_slice %arg6[%dma_start3A_1469] : memref<10000xi32, #tpu.memory_space<vmem>> -> memref<80xi32, #tpu.memory_space<vmem>>
    %dma_start3A_1471 = arith.constant 0 : i32
    %dma_start3A_1472 = arith.constant 0 : i32
    %dma_start3A_1473 = tpu.memref_slice %arg5[%dma_start3A_1471, %dma_start3A_1472] : memref<10000x128xf32, #tpu.memory_space<vmem_shared>> -> memref<10000x128xf32, #tpu.memory_space<vmem_shared>>
    tpu.enqueue_indirect_dma source(%dma_start3A_1473 : memref<10000x128xf32, #tpu.memory_space<vmem_shared>>) target(%arg7 : memref<80x128xf32, #tpu.memory_space<vmem>>) offsets(%dma_start3A_1470 : memref<80xi32, #tpu.memory_space<vmem>>) semaphore(%arg9 : memref<!tpu.dma_semaphore, #tpu.memory_space<semaphore_mem>>)
    %dma_wait3A_1474 = arith.constant 6480 : i32
    %dma_wait3A_1475 = tpu.memref_slice %arg6[%dma_wait3A_1474] : memref<10000xi32, #tpu.memory_space<vmem>> -> memref<80xi32, #tpu.memory_space<vmem>>
    %dma_wait3A_1476 = arith.constant 0 : i32
    %dma_wait3A_1477 = arith.constant 0 : i32
    %dma_wait3A_1478 = tpu.memref_slice %arg5[%dma_wait3A_1476, %dma_wait3A_1477] : memref<10000x128xf32, #tpu.memory_space<vmem_shared>> -> memref<10000x128xf32, #tpu.memory_space<vmem_shared>>
    tpu.wait_indirect_dma semaphore(%arg10 : memref<!tpu.dma_semaphore, #tpu.memory_space<semaphore_mem>>) src(%dma_wait3A_1478 : memref<10000x128xf32, #tpu.memory_space<vmem_shared>>) dst(%arg8 : memref<80x128xf32, #tpu.memory_space<vmem>>)
    %dma_start3A_1479 = arith.constant 6480 : i32
    %dma_start3A_1480 = tpu.memref_slice %arg4[%dma_start3A_1479, %multiple_of3A_5] : memref<10000x4096xf32, #tpu.memory_space<hbm>> -> memref<80x128xf32, #tpu.memory_space<hbm>>
    %dma_start3A_1481 = arith.constant 6480 : i32
    %dma_start3A_1482 = tpu.memref_slice %arg4[%dma_start3A_1481, %multiple_of3A_5] : memref<10000x4096xf32, #tpu.memory_space<hbm>> -> memref<80x128xf32, #tpu.memory_space<hbm>>
    tpu.enqueue_dma source(%arg8 : memref<80x128xf32, #tpu.memory_space<vmem>>) target(%dma_start3A_1482 : memref<80x128xf32, #tpu.memory_space<hbm>>) target_semaphore(%arg12 : memref<!tpu.dma_semaphore, #tpu.memory_space<semaphore_mem>>)
    %dma_wait3A_1483 = arith.constant 6480 : i32
    %dma_wait3A_1484 = tpu.memref_slice %arg4[%dma_wait3A_1483, %multiple_of3A_5] : memref<10000x4096xf32, #tpu.memory_space<hbm>> -> memref<80x128xf32, #tpu.memory_space<hbm>>
    %dma_wait3A_1485 = arith.constant 6480 : i32
    %dma_wait3A_1486 = tpu.memref_slice %arg4[%dma_wait3A_1485, %multiple_of3A_5] : memref<10000x4096xf32, #tpu.memory_space<hbm>> -> memref<80x128xf32, #tpu.memory_space<hbm>>
    tpu.wait_dma2 semaphore(%arg12 : memref<!tpu.dma_semaphore, #tpu.memory_space<semaphore_mem>>) src(%arg8 : memref<80x128xf32, #tpu.memory_space<vmem>>) dst(%dma_wait3A_1486 : memref<80x128xf32, #tpu.memory_space<hbm>>)
    %dma_start3A_1487 = arith.constant 6640 : i32
    %dma_start3A_1488 = tpu.memref_slice %arg6[%dma_start3A_1487] : memref<10000xi32, #tpu.memory_space<vmem>> -> memref<80xi32, #tpu.memory_space<vmem>>
    %dma_start3A_1489 = arith.constant 0 : i32
    %dma_start3A_1490 = arith.constant 0 : i32
    %dma_start3A_1491 = tpu.memref_slice %arg5[%dma_start3A_1489, %dma_start3A_1490] : memref<10000x128xf32, #tpu.memory_space<vmem_shared>> -> memref<10000x128xf32, #tpu.memory_space<vmem_shared>>
    tpu.enqueue_indirect_dma source(%dma_start3A_1491 : memref<10000x128xf32, #tpu.memory_space<vmem_shared>>) target(%arg8 : memref<80x128xf32, #tpu.memory_space<vmem>>) offsets(%dma_start3A_1488 : memref<80xi32, #tpu.memory_space<vmem>>) semaphore(%arg10 : memref<!tpu.dma_semaphore, #tpu.memory_space<semaphore_mem>>)
    %dma_wait3A_1492 = arith.constant 6560 : i32
    %dma_wait3A_1493 = tpu.memref_slice %arg6[%dma_wait3A_1492] : memref<10000xi32, #tpu.memory_space<vmem>> -> memref<80xi32, #tpu.memory_space<vmem>>
    %dma_wait3A_1494 = arith.constant 0 : i32
    %dma_wait3A_1495 = arith.constant 0 : i32
    %dma_wait3A_1496 = tpu.memref_slice %arg5[%dma_wait3A_1494, %dma_wait3A_1495] : memref<10000x128xf32, #tpu.memory_space<vmem_shared>> -> memref<10000x128xf32, #tpu.memory_space<vmem_shared>>
    tpu.wait_indirect_dma semaphore(%arg9 : memref<!tpu.dma_semaphore, #tpu.memory_space<semaphore_mem>>) src(%dma_wait3A_1496 : memref<10000x128xf32, #tpu.memory_space<vmem_shared>>) dst(%arg7 : memref<80x128xf32, #tpu.memory_space<vmem>>)
    %dma_start3A_1497 = arith.constant 6560 : i32
    %dma_start3A_1498 = tpu.memref_slice %arg4[%dma_start3A_1497, %multiple_of3A_5] : memref<10000x4096xf32, #tpu.memory_space<hbm>> -> memref<80x128xf32, #tpu.memory_space<hbm>>
    %dma_start3A_1499 = arith.constant 6560 : i32
    %dma_start3A_1500 = tpu.memref_slice %arg4[%dma_start3A_1499, %multiple_of3A_5] : memref<10000x4096xf32, #tpu.memory_space<hbm>> -> memref<80x128xf32, #tpu.memory_space<hbm>>
    tpu.enqueue_dma source(%arg7 : memref<80x128xf32, #tpu.memory_space<vmem>>) target(%dma_start3A_1500 : memref<80x128xf32, #tpu.memory_space<hbm>>) target_semaphore(%arg11 : memref<!tpu.dma_semaphore, #tpu.memory_space<semaphore_mem>>)
    %dma_wait3A_1501 = arith.constant 6560 : i32
    %dma_wait3A_1502 = tpu.memref_slice %arg4[%dma_wait3A_1501, %multiple_of3A_5] : memref<10000x4096xf32, #tpu.memory_space<hbm>> -> memref<80x128xf32, #tpu.memory_space<hbm>>
    %dma_wait3A_1503 = arith.constant 6560 : i32
    %dma_wait3A_1504 = tpu.memref_slice %arg4[%dma_wait3A_1503, %multiple_of3A_5] : memref<10000x4096xf32, #tpu.memory_space<hbm>> -> memref<80x128xf32, #tpu.memory_space<hbm>>
    tpu.wait_dma2 semaphore(%arg11 : memref<!tpu.dma_semaphore, #tpu.memory_space<semaphore_mem>>) src(%arg7 : memref<80x128xf32, #tpu.memory_space<vmem>>) dst(%dma_wait3A_1504 : memref<80x128xf32, #tpu.memory_space<hbm>>)
    %dma_start3A_1505 = arith.constant 6720 : i32
    %dma_start3A_1506 = tpu.memref_slice %arg6[%dma_start3A_1505] : memref<10000xi32, #tpu.memory_space<vmem>> -> memref<80xi32, #tpu.memory_space<vmem>>
    %dma_start3A_1507 = arith.constant 0 : i32
    %dma_start3A_1508 = arith.constant 0 : i32
    %dma_start3A_1509 = tpu.memref_slice %arg5[%dma_start3A_1507, %dma_start3A_1508] : memref<10000x128xf32, #tpu.memory_space<vmem_shared>> -> memref<10000x128xf32, #tpu.memory_space<vmem_shared>>
    tpu.enqueue_indirect_dma source(%dma_start3A_1509 : memref<10000x128xf32, #tpu.memory_space<vmem_shared>>) target(%arg7 : memref<80x128xf32, #tpu.memory_space<vmem>>) offsets(%dma_start3A_1506 : memref<80xi32, #tpu.memory_space<vmem>>) semaphore(%arg9 : memref<!tpu.dma_semaphore, #tpu.memory_space<semaphore_mem>>)
    %dma_wait3A_1510 = arith.constant 6640 : i32
    %dma_wait3A_1511 = tpu.memref_slice %arg6[%dma_wait3A_1510] : memref<10000xi32, #tpu.memory_space<vmem>> -> memref<80xi32, #tpu.memory_space<vmem>>
    %dma_wait3A_1512 = arith.constant 0 : i32
    %dma_wait3A_1513 = arith.constant 0 : i32
    %dma_wait3A_1514 = tpu.memref_slice %arg5[%dma_wait3A_1512, %dma_wait3A_1513] : memref<10000x128xf32, #tpu.memory_space<vmem_shared>> -> memref<10000x128xf32, #tpu.memory_space<vmem_shared>>
    tpu.wait_indirect_dma semaphore(%arg10 : memref<!tpu.dma_semaphore, #tpu.memory_space<semaphore_mem>>) src(%dma_wait3A_1514 : memref<10000x128xf32, #tpu.memory_space<vmem_shared>>) dst(%arg8 : memref<80x128xf32, #tpu.memory_space<vmem>>)
    %dma_start3A_1515 = arith.constant 6640 : i32
    %dma_start3A_1516 = tpu.memref_slice %arg4[%dma_start3A_1515, %multiple_of3A_5] : memref<10000x4096xf32, #tpu.memory_space<hbm>> -> memref<80x128xf32, #tpu.memory_space<hbm>>
    %dma_start3A_1517 = arith.constant 6640 : i32
    %dma_start3A_1518 = tpu.memref_slice %arg4[%dma_start3A_1517, %multiple_of3A_5] : memref<10000x4096xf32, #tpu.memory_space<hbm>> -> memref<80x128xf32, #tpu.memory_space<hbm>>
    tpu.enqueue_dma source(%arg8 : memref<80x128xf32, #tpu.memory_space<vmem>>) target(%dma_start3A_1518 : memref<80x128xf32, #tpu.memory_space<hbm>>) target_semaphore(%arg12 : memref<!tpu.dma_semaphore, #tpu.memory_space<semaphore_mem>>)
    %dma_wait3A_1519 = arith.constant 6640 : i32
    %dma_wait3A_1520 = tpu.memref_slice %arg4[%dma_wait3A_1519, %multiple_of3A_5] : memref<10000x4096xf32, #tpu.memory_space<hbm>> -> memref<80x128xf32, #tpu.memory_space<hbm>>
    %dma_wait3A_1521 = arith.constant 6640 : i32
    %dma_wait3A_1522 = tpu.memref_slice %arg4[%dma_wait3A_1521, %multiple_of3A_5] : memref<10000x4096xf32, #tpu.memory_space<hbm>> -> memref<80x128xf32, #tpu.memory_space<hbm>>
    tpu.wait_dma2 semaphore(%arg12 : memref<!tpu.dma_semaphore, #tpu.memory_space<semaphore_mem>>) src(%arg8 : memref<80x128xf32, #tpu.memory_space<vmem>>) dst(%dma_wait3A_1522 : memref<80x128xf32, #tpu.memory_space<hbm>>)
    %dma_start3A_1523 = arith.constant 6800 : i32
    %dma_start3A_1524 = tpu.memref_slice %arg6[%dma_start3A_1523] : memref<10000xi32, #tpu.memory_space<vmem>> -> memref<80xi32, #tpu.memory_space<vmem>>
    %dma_start3A_1525 = arith.constant 0 : i32
    %dma_start3A_1526 = arith.constant 0 : i32
    %dma_start3A_1527 = tpu.memref_slice %arg5[%dma_start3A_1525, %dma_start3A_1526] : memref<10000x128xf32, #tpu.memory_space<vmem_shared>> -> memref<10000x128xf32, #tpu.memory_space<vmem_shared>>
    tpu.enqueue_indirect_dma source(%dma_start3A_1527 : memref<10000x128xf32, #tpu.memory_space<vmem_shared>>) target(%arg8 : memref<80x128xf32, #tpu.memory_space<vmem>>) offsets(%dma_start3A_1524 : memref<80xi32, #tpu.memory_space<vmem>>) semaphore(%arg10 : memref<!tpu.dma_semaphore, #tpu.memory_space<semaphore_mem>>)
    %dma_wait3A_1528 = arith.constant 6720 : i32
    %dma_wait3A_1529 = tpu.memref_slice %arg6[%dma_wait3A_1528] : memref<10000xi32, #tpu.memory_space<vmem>> -> memref<80xi32, #tpu.memory_space<vmem>>
    %dma_wait3A_1530 = arith.constant 0 : i32
    %dma_wait3A_1531 = arith.constant 0 : i32
    %dma_wait3A_1532 = tpu.memref_slice %arg5[%dma_wait3A_1530, %dma_wait3A_1531] : memref<10000x128xf32, #tpu.memory_space<vmem_shared>> -> memref<10000x128xf32, #tpu.memory_space<vmem_shared>>
    tpu.wait_indirect_dma semaphore(%arg9 : memref<!tpu.dma_semaphore, #tpu.memory_space<semaphore_mem>>) src(%dma_wait3A_1532 : memref<10000x128xf32, #tpu.memory_space<vmem_shared>>) dst(%arg7 : memref<80x128xf32, #tpu.memory_space<vmem>>)
    %dma_start3A_1533 = arith.constant 6720 : i32
    %dma_start3A_1534 = tpu.memref_slice %arg4[%dma_start3A_1533, %multiple_of3A_5] : memref<10000x4096xf32, #tpu.memory_space<hbm>> -> memref<80x128xf32, #tpu.memory_space<hbm>>
    %dma_start3A_1535 = arith.constant 6720 : i32
    %dma_start3A_1536 = tpu.memref_slice %arg4[%dma_start3A_1535, %multiple_of3A_5] : memref<10000x4096xf32, #tpu.memory_space<hbm>> -> memref<80x128xf32, #tpu.memory_space<hbm>>
    tpu.enqueue_dma source(%arg7 : memref<80x128xf32, #tpu.memory_space<vmem>>) target(%dma_start3A_1536 : memref<80x128xf32, #tpu.memory_space<hbm>>) target_semaphore(%arg11 : memref<!tpu.dma_semaphore, #tpu.memory_space<semaphore_mem>>)
    %dma_wait3A_1537 = arith.constant 6720 : i32
    %dma_wait3A_1538 = tpu.memref_slice %arg4[%dma_wait3A_1537, %multiple_of3A_5] : memref<10000x4096xf32, #tpu.memory_space<hbm>> -> memref<80x128xf32, #tpu.memory_space<hbm>>
    %dma_wait3A_1539 = arith.constant 6720 : i32
    %dma_wait3A_1540 = tpu.memref_slice %arg4[%dma_wait3A_1539, %multiple_of3A_5] : memref<10000x4096xf32, #tpu.memory_space<hbm>> -> memref<80x128xf32, #tpu.memory_space<hbm>>
    tpu.wait_dma2 semaphore(%arg11 : memref<!tpu.dma_semaphore, #tpu.memory_space<semaphore_mem>>) src(%arg7 : memref<80x128xf32, #tpu.memory_space<vmem>>) dst(%dma_wait3A_1540 : memref<80x128xf32, #tpu.memory_space<hbm>>)
    %dma_start3A_1541 = arith.constant 6880 : i32
    %dma_start3A_1542 = tpu.memref_slice %arg6[%dma_start3A_1541] : memref<10000xi32, #tpu.memory_space<vmem>> -> memref<80xi32, #tpu.memory_space<vmem>>
    %dma_start3A_1543 = arith.constant 0 : i32
    %dma_start3A_1544 = arith.constant 0 : i32
    %dma_start3A_1545 = tpu.memref_slice %arg5[%dma_start3A_1543, %dma_start3A_1544] : memref<10000x128xf32, #tpu.memory_space<vmem_shared>> -> memref<10000x128xf32, #tpu.memory_space<vmem_shared>>
    tpu.enqueue_indirect_dma source(%dma_start3A_1545 : memref<10000x128xf32, #tpu.memory_space<vmem_shared>>) target(%arg7 : memref<80x128xf32, #tpu.memory_space<vmem>>) offsets(%dma_start3A_1542 : memref<80xi32, #tpu.memory_space<vmem>>) semaphore(%arg9 : memref<!tpu.dma_semaphore, #tpu.memory_space<semaphore_mem>>)
    %dma_wait3A_1546 = arith.constant 6800 : i32
    %dma_wait3A_1547 = tpu.memref_slice %arg6[%dma_wait3A_1546] : memref<10000xi32, #tpu.memory_space<vmem>> -> memref<80xi32, #tpu.memory_space<vmem>>
    %dma_wait3A_1548 = arith.constant 0 : i32
    %dma_wait3A_1549 = arith.constant 0 : i32
    %dma_wait3A_1550 = tpu.memref_slice %arg5[%dma_wait3A_1548, %dma_wait3A_1549] : memref<10000x128xf32, #tpu.memory_space<vmem_shared>> -> memref<10000x128xf32, #tpu.memory_space<vmem_shared>>
    tpu.wait_indirect_dma semaphore(%arg10 : memref<!tpu.dma_semaphore, #tpu.memory_space<semaphore_mem>>) src(%dma_wait3A_1550 : memref<10000x128xf32, #tpu.memory_space<vmem_shared>>) dst(%arg8 : memref<80x128xf32, #tpu.memory_space<vmem>>)
    %dma_start3A_1551 = arith.constant 6800 : i32
    %dma_start3A_1552 = tpu.memref_slice %arg4[%dma_start3A_1551, %multiple_of3A_5] : memref<10000x4096xf32, #tpu.memory_space<hbm>> -> memref<80x128xf32, #tpu.memory_space<hbm>>
    %dma_start3A_1553 = arith.constant 6800 : i32
    %dma_start3A_1554 = tpu.memref_slice %arg4[%dma_start3A_1553, %multiple_of3A_5] : memref<10000x4096xf32, #tpu.memory_space<hbm>> -> memref<80x128xf32, #tpu.memory_space<hbm>>
    tpu.enqueue_dma source(%arg8 : memref<80x128xf32, #tpu.memory_space<vmem>>) target(%dma_start3A_1554 : memref<80x128xf32, #tpu.memory_space<hbm>>) target_semaphore(%arg12 : memref<!tpu.dma_semaphore, #tpu.memory_space<semaphore_mem>>)
    %dma_wait3A_1555 = arith.constant 6800 : i32
    %dma_wait3A_1556 = tpu.memref_slice %arg4[%dma_wait3A_1555, %multiple_of3A_5] : memref<10000x4096xf32, #tpu.memory_space<hbm>> -> memref<80x128xf32, #tpu.memory_space<hbm>>
    %dma_wait3A_1557 = arith.constant 6800 : i32
    %dma_wait3A_1558 = tpu.memref_slice %arg4[%dma_wait3A_1557, %multiple_of3A_5] : memref<10000x4096xf32, #tpu.memory_space<hbm>> -> memref<80x128xf32, #tpu.memory_space<hbm>>
    tpu.wait_dma2 semaphore(%arg12 : memref<!tpu.dma_semaphore, #tpu.memory_space<semaphore_mem>>) src(%arg8 : memref<80x128xf32, #tpu.memory_space<vmem>>) dst(%dma_wait3A_1558 : memref<80x128xf32, #tpu.memory_space<hbm>>)
    %dma_start3A_1559 = arith.constant 6960 : i32
    %dma_start3A_1560 = tpu.memref_slice %arg6[%dma_start3A_1559] : memref<10000xi32, #tpu.memory_space<vmem>> -> memref<80xi32, #tpu.memory_space<vmem>>
    %dma_start3A_1561 = arith.constant 0 : i32
    %dma_start3A_1562 = arith.constant 0 : i32
    %dma_start3A_1563 = tpu.memref_slice %arg5[%dma_start3A_1561, %dma_start3A_1562] : memref<10000x128xf32, #tpu.memory_space<vmem_shared>> -> memref<10000x128xf32, #tpu.memory_space<vmem_shared>>
    tpu.enqueue_indirect_dma source(%dma_start3A_1563 : memref<10000x128xf32, #tpu.memory_space<vmem_shared>>) target(%arg8 : memref<80x128xf32, #tpu.memory_space<vmem>>) offsets(%dma_start3A_1560 : memref<80xi32, #tpu.memory_space<vmem>>) semaphore(%arg10 : memref<!tpu.dma_semaphore, #tpu.memory_space<semaphore_mem>>)
    %dma_wait3A_1564 = arith.constant 6880 : i32
    %dma_wait3A_1565 = tpu.memref_slice %arg6[%dma_wait3A_1564] : memref<10000xi32, #tpu.memory_space<vmem>> -> memref<80xi32, #tpu.memory_space<vmem>>
    %dma_wait3A_1566 = arith.constant 0 : i32
    %dma_wait3A_1567 = arith.constant 0 : i32
    %dma_wait3A_1568 = tpu.memref_slice %arg5[%dma_wait3A_1566, %dma_wait3A_1567] : memref<10000x128xf32, #tpu.memory_space<vmem_shared>> -> memref<10000x128xf32, #tpu.memory_space<vmem_shared>>
    tpu.wait_indirect_dma semaphore(%arg9 : memref<!tpu.dma_semaphore, #tpu.memory_space<semaphore_mem>>) src(%dma_wait3A_1568 : memref<10000x128xf32, #tpu.memory_space<vmem_shared>>) dst(%arg7 : memref<80x128xf32, #tpu.memory_space<vmem>>)
    %dma_start3A_1569 = arith.constant 6880 : i32
    %dma_start3A_1570 = tpu.memref_slice %arg4[%dma_start3A_1569, %multiple_of3A_5] : memref<10000x4096xf32, #tpu.memory_space<hbm>> -> memref<80x128xf32, #tpu.memory_space<hbm>>
    %dma_start3A_1571 = arith.constant 6880 : i32
    %dma_start3A_1572 = tpu.memref_slice %arg4[%dma_start3A_1571, %multiple_of3A_5] : memref<10000x4096xf32, #tpu.memory_space<hbm>> -> memref<80x128xf32, #tpu.memory_space<hbm>>
    tpu.enqueue_dma source(%arg7 : memref<80x128xf32, #tpu.memory_space<vmem>>) target(%dma_start3A_1572 : memref<80x128xf32, #tpu.memory_space<hbm>>) target_semaphore(%arg11 : memref<!tpu.dma_semaphore, #tpu.memory_space<semaphore_mem>>)
    %dma_wait3A_1573 = arith.constant 6880 : i32
    %dma_wait3A_1574 = tpu.memref_slice %arg4[%dma_wait3A_1573, %multiple_of3A_5] : memref<10000x4096xf32, #tpu.memory_space<hbm>> -> memref<80x128xf32, #tpu.memory_space<hbm>>
    %dma_wait3A_1575 = arith.constant 6880 : i32
    %dma_wait3A_1576 = tpu.memref_slice %arg4[%dma_wait3A_1575, %multiple_of3A_5] : memref<10000x4096xf32, #tpu.memory_space<hbm>> -> memref<80x128xf32, #tpu.memory_space<hbm>>
    tpu.wait_dma2 semaphore(%arg11 : memref<!tpu.dma_semaphore, #tpu.memory_space<semaphore_mem>>) src(%arg7 : memref<80x128xf32, #tpu.memory_space<vmem>>) dst(%dma_wait3A_1576 : memref<80x128xf32, #tpu.memory_space<hbm>>)
    %dma_start3A_1577 = arith.constant 7040 : i32
    %dma_start3A_1578 = tpu.memref_slice %arg6[%dma_start3A_1577] : memref<10000xi32, #tpu.memory_space<vmem>> -> memref<80xi32, #tpu.memory_space<vmem>>
    %dma_start3A_1579 = arith.constant 0 : i32
    %dma_start3A_1580 = arith.constant 0 : i32
    %dma_start3A_1581 = tpu.memref_slice %arg5[%dma_start3A_1579, %dma_start3A_1580] : memref<10000x128xf32, #tpu.memory_space<vmem_shared>> -> memref<10000x128xf32, #tpu.memory_space<vmem_shared>>
    tpu.enqueue_indirect_dma source(%dma_start3A_1581 : memref<10000x128xf32, #tpu.memory_space<vmem_shared>>) target(%arg7 : memref<80x128xf32, #tpu.memory_space<vmem>>) offsets(%dma_start3A_1578 : memref<80xi32, #tpu.memory_space<vmem>>) semaphore(%arg9 : memref<!tpu.dma_semaphore, #tpu.memory_space<semaphore_mem>>)
    %dma_wait3A_1582 = arith.constant 6960 : i32
    %dma_wait3A_1583 = tpu.memref_slice %arg6[%dma_wait3A_1582] : memref<10000xi32, #tpu.memory_space<vmem>> -> memref<80xi32, #tpu.memory_space<vmem>>
    %dma_wait3A_1584 = arith.constant 0 : i32
    %dma_wait3A_1585 = arith.constant 0 : i32
    %dma_wait3A_1586 = tpu.memref_slice %arg5[%dma_wait3A_1584, %dma_wait3A_1585] : memref<10000x128xf32, #tpu.memory_space<vmem_shared>> -> memref<10000x128xf32, #tpu.memory_space<vmem_shared>>
    tpu.wait_indirect_dma semaphore(%arg10 : memref<!tpu.dma_semaphore, #tpu.memory_space<semaphore_mem>>) src(%dma_wait3A_1586 : memref<10000x128xf32, #tpu.memory_space<vmem_shared>>) dst(%arg8 : memref<80x128xf32, #tpu.memory_space<vmem>>)
    %dma_start3A_1587 = arith.constant 6960 : i32
    %dma_start3A_1588 = tpu.memref_slice %arg4[%dma_start3A_1587, %multiple_of3A_5] : memref<10000x4096xf32, #tpu.memory_space<hbm>> -> memref<80x128xf32, #tpu.memory_space<hbm>>
    %dma_start3A_1589 = arith.constant 6960 : i32
    %dma_start3A_1590 = tpu.memref_slice %arg4[%dma_start3A_1589, %multiple_of3A_5] : memref<10000x4096xf32, #tpu.memory_space<hbm>> -> memref<80x128xf32, #tpu.memory_space<hbm>>
    tpu.enqueue_dma source(%arg8 : memref<80x128xf32, #tpu.memory_space<vmem>>) target(%dma_start3A_1590 : memref<80x128xf32, #tpu.memory_space<hbm>>) target_semaphore(%arg12 : memref<!tpu.dma_semaphore, #tpu.memory_space<semaphore_mem>>)
    %dma_wait3A_1591 = arith.constant 6960 : i32
    %dma_wait3A_1592 = tpu.memref_slice %arg4[%dma_wait3A_1591, %multiple_of3A_5] : memref<10000x4096xf32, #tpu.memory_space<hbm>> -> memref<80x128xf32, #tpu.memory_space<hbm>>
    %dma_wait3A_1593 = arith.constant 6960 : i32
    %dma_wait3A_1594 = tpu.memref_slice %arg4[%dma_wait3A_1593, %multiple_of3A_5] : memref<10000x4096xf32, #tpu.memory_space<hbm>> -> memref<80x128xf32, #tpu.memory_space<hbm>>
    tpu.wait_dma2 semaphore(%arg12 : memref<!tpu.dma_semaphore, #tpu.memory_space<semaphore_mem>>) src(%arg8 : memref<80x128xf32, #tpu.memory_space<vmem>>) dst(%dma_wait3A_1594 : memref<80x128xf32, #tpu.memory_space<hbm>>)
    %dma_start3A_1595 = arith.constant 7120 : i32
    %dma_start3A_1596 = tpu.memref_slice %arg6[%dma_start3A_1595] : memref<10000xi32, #tpu.memory_space<vmem>> -> memref<80xi32, #tpu.memory_space<vmem>>
    %dma_start3A_1597 = arith.constant 0 : i32
    %dma_start3A_1598 = arith.constant 0 : i32
    %dma_start3A_1599 = tpu.memref_slice %arg5[%dma_start3A_1597, %dma_start3A_1598] : memref<10000x128xf32, #tpu.memory_space<vmem_shared>> -> memref<10000x128xf32, #tpu.memory_space<vmem_shared>>
    tpu.enqueue_indirect_dma source(%dma_start3A_1599 : memref<10000x128xf32, #tpu.memory_space<vmem_shared>>) target(%arg8 : memref<80x128xf32, #tpu.memory_space<vmem>>) offsets(%dma_start3A_1596 : memref<80xi32, #tpu.memory_space<vmem>>) semaphore(%arg10 : memref<!tpu.dma_semaphore, #tpu.memory_space<semaphore_mem>>)
    %dma_wait3A_1600 = arith.constant 7040 : i32
    %dma_wait3A_1601 = tpu.memref_slice %arg6[%dma_wait3A_1600] : memref<10000xi32, #tpu.memory_space<vmem>> -> memref<80xi32, #tpu.memory_space<vmem>>
    %dma_wait3A_1602 = arith.constant 0 : i32
    %dma_wait3A_1603 = arith.constant 0 : i32
    %dma_wait3A_1604 = tpu.memref_slice %arg5[%dma_wait3A_1602, %dma_wait3A_1603] : memref<10000x128xf32, #tpu.memory_space<vmem_shared>> -> memref<10000x128xf32, #tpu.memory_space<vmem_shared>>
    tpu.wait_indirect_dma semaphore(%arg9 : memref<!tpu.dma_semaphore, #tpu.memory_space<semaphore_mem>>) src(%dma_wait3A_1604 : memref<10000x128xf32, #tpu.memory_space<vmem_shared>>) dst(%arg7 : memref<80x128xf32, #tpu.memory_space<vmem>>)
    %dma_start3A_1605 = arith.constant 7040 : i32
    %dma_start3A_1606 = tpu.memref_slice %arg4[%dma_start3A_1605, %multiple_of3A_5] : memref<10000x4096xf32, #tpu.memory_space<hbm>> -> memref<80x128xf32, #tpu.memory_space<hbm>>
    %dma_start3A_1607 = arith.constant 7040 : i32
    %dma_start3A_1608 = tpu.memref_slice %arg4[%dma_start3A_1607, %multiple_of3A_5] : memref<10000x4096xf32, #tpu.memory_space<hbm>> -> memref<80x128xf32, #tpu.memory_space<hbm>>
    tpu.enqueue_dma source(%arg7 : memref<80x128xf32, #tpu.memory_space<vmem>>) target(%dma_start3A_1608 : memref<80x128xf32, #tpu.memory_space<hbm>>) target_semaphore(%arg11 : memref<!tpu.dma_semaphore, #tpu.memory_space<semaphore_mem>>)
    %dma_wait3A_1609 = arith.constant 7040 : i32
    %dma_wait3A_1610 = tpu.memref_slice %arg4[%dma_wait3A_1609, %multiple_of3A_5] : memref<10000x4096xf32, #tpu.memory_space<hbm>> -> memref<80x128xf32, #tpu.memory_space<hbm>>
    %dma_wait3A_1611 = arith.constant 7040 : i32
    %dma_wait3A_1612 = tpu.memref_slice %arg4[%dma_wait3A_1611, %multiple_of3A_5] : memref<10000x4096xf32, #tpu.memory_space<hbm>> -> memref<80x128xf32, #tpu.memory_space<hbm>>
    tpu.wait_dma2 semaphore(%arg11 : memref<!tpu.dma_semaphore, #tpu.memory_space<semaphore_mem>>) src(%arg7 : memref<80x128xf32, #tpu.memory_space<vmem>>) dst(%dma_wait3A_1612 : memref<80x128xf32, #tpu.memory_space<hbm>>)
    %dma_start3A_1613 = arith.constant 7200 : i32
    %dma_start3A_1614 = tpu.memref_slice %arg6[%dma_start3A_1613] : memref<10000xi32, #tpu.memory_space<vmem>> -> memref<80xi32, #tpu.memory_space<vmem>>
    %dma_start3A_1615 = arith.constant 0 : i32
    %dma_start3A_1616 = arith.constant 0 : i32
    %dma_start3A_1617 = tpu.memref_slice %arg5[%dma_start3A_1615, %dma_start3A_1616] : memref<10000x128xf32, #tpu.memory_space<vmem_shared>> -> memref<10000x128xf32, #tpu.memory_space<vmem_shared>>
    tpu.enqueue_indirect_dma source(%dma_start3A_1617 : memref<10000x128xf32, #tpu.memory_space<vmem_shared>>) target(%arg7 : memref<80x128xf32, #tpu.memory_space<vmem>>) offsets(%dma_start3A_1614 : memref<80xi32, #tpu.memory_space<vmem>>) semaphore(%arg9 : memref<!tpu.dma_semaphore, #tpu.memory_space<semaphore_mem>>)
    %dma_wait3A_1618 = arith.constant 7120 : i32
    %dma_wait3A_1619 = tpu.memref_slice %arg6[%dma_wait3A_1618] : memref<10000xi32, #tpu.memory_space<vmem>> -> memref<80xi32, #tpu.memory_space<vmem>>
    %dma_wait3A_1620 = arith.constant 0 : i32
    %dma_wait3A_1621 = arith.constant 0 : i32
    %dma_wait3A_1622 = tpu.memref_slice %arg5[%dma_wait3A_1620, %dma_wait3A_1621] : memref<10000x128xf32, #tpu.memory_space<vmem_shared>> -> memref<10000x128xf32, #tpu.memory_space<vmem_shared>>
    tpu.wait_indirect_dma semaphore(%arg10 : memref<!tpu.dma_semaphore, #tpu.memory_space<semaphore_mem>>) src(%dma_wait3A_1622 : memref<10000x128xf32, #tpu.memory_space<vmem_shared>>) dst(%arg8 : memref<80x128xf32, #tpu.memory_space<vmem>>)
    %dma_start3A_1623 = arith.constant 7120 : i32
    %dma_start3A_1624 = tpu.memref_slice %arg4[%dma_start3A_1623, %multiple_of3A_5] : memref<10000x4096xf32, #tpu.memory_space<hbm>> -> memref<80x128xf32, #tpu.memory_space<hbm>>
    %dma_start3A_1625 = arith.constant 7120 : i32
    %dma_start3A_1626 = tpu.memref_slice %arg4[%dma_start3A_1625, %multiple_of3A_5] : memref<10000x4096xf32, #tpu.memory_space<hbm>> -> memref<80x128xf32, #tpu.memory_space<hbm>>
    tpu.enqueue_dma source(%arg8 : memref<80x128xf32, #tpu.memory_space<vmem>>) target(%dma_start3A_1626 : memref<80x128xf32, #tpu.memory_space<hbm>>) target_semaphore(%arg12 : memref<!tpu.dma_semaphore, #tpu.memory_space<semaphore_mem>>)
    %dma_wait3A_1627 = arith.constant 7120 : i32
    %dma_wait3A_1628 = tpu.memref_slice %arg4[%dma_wait3A_1627, %multiple_of3A_5] : memref<10000x4096xf32, #tpu.memory_space<hbm>> -> memref<80x128xf32, #tpu.memory_space<hbm>>
    %dma_wait3A_1629 = arith.constant 7120 : i32
    %dma_wait3A_1630 = tpu.memref_slice %arg4[%dma_wait3A_1629, %multiple_of3A_5] : memref<10000x4096xf32, #tpu.memory_space<hbm>> -> memref<80x128xf32, #tpu.memory_space<hbm>>
    tpu.wait_dma2 semaphore(%arg12 : memref<!tpu.dma_semaphore, #tpu.memory_space<semaphore_mem>>) src(%arg8 : memref<80x128xf32, #tpu.memory_space<vmem>>) dst(%dma_wait3A_1630 : memref<80x128xf32, #tpu.memory_space<hbm>>)
    %dma_start3A_1631 = arith.constant 7280 : i32
    %dma_start3A_1632 = tpu.memref_slice %arg6[%dma_start3A_1631] : memref<10000xi32, #tpu.memory_space<vmem>> -> memref<80xi32, #tpu.memory_space<vmem>>
    %dma_start3A_1633 = arith.constant 0 : i32
    %dma_start3A_1634 = arith.constant 0 : i32
    %dma_start3A_1635 = tpu.memref_slice %arg5[%dma_start3A_1633, %dma_start3A_1634] : memref<10000x128xf32, #tpu.memory_space<vmem_shared>> -> memref<10000x128xf32, #tpu.memory_space<vmem_shared>>
    tpu.enqueue_indirect_dma source(%dma_start3A_1635 : memref<10000x128xf32, #tpu.memory_space<vmem_shared>>) target(%arg8 : memref<80x128xf32, #tpu.memory_space<vmem>>) offsets(%dma_start3A_1632 : memref<80xi32, #tpu.memory_space<vmem>>) semaphore(%arg10 : memref<!tpu.dma_semaphore, #tpu.memory_space<semaphore_mem>>)
    %dma_wait3A_1636 = arith.constant 7200 : i32
    %dma_wait3A_1637 = tpu.memref_slice %arg6[%dma_wait3A_1636] : memref<10000xi32, #tpu.memory_space<vmem>> -> memref<80xi32, #tpu.memory_space<vmem>>
    %dma_wait3A_1638 = arith.constant 0 : i32
    %dma_wait3A_1639 = arith.constant 0 : i32
    %dma_wait3A_1640 = tpu.memref_slice %arg5[%dma_wait3A_1638, %dma_wait3A_1639] : memref<10000x128xf32, #tpu.memory_space<vmem_shared>> -> memref<10000x128xf32, #tpu.memory_space<vmem_shared>>
    tpu.wait_indirect_dma semaphore(%arg9 : memref<!tpu.dma_semaphore, #tpu.memory_space<semaphore_mem>>) src(%dma_wait3A_1640 : memref<10000x128xf32, #tpu.memory_space<vmem_shared>>) dst(%arg7 : memref<80x128xf32, #tpu.memory_space<vmem>>)
    %dma_start3A_1641 = arith.constant 7200 : i32
    %dma_start3A_1642 = tpu.memref_slice %arg4[%dma_start3A_1641, %multiple_of3A_5] : memref<10000x4096xf32, #tpu.memory_space<hbm>> -> memref<80x128xf32, #tpu.memory_space<hbm>>
    %dma_start3A_1643 = arith.constant 7200 : i32
    %dma_start3A_1644 = tpu.memref_slice %arg4[%dma_start3A_1643, %multiple_of3A_5] : memref<10000x4096xf32, #tpu.memory_space<hbm>> -> memref<80x128xf32, #tpu.memory_space<hbm>>
    tpu.enqueue_dma source(%arg7 : memref<80x128xf32, #tpu.memory_space<vmem>>) target(%dma_start3A_1644 : memref<80x128xf32, #tpu.memory_space<hbm>>) target_semaphore(%arg11 : memref<!tpu.dma_semaphore, #tpu.memory_space<semaphore_mem>>)
    %dma_wait3A_1645 = arith.constant 7200 : i32
    %dma_wait3A_1646 = tpu.memref_slice %arg4[%dma_wait3A_1645, %multiple_of3A_5] : memref<10000x4096xf32, #tpu.memory_space<hbm>> -> memref<80x128xf32, #tpu.memory_space<hbm>>
    %dma_wait3A_1647 = arith.constant 7200 : i32
    %dma_wait3A_1648 = tpu.memref_slice %arg4[%dma_wait3A_1647, %multiple_of3A_5] : memref<10000x4096xf32, #tpu.memory_space<hbm>> -> memref<80x128xf32, #tpu.memory_space<hbm>>
    tpu.wait_dma2 semaphore(%arg11 : memref<!tpu.dma_semaphore, #tpu.memory_space<semaphore_mem>>) src(%arg7 : memref<80x128xf32, #tpu.memory_space<vmem>>) dst(%dma_wait3A_1648 : memref<80x128xf32, #tpu.memory_space<hbm>>)
    %dma_start3A_1649 = arith.constant 7360 : i32
    %dma_start3A_1650 = tpu.memref_slice %arg6[%dma_start3A_1649] : memref<10000xi32, #tpu.memory_space<vmem>> -> memref<80xi32, #tpu.memory_space<vmem>>
    %dma_start3A_1651 = arith.constant 0 : i32
    %dma_start3A_1652 = arith.constant 0 : i32
    %dma_start3A_1653 = tpu.memref_slice %arg5[%dma_start3A_1651, %dma_start3A_1652] : memref<10000x128xf32, #tpu.memory_space<vmem_shared>> -> memref<10000x128xf32, #tpu.memory_space<vmem_shared>>
    tpu.enqueue_indirect_dma source(%dma_start3A_1653 : memref<10000x128xf32, #tpu.memory_space<vmem_shared>>) target(%arg7 : memref<80x128xf32, #tpu.memory_space<vmem>>) offsets(%dma_start3A_1650 : memref<80xi32, #tpu.memory_space<vmem>>) semaphore(%arg9 : memref<!tpu.dma_semaphore, #tpu.memory_space<semaphore_mem>>)
    %dma_wait3A_1654 = arith.constant 7280 : i32
    %dma_wait3A_1655 = tpu.memref_slice %arg6[%dma_wait3A_1654] : memref<10000xi32, #tpu.memory_space<vmem>> -> memref<80xi32, #tpu.memory_space<vmem>>
    %dma_wait3A_1656 = arith.constant 0 : i32
    %dma_wait3A_1657 = arith.constant 0 : i32
    %dma_wait3A_1658 = tpu.memref_slice %arg5[%dma_wait3A_1656, %dma_wait3A_1657] : memref<10000x128xf32, #tpu.memory_space<vmem_shared>> -> memref<10000x128xf32, #tpu.memory_space<vmem_shared>>
    tpu.wait_indirect_dma semaphore(%arg10 : memref<!tpu.dma_semaphore, #tpu.memory_space<semaphore_mem>>) src(%dma_wait3A_1658 : memref<10000x128xf32, #tpu.memory_space<vmem_shared>>) dst(%arg8 : memref<80x128xf32, #tpu.memory_space<vmem>>)
    %dma_start3A_1659 = arith.constant 7280 : i32
    %dma_start3A_1660 = tpu.memref_slice %arg4[%dma_start3A_1659, %multiple_of3A_5] : memref<10000x4096xf32, #tpu.memory_space<hbm>> -> memref<80x128xf32, #tpu.memory_space<hbm>>
    %dma_start3A_1661 = arith.constant 7280 : i32
    %dma_start3A_1662 = tpu.memref_slice %arg4[%dma_start3A_1661, %multiple_of3A_5] : memref<10000x4096xf32, #tpu.memory_space<hbm>> -> memref<80x128xf32, #tpu.memory_space<hbm>>
    tpu.enqueue_dma source(%arg8 : memref<80x128xf32, #tpu.memory_space<vmem>>) target(%dma_start3A_1662 : memref<80x128xf32, #tpu.memory_space<hbm>>) target_semaphore(%arg12 : memref<!tpu.dma_semaphore, #tpu.memory_space<semaphore_mem>>)
    %dma_wait3A_1663 = arith.constant 7280 : i32
    %dma_wait3A_1664 = tpu.memref_slice %arg4[%dma_wait3A_1663, %multiple_of3A_5] : memref<10000x4096xf32, #tpu.memory_space<hbm>> -> memref<80x128xf32, #tpu.memory_space<hbm>>
    %dma_wait3A_1665 = arith.constant 7280 : i32
    %dma_wait3A_1666 = tpu.memref_slice %arg4[%dma_wait3A_1665, %multiple_of3A_5] : memref<10000x4096xf32, #tpu.memory_space<hbm>> -> memref<80x128xf32, #tpu.memory_space<hbm>>
    tpu.wait_dma2 semaphore(%arg12 : memref<!tpu.dma_semaphore, #tpu.memory_space<semaphore_mem>>) src(%arg8 : memref<80x128xf32, #tpu.memory_space<vmem>>) dst(%dma_wait3A_1666 : memref<80x128xf32, #tpu.memory_space<hbm>>)
    %dma_start3A_1667 = arith.constant 7440 : i32
    %dma_start3A_1668 = tpu.memref_slice %arg6[%dma_start3A_1667] : memref<10000xi32, #tpu.memory_space<vmem>> -> memref<80xi32, #tpu.memory_space<vmem>>
    %dma_start3A_1669 = arith.constant 0 : i32
    %dma_start3A_1670 = arith.constant 0 : i32
    %dma_start3A_1671 = tpu.memref_slice %arg5[%dma_start3A_1669, %dma_start3A_1670] : memref<10000x128xf32, #tpu.memory_space<vmem_shared>> -> memref<10000x128xf32, #tpu.memory_space<vmem_shared>>
    tpu.enqueue_indirect_dma source(%dma_start3A_1671 : memref<10000x128xf32, #tpu.memory_space<vmem_shared>>) target(%arg8 : memref<80x128xf32, #tpu.memory_space<vmem>>) offsets(%dma_start3A_1668 : memref<80xi32, #tpu.memory_space<vmem>>) semaphore(%arg10 : memref<!tpu.dma_semaphore, #tpu.memory_space<semaphore_mem>>)
    %dma_wait3A_1672 = arith.constant 7360 : i32
    %dma_wait3A_1673 = tpu.memref_slice %arg6[%dma_wait3A_1672] : memref<10000xi32, #tpu.memory_space<vmem>> -> memref<80xi32, #tpu.memory_space<vmem>>
    %dma_wait3A_1674 = arith.constant 0 : i32
    %dma_wait3A_1675 = arith.constant 0 : i32
    %dma_wait3A_1676 = tpu.memref_slice %arg5[%dma_wait3A_1674, %dma_wait3A_1675] : memref<10000x128xf32, #tpu.memory_space<vmem_shared>> -> memref<10000x128xf32, #tpu.memory_space<vmem_shared>>
    tpu.wait_indirect_dma semaphore(%arg9 : memref<!tpu.dma_semaphore, #tpu.memory_space<semaphore_mem>>) src(%dma_wait3A_1676 : memref<10000x128xf32, #tpu.memory_space<vmem_shared>>) dst(%arg7 : memref<80x128xf32, #tpu.memory_space<vmem>>)
    %dma_start3A_1677 = arith.constant 7360 : i32
    %dma_start3A_1678 = tpu.memref_slice %arg4[%dma_start3A_1677, %multiple_of3A_5] : memref<10000x4096xf32, #tpu.memory_space<hbm>> -> memref<80x128xf32, #tpu.memory_space<hbm>>
    %dma_start3A_1679 = arith.constant 7360 : i32
    %dma_start3A_1680 = tpu.memref_slice %arg4[%dma_start3A_1679, %multiple_of3A_5] : memref<10000x4096xf32, #tpu.memory_space<hbm>> -> memref<80x128xf32, #tpu.memory_space<hbm>>
    tpu.enqueue_dma source(%arg7 : memref<80x128xf32, #tpu.memory_space<vmem>>) target(%dma_start3A_1680 : memref<80x128xf32, #tpu.memory_space<hbm>>) target_semaphore(%arg11 : memref<!tpu.dma_semaphore, #tpu.memory_space<semaphore_mem>>)
    %dma_wait3A_1681 = arith.constant 7360 : i32
    %dma_wait3A_1682 = tpu.memref_slice %arg4[%dma_wait3A_1681, %multiple_of3A_5] : memref<10000x4096xf32, #tpu.memory_space<hbm>> -> memref<80x128xf32, #tpu.memory_space<hbm>>
    %dma_wait3A_1683 = arith.constant 7360 : i32
    %dma_wait3A_1684 = tpu.memref_slice %arg4[%dma_wait3A_1683, %multiple_of3A_5] : memref<10000x4096xf32, #tpu.memory_space<hbm>> -> memref<80x128xf32, #tpu.memory_space<hbm>>
    tpu.wait_dma2 semaphore(%arg11 : memref<!tpu.dma_semaphore, #tpu.memory_space<semaphore_mem>>) src(%arg7 : memref<80x128xf32, #tpu.memory_space<vmem>>) dst(%dma_wait3A_1684 : memref<80x128xf32, #tpu.memory_space<hbm>>)
    %dma_start3A_1685 = arith.constant 7520 : i32
    %dma_start3A_1686 = tpu.memref_slice %arg6[%dma_start3A_1685] : memref<10000xi32, #tpu.memory_space<vmem>> -> memref<80xi32, #tpu.memory_space<vmem>>
    %dma_start3A_1687 = arith.constant 0 : i32
    %dma_start3A_1688 = arith.constant 0 : i32
    %dma_start3A_1689 = tpu.memref_slice %arg5[%dma_start3A_1687, %dma_start3A_1688] : memref<10000x128xf32, #tpu.memory_space<vmem_shared>> -> memref<10000x128xf32, #tpu.memory_space<vmem_shared>>
    tpu.enqueue_indirect_dma source(%dma_start3A_1689 : memref<10000x128xf32, #tpu.memory_space<vmem_shared>>) target(%arg7 : memref<80x128xf32, #tpu.memory_space<vmem>>) offsets(%dma_start3A_1686 : memref<80xi32, #tpu.memory_space<vmem>>) semaphore(%arg9 : memref<!tpu.dma_semaphore, #tpu.memory_space<semaphore_mem>>)
    %dma_wait3A_1690 = arith.constant 7440 : i32
    %dma_wait3A_1691 = tpu.memref_slice %arg6[%dma_wait3A_1690] : memref<10000xi32, #tpu.memory_space<vmem>> -> memref<80xi32, #tpu.memory_space<vmem>>
    %dma_wait3A_1692 = arith.constant 0 : i32
    %dma_wait3A_1693 = arith.constant 0 : i32
    %dma_wait3A_1694 = tpu.memref_slice %arg5[%dma_wait3A_1692, %dma_wait3A_1693] : memref<10000x128xf32, #tpu.memory_space<vmem_shared>> -> memref<10000x128xf32, #tpu.memory_space<vmem_shared>>
    tpu.wait_indirect_dma semaphore(%arg10 : memref<!tpu.dma_semaphore, #tpu.memory_space<semaphore_mem>>) src(%dma_wait3A_1694 : memref<10000x128xf32, #tpu.memory_space<vmem_shared>>) dst(%arg8 : memref<80x128xf32, #tpu.memory_space<vmem>>)
    %dma_start3A_1695 = arith.constant 7440 : i32
    %dma_start3A_1696 = tpu.memref_slice %arg4[%dma_start3A_1695, %multiple_of3A_5] : memref<10000x4096xf32, #tpu.memory_space<hbm>> -> memref<80x128xf32, #tpu.memory_space<hbm>>
    %dma_start3A_1697 = arith.constant 7440 : i32
    %dma_start3A_1698 = tpu.memref_slice %arg4[%dma_start3A_1697, %multiple_of3A_5] : memref<10000x4096xf32, #tpu.memory_space<hbm>> -> memref<80x128xf32, #tpu.memory_space<hbm>>
    tpu.enqueue_dma source(%arg8 : memref<80x128xf32, #tpu.memory_space<vmem>>) target(%dma_start3A_1698 : memref<80x128xf32, #tpu.memory_space<hbm>>) target_semaphore(%arg12 : memref<!tpu.dma_semaphore, #tpu.memory_space<semaphore_mem>>)
    %dma_wait3A_1699 = arith.constant 7440 : i32
    %dma_wait3A_1700 = tpu.memref_slice %arg4[%dma_wait3A_1699, %multiple_of3A_5] : memref<10000x4096xf32, #tpu.memory_space<hbm>> -> memref<80x128xf32, #tpu.memory_space<hbm>>
    %dma_wait3A_1701 = arith.constant 7440 : i32
    %dma_wait3A_1702 = tpu.memref_slice %arg4[%dma_wait3A_1701, %multiple_of3A_5] : memref<10000x4096xf32, #tpu.memory_space<hbm>> -> memref<80x128xf32, #tpu.memory_space<hbm>>
    tpu.wait_dma2 semaphore(%arg12 : memref<!tpu.dma_semaphore, #tpu.memory_space<semaphore_mem>>) src(%arg8 : memref<80x128xf32, #tpu.memory_space<vmem>>) dst(%dma_wait3A_1702 : memref<80x128xf32, #tpu.memory_space<hbm>>)
    %dma_start3A_1703 = arith.constant 7600 : i32
    %dma_start3A_1704 = tpu.memref_slice %arg6[%dma_start3A_1703] : memref<10000xi32, #tpu.memory_space<vmem>> -> memref<80xi32, #tpu.memory_space<vmem>>
    %dma_start3A_1705 = arith.constant 0 : i32
    %dma_start3A_1706 = arith.constant 0 : i32
    %dma_start3A_1707 = tpu.memref_slice %arg5[%dma_start3A_1705, %dma_start3A_1706] : memref<10000x128xf32, #tpu.memory_space<vmem_shared>> -> memref<10000x128xf32, #tpu.memory_space<vmem_shared>>
    tpu.enqueue_indirect_dma source(%dma_start3A_1707 : memref<10000x128xf32, #tpu.memory_space<vmem_shared>>) target(%arg8 : memref<80x128xf32, #tpu.memory_space<vmem>>) offsets(%dma_start3A_1704 : memref<80xi32, #tpu.memory_space<vmem>>) semaphore(%arg10 : memref<!tpu.dma_semaphore, #tpu.memory_space<semaphore_mem>>)
    %dma_wait3A_1708 = arith.constant 7520 : i32
    %dma_wait3A_1709 = tpu.memref_slice %arg6[%dma_wait3A_1708] : memref<10000xi32, #tpu.memory_space<vmem>> -> memref<80xi32, #tpu.memory_space<vmem>>
    %dma_wait3A_1710 = arith.constant 0 : i32
    %dma_wait3A_1711 = arith.constant 0 : i32
    %dma_wait3A_1712 = tpu.memref_slice %arg5[%dma_wait3A_1710, %dma_wait3A_1711] : memref<10000x128xf32, #tpu.memory_space<vmem_shared>> -> memref<10000x128xf32, #tpu.memory_space<vmem_shared>>
    tpu.wait_indirect_dma semaphore(%arg9 : memref<!tpu.dma_semaphore, #tpu.memory_space<semaphore_mem>>) src(%dma_wait3A_1712 : memref<10000x128xf32, #tpu.memory_space<vmem_shared>>) dst(%arg7 : memref<80x128xf32, #tpu.memory_space<vmem>>)
    %dma_start3A_1713 = arith.constant 7520 : i32
    %dma_start3A_1714 = tpu.memref_slice %arg4[%dma_start3A_1713, %multiple_of3A_5] : memref<10000x4096xf32, #tpu.memory_space<hbm>> -> memref<80x128xf32, #tpu.memory_space<hbm>>
    %dma_start3A_1715 = arith.constant 7520 : i32
    %dma_start3A_1716 = tpu.memref_slice %arg4[%dma_start3A_1715, %multiple_of3A_5] : memref<10000x4096xf32, #tpu.memory_space<hbm>> -> memref<80x128xf32, #tpu.memory_space<hbm>>
    tpu.enqueue_dma source(%arg7 : memref<80x128xf32, #tpu.memory_space<vmem>>) target(%dma_start3A_1716 : memref<80x128xf32, #tpu.memory_space<hbm>>) target_semaphore(%arg11 : memref<!tpu.dma_semaphore, #tpu.memory_space<semaphore_mem>>)
    %dma_wait3A_1717 = arith.constant 7520 : i32
    %dma_wait3A_1718 = tpu.memref_slice %arg4[%dma_wait3A_1717, %multiple_of3A_5] : memref<10000x4096xf32, #tpu.memory_space<hbm>> -> memref<80x128xf32, #tpu.memory_space<hbm>>
    %dma_wait3A_1719 = arith.constant 7520 : i32
    %dma_wait3A_1720 = tpu.memref_slice %arg4[%dma_wait3A_1719, %multiple_of3A_5] : memref<10000x4096xf32, #tpu.memory_space<hbm>> -> memref<80x128xf32, #tpu.memory_space<hbm>>
    tpu.wait_dma2 semaphore(%arg11 : memref<!tpu.dma_semaphore, #tpu.memory_space<semaphore_mem>>) src(%arg7 : memref<80x128xf32, #tpu.memory_space<vmem>>) dst(%dma_wait3A_1720 : memref<80x128xf32, #tpu.memory_space<hbm>>)
    %dma_start3A_1721 = arith.constant 7680 : i32
    %dma_start3A_1722 = tpu.memref_slice %arg6[%dma_start3A_1721] : memref<10000xi32, #tpu.memory_space<vmem>> -> memref<80xi32, #tpu.memory_space<vmem>>
    %dma_start3A_1723 = arith.constant 0 : i32
    %dma_start3A_1724 = arith.constant 0 : i32
    %dma_start3A_1725 = tpu.memref_slice %arg5[%dma_start3A_1723, %dma_start3A_1724] : memref<10000x128xf32, #tpu.memory_space<vmem_shared>> -> memref<10000x128xf32, #tpu.memory_space<vmem_shared>>
    tpu.enqueue_indirect_dma source(%dma_start3A_1725 : memref<10000x128xf32, #tpu.memory_space<vmem_shared>>) target(%arg7 : memref<80x128xf32, #tpu.memory_space<vmem>>) offsets(%dma_start3A_1722 : memref<80xi32, #tpu.memory_space<vmem>>) semaphore(%arg9 : memref<!tpu.dma_semaphore, #tpu.memory_space<semaphore_mem>>)
    %dma_wait3A_1726 = arith.constant 7600 : i32
    %dma_wait3A_1727 = tpu.memref_slice %arg6[%dma_wait3A_1726] : memref<10000xi32, #tpu.memory_space<vmem>> -> memref<80xi32, #tpu.memory_space<vmem>>
    %dma_wait3A_1728 = arith.constant 0 : i32
    %dma_wait3A_1729 = arith.constant 0 : i32
    %dma_wait3A_1730 = tpu.memref_slice %arg5[%dma_wait3A_1728, %dma_wait3A_1729] : memref<10000x128xf32, #tpu.memory_space<vmem_shared>> -> memref<10000x128xf32, #tpu.memory_space<vmem_shared>>
    tpu.wait_indirect_dma semaphore(%arg10 : memref<!tpu.dma_semaphore, #tpu.memory_space<semaphore_mem>>) src(%dma_wait3A_1730 : memref<10000x128xf32, #tpu.memory_space<vmem_shared>>) dst(%arg8 : memref<80x128xf32, #tpu.memory_space<vmem>>)
    %dma_start3A_1731 = arith.constant 7600 : i32
    %dma_start3A_1732 = tpu.memref_slice %arg4[%dma_start3A_1731, %multiple_of3A_5] : memref<10000x4096xf32, #tpu.memory_space<hbm>> -> memref<80x128xf32, #tpu.memory_space<hbm>>
    %dma_start3A_1733 = arith.constant 7600 : i32
    %dma_start3A_1734 = tpu.memref_slice %arg4[%dma_start3A_1733, %multiple_of3A_5] : memref<10000x4096xf32, #tpu.memory_space<hbm>> -> memref<80x128xf32, #tpu.memory_space<hbm>>
    tpu.enqueue_dma source(%arg8 : memref<80x128xf32, #tpu.memory_space<vmem>>) target(%dma_start3A_1734 : memref<80x128xf32, #tpu.memory_space<hbm>>) target_semaphore(%arg12 : memref<!tpu.dma_semaphore, #tpu.memory_space<semaphore_mem>>)
    %dma_wait3A_1735 = arith.constant 7600 : i32
    %dma_wait3A_1736 = tpu.memref_slice %arg4[%dma_wait3A_1735, %multiple_of3A_5] : memref<10000x4096xf32, #tpu.memory_space<hbm>> -> memref<80x128xf32, #tpu.memory_space<hbm>>
    %dma_wait3A_1737 = arith.constant 7600 : i32
    %dma_wait3A_1738 = tpu.memref_slice %arg4[%dma_wait3A_1737, %multiple_of3A_5] : memref<10000x4096xf32, #tpu.memory_space<hbm>> -> memref<80x128xf32, #tpu.memory_space<hbm>>
    tpu.wait_dma2 semaphore(%arg12 : memref<!tpu.dma_semaphore, #tpu.memory_space<semaphore_mem>>) src(%arg8 : memref<80x128xf32, #tpu.memory_space<vmem>>) dst(%dma_wait3A_1738 : memref<80x128xf32, #tpu.memory_space<hbm>>)
    %dma_start3A_1739 = arith.constant 7760 : i32
    %dma_start3A_1740 = tpu.memref_slice %arg6[%dma_start3A_1739] : memref<10000xi32, #tpu.memory_space<vmem>> -> memref<80xi32, #tpu.memory_space<vmem>>
    %dma_start3A_1741 = arith.constant 0 : i32
    %dma_start3A_1742 = arith.constant 0 : i32
    %dma_start3A_1743 = tpu.memref_slice %arg5[%dma_start3A_1741, %dma_start3A_1742] : memref<10000x128xf32, #tpu.memory_space<vmem_shared>> -> memref<10000x128xf32, #tpu.memory_space<vmem_shared>>
    tpu.enqueue_indirect_dma source(%dma_start3A_1743 : memref<10000x128xf32, #tpu.memory_space<vmem_shared>>) target(%arg8 : memref<80x128xf32, #tpu.memory_space<vmem>>) offsets(%dma_start3A_1740 : memref<80xi32, #tpu.memory_space<vmem>>) semaphore(%arg10 : memref<!tpu.dma_semaphore, #tpu.memory_space<semaphore_mem>>)
    %dma_wait3A_1744 = arith.constant 7680 : i32
    %dma_wait3A_1745 = tpu.memref_slice %arg6[%dma_wait3A_1744] : memref<10000xi32, #tpu.memory_space<vmem>> -> memref<80xi32, #tpu.memory_space<vmem>>
    %dma_wait3A_1746 = arith.constant 0 : i32
    %dma_wait3A_1747 = arith.constant 0 : i32
    %dma_wait3A_1748 = tpu.memref_slice %arg5[%dma_wait3A_1746, %dma_wait3A_1747] : memref<10000x128xf32, #tpu.memory_space<vmem_shared>> -> memref<10000x128xf32, #tpu.memory_space<vmem_shared>>
    tpu.wait_indirect_dma semaphore(%arg9 : memref<!tpu.dma_semaphore, #tpu.memory_space<semaphore_mem>>) src(%dma_wait3A_1748 : memref<10000x128xf32, #tpu.memory_space<vmem_shared>>) dst(%arg7 : memref<80x128xf32, #tpu.memory_space<vmem>>)
    %dma_start3A_1749 = arith.constant 7680 : i32
    %dma_start3A_1750 = tpu.memref_slice %arg4[%dma_start3A_1749, %multiple_of3A_5] : memref<10000x4096xf32, #tpu.memory_space<hbm>> -> memref<80x128xf32, #tpu.memory_space<hbm>>
    %dma_start3A_1751 = arith.constant 7680 : i32
    %dma_start3A_1752 = tpu.memref_slice %arg4[%dma_start3A_1751, %multiple_of3A_5] : memref<10000x4096xf32, #tpu.memory_space<hbm>> -> memref<80x128xf32, #tpu.memory_space<hbm>>
    tpu.enqueue_dma source(%arg7 : memref<80x128xf32, #tpu.memory_space<vmem>>) target(%dma_start3A_1752 : memref<80x128xf32, #tpu.memory_space<hbm>>) target_semaphore(%arg11 : memref<!tpu.dma_semaphore, #tpu.memory_space<semaphore_mem>>)
    %dma_wait3A_1753 = arith.constant 7680 : i32
    %dma_wait3A_1754 = tpu.memref_slice %arg4[%dma_wait3A_1753, %multiple_of3A_5] : memref<10000x4096xf32, #tpu.memory_space<hbm>> -> memref<80x128xf32, #tpu.memory_space<hbm>>
    %dma_wait3A_1755 = arith.constant 7680 : i32
    %dma_wait3A_1756 = tpu.memref_slice %arg4[%dma_wait3A_1755, %multiple_of3A_5] : memref<10000x4096xf32, #tpu.memory_space<hbm>> -> memref<80x128xf32, #tpu.memory_space<hbm>>
    tpu.wait_dma2 semaphore(%arg11 : memref<!tpu.dma_semaphore, #tpu.memory_space<semaphore_mem>>) src(%arg7 : memref<80x128xf32, #tpu.memory_space<vmem>>) dst(%dma_wait3A_1756 : memref<80x128xf32, #tpu.memory_space<hbm>>)
    %dma_start3A_1757 = arith.constant 7840 : i32
    %dma_start3A_1758 = tpu.memref_slice %arg6[%dma_start3A_1757] : memref<10000xi32, #tpu.memory_space<vmem>> -> memref<80xi32, #tpu.memory_space<vmem>>
    %dma_start3A_1759 = arith.constant 0 : i32
    %dma_start3A_1760 = arith.constant 0 : i32
    %dma_start3A_1761 = tpu.memref_slice %arg5[%dma_start3A_1759, %dma_start3A_1760] : memref<10000x128xf32, #tpu.memory_space<vmem_shared>> -> memref<10000x128xf32, #tpu.memory_space<vmem_shared>>
    tpu.enqueue_indirect_dma source(%dma_start3A_1761 : memref<10000x128xf32, #tpu.memory_space<vmem_shared>>) target(%arg7 : memref<80x128xf32, #tpu.memory_space<vmem>>) offsets(%dma_start3A_1758 : memref<80xi32, #tpu.memory_space<vmem>>) semaphore(%arg9 : memref<!tpu.dma_semaphore, #tpu.memory_space<semaphore_mem>>)
    %dma_wait3A_1762 = arith.constant 7760 : i32
    %dma_wait3A_1763 = tpu.memref_slice %arg6[%dma_wait3A_1762] : memref<10000xi32, #tpu.memory_space<vmem>> -> memref<80xi32, #tpu.memory_space<vmem>>
    %dma_wait3A_1764 = arith.constant 0 : i32
    %dma_wait3A_1765 = arith.constant 0 : i32
    %dma_wait3A_1766 = tpu.memref_slice %arg5[%dma_wait3A_1764, %dma_wait3A_1765] : memref<10000x128xf32, #tpu.memory_space<vmem_shared>> -> memref<10000x128xf32, #tpu.memory_space<vmem_shared>>
    tpu.wait_indirect_dma semaphore(%arg10 : memref<!tpu.dma_semaphore, #tpu.memory_space<semaphore_mem>>) src(%dma_wait3A_1766 : memref<10000x128xf32, #tpu.memory_space<vmem_shared>>) dst(%arg8 : memref<80x128xf32, #tpu.memory_space<vmem>>)
    %dma_start3A_1767 = arith.constant 7760 : i32
    %dma_start3A_1768 = tpu.memref_slice %arg4[%dma_start3A_1767, %multiple_of3A_5] : memref<10000x4096xf32, #tpu.memory_space<hbm>> -> memref<80x128xf32, #tpu.memory_space<hbm>>
    %dma_start3A_1769 = arith.constant 7760 : i32
    %dma_start3A_1770 = tpu.memref_slice %arg4[%dma_start3A_1769, %multiple_of3A_5] : memref<10000x4096xf32, #tpu.memory_space<hbm>> -> memref<80x128xf32, #tpu.memory_space<hbm>>
    tpu.enqueue_dma source(%arg8 : memref<80x128xf32, #tpu.memory_space<vmem>>) target(%dma_start3A_1770 : memref<80x128xf32, #tpu.memory_space<hbm>>) target_semaphore(%arg12 : memref<!tpu.dma_semaphore, #tpu.memory_space<semaphore_mem>>)
    %dma_wait3A_1771 = arith.constant 7760 : i32
    %dma_wait3A_1772 = tpu.memref_slice %arg4[%dma_wait3A_1771, %multiple_of3A_5] : memref<10000x4096xf32, #tpu.memory_space<hbm>> -> memref<80x128xf32, #tpu.memory_space<hbm>>
    %dma_wait3A_1773 = arith.constant 7760 : i32
    %dma_wait3A_1774 = tpu.memref_slice %arg4[%dma_wait3A_1773, %multiple_of3A_5] : memref<10000x4096xf32, #tpu.memory_space<hbm>> -> memref<80x128xf32, #tpu.memory_space<hbm>>
    tpu.wait_dma2 semaphore(%arg12 : memref<!tpu.dma_semaphore, #tpu.memory_space<semaphore_mem>>) src(%arg8 : memref<80x128xf32, #tpu.memory_space<vmem>>) dst(%dma_wait3A_1774 : memref<80x128xf32, #tpu.memory_space<hbm>>)
    %dma_start3A_1775 = arith.constant 7920 : i32
    %dma_start3A_1776 = tpu.memref_slice %arg6[%dma_start3A_1775] : memref<10000xi32, #tpu.memory_space<vmem>> -> memref<80xi32, #tpu.memory_space<vmem>>
    %dma_start3A_1777 = arith.constant 0 : i32
    %dma_start3A_1778 = arith.constant 0 : i32
    %dma_start3A_1779 = tpu.memref_slice %arg5[%dma_start3A_1777, %dma_start3A_1778] : memref<10000x128xf32, #tpu.memory_space<vmem_shared>> -> memref<10000x128xf32, #tpu.memory_space<vmem_shared>>
    tpu.enqueue_indirect_dma source(%dma_start3A_1779 : memref<10000x128xf32, #tpu.memory_space<vmem_shared>>) target(%arg8 : memref<80x128xf32, #tpu.memory_space<vmem>>) offsets(%dma_start3A_1776 : memref<80xi32, #tpu.memory_space<vmem>>) semaphore(%arg10 : memref<!tpu.dma_semaphore, #tpu.memory_space<semaphore_mem>>)
    %dma_wait3A_1780 = arith.constant 7840 : i32
    %dma_wait3A_1781 = tpu.memref_slice %arg6[%dma_wait3A_1780] : memref<10000xi32, #tpu.memory_space<vmem>> -> memref<80xi32, #tpu.memory_space<vmem>>
    %dma_wait3A_1782 = arith.constant 0 : i32
    %dma_wait3A_1783 = arith.constant 0 : i32
    %dma_wait3A_1784 = tpu.memref_slice %arg5[%dma_wait3A_1782, %dma_wait3A_1783] : memref<10000x128xf32, #tpu.memory_space<vmem_shared>> -> memref<10000x128xf32, #tpu.memory_space<vmem_shared>>
    tpu.wait_indirect_dma semaphore(%arg9 : memref<!tpu.dma_semaphore, #tpu.memory_space<semaphore_mem>>) src(%dma_wait3A_1784 : memref<10000x128xf32, #tpu.memory_space<vmem_shared>>) dst(%arg7 : memref<80x128xf32, #tpu.memory_space<vmem>>)
    %dma_start3A_1785 = arith.constant 7840 : i32
    %dma_start3A_1786 = tpu.memref_slice %arg4[%dma_start3A_1785, %multiple_of3A_5] : memref<10000x4096xf32, #tpu.memory_space<hbm>> -> memref<80x128xf32, #tpu.memory_space<hbm>>
    %dma_start3A_1787 = arith.constant 7840 : i32
    %dma_start3A_1788 = tpu.memref_slice %arg4[%dma_start3A_1787, %multiple_of3A_5] : memref<10000x4096xf32, #tpu.memory_space<hbm>> -> memref<80x128xf32, #tpu.memory_space<hbm>>
    tpu.enqueue_dma source(%arg7 : memref<80x128xf32, #tpu.memory_space<vmem>>) target(%dma_start3A_1788 : memref<80x128xf32, #tpu.memory_space<hbm>>) target_semaphore(%arg11 : memref<!tpu.dma_semaphore, #tpu.memory_space<semaphore_mem>>)
    %dma_wait3A_1789 = arith.constant 7840 : i32
    %dma_wait3A_1790 = tpu.memref_slice %arg4[%dma_wait3A_1789, %multiple_of3A_5] : memref<10000x4096xf32, #tpu.memory_space<hbm>> -> memref<80x128xf32, #tpu.memory_space<hbm>>
    %dma_wait3A_1791 = arith.constant 7840 : i32
    %dma_wait3A_1792 = tpu.memref_slice %arg4[%dma_wait3A_1791, %multiple_of3A_5] : memref<10000x4096xf32, #tpu.memory_space<hbm>> -> memref<80x128xf32, #tpu.memory_space<hbm>>
    tpu.wait_dma2 semaphore(%arg11 : memref<!tpu.dma_semaphore, #tpu.memory_space<semaphore_mem>>) src(%arg7 : memref<80x128xf32, #tpu.memory_space<vmem>>) dst(%dma_wait3A_1792 : memref<80x128xf32, #tpu.memory_space<hbm>>)
    %dma_start3A_1793 = arith.constant 8000 : i32
    %dma_start3A_1794 = tpu.memref_slice %arg6[%dma_start3A_1793] : memref<10000xi32, #tpu.memory_space<vmem>> -> memref<80xi32, #tpu.memory_space<vmem>>
    %dma_start3A_1795 = arith.constant 0 : i32
    %dma_start3A_1796 = arith.constant 0 : i32
    %dma_start3A_1797 = tpu.memref_slice %arg5[%dma_start3A_1795, %dma_start3A_1796] : memref<10000x128xf32, #tpu.memory_space<vmem_shared>> -> memref<10000x128xf32, #tpu.memory_space<vmem_shared>>
    tpu.enqueue_indirect_dma source(%dma_start3A_1797 : memref<10000x128xf32, #tpu.memory_space<vmem_shared>>) target(%arg7 : memref<80x128xf32, #tpu.memory_space<vmem>>) offsets(%dma_start3A_1794 : memref<80xi32, #tpu.memory_space<vmem>>) semaphore(%arg9 : memref<!tpu.dma_semaphore, #tpu.memory_space<semaphore_mem>>)
    %dma_wait3A_1798 = arith.constant 7920 : i32
    %dma_wait3A_1799 = tpu.memref_slice %arg6[%dma_wait3A_1798] : memref<10000xi32, #tpu.memory_space<vmem>> -> memref<80xi32, #tpu.memory_space<vmem>>
    %dma_wait3A_1800 = arith.constant 0 : i32
    %dma_wait3A_1801 = arith.constant 0 : i32
    %dma_wait3A_1802 = tpu.memref_slice %arg5[%dma_wait3A_1800, %dma_wait3A_1801] : memref<10000x128xf32, #tpu.memory_space<vmem_shared>> -> memref<10000x128xf32, #tpu.memory_space<vmem_shared>>
    tpu.wait_indirect_dma semaphore(%arg10 : memref<!tpu.dma_semaphore, #tpu.memory_space<semaphore_mem>>) src(%dma_wait3A_1802 : memref<10000x128xf32, #tpu.memory_space<vmem_shared>>) dst(%arg8 : memref<80x128xf32, #tpu.memory_space<vmem>>)
    %dma_start3A_1803 = arith.constant 7920 : i32
    %dma_start3A_1804 = tpu.memref_slice %arg4[%dma_start3A_1803, %multiple_of3A_5] : memref<10000x4096xf32, #tpu.memory_space<hbm>> -> memref<80x128xf32, #tpu.memory_space<hbm>>
    %dma_start3A_1805 = arith.constant 7920 : i32
    %dma_start3A_1806 = tpu.memref_slice %arg4[%dma_start3A_1805, %multiple_of3A_5] : memref<10000x4096xf32, #tpu.memory_space<hbm>> -> memref<80x128xf32, #tpu.memory_space<hbm>>
    tpu.enqueue_dma source(%arg8 : memref<80x128xf32, #tpu.memory_space<vmem>>) target(%dma_start3A_1806 : memref<80x128xf32, #tpu.memory_space<hbm>>) target_semaphore(%arg12 : memref<!tpu.dma_semaphore, #tpu.memory_space<semaphore_mem>>)
    %dma_wait3A_1807 = arith.constant 7920 : i32
    %dma_wait3A_1808 = tpu.memref_slice %arg4[%dma_wait3A_1807, %multiple_of3A_5] : memref<10000x4096xf32, #tpu.memory_space<hbm>> -> memref<80x128xf32, #tpu.memory_space<hbm>>
    %dma_wait3A_1809 = arith.constant 7920 : i32
    %dma_wait3A_1810 = tpu.memref_slice %arg4[%dma_wait3A_1809, %multiple_of3A_5] : memref<10000x4096xf32, #tpu.memory_space<hbm>> -> memref<80x128xf32, #tpu.memory_space<hbm>>
    tpu.wait_dma2 semaphore(%arg12 : memref<!tpu.dma_semaphore, #tpu.memory_space<semaphore_mem>>) src(%arg8 : memref<80x128xf32, #tpu.memory_space<vmem>>) dst(%dma_wait3A_1810 : memref<80x128xf32, #tpu.memory_space<hbm>>)
    %dma_start3A_1811 = arith.constant 8080 : i32
    %dma_start3A_1812 = tpu.memref_slice %arg6[%dma_start3A_1811] : memref<10000xi32, #tpu.memory_space<vmem>> -> memref<80xi32, #tpu.memory_space<vmem>>
    %dma_start3A_1813 = arith.constant 0 : i32
    %dma_start3A_1814 = arith.constant 0 : i32
    %dma_start3A_1815 = tpu.memref_slice %arg5[%dma_start3A_1813, %dma_start3A_1814] : memref<10000x128xf32, #tpu.memory_space<vmem_shared>> -> memref<10000x128xf32, #tpu.memory_space<vmem_shared>>
    tpu.enqueue_indirect_dma source(%dma_start3A_1815 : memref<10000x128xf32, #tpu.memory_space<vmem_shared>>) target(%arg8 : memref<80x128xf32, #tpu.memory_space<vmem>>) offsets(%dma_start3A_1812 : memref<80xi32, #tpu.memory_space<vmem>>) semaphore(%arg10 : memref<!tpu.dma_semaphore, #tpu.memory_space<semaphore_mem>>)
    %dma_wait3A_1816 = arith.constant 8000 : i32
    %dma_wait3A_1817 = tpu.memref_slice %arg6[%dma_wait3A_1816] : memref<10000xi32, #tpu.memory_space<vmem>> -> memref<80xi32, #tpu.memory_space<vmem>>
    %dma_wait3A_1818 = arith.constant 0 : i32
    %dma_wait3A_1819 = arith.constant 0 : i32
    %dma_wait3A_1820 = tpu.memref_slice %arg5[%dma_wait3A_1818, %dma_wait3A_1819] : memref<10000x128xf32, #tpu.memory_space<vmem_shared>> -> memref<10000x128xf32, #tpu.memory_space<vmem_shared>>
    tpu.wait_indirect_dma semaphore(%arg9 : memref<!tpu.dma_semaphore, #tpu.memory_space<semaphore_mem>>) src(%dma_wait3A_1820 : memref<10000x128xf32, #tpu.memory_space<vmem_shared>>) dst(%arg7 : memref<80x128xf32, #tpu.memory_space<vmem>>)
    %dma_start3A_1821 = arith.constant 8000 : i32
    %dma_start3A_1822 = tpu.memref_slice %arg4[%dma_start3A_1821, %multiple_of3A_5] : memref<10000x4096xf32, #tpu.memory_space<hbm>> -> memref<80x128xf32, #tpu.memory_space<hbm>>
    %dma_start3A_1823 = arith.constant 8000 : i32
    %dma_start3A_1824 = tpu.memref_slice %arg4[%dma_start3A_1823, %multiple_of3A_5] : memref<10000x4096xf32, #tpu.memory_space<hbm>> -> memref<80x128xf32, #tpu.memory_space<hbm>>
    tpu.enqueue_dma source(%arg7 : memref<80x128xf32, #tpu.memory_space<vmem>>) target(%dma_start3A_1824 : memref<80x128xf32, #tpu.memory_space<hbm>>) target_semaphore(%arg11 : memref<!tpu.dma_semaphore, #tpu.memory_space<semaphore_mem>>)
    %dma_wait3A_1825 = arith.constant 8000 : i32
    %dma_wait3A_1826 = tpu.memref_slice %arg4[%dma_wait3A_1825, %multiple_of3A_5] : memref<10000x4096xf32, #tpu.memory_space<hbm>> -> memref<80x128xf32, #tpu.memory_space<hbm>>
    %dma_wait3A_1827 = arith.constant 8000 : i32
    %dma_wait3A_1828 = tpu.memref_slice %arg4[%dma_wait3A_1827, %multiple_of3A_5] : memref<10000x4096xf32, #tpu.memory_space<hbm>> -> memref<80x128xf32, #tpu.memory_space<hbm>>
    tpu.wait_dma2 semaphore(%arg11 : memref<!tpu.dma_semaphore, #tpu.memory_space<semaphore_mem>>) src(%arg7 : memref<80x128xf32, #tpu.memory_space<vmem>>) dst(%dma_wait3A_1828 : memref<80x128xf32, #tpu.memory_space<hbm>>)
    %dma_start3A_1829 = arith.constant 8160 : i32
    %dma_start3A_1830 = tpu.memref_slice %arg6[%dma_start3A_1829] : memref<10000xi32, #tpu.memory_space<vmem>> -> memref<80xi32, #tpu.memory_space<vmem>>
    %dma_start3A_1831 = arith.constant 0 : i32
    %dma_start3A_1832 = arith.constant 0 : i32
    %dma_start3A_1833 = tpu.memref_slice %arg5[%dma_start3A_1831, %dma_start3A_1832] : memref<10000x128xf32, #tpu.memory_space<vmem_shared>> -> memref<10000x128xf32, #tpu.memory_space<vmem_shared>>
    tpu.enqueue_indirect_dma source(%dma_start3A_1833 : memref<10000x128xf32, #tpu.memory_space<vmem_shared>>) target(%arg7 : memref<80x128xf32, #tpu.memory_space<vmem>>) offsets(%dma_start3A_1830 : memref<80xi32, #tpu.memory_space<vmem>>) semaphore(%arg9 : memref<!tpu.dma_semaphore, #tpu.memory_space<semaphore_mem>>)
    %dma_wait3A_1834 = arith.constant 8080 : i32
    %dma_wait3A_1835 = tpu.memref_slice %arg6[%dma_wait3A_1834] : memref<10000xi32, #tpu.memory_space<vmem>> -> memref<80xi32, #tpu.memory_space<vmem>>
    %dma_wait3A_1836 = arith.constant 0 : i32
    %dma_wait3A_1837 = arith.constant 0 : i32
    %dma_wait3A_1838 = tpu.memref_slice %arg5[%dma_wait3A_1836, %dma_wait3A_1837] : memref<10000x128xf32, #tpu.memory_space<vmem_shared>> -> memref<10000x128xf32, #tpu.memory_space<vmem_shared>>
    tpu.wait_indirect_dma semaphore(%arg10 : memref<!tpu.dma_semaphore, #tpu.memory_space<semaphore_mem>>) src(%dma_wait3A_1838 : memref<10000x128xf32, #tpu.memory_space<vmem_shared>>) dst(%arg8 : memref<80x128xf32, #tpu.memory_space<vmem>>)
    %dma_start3A_1839 = arith.constant 8080 : i32
    %dma_start3A_1840 = tpu.memref_slice %arg4[%dma_start3A_1839, %multiple_of3A_5] : memref<10000x4096xf32, #tpu.memory_space<hbm>> -> memref<80x128xf32, #tpu.memory_space<hbm>>
    %dma_start3A_1841 = arith.constant 8080 : i32
    %dma_start3A_1842 = tpu.memref_slice %arg4[%dma_start3A_1841, %multiple_of3A_5] : memref<10000x4096xf32, #tpu.memory_space<hbm>> -> memref<80x128xf32, #tpu.memory_space<hbm>>
    tpu.enqueue_dma source(%arg8 : memref<80x128xf32, #tpu.memory_space<vmem>>) target(%dma_start3A_1842 : memref<80x128xf32, #tpu.memory_space<hbm>>) target_semaphore(%arg12 : memref<!tpu.dma_semaphore, #tpu.memory_space<semaphore_mem>>)
    %dma_wait3A_1843 = arith.constant 8080 : i32
    %dma_wait3A_1844 = tpu.memref_slice %arg4[%dma_wait3A_1843, %multiple_of3A_5] : memref<10000x4096xf32, #tpu.memory_space<hbm>> -> memref<80x128xf32, #tpu.memory_space<hbm>>
    %dma_wait3A_1845 = arith.constant 8080 : i32
    %dma_wait3A_1846 = tpu.memref_slice %arg4[%dma_wait3A_1845, %multiple_of3A_5] : memref<10000x4096xf32, #tpu.memory_space<hbm>> -> memref<80x128xf32, #tpu.memory_space<hbm>>
    tpu.wait_dma2 semaphore(%arg12 : memref<!tpu.dma_semaphore, #tpu.memory_space<semaphore_mem>>) src(%arg8 : memref<80x128xf32, #tpu.memory_space<vmem>>) dst(%dma_wait3A_1846 : memref<80x128xf32, #tpu.memory_space<hbm>>)
    %dma_start3A_1847 = arith.constant 8240 : i32
    %dma_start3A_1848 = tpu.memref_slice %arg6[%dma_start3A_1847] : memref<10000xi32, #tpu.memory_space<vmem>> -> memref<80xi32, #tpu.memory_space<vmem>>
    %dma_start3A_1849 = arith.constant 0 : i32
    %dma_start3A_1850 = arith.constant 0 : i32
    %dma_start3A_1851 = tpu.memref_slice %arg5[%dma_start3A_1849, %dma_start3A_1850] : memref<10000x128xf32, #tpu.memory_space<vmem_shared>> -> memref<10000x128xf32, #tpu.memory_space<vmem_shared>>
    tpu.enqueue_indirect_dma source(%dma_start3A_1851 : memref<10000x128xf32, #tpu.memory_space<vmem_shared>>) target(%arg8 : memref<80x128xf32, #tpu.memory_space<vmem>>) offsets(%dma_start3A_1848 : memref<80xi32, #tpu.memory_space<vmem>>) semaphore(%arg10 : memref<!tpu.dma_semaphore, #tpu.memory_space<semaphore_mem>>)
    %dma_wait3A_1852 = arith.constant 8160 : i32
    %dma_wait3A_1853 = tpu.memref_slice %arg6[%dma_wait3A_1852] : memref<10000xi32, #tpu.memory_space<vmem>> -> memref<80xi32, #tpu.memory_space<vmem>>
    %dma_wait3A_1854 = arith.constant 0 : i32
    %dma_wait3A_1855 = arith.constant 0 : i32
    %dma_wait3A_1856 = tpu.memref_slice %arg5[%dma_wait3A_1854, %dma_wait3A_1855] : memref<10000x128xf32, #tpu.memory_space<vmem_shared>> -> memref<10000x128xf32, #tpu.memory_space<vmem_shared>>
    tpu.wait_indirect_dma semaphore(%arg9 : memref<!tpu.dma_semaphore, #tpu.memory_space<semaphore_mem>>) src(%dma_wait3A_1856 : memref<10000x128xf32, #tpu.memory_space<vmem_shared>>) dst(%arg7 : memref<80x128xf32, #tpu.memory_space<vmem>>)
    %dma_start3A_1857 = arith.constant 8160 : i32
    %dma_start3A_1858 = tpu.memref_slice %arg4[%dma_start3A_1857, %multiple_of3A_5] : memref<10000x4096xf32, #tpu.memory_space<hbm>> -> memref<80x128xf32, #tpu.memory_space<hbm>>
    %dma_start3A_1859 = arith.constant 8160 : i32
    %dma_start3A_1860 = tpu.memref_slice %arg4[%dma_start3A_1859, %multiple_of3A_5] : memref<10000x4096xf32, #tpu.memory_space<hbm>> -> memref<80x128xf32, #tpu.memory_space<hbm>>
    tpu.enqueue_dma source(%arg7 : memref<80x128xf32, #tpu.memory_space<vmem>>) target(%dma_start3A_1860 : memref<80x128xf32, #tpu.memory_space<hbm>>) target_semaphore(%arg11 : memref<!tpu.dma_semaphore, #tpu.memory_space<semaphore_mem>>)
    %dma_wait3A_1861 = arith.constant 8160 : i32
    %dma_wait3A_1862 = tpu.memref_slice %arg4[%dma_wait3A_1861, %multiple_of3A_5] : memref<10000x4096xf32, #tpu.memory_space<hbm>> -> memref<80x128xf32, #tpu.memory_space<hbm>>
    %dma_wait3A_1863 = arith.constant 8160 : i32
    %dma_wait3A_1864 = tpu.memref_slice %arg4[%dma_wait3A_1863, %multiple_of3A_5] : memref<10000x4096xf32, #tpu.memory_space<hbm>> -> memref<80x128xf32, #tpu.memory_space<hbm>>
    tpu.wait_dma2 semaphore(%arg11 : memref<!tpu.dma_semaphore, #tpu.memory_space<semaphore_mem>>) src(%arg7 : memref<80x128xf32, #tpu.memory_space<vmem>>) dst(%dma_wait3A_1864 : memref<80x128xf32, #tpu.memory_space<hbm>>)
    %dma_start3A_1865 = arith.constant 8320 : i32
    %dma_start3A_1866 = tpu.memref_slice %arg6[%dma_start3A_1865] : memref<10000xi32, #tpu.memory_space<vmem>> -> memref<80xi32, #tpu.memory_space<vmem>>
    %dma_start3A_1867 = arith.constant 0 : i32
    %dma_start3A_1868 = arith.constant 0 : i32
    %dma_start3A_1869 = tpu.memref_slice %arg5[%dma_start3A_1867, %dma_start3A_1868] : memref<10000x128xf32, #tpu.memory_space<vmem_shared>> -> memref<10000x128xf32, #tpu.memory_space<vmem_shared>>
    tpu.enqueue_indirect_dma source(%dma_start3A_1869 : memref<10000x128xf32, #tpu.memory_space<vmem_shared>>) target(%arg7 : memref<80x128xf32, #tpu.memory_space<vmem>>) offsets(%dma_start3A_1866 : memref<80xi32, #tpu.memory_space<vmem>>) semaphore(%arg9 : memref<!tpu.dma_semaphore, #tpu.memory_space<semaphore_mem>>)
    %dma_wait3A_1870 = arith.constant 8240 : i32
    %dma_wait3A_1871 = tpu.memref_slice %arg6[%dma_wait3A_1870] : memref<10000xi32, #tpu.memory_space<vmem>> -> memref<80xi32, #tpu.memory_space<vmem>>
    %dma_wait3A_1872 = arith.constant 0 : i32
    %dma_wait3A_1873 = arith.constant 0 : i32
    %dma_wait3A_1874 = tpu.memref_slice %arg5[%dma_wait3A_1872, %dma_wait3A_1873] : memref<10000x128xf32, #tpu.memory_space<vmem_shared>> -> memref<10000x128xf32, #tpu.memory_space<vmem_shared>>
    tpu.wait_indirect_dma semaphore(%arg10 : memref<!tpu.dma_semaphore, #tpu.memory_space<semaphore_mem>>) src(%dma_wait3A_1874 : memref<10000x128xf32, #tpu.memory_space<vmem_shared>>) dst(%arg8 : memref<80x128xf32, #tpu.memory_space<vmem>>)
    %dma_start3A_1875 = arith.constant 8240 : i32
    %dma_start3A_1876 = tpu.memref_slice %arg4[%dma_start3A_1875, %multiple_of3A_5] : memref<10000x4096xf32, #tpu.memory_space<hbm>> -> memref<80x128xf32, #tpu.memory_space<hbm>>
    %dma_start3A_1877 = arith.constant 8240 : i32
    %dma_start3A_1878 = tpu.memref_slice %arg4[%dma_start3A_1877, %multiple_of3A_5] : memref<10000x4096xf32, #tpu.memory_space<hbm>> -> memref<80x128xf32, #tpu.memory_space<hbm>>
    tpu.enqueue_dma source(%arg8 : memref<80x128xf32, #tpu.memory_space<vmem>>) target(%dma_start3A_1878 : memref<80x128xf32, #tpu.memory_space<hbm>>) target_semaphore(%arg12 : memref<!tpu.dma_semaphore, #tpu.memory_space<semaphore_mem>>)
    %dma_wait3A_1879 = arith.constant 8240 : i32
    %dma_wait3A_1880 = tpu.memref_slice %arg4[%dma_wait3A_1879, %multiple_of3A_5] : memref<10000x4096xf32, #tpu.memory_space<hbm>> -> memref<80x128xf32, #tpu.memory_space<hbm>>
    %dma_wait3A_1881 = arith.constant 8240 : i32
    %dma_wait3A_1882 = tpu.memref_slice %arg4[%dma_wait3A_1881, %multiple_of3A_5] : memref<10000x4096xf32, #tpu.memory_space<hbm>> -> memref<80x128xf32, #tpu.memory_space<hbm>>
    tpu.wait_dma2 semaphore(%arg12 : memref<!tpu.dma_semaphore, #tpu.memory_space<semaphore_mem>>) src(%arg8 : memref<80x128xf32, #tpu.memory_space<vmem>>) dst(%dma_wait3A_1882 : memref<80x128xf32, #tpu.memory_space<hbm>>)
    %dma_start3A_1883 = arith.constant 8400 : i32
    %dma_start3A_1884 = tpu.memref_slice %arg6[%dma_start3A_1883] : memref<10000xi32, #tpu.memory_space<vmem>> -> memref<80xi32, #tpu.memory_space<vmem>>
    %dma_start3A_1885 = arith.constant 0 : i32
    %dma_start3A_1886 = arith.constant 0 : i32
    %dma_start3A_1887 = tpu.memref_slice %arg5[%dma_start3A_1885, %dma_start3A_1886] : memref<10000x128xf32, #tpu.memory_space<vmem_shared>> -> memref<10000x128xf32, #tpu.memory_space<vmem_shared>>
    tpu.enqueue_indirect_dma source(%dma_start3A_1887 : memref<10000x128xf32, #tpu.memory_space<vmem_shared>>) target(%arg8 : memref<80x128xf32, #tpu.memory_space<vmem>>) offsets(%dma_start3A_1884 : memref<80xi32, #tpu.memory_space<vmem>>) semaphore(%arg10 : memref<!tpu.dma_semaphore, #tpu.memory_space<semaphore_mem>>)
    %dma_wait3A_1888 = arith.constant 8320 : i32
    %dma_wait3A_1889 = tpu.memref_slice %arg6[%dma_wait3A_1888] : memref<10000xi32, #tpu.memory_space<vmem>> -> memref<80xi32, #tpu.memory_space<vmem>>
    %dma_wait3A_1890 = arith.constant 0 : i32
    %dma_wait3A_1891 = arith.constant 0 : i32
    %dma_wait3A_1892 = tpu.memref_slice %arg5[%dma_wait3A_1890, %dma_wait3A_1891] : memref<10000x128xf32, #tpu.memory_space<vmem_shared>> -> memref<10000x128xf32, #tpu.memory_space<vmem_shared>>
    tpu.wait_indirect_dma semaphore(%arg9 : memref<!tpu.dma_semaphore, #tpu.memory_space<semaphore_mem>>) src(%dma_wait3A_1892 : memref<10000x128xf32, #tpu.memory_space<vmem_shared>>) dst(%arg7 : memref<80x128xf32, #tpu.memory_space<vmem>>)
    %dma_start3A_1893 = arith.constant 8320 : i32
    %dma_start3A_1894 = tpu.memref_slice %arg4[%dma_start3A_1893, %multiple_of3A_5] : memref<10000x4096xf32, #tpu.memory_space<hbm>> -> memref<80x128xf32, #tpu.memory_space<hbm>>
    %dma_start3A_1895 = arith.constant 8320 : i32
    %dma_start3A_1896 = tpu.memref_slice %arg4[%dma_start3A_1895, %multiple_of3A_5] : memref<10000x4096xf32, #tpu.memory_space<hbm>> -> memref<80x128xf32, #tpu.memory_space<hbm>>
    tpu.enqueue_dma source(%arg7 : memref<80x128xf32, #tpu.memory_space<vmem>>) target(%dma_start3A_1896 : memref<80x128xf32, #tpu.memory_space<hbm>>) target_semaphore(%arg11 : memref<!tpu.dma_semaphore, #tpu.memory_space<semaphore_mem>>)
    %dma_wait3A_1897 = arith.constant 8320 : i32
    %dma_wait3A_1898 = tpu.memref_slice %arg4[%dma_wait3A_1897, %multiple_of3A_5] : memref<10000x4096xf32, #tpu.memory_space<hbm>> -> memref<80x128xf32, #tpu.memory_space<hbm>>
    %dma_wait3A_1899 = arith.constant 8320 : i32
    %dma_wait3A_1900 = tpu.memref_slice %arg4[%dma_wait3A_1899, %multiple_of3A_5] : memref<10000x4096xf32, #tpu.memory_space<hbm>> -> memref<80x128xf32, #tpu.memory_space<hbm>>
    tpu.wait_dma2 semaphore(%arg11 : memref<!tpu.dma_semaphore, #tpu.memory_space<semaphore_mem>>) src(%arg7 : memref<80x128xf32, #tpu.memory_space<vmem>>) dst(%dma_wait3A_1900 : memref<80x128xf32, #tpu.memory_space<hbm>>)
    %dma_start3A_1901 = arith.constant 8480 : i32
    %dma_start3A_1902 = tpu.memref_slice %arg6[%dma_start3A_1901] : memref<10000xi32, #tpu.memory_space<vmem>> -> memref<80xi32, #tpu.memory_space<vmem>>
    %dma_start3A_1903 = arith.constant 0 : i32
    %dma_start3A_1904 = arith.constant 0 : i32
    %dma_start3A_1905 = tpu.memref_slice %arg5[%dma_start3A_1903, %dma_start3A_1904] : memref<10000x128xf32, #tpu.memory_space<vmem_shared>> -> memref<10000x128xf32, #tpu.memory_space<vmem_shared>>
    tpu.enqueue_indirect_dma source(%dma_start3A_1905 : memref<10000x128xf32, #tpu.memory_space<vmem_shared>>) target(%arg7 : memref<80x128xf32, #tpu.memory_space<vmem>>) offsets(%dma_start3A_1902 : memref<80xi32, #tpu.memory_space<vmem>>) semaphore(%arg9 : memref<!tpu.dma_semaphore, #tpu.memory_space<semaphore_mem>>)
    %dma_wait3A_1906 = arith.constant 8400 : i32
    %dma_wait3A_1907 = tpu.memref_slice %arg6[%dma_wait3A_1906] : memref<10000xi32, #tpu.memory_space<vmem>> -> memref<80xi32, #tpu.memory_space<vmem>>
    %dma_wait3A_1908 = arith.constant 0 : i32
    %dma_wait3A_1909 = arith.constant 0 : i32
    %dma_wait3A_1910 = tpu.memref_slice %arg5[%dma_wait3A_1908, %dma_wait3A_1909] : memref<10000x128xf32, #tpu.memory_space<vmem_shared>> -> memref<10000x128xf32, #tpu.memory_space<vmem_shared>>
    tpu.wait_indirect_dma semaphore(%arg10 : memref<!tpu.dma_semaphore, #tpu.memory_space<semaphore_mem>>) src(%dma_wait3A_1910 : memref<10000x128xf32, #tpu.memory_space<vmem_shared>>) dst(%arg8 : memref<80x128xf32, #tpu.memory_space<vmem>>)
    %dma_start3A_1911 = arith.constant 8400 : i32
    %dma_start3A_1912 = tpu.memref_slice %arg4[%dma_start3A_1911, %multiple_of3A_5] : memref<10000x4096xf32, #tpu.memory_space<hbm>> -> memref<80x128xf32, #tpu.memory_space<hbm>>
    %dma_start3A_1913 = arith.constant 8400 : i32
    %dma_start3A_1914 = tpu.memref_slice %arg4[%dma_start3A_1913, %multiple_of3A_5] : memref<10000x4096xf32, #tpu.memory_space<hbm>> -> memref<80x128xf32, #tpu.memory_space<hbm>>
    tpu.enqueue_dma source(%arg8 : memref<80x128xf32, #tpu.memory_space<vmem>>) target(%dma_start3A_1914 : memref<80x128xf32, #tpu.memory_space<hbm>>) target_semaphore(%arg12 : memref<!tpu.dma_semaphore, #tpu.memory_space<semaphore_mem>>)
    %dma_wait3A_1915 = arith.constant 8400 : i32
    %dma_wait3A_1916 = tpu.memref_slice %arg4[%dma_wait3A_1915, %multiple_of3A_5] : memref<10000x4096xf32, #tpu.memory_space<hbm>> -> memref<80x128xf32, #tpu.memory_space<hbm>>
    %dma_wait3A_1917 = arith.constant 8400 : i32
    %dma_wait3A_1918 = tpu.memref_slice %arg4[%dma_wait3A_1917, %multiple_of3A_5] : memref<10000x4096xf32, #tpu.memory_space<hbm>> -> memref<80x128xf32, #tpu.memory_space<hbm>>
    tpu.wait_dma2 semaphore(%arg12 : memref<!tpu.dma_semaphore, #tpu.memory_space<semaphore_mem>>) src(%arg8 : memref<80x128xf32, #tpu.memory_space<vmem>>) dst(%dma_wait3A_1918 : memref<80x128xf32, #tpu.memory_space<hbm>>)
    %dma_start3A_1919 = arith.constant 8560 : i32
    %dma_start3A_1920 = tpu.memref_slice %arg6[%dma_start3A_1919] : memref<10000xi32, #tpu.memory_space<vmem>> -> memref<80xi32, #tpu.memory_space<vmem>>
    %dma_start3A_1921 = arith.constant 0 : i32
    %dma_start3A_1922 = arith.constant 0 : i32
    %dma_start3A_1923 = tpu.memref_slice %arg5[%dma_start3A_1921, %dma_start3A_1922] : memref<10000x128xf32, #tpu.memory_space<vmem_shared>> -> memref<10000x128xf32, #tpu.memory_space<vmem_shared>>
    tpu.enqueue_indirect_dma source(%dma_start3A_1923 : memref<10000x128xf32, #tpu.memory_space<vmem_shared>>) target(%arg8 : memref<80x128xf32, #tpu.memory_space<vmem>>) offsets(%dma_start3A_1920 : memref<80xi32, #tpu.memory_space<vmem>>) semaphore(%arg10 : memref<!tpu.dma_semaphore, #tpu.memory_space<semaphore_mem>>)
    %dma_wait3A_1924 = arith.constant 8480 : i32
    %dma_wait3A_1925 = tpu.memref_slice %arg6[%dma_wait3A_1924] : memref<10000xi32, #tpu.memory_space<vmem>> -> memref<80xi32, #tpu.memory_space<vmem>>
    %dma_wait3A_1926 = arith.constant 0 : i32
    %dma_wait3A_1927 = arith.constant 0 : i32
    %dma_wait3A_1928 = tpu.memref_slice %arg5[%dma_wait3A_1926, %dma_wait3A_1927] : memref<10000x128xf32, #tpu.memory_space<vmem_shared>> -> memref<10000x128xf32, #tpu.memory_space<vmem_shared>>
    tpu.wait_indirect_dma semaphore(%arg9 : memref<!tpu.dma_semaphore, #tpu.memory_space<semaphore_mem>>) src(%dma_wait3A_1928 : memref<10000x128xf32, #tpu.memory_space<vmem_shared>>) dst(%arg7 : memref<80x128xf32, #tpu.memory_space<vmem>>)
    %dma_start3A_1929 = arith.constant 8480 : i32
    %dma_start3A_1930 = tpu.memref_slice %arg4[%dma_start3A_1929, %multiple_of3A_5] : memref<10000x4096xf32, #tpu.memory_space<hbm>> -> memref<80x128xf32, #tpu.memory_space<hbm>>
    %dma_start3A_1931 = arith.constant 8480 : i32
    %dma_start3A_1932 = tpu.memref_slice %arg4[%dma_start3A_1931, %multiple_of3A_5] : memref<10000x4096xf32, #tpu.memory_space<hbm>> -> memref<80x128xf32, #tpu.memory_space<hbm>>
    tpu.enqueue_dma source(%arg7 : memref<80x128xf32, #tpu.memory_space<vmem>>) target(%dma_start3A_1932 : memref<80x128xf32, #tpu.memory_space<hbm>>) target_semaphore(%arg11 : memref<!tpu.dma_semaphore, #tpu.memory_space<semaphore_mem>>)
    %dma_wait3A_1933 = arith.constant 8480 : i32
    %dma_wait3A_1934 = tpu.memref_slice %arg4[%dma_wait3A_1933, %multiple_of3A_5] : memref<10000x4096xf32, #tpu.memory_space<hbm>> -> memref<80x128xf32, #tpu.memory_space<hbm>>
    %dma_wait3A_1935 = arith.constant 8480 : i32
    %dma_wait3A_1936 = tpu.memref_slice %arg4[%dma_wait3A_1935, %multiple_of3A_5] : memref<10000x4096xf32, #tpu.memory_space<hbm>> -> memref<80x128xf32, #tpu.memory_space<hbm>>
    tpu.wait_dma2 semaphore(%arg11 : memref<!tpu.dma_semaphore, #tpu.memory_space<semaphore_mem>>) src(%arg7 : memref<80x128xf32, #tpu.memory_space<vmem>>) dst(%dma_wait3A_1936 : memref<80x128xf32, #tpu.memory_space<hbm>>)
    %dma_start3A_1937 = arith.constant 8640 : i32
    %dma_start3A_1938 = tpu.memref_slice %arg6[%dma_start3A_1937] : memref<10000xi32, #tpu.memory_space<vmem>> -> memref<80xi32, #tpu.memory_space<vmem>>
    %dma_start3A_1939 = arith.constant 0 : i32
    %dma_start3A_1940 = arith.constant 0 : i32
    %dma_start3A_1941 = tpu.memref_slice %arg5[%dma_start3A_1939, %dma_start3A_1940] : memref<10000x128xf32, #tpu.memory_space<vmem_shared>> -> memref<10000x128xf32, #tpu.memory_space<vmem_shared>>
    tpu.enqueue_indirect_dma source(%dma_start3A_1941 : memref<10000x128xf32, #tpu.memory_space<vmem_shared>>) target(%arg7 : memref<80x128xf32, #tpu.memory_space<vmem>>) offsets(%dma_start3A_1938 : memref<80xi32, #tpu.memory_space<vmem>>) semaphore(%arg9 : memref<!tpu.dma_semaphore, #tpu.memory_space<semaphore_mem>>)
    %dma_wait3A_1942 = arith.constant 8560 : i32
    %dma_wait3A_1943 = tpu.memref_slice %arg6[%dma_wait3A_1942] : memref<10000xi32, #tpu.memory_space<vmem>> -> memref<80xi32, #tpu.memory_space<vmem>>
    %dma_wait3A_1944 = arith.constant 0 : i32
    %dma_wait3A_1945 = arith.constant 0 : i32
    %dma_wait3A_1946 = tpu.memref_slice %arg5[%dma_wait3A_1944, %dma_wait3A_1945] : memref<10000x128xf32, #tpu.memory_space<vmem_shared>> -> memref<10000x128xf32, #tpu.memory_space<vmem_shared>>
    tpu.wait_indirect_dma semaphore(%arg10 : memref<!tpu.dma_semaphore, #tpu.memory_space<semaphore_mem>>) src(%dma_wait3A_1946 : memref<10000x128xf32, #tpu.memory_space<vmem_shared>>) dst(%arg8 : memref<80x128xf32, #tpu.memory_space<vmem>>)
    %dma_start3A_1947 = arith.constant 8560 : i32
    %dma_start3A_1948 = tpu.memref_slice %arg4[%dma_start3A_1947, %multiple_of3A_5] : memref<10000x4096xf32, #tpu.memory_space<hbm>> -> memref<80x128xf32, #tpu.memory_space<hbm>>
    %dma_start3A_1949 = arith.constant 8560 : i32
    %dma_start3A_1950 = tpu.memref_slice %arg4[%dma_start3A_1949, %multiple_of3A_5] : memref<10000x4096xf32, #tpu.memory_space<hbm>> -> memref<80x128xf32, #tpu.memory_space<hbm>>
    tpu.enqueue_dma source(%arg8 : memref<80x128xf32, #tpu.memory_space<vmem>>) target(%dma_start3A_1950 : memref<80x128xf32, #tpu.memory_space<hbm>>) target_semaphore(%arg12 : memref<!tpu.dma_semaphore, #tpu.memory_space<semaphore_mem>>)
    %dma_wait3A_1951 = arith.constant 8560 : i32
    %dma_wait3A_1952 = tpu.memref_slice %arg4[%dma_wait3A_1951, %multiple_of3A_5] : memref<10000x4096xf32, #tpu.memory_space<hbm>> -> memref<80x128xf32, #tpu.memory_space<hbm>>
    %dma_wait3A_1953 = arith.constant 8560 : i32
    %dma_wait3A_1954 = tpu.memref_slice %arg4[%dma_wait3A_1953, %multiple_of3A_5] : memref<10000x4096xf32, #tpu.memory_space<hbm>> -> memref<80x128xf32, #tpu.memory_space<hbm>>
    tpu.wait_dma2 semaphore(%arg12 : memref<!tpu.dma_semaphore, #tpu.memory_space<semaphore_mem>>) src(%arg8 : memref<80x128xf32, #tpu.memory_space<vmem>>) dst(%dma_wait3A_1954 : memref<80x128xf32, #tpu.memory_space<hbm>>)
    %dma_start3A_1955 = arith.constant 8720 : i32
    %dma_start3A_1956 = tpu.memref_slice %arg6[%dma_start3A_1955] : memref<10000xi32, #tpu.memory_space<vmem>> -> memref<80xi32, #tpu.memory_space<vmem>>
    %dma_start3A_1957 = arith.constant 0 : i32
    %dma_start3A_1958 = arith.constant 0 : i32
    %dma_start3A_1959 = tpu.memref_slice %arg5[%dma_start3A_1957, %dma_start3A_1958] : memref<10000x128xf32, #tpu.memory_space<vmem_shared>> -> memref<10000x128xf32, #tpu.memory_space<vmem_shared>>
    tpu.enqueue_indirect_dma source(%dma_start3A_1959 : memref<10000x128xf32, #tpu.memory_space<vmem_shared>>) target(%arg8 : memref<80x128xf32, #tpu.memory_space<vmem>>) offsets(%dma_start3A_1956 : memref<80xi32, #tpu.memory_space<vmem>>) semaphore(%arg10 : memref<!tpu.dma_semaphore, #tpu.memory_space<semaphore_mem>>)
    %dma_wait3A_1960 = arith.constant 8640 : i32
    %dma_wait3A_1961 = tpu.memref_slice %arg6[%dma_wait3A_1960] : memref<10000xi32, #tpu.memory_space<vmem>> -> memref<80xi32, #tpu.memory_space<vmem>>
    %dma_wait3A_1962 = arith.constant 0 : i32
    %dma_wait3A_1963 = arith.constant 0 : i32
    %dma_wait3A_1964 = tpu.memref_slice %arg5[%dma_wait3A_1962, %dma_wait3A_1963] : memref<10000x128xf32, #tpu.memory_space<vmem_shared>> -> memref<10000x128xf32, #tpu.memory_space<vmem_shared>>
    tpu.wait_indirect_dma semaphore(%arg9 : memref<!tpu.dma_semaphore, #tpu.memory_space<semaphore_mem>>) src(%dma_wait3A_1964 : memref<10000x128xf32, #tpu.memory_space<vmem_shared>>) dst(%arg7 : memref<80x128xf32, #tpu.memory_space<vmem>>)
    %dma_start3A_1965 = arith.constant 8640 : i32
    %dma_start3A_1966 = tpu.memref_slice %arg4[%dma_start3A_1965, %multiple_of3A_5] : memref<10000x4096xf32, #tpu.memory_space<hbm>> -> memref<80x128xf32, #tpu.memory_space<hbm>>
    %dma_start3A_1967 = arith.constant 8640 : i32
    %dma_start3A_1968 = tpu.memref_slice %arg4[%dma_start3A_1967, %multiple_of3A_5] : memref<10000x4096xf32, #tpu.memory_space<hbm>> -> memref<80x128xf32, #tpu.memory_space<hbm>>
    tpu.enqueue_dma source(%arg7 : memref<80x128xf32, #tpu.memory_space<vmem>>) target(%dma_start3A_1968 : memref<80x128xf32, #tpu.memory_space<hbm>>) target_semaphore(%arg11 : memref<!tpu.dma_semaphore, #tpu.memory_space<semaphore_mem>>)
    %dma_wait3A_1969 = arith.constant 8640 : i32
    %dma_wait3A_1970 = tpu.memref_slice %arg4[%dma_wait3A_1969, %multiple_of3A_5] : memref<10000x4096xf32, #tpu.memory_space<hbm>> -> memref<80x128xf32, #tpu.memory_space<hbm>>
    %dma_wait3A_1971 = arith.constant 8640 : i32
    %dma_wait3A_1972 = tpu.memref_slice %arg4[%dma_wait3A_1971, %multiple_of3A_5] : memref<10000x4096xf32, #tpu.memory_space<hbm>> -> memref<80x128xf32, #tpu.memory_space<hbm>>
    tpu.wait_dma2 semaphore(%arg11 : memref<!tpu.dma_semaphore, #tpu.memory_space<semaphore_mem>>) src(%arg7 : memref<80x128xf32, #tpu.memory_space<vmem>>) dst(%dma_wait3A_1972 : memref<80x128xf32, #tpu.memory_space<hbm>>)
    %dma_start3A_1973 = arith.constant 8800 : i32
    %dma_start3A_1974 = tpu.memref_slice %arg6[%dma_start3A_1973] : memref<10000xi32, #tpu.memory_space<vmem>> -> memref<80xi32, #tpu.memory_space<vmem>>
    %dma_start3A_1975 = arith.constant 0 : i32
    %dma_start3A_1976 = arith.constant 0 : i32
    %dma_start3A_1977 = tpu.memref_slice %arg5[%dma_start3A_1975, %dma_start3A_1976] : memref<10000x128xf32, #tpu.memory_space<vmem_shared>> -> memref<10000x128xf32, #tpu.memory_space<vmem_shared>>
    tpu.enqueue_indirect_dma source(%dma_start3A_1977 : memref<10000x128xf32, #tpu.memory_space<vmem_shared>>) target(%arg7 : memref<80x128xf32, #tpu.memory_space<vmem>>) offsets(%dma_start3A_1974 : memref<80xi32, #tpu.memory_space<vmem>>) semaphore(%arg9 : memref<!tpu.dma_semaphore, #tpu.memory_space<semaphore_mem>>)
    %dma_wait3A_1978 = arith.constant 8720 : i32
    %dma_wait3A_1979 = tpu.memref_slice %arg6[%dma_wait3A_1978] : memref<10000xi32, #tpu.memory_space<vmem>> -> memref<80xi32, #tpu.memory_space<vmem>>
    %dma_wait3A_1980 = arith.constant 0 : i32
    %dma_wait3A_1981 = arith.constant 0 : i32
    %dma_wait3A_1982 = tpu.memref_slice %arg5[%dma_wait3A_1980, %dma_wait3A_1981] : memref<10000x128xf32, #tpu.memory_space<vmem_shared>> -> memref<10000x128xf32, #tpu.memory_space<vmem_shared>>
    tpu.wait_indirect_dma semaphore(%arg10 : memref<!tpu.dma_semaphore, #tpu.memory_space<semaphore_mem>>) src(%dma_wait3A_1982 : memref<10000x128xf32, #tpu.memory_space<vmem_shared>>) dst(%arg8 : memref<80x128xf32, #tpu.memory_space<vmem>>)
    %dma_start3A_1983 = arith.constant 8720 : i32
    %dma_start3A_1984 = tpu.memref_slice %arg4[%dma_start3A_1983, %multiple_of3A_5] : memref<10000x4096xf32, #tpu.memory_space<hbm>> -> memref<80x128xf32, #tpu.memory_space<hbm>>
    %dma_start3A_1985 = arith.constant 8720 : i32
    %dma_start3A_1986 = tpu.memref_slice %arg4[%dma_start3A_1985, %multiple_of3A_5] : memref<10000x4096xf32, #tpu.memory_space<hbm>> -> memref<80x128xf32, #tpu.memory_space<hbm>>
    tpu.enqueue_dma source(%arg8 : memref<80x128xf32, #tpu.memory_space<vmem>>) target(%dma_start3A_1986 : memref<80x128xf32, #tpu.memory_space<hbm>>) target_semaphore(%arg12 : memref<!tpu.dma_semaphore, #tpu.memory_space<semaphore_mem>>)
    %dma_wait3A_1987 = arith.constant 8720 : i32
    %dma_wait3A_1988 = tpu.memref_slice %arg4[%dma_wait3A_1987, %multiple_of3A_5] : memref<10000x4096xf32, #tpu.memory_space<hbm>> -> memref<80x128xf32, #tpu.memory_space<hbm>>
    %dma_wait3A_1989 = arith.constant 8720 : i32
    %dma_wait3A_1990 = tpu.memref_slice %arg4[%dma_wait3A_1989, %multiple_of3A_5] : memref<10000x4096xf32, #tpu.memory_space<hbm>> -> memref<80x128xf32, #tpu.memory_space<hbm>>
    tpu.wait_dma2 semaphore(%arg12 : memref<!tpu.dma_semaphore, #tpu.memory_space<semaphore_mem>>) src(%arg8 : memref<80x128xf32, #tpu.memory_space<vmem>>) dst(%dma_wait3A_1990 : memref<80x128xf32, #tpu.memory_space<hbm>>)
    %dma_start3A_1991 = arith.constant 8880 : i32
    %dma_start3A_1992 = tpu.memref_slice %arg6[%dma_start3A_1991] : memref<10000xi32, #tpu.memory_space<vmem>> -> memref<80xi32, #tpu.memory_space<vmem>>
    %dma_start3A_1993 = arith.constant 0 : i32
    %dma_start3A_1994 = arith.constant 0 : i32
    %dma_start3A_1995 = tpu.memref_slice %arg5[%dma_start3A_1993, %dma_start3A_1994] : memref<10000x128xf32, #tpu.memory_space<vmem_shared>> -> memref<10000x128xf32, #tpu.memory_space<vmem_shared>>
    tpu.enqueue_indirect_dma source(%dma_start3A_1995 : memref<10000x128xf32, #tpu.memory_space<vmem_shared>>) target(%arg8 : memref<80x128xf32, #tpu.memory_space<vmem>>) offsets(%dma_start3A_1992 : memref<80xi32, #tpu.memory_space<vmem>>) semaphore(%arg10 : memref<!tpu.dma_semaphore, #tpu.memory_space<semaphore_mem>>)
    %dma_wait3A_1996 = arith.constant 8800 : i32
    %dma_wait3A_1997 = tpu.memref_slice %arg6[%dma_wait3A_1996] : memref<10000xi32, #tpu.memory_space<vmem>> -> memref<80xi32, #tpu.memory_space<vmem>>
    %dma_wait3A_1998 = arith.constant 0 : i32
    %dma_wait3A_1999 = arith.constant 0 : i32
    %dma_wait3A_2000 = tpu.memref_slice %arg5[%dma_wait3A_1998, %dma_wait3A_1999] : memref<10000x128xf32, #tpu.memory_space<vmem_shared>> -> memref<10000x128xf32, #tpu.memory_space<vmem_shared>>
    tpu.wait_indirect_dma semaphore(%arg9 : memref<!tpu.dma_semaphore, #tpu.memory_space<semaphore_mem>>) src(%dma_wait3A_2000 : memref<10000x128xf32, #tpu.memory_space<vmem_shared>>) dst(%arg7 : memref<80x128xf32, #tpu.memory_space<vmem>>)
    %dma_start3A_2001 = arith.constant 8800 : i32
    %dma_start3A_2002 = tpu.memref_slice %arg4[%dma_start3A_2001, %multiple_of3A_5] : memref<10000x4096xf32, #tpu.memory_space<hbm>> -> memref<80x128xf32, #tpu.memory_space<hbm>>
    %dma_start3A_2003 = arith.constant 8800 : i32
    %dma_start3A_2004 = tpu.memref_slice %arg4[%dma_start3A_2003, %multiple_of3A_5] : memref<10000x4096xf32, #tpu.memory_space<hbm>> -> memref<80x128xf32, #tpu.memory_space<hbm>>
    tpu.enqueue_dma source(%arg7 : memref<80x128xf32, #tpu.memory_space<vmem>>) target(%dma_start3A_2004 : memref<80x128xf32, #tpu.memory_space<hbm>>) target_semaphore(%arg11 : memref<!tpu.dma_semaphore, #tpu.memory_space<semaphore_mem>>)
    %dma_wait3A_2005 = arith.constant 8800 : i32
    %dma_wait3A_2006 = tpu.memref_slice %arg4[%dma_wait3A_2005, %multiple_of3A_5] : memref<10000x4096xf32, #tpu.memory_space<hbm>> -> memref<80x128xf32, #tpu.memory_space<hbm>>
    %dma_wait3A_2007 = arith.constant 8800 : i32
    %dma_wait3A_2008 = tpu.memref_slice %arg4[%dma_wait3A_2007, %multiple_of3A_5] : memref<10000x4096xf32, #tpu.memory_space<hbm>> -> memref<80x128xf32, #tpu.memory_space<hbm>>
    tpu.wait_dma2 semaphore(%arg11 : memref<!tpu.dma_semaphore, #tpu.memory_space<semaphore_mem>>) src(%arg7 : memref<80x128xf32, #tpu.memory_space<vmem>>) dst(%dma_wait3A_2008 : memref<80x128xf32, #tpu.memory_space<hbm>>)
    %dma_start3A_2009 = arith.constant 8960 : i32
    %dma_start3A_2010 = tpu.memref_slice %arg6[%dma_start3A_2009] : memref<10000xi32, #tpu.memory_space<vmem>> -> memref<80xi32, #tpu.memory_space<vmem>>
    %dma_start3A_2011 = arith.constant 0 : i32
    %dma_start3A_2012 = arith.constant 0 : i32
    %dma_start3A_2013 = tpu.memref_slice %arg5[%dma_start3A_2011, %dma_start3A_2012] : memref<10000x128xf32, #tpu.memory_space<vmem_shared>> -> memref<10000x128xf32, #tpu.memory_space<vmem_shared>>
    tpu.enqueue_indirect_dma source(%dma_start3A_2013 : memref<10000x128xf32, #tpu.memory_space<vmem_shared>>) target(%arg7 : memref<80x128xf32, #tpu.memory_space<vmem>>) offsets(%dma_start3A_2010 : memref<80xi32, #tpu.memory_space<vmem>>) semaphore(%arg9 : memref<!tpu.dma_semaphore, #tpu.memory_space<semaphore_mem>>)
    %dma_wait3A_2014 = arith.constant 8880 : i32
    %dma_wait3A_2015 = tpu.memref_slice %arg6[%dma_wait3A_2014] : memref<10000xi32, #tpu.memory_space<vmem>> -> memref<80xi32, #tpu.memory_space<vmem>>
    %dma_wait3A_2016 = arith.constant 0 : i32
    %dma_wait3A_2017 = arith.constant 0 : i32
    %dma_wait3A_2018 = tpu.memref_slice %arg5[%dma_wait3A_2016, %dma_wait3A_2017] : memref<10000x128xf32, #tpu.memory_space<vmem_shared>> -> memref<10000x128xf32, #tpu.memory_space<vmem_shared>>
    tpu.wait_indirect_dma semaphore(%arg10 : memref<!tpu.dma_semaphore, #tpu.memory_space<semaphore_mem>>) src(%dma_wait3A_2018 : memref<10000x128xf32, #tpu.memory_space<vmem_shared>>) dst(%arg8 : memref<80x128xf32, #tpu.memory_space<vmem>>)
    %dma_start3A_2019 = arith.constant 8880 : i32
    %dma_start3A_2020 = tpu.memref_slice %arg4[%dma_start3A_2019, %multiple_of3A_5] : memref<10000x4096xf32, #tpu.memory_space<hbm>> -> memref<80x128xf32, #tpu.memory_space<hbm>>
    %dma_start3A_2021 = arith.constant 8880 : i32
    %dma_start3A_2022 = tpu.memref_slice %arg4[%dma_start3A_2021, %multiple_of3A_5] : memref<10000x4096xf32, #tpu.memory_space<hbm>> -> memref<80x128xf32, #tpu.memory_space<hbm>>
    tpu.enqueue_dma source(%arg8 : memref<80x128xf32, #tpu.memory_space<vmem>>) target(%dma_start3A_2022 : memref<80x128xf32, #tpu.memory_space<hbm>>) target_semaphore(%arg12 : memref<!tpu.dma_semaphore, #tpu.memory_space<semaphore_mem>>)
    %dma_wait3A_2023 = arith.constant 8880 : i32
    %dma_wait3A_2024 = tpu.memref_slice %arg4[%dma_wait3A_2023, %multiple_of3A_5] : memref<10000x4096xf32, #tpu.memory_space<hbm>> -> memref<80x128xf32, #tpu.memory_space<hbm>>
    %dma_wait3A_2025 = arith.constant 8880 : i32
    %dma_wait3A_2026 = tpu.memref_slice %arg4[%dma_wait3A_2025, %multiple_of3A_5] : memref<10000x4096xf32, #tpu.memory_space<hbm>> -> memref<80x128xf32, #tpu.memory_space<hbm>>
    tpu.wait_dma2 semaphore(%arg12 : memref<!tpu.dma_semaphore, #tpu.memory_space<semaphore_mem>>) src(%arg8 : memref<80x128xf32, #tpu.memory_space<vmem>>) dst(%dma_wait3A_2026 : memref<80x128xf32, #tpu.memory_space<hbm>>)
    %dma_start3A_2027 = arith.constant 9040 : i32
    %dma_start3A_2028 = tpu.memref_slice %arg6[%dma_start3A_2027] : memref<10000xi32, #tpu.memory_space<vmem>> -> memref<80xi32, #tpu.memory_space<vmem>>
    %dma_start3A_2029 = arith.constant 0 : i32
    %dma_start3A_2030 = arith.constant 0 : i32
    %dma_start3A_2031 = tpu.memref_slice %arg5[%dma_start3A_2029, %dma_start3A_2030] : memref<10000x128xf32, #tpu.memory_space<vmem_shared>> -> memref<10000x128xf32, #tpu.memory_space<vmem_shared>>
    tpu.enqueue_indirect_dma source(%dma_start3A_2031 : memref<10000x128xf32, #tpu.memory_space<vmem_shared>>) target(%arg8 : memref<80x128xf32, #tpu.memory_space<vmem>>) offsets(%dma_start3A_2028 : memref<80xi32, #tpu.memory_space<vmem>>) semaphore(%arg10 : memref<!tpu.dma_semaphore, #tpu.memory_space<semaphore_mem>>)
    %dma_wait3A_2032 = arith.constant 8960 : i32
    %dma_wait3A_2033 = tpu.memref_slice %arg6[%dma_wait3A_2032] : memref<10000xi32, #tpu.memory_space<vmem>> -> memref<80xi32, #tpu.memory_space<vmem>>
    %dma_wait3A_2034 = arith.constant 0 : i32
    %dma_wait3A_2035 = arith.constant 0 : i32
    %dma_wait3A_2036 = tpu.memref_slice %arg5[%dma_wait3A_2034, %dma_wait3A_2035] : memref<10000x128xf32, #tpu.memory_space<vmem_shared>> -> memref<10000x128xf32, #tpu.memory_space<vmem_shared>>
    tpu.wait_indirect_dma semaphore(%arg9 : memref<!tpu.dma_semaphore, #tpu.memory_space<semaphore_mem>>) src(%dma_wait3A_2036 : memref<10000x128xf32, #tpu.memory_space<vmem_shared>>) dst(%arg7 : memref<80x128xf32, #tpu.memory_space<vmem>>)
    %dma_start3A_2037 = arith.constant 8960 : i32
    %dma_start3A_2038 = tpu.memref_slice %arg4[%dma_start3A_2037, %multiple_of3A_5] : memref<10000x4096xf32, #tpu.memory_space<hbm>> -> memref<80x128xf32, #tpu.memory_space<hbm>>
    %dma_start3A_2039 = arith.constant 8960 : i32
    %dma_start3A_2040 = tpu.memref_slice %arg4[%dma_start3A_2039, %multiple_of3A_5] : memref<10000x4096xf32, #tpu.memory_space<hbm>> -> memref<80x128xf32, #tpu.memory_space<hbm>>
    tpu.enqueue_dma source(%arg7 : memref<80x128xf32, #tpu.memory_space<vmem>>) target(%dma_start3A_2040 : memref<80x128xf32, #tpu.memory_space<hbm>>) target_semaphore(%arg11 : memref<!tpu.dma_semaphore, #tpu.memory_space<semaphore_mem>>)
    %dma_wait3A_2041 = arith.constant 8960 : i32
    %dma_wait3A_2042 = tpu.memref_slice %arg4[%dma_wait3A_2041, %multiple_of3A_5] : memref<10000x4096xf32, #tpu.memory_space<hbm>> -> memref<80x128xf32, #tpu.memory_space<hbm>>
    %dma_wait3A_2043 = arith.constant 8960 : i32
    %dma_wait3A_2044 = tpu.memref_slice %arg4[%dma_wait3A_2043, %multiple_of3A_5] : memref<10000x4096xf32, #tpu.memory_space<hbm>> -> memref<80x128xf32, #tpu.memory_space<hbm>>
    tpu.wait_dma2 semaphore(%arg11 : memref<!tpu.dma_semaphore, #tpu.memory_space<semaphore_mem>>) src(%arg7 : memref<80x128xf32, #tpu.memory_space<vmem>>) dst(%dma_wait3A_2044 : memref<80x128xf32, #tpu.memory_space<hbm>>)
    %dma_start3A_2045 = arith.constant 9120 : i32
    %dma_start3A_2046 = tpu.memref_slice %arg6[%dma_start3A_2045] : memref<10000xi32, #tpu.memory_space<vmem>> -> memref<80xi32, #tpu.memory_space<vmem>>
    %dma_start3A_2047 = arith.constant 0 : i32
    %dma_start3A_2048 = arith.constant 0 : i32
    %dma_start3A_2049 = tpu.memref_slice %arg5[%dma_start3A_2047, %dma_start3A_2048] : memref<10000x128xf32, #tpu.memory_space<vmem_shared>> -> memref<10000x128xf32, #tpu.memory_space<vmem_shared>>
    tpu.enqueue_indirect_dma source(%dma_start3A_2049 : memref<10000x128xf32, #tpu.memory_space<vmem_shared>>) target(%arg7 : memref<80x128xf32, #tpu.memory_space<vmem>>) offsets(%dma_start3A_2046 : memref<80xi32, #tpu.memory_space<vmem>>) semaphore(%arg9 : memref<!tpu.dma_semaphore, #tpu.memory_space<semaphore_mem>>)
    %dma_wait3A_2050 = arith.constant 9040 : i32
    %dma_wait3A_2051 = tpu.memref_slice %arg6[%dma_wait3A_2050] : memref<10000xi32, #tpu.memory_space<vmem>> -> memref<80xi32, #tpu.memory_space<vmem>>
    %dma_wait3A_2052 = arith.constant 0 : i32
    %dma_wait3A_2053 = arith.constant 0 : i32
    %dma_wait3A_2054 = tpu.memref_slice %arg5[%dma_wait3A_2052, %dma_wait3A_2053] : memref<10000x128xf32, #tpu.memory_space<vmem_shared>> -> memref<10000x128xf32, #tpu.memory_space<vmem_shared>>
    tpu.wait_indirect_dma semaphore(%arg10 : memref<!tpu.dma_semaphore, #tpu.memory_space<semaphore_mem>>) src(%dma_wait3A_2054 : memref<10000x128xf32, #tpu.memory_space<vmem_shared>>) dst(%arg8 : memref<80x128xf32, #tpu.memory_space<vmem>>)
    %dma_start3A_2055 = arith.constant 9040 : i32
    %dma_start3A_2056 = tpu.memref_slice %arg4[%dma_start3A_2055, %multiple_of3A_5] : memref<10000x4096xf32, #tpu.memory_space<hbm>> -> memref<80x128xf32, #tpu.memory_space<hbm>>
    %dma_start3A_2057 = arith.constant 9040 : i32
    %dma_start3A_2058 = tpu.memref_slice %arg4[%dma_start3A_2057, %multiple_of3A_5] : memref<10000x4096xf32, #tpu.memory_space<hbm>> -> memref<80x128xf32, #tpu.memory_space<hbm>>
    tpu.enqueue_dma source(%arg8 : memref<80x128xf32, #tpu.memory_space<vmem>>) target(%dma_start3A_2058 : memref<80x128xf32, #tpu.memory_space<hbm>>) target_semaphore(%arg12 : memref<!tpu.dma_semaphore, #tpu.memory_space<semaphore_mem>>)
    %dma_wait3A_2059 = arith.constant 9040 : i32
    %dma_wait3A_2060 = tpu.memref_slice %arg4[%dma_wait3A_2059, %multiple_of3A_5] : memref<10000x4096xf32, #tpu.memory_space<hbm>> -> memref<80x128xf32, #tpu.memory_space<hbm>>
    %dma_wait3A_2061 = arith.constant 9040 : i32
    %dma_wait3A_2062 = tpu.memref_slice %arg4[%dma_wait3A_2061, %multiple_of3A_5] : memref<10000x4096xf32, #tpu.memory_space<hbm>> -> memref<80x128xf32, #tpu.memory_space<hbm>>
    tpu.wait_dma2 semaphore(%arg12 : memref<!tpu.dma_semaphore, #tpu.memory_space<semaphore_mem>>) src(%arg8 : memref<80x128xf32, #tpu.memory_space<vmem>>) dst(%dma_wait3A_2062 : memref<80x128xf32, #tpu.memory_space<hbm>>)
    %dma_start3A_2063 = arith.constant 9200 : i32
    %dma_start3A_2064 = tpu.memref_slice %arg6[%dma_start3A_2063] : memref<10000xi32, #tpu.memory_space<vmem>> -> memref<80xi32, #tpu.memory_space<vmem>>
    %dma_start3A_2065 = arith.constant 0 : i32
    %dma_start3A_2066 = arith.constant 0 : i32
    %dma_start3A_2067 = tpu.memref_slice %arg5[%dma_start3A_2065, %dma_start3A_2066] : memref<10000x128xf32, #tpu.memory_space<vmem_shared>> -> memref<10000x128xf32, #tpu.memory_space<vmem_shared>>
    tpu.enqueue_indirect_dma source(%dma_start3A_2067 : memref<10000x128xf32, #tpu.memory_space<vmem_shared>>) target(%arg8 : memref<80x128xf32, #tpu.memory_space<vmem>>) offsets(%dma_start3A_2064 : memref<80xi32, #tpu.memory_space<vmem>>) semaphore(%arg10 : memref<!tpu.dma_semaphore, #tpu.memory_space<semaphore_mem>>)
    %dma_wait3A_2068 = arith.constant 9120 : i32
    %dma_wait3A_2069 = tpu.memref_slice %arg6[%dma_wait3A_2068] : memref<10000xi32, #tpu.memory_space<vmem>> -> memref<80xi32, #tpu.memory_space<vmem>>
    %dma_wait3A_2070 = arith.constant 0 : i32
    %dma_wait3A_2071 = arith.constant 0 : i32
    %dma_wait3A_2072 = tpu.memref_slice %arg5[%dma_wait3A_2070, %dma_wait3A_2071] : memref<10000x128xf32, #tpu.memory_space<vmem_shared>> -> memref<10000x128xf32, #tpu.memory_space<vmem_shared>>
    tpu.wait_indirect_dma semaphore(%arg9 : memref<!tpu.dma_semaphore, #tpu.memory_space<semaphore_mem>>) src(%dma_wait3A_2072 : memref<10000x128xf32, #tpu.memory_space<vmem_shared>>) dst(%arg7 : memref<80x128xf32, #tpu.memory_space<vmem>>)
    %dma_start3A_2073 = arith.constant 9120 : i32
    %dma_start3A_2074 = tpu.memref_slice %arg4[%dma_start3A_2073, %multiple_of3A_5] : memref<10000x4096xf32, #tpu.memory_space<hbm>> -> memref<80x128xf32, #tpu.memory_space<hbm>>
    %dma_start3A_2075 = arith.constant 9120 : i32
    %dma_start3A_2076 = tpu.memref_slice %arg4[%dma_start3A_2075, %multiple_of3A_5] : memref<10000x4096xf32, #tpu.memory_space<hbm>> -> memref<80x128xf32, #tpu.memory_space<hbm>>
    tpu.enqueue_dma source(%arg7 : memref<80x128xf32, #tpu.memory_space<vmem>>) target(%dma_start3A_2076 : memref<80x128xf32, #tpu.memory_space<hbm>>) target_semaphore(%arg11 : memref<!tpu.dma_semaphore, #tpu.memory_space<semaphore_mem>>)
    %dma_wait3A_2077 = arith.constant 9120 : i32
    %dma_wait3A_2078 = tpu.memref_slice %arg4[%dma_wait3A_2077, %multiple_of3A_5] : memref<10000x4096xf32, #tpu.memory_space<hbm>> -> memref<80x128xf32, #tpu.memory_space<hbm>>
    %dma_wait3A_2079 = arith.constant 9120 : i32
    %dma_wait3A_2080 = tpu.memref_slice %arg4[%dma_wait3A_2079, %multiple_of3A_5] : memref<10000x4096xf32, #tpu.memory_space<hbm>> -> memref<80x128xf32, #tpu.memory_space<hbm>>
    tpu.wait_dma2 semaphore(%arg11 : memref<!tpu.dma_semaphore, #tpu.memory_space<semaphore_mem>>) src(%arg7 : memref<80x128xf32, #tpu.memory_space<vmem>>) dst(%dma_wait3A_2080 : memref<80x128xf32, #tpu.memory_space<hbm>>)
    %dma_start3A_2081 = arith.constant 9280 : i32
    %dma_start3A_2082 = tpu.memref_slice %arg6[%dma_start3A_2081] : memref<10000xi32, #tpu.memory_space<vmem>> -> memref<80xi32, #tpu.memory_space<vmem>>
    %dma_start3A_2083 = arith.constant 0 : i32
    %dma_start3A_2084 = arith.constant 0 : i32
    %dma_start3A_2085 = tpu.memref_slice %arg5[%dma_start3A_2083, %dma_start3A_2084] : memref<10000x128xf32, #tpu.memory_space<vmem_shared>> -> memref<10000x128xf32, #tpu.memory_space<vmem_shared>>
    tpu.enqueue_indirect_dma source(%dma_start3A_2085 : memref<10000x128xf32, #tpu.memory_space<vmem_shared>>) target(%arg7 : memref<80x128xf32, #tpu.memory_space<vmem>>) offsets(%dma_start3A_2082 : memref<80xi32, #tpu.memory_space<vmem>>) semaphore(%arg9 : memref<!tpu.dma_semaphore, #tpu.memory_space<semaphore_mem>>)
    %dma_wait3A_2086 = arith.constant 9200 : i32
    %dma_wait3A_2087 = tpu.memref_slice %arg6[%dma_wait3A_2086] : memref<10000xi32, #tpu.memory_space<vmem>> -> memref<80xi32, #tpu.memory_space<vmem>>
    %dma_wait3A_2088 = arith.constant 0 : i32
    %dma_wait3A_2089 = arith.constant 0 : i32
    %dma_wait3A_2090 = tpu.memref_slice %arg5[%dma_wait3A_2088, %dma_wait3A_2089] : memref<10000x128xf32, #tpu.memory_space<vmem_shared>> -> memref<10000x128xf32, #tpu.memory_space<vmem_shared>>
    tpu.wait_indirect_dma semaphore(%arg10 : memref<!tpu.dma_semaphore, #tpu.memory_space<semaphore_mem>>) src(%dma_wait3A_2090 : memref<10000x128xf32, #tpu.memory_space<vmem_shared>>) dst(%arg8 : memref<80x128xf32, #tpu.memory_space<vmem>>)
    %dma_start3A_2091 = arith.constant 9200 : i32
    %dma_start3A_2092 = tpu.memref_slice %arg4[%dma_start3A_2091, %multiple_of3A_5] : memref<10000x4096xf32, #tpu.memory_space<hbm>> -> memref<80x128xf32, #tpu.memory_space<hbm>>
    %dma_start3A_2093 = arith.constant 9200 : i32
    %dma_start3A_2094 = tpu.memref_slice %arg4[%dma_start3A_2093, %multiple_of3A_5] : memref<10000x4096xf32, #tpu.memory_space<hbm>> -> memref<80x128xf32, #tpu.memory_space<hbm>>
    tpu.enqueue_dma source(%arg8 : memref<80x128xf32, #tpu.memory_space<vmem>>) target(%dma_start3A_2094 : memref<80x128xf32, #tpu.memory_space<hbm>>) target_semaphore(%arg12 : memref<!tpu.dma_semaphore, #tpu.memory_space<semaphore_mem>>)
    %dma_wait3A_2095 = arith.constant 9200 : i32
    %dma_wait3A_2096 = tpu.memref_slice %arg4[%dma_wait3A_2095, %multiple_of3A_5] : memref<10000x4096xf32, #tpu.memory_space<hbm>> -> memref<80x128xf32, #tpu.memory_space<hbm>>
    %dma_wait3A_2097 = arith.constant 9200 : i32
    %dma_wait3A_2098 = tpu.memref_slice %arg4[%dma_wait3A_2097, %multiple_of3A_5] : memref<10000x4096xf32, #tpu.memory_space<hbm>> -> memref<80x128xf32, #tpu.memory_space<hbm>>
    tpu.wait_dma2 semaphore(%arg12 : memref<!tpu.dma_semaphore, #tpu.memory_space<semaphore_mem>>) src(%arg8 : memref<80x128xf32, #tpu.memory_space<vmem>>) dst(%dma_wait3A_2098 : memref<80x128xf32, #tpu.memory_space<hbm>>)
    %dma_start3A_2099 = arith.constant 9360 : i32
    %dma_start3A_2100 = tpu.memref_slice %arg6[%dma_start3A_2099] : memref<10000xi32, #tpu.memory_space<vmem>> -> memref<80xi32, #tpu.memory_space<vmem>>
    %dma_start3A_2101 = arith.constant 0 : i32
    %dma_start3A_2102 = arith.constant 0 : i32
    %dma_start3A_2103 = tpu.memref_slice %arg5[%dma_start3A_2101, %dma_start3A_2102] : memref<10000x128xf32, #tpu.memory_space<vmem_shared>> -> memref<10000x128xf32, #tpu.memory_space<vmem_shared>>
    tpu.enqueue_indirect_dma source(%dma_start3A_2103 : memref<10000x128xf32, #tpu.memory_space<vmem_shared>>) target(%arg8 : memref<80x128xf32, #tpu.memory_space<vmem>>) offsets(%dma_start3A_2100 : memref<80xi32, #tpu.memory_space<vmem>>) semaphore(%arg10 : memref<!tpu.dma_semaphore, #tpu.memory_space<semaphore_mem>>)
    %dma_wait3A_2104 = arith.constant 9280 : i32
    %dma_wait3A_2105 = tpu.memref_slice %arg6[%dma_wait3A_2104] : memref<10000xi32, #tpu.memory_space<vmem>> -> memref<80xi32, #tpu.memory_space<vmem>>
    %dma_wait3A_2106 = arith.constant 0 : i32
    %dma_wait3A_2107 = arith.constant 0 : i32
    %dma_wait3A_2108 = tpu.memref_slice %arg5[%dma_wait3A_2106, %dma_wait3A_2107] : memref<10000x128xf32, #tpu.memory_space<vmem_shared>> -> memref<10000x128xf32, #tpu.memory_space<vmem_shared>>
    tpu.wait_indirect_dma semaphore(%arg9 : memref<!tpu.dma_semaphore, #tpu.memory_space<semaphore_mem>>) src(%dma_wait3A_2108 : memref<10000x128xf32, #tpu.memory_space<vmem_shared>>) dst(%arg7 : memref<80x128xf32, #tpu.memory_space<vmem>>)
    %dma_start3A_2109 = arith.constant 9280 : i32
    %dma_start3A_2110 = tpu.memref_slice %arg4[%dma_start3A_2109, %multiple_of3A_5] : memref<10000x4096xf32, #tpu.memory_space<hbm>> -> memref<80x128xf32, #tpu.memory_space<hbm>>
    %dma_start3A_2111 = arith.constant 9280 : i32
    %dma_start3A_2112 = tpu.memref_slice %arg4[%dma_start3A_2111, %multiple_of3A_5] : memref<10000x4096xf32, #tpu.memory_space<hbm>> -> memref<80x128xf32, #tpu.memory_space<hbm>>
    tpu.enqueue_dma source(%arg7 : memref<80x128xf32, #tpu.memory_space<vmem>>) target(%dma_start3A_2112 : memref<80x128xf32, #tpu.memory_space<hbm>>) target_semaphore(%arg11 : memref<!tpu.dma_semaphore, #tpu.memory_space<semaphore_mem>>)
    %dma_wait3A_2113 = arith.constant 9280 : i32
    %dma_wait3A_2114 = tpu.memref_slice %arg4[%dma_wait3A_2113, %multiple_of3A_5] : memref<10000x4096xf32, #tpu.memory_space<hbm>> -> memref<80x128xf32, #tpu.memory_space<hbm>>
    %dma_wait3A_2115 = arith.constant 9280 : i32
    %dma_wait3A_2116 = tpu.memref_slice %arg4[%dma_wait3A_2115, %multiple_of3A_5] : memref<10000x4096xf32, #tpu.memory_space<hbm>> -> memref<80x128xf32, #tpu.memory_space<hbm>>
    tpu.wait_dma2 semaphore(%arg11 : memref<!tpu.dma_semaphore, #tpu.memory_space<semaphore_mem>>) src(%arg7 : memref<80x128xf32, #tpu.memory_space<vmem>>) dst(%dma_wait3A_2116 : memref<80x128xf32, #tpu.memory_space<hbm>>)
    %dma_start3A_2117 = arith.constant 9440 : i32
    %dma_start3A_2118 = tpu.memref_slice %arg6[%dma_start3A_2117] : memref<10000xi32, #tpu.memory_space<vmem>> -> memref<80xi32, #tpu.memory_space<vmem>>
    %dma_start3A_2119 = arith.constant 0 : i32
    %dma_start3A_2120 = arith.constant 0 : i32
    %dma_start3A_2121 = tpu.memref_slice %arg5[%dma_start3A_2119, %dma_start3A_2120] : memref<10000x128xf32, #tpu.memory_space<vmem_shared>> -> memref<10000x128xf32, #tpu.memory_space<vmem_shared>>
    tpu.enqueue_indirect_dma source(%dma_start3A_2121 : memref<10000x128xf32, #tpu.memory_space<vmem_shared>>) target(%arg7 : memref<80x128xf32, #tpu.memory_space<vmem>>) offsets(%dma_start3A_2118 : memref<80xi32, #tpu.memory_space<vmem>>) semaphore(%arg9 : memref<!tpu.dma_semaphore, #tpu.memory_space<semaphore_mem>>)
    %dma_wait3A_2122 = arith.constant 9360 : i32
    %dma_wait3A_2123 = tpu.memref_slice %arg6[%dma_wait3A_2122] : memref<10000xi32, #tpu.memory_space<vmem>> -> memref<80xi32, #tpu.memory_space<vmem>>
    %dma_wait3A_2124 = arith.constant 0 : i32
    %dma_wait3A_2125 = arith.constant 0 : i32
    %dma_wait3A_2126 = tpu.memref_slice %arg5[%dma_wait3A_2124, %dma_wait3A_2125] : memref<10000x128xf32, #tpu.memory_space<vmem_shared>> -> memref<10000x128xf32, #tpu.memory_space<vmem_shared>>
    tpu.wait_indirect_dma semaphore(%arg10 : memref<!tpu.dma_semaphore, #tpu.memory_space<semaphore_mem>>) src(%dma_wait3A_2126 : memref<10000x128xf32, #tpu.memory_space<vmem_shared>>) dst(%arg8 : memref<80x128xf32, #tpu.memory_space<vmem>>)
    %dma_start3A_2127 = arith.constant 9360 : i32
    %dma_start3A_2128 = tpu.memref_slice %arg4[%dma_start3A_2127, %multiple_of3A_5] : memref<10000x4096xf32, #tpu.memory_space<hbm>> -> memref<80x128xf32, #tpu.memory_space<hbm>>
    %dma_start3A_2129 = arith.constant 9360 : i32
    %dma_start3A_2130 = tpu.memref_slice %arg4[%dma_start3A_2129, %multiple_of3A_5] : memref<10000x4096xf32, #tpu.memory_space<hbm>> -> memref<80x128xf32, #tpu.memory_space<hbm>>
    tpu.enqueue_dma source(%arg8 : memref<80x128xf32, #tpu.memory_space<vmem>>) target(%dma_start3A_2130 : memref<80x128xf32, #tpu.memory_space<hbm>>) target_semaphore(%arg12 : memref<!tpu.dma_semaphore, #tpu.memory_space<semaphore_mem>>)
    %dma_wait3A_2131 = arith.constant 9360 : i32
    %dma_wait3A_2132 = tpu.memref_slice %arg4[%dma_wait3A_2131, %multiple_of3A_5] : memref<10000x4096xf32, #tpu.memory_space<hbm>> -> memref<80x128xf32, #tpu.memory_space<hbm>>
    %dma_wait3A_2133 = arith.constant 9360 : i32
    %dma_wait3A_2134 = tpu.memref_slice %arg4[%dma_wait3A_2133, %multiple_of3A_5] : memref<10000x4096xf32, #tpu.memory_space<hbm>> -> memref<80x128xf32, #tpu.memory_space<hbm>>
    tpu.wait_dma2 semaphore(%arg12 : memref<!tpu.dma_semaphore, #tpu.memory_space<semaphore_mem>>) src(%arg8 : memref<80x128xf32, #tpu.memory_space<vmem>>) dst(%dma_wait3A_2134 : memref<80x128xf32, #tpu.memory_space<hbm>>)
    %dma_start3A_2135 = arith.constant 9520 : i32
    %dma_start3A_2136 = tpu.memref_slice %arg6[%dma_start3A_2135] : memref<10000xi32, #tpu.memory_space<vmem>> -> memref<80xi32, #tpu.memory_space<vmem>>
    %dma_start3A_2137 = arith.constant 0 : i32
    %dma_start3A_2138 = arith.constant 0 : i32
    %dma_start3A_2139 = tpu.memref_slice %arg5[%dma_start3A_2137, %dma_start3A_2138] : memref<10000x128xf32, #tpu.memory_space<vmem_shared>> -> memref<10000x128xf32, #tpu.memory_space<vmem_shared>>
    tpu.enqueue_indirect_dma source(%dma_start3A_2139 : memref<10000x128xf32, #tpu.memory_space<vmem_shared>>) target(%arg8 : memref<80x128xf32, #tpu.memory_space<vmem>>) offsets(%dma_start3A_2136 : memref<80xi32, #tpu.memory_space<vmem>>) semaphore(%arg10 : memref<!tpu.dma_semaphore, #tpu.memory_space<semaphore_mem>>)
    %dma_wait3A_2140 = arith.constant 9440 : i32
    %dma_wait3A_2141 = tpu.memref_slice %arg6[%dma_wait3A_2140] : memref<10000xi32, #tpu.memory_space<vmem>> -> memref<80xi32, #tpu.memory_space<vmem>>
    %dma_wait3A_2142 = arith.constant 0 : i32
    %dma_wait3A_2143 = arith.constant 0 : i32
    %dma_wait3A_2144 = tpu.memref_slice %arg5[%dma_wait3A_2142, %dma_wait3A_2143] : memref<10000x128xf32, #tpu.memory_space<vmem_shared>> -> memref<10000x128xf32, #tpu.memory_space<vmem_shared>>
    tpu.wait_indirect_dma semaphore(%arg9 : memref<!tpu.dma_semaphore, #tpu.memory_space<semaphore_mem>>) src(%dma_wait3A_2144 : memref<10000x128xf32, #tpu.memory_space<vmem_shared>>) dst(%arg7 : memref<80x128xf32, #tpu.memory_space<vmem>>)
    %dma_start3A_2145 = arith.constant 9440 : i32
    %dma_start3A_2146 = tpu.memref_slice %arg4[%dma_start3A_2145, %multiple_of3A_5] : memref<10000x4096xf32, #tpu.memory_space<hbm>> -> memref<80x128xf32, #tpu.memory_space<hbm>>
    %dma_start3A_2147 = arith.constant 9440 : i32
    %dma_start3A_2148 = tpu.memref_slice %arg4[%dma_start3A_2147, %multiple_of3A_5] : memref<10000x4096xf32, #tpu.memory_space<hbm>> -> memref<80x128xf32, #tpu.memory_space<hbm>>
    tpu.enqueue_dma source(%arg7 : memref<80x128xf32, #tpu.memory_space<vmem>>) target(%dma_start3A_2148 : memref<80x128xf32, #tpu.memory_space<hbm>>) target_semaphore(%arg11 : memref<!tpu.dma_semaphore, #tpu.memory_space<semaphore_mem>>)
    %dma_wait3A_2149 = arith.constant 9440 : i32
    %dma_wait3A_2150 = tpu.memref_slice %arg4[%dma_wait3A_2149, %multiple_of3A_5] : memref<10000x4096xf32, #tpu.memory_space<hbm>> -> memref<80x128xf32, #tpu.memory_space<hbm>>
    %dma_wait3A_2151 = arith.constant 9440 : i32
    %dma_wait3A_2152 = tpu.memref_slice %arg4[%dma_wait3A_2151, %multiple_of3A_5] : memref<10000x4096xf32, #tpu.memory_space<hbm>> -> memref<80x128xf32, #tpu.memory_space<hbm>>
    tpu.wait_dma2 semaphore(%arg11 : memref<!tpu.dma_semaphore, #tpu.memory_space<semaphore_mem>>) src(%arg7 : memref<80x128xf32, #tpu.memory_space<vmem>>) dst(%dma_wait3A_2152 : memref<80x128xf32, #tpu.memory_space<hbm>>)
    %dma_start3A_2153 = arith.constant 9600 : i32
    %dma_start3A_2154 = tpu.memref_slice %arg6[%dma_start3A_2153] : memref<10000xi32, #tpu.memory_space<vmem>> -> memref<80xi32, #tpu.memory_space<vmem>>
    %dma_start3A_2155 = arith.constant 0 : i32
    %dma_start3A_2156 = arith.constant 0 : i32
    %dma_start3A_2157 = tpu.memref_slice %arg5[%dma_start3A_2155, %dma_start3A_2156] : memref<10000x128xf32, #tpu.memory_space<vmem_shared>> -> memref<10000x128xf32, #tpu.memory_space<vmem_shared>>
    tpu.enqueue_indirect_dma source(%dma_start3A_2157 : memref<10000x128xf32, #tpu.memory_space<vmem_shared>>) target(%arg7 : memref<80x128xf32, #tpu.memory_space<vmem>>) offsets(%dma_start3A_2154 : memref<80xi32, #tpu.memory_space<vmem>>) semaphore(%arg9 : memref<!tpu.dma_semaphore, #tpu.memory_space<semaphore_mem>>)
    %dma_wait3A_2158 = arith.constant 9520 : i32
    %dma_wait3A_2159 = tpu.memref_slice %arg6[%dma_wait3A_2158] : memref<10000xi32, #tpu.memory_space<vmem>> -> memref<80xi32, #tpu.memory_space<vmem>>
    %dma_wait3A_2160 = arith.constant 0 : i32
    %dma_wait3A_2161 = arith.constant 0 : i32
    %dma_wait3A_2162 = tpu.memref_slice %arg5[%dma_wait3A_2160, %dma_wait3A_2161] : memref<10000x128xf32, #tpu.memory_space<vmem_shared>> -> memref<10000x128xf32, #tpu.memory_space<vmem_shared>>
    tpu.wait_indirect_dma semaphore(%arg10 : memref<!tpu.dma_semaphore, #tpu.memory_space<semaphore_mem>>) src(%dma_wait3A_2162 : memref<10000x128xf32, #tpu.memory_space<vmem_shared>>) dst(%arg8 : memref<80x128xf32, #tpu.memory_space<vmem>>)
    %dma_start3A_2163 = arith.constant 9520 : i32
    %dma_start3A_2164 = tpu.memref_slice %arg4[%dma_start3A_2163, %multiple_of3A_5] : memref<10000x4096xf32, #tpu.memory_space<hbm>> -> memref<80x128xf32, #tpu.memory_space<hbm>>
    %dma_start3A_2165 = arith.constant 9520 : i32
    %dma_start3A_2166 = tpu.memref_slice %arg4[%dma_start3A_2165, %multiple_of3A_5] : memref<10000x4096xf32, #tpu.memory_space<hbm>> -> memref<80x128xf32, #tpu.memory_space<hbm>>
    tpu.enqueue_dma source(%arg8 : memref<80x128xf32, #tpu.memory_space<vmem>>) target(%dma_start3A_2166 : memref<80x128xf32, #tpu.memory_space<hbm>>) target_semaphore(%arg12 : memref<!tpu.dma_semaphore, #tpu.memory_space<semaphore_mem>>)
    %dma_wait3A_2167 = arith.constant 9520 : i32
    %dma_wait3A_2168 = tpu.memref_slice %arg4[%dma_wait3A_2167, %multiple_of3A_5] : memref<10000x4096xf32, #tpu.memory_space<hbm>> -> memref<80x128xf32, #tpu.memory_space<hbm>>
    %dma_wait3A_2169 = arith.constant 9520 : i32
    %dma_wait3A_2170 = tpu.memref_slice %arg4[%dma_wait3A_2169, %multiple_of3A_5] : memref<10000x4096xf32, #tpu.memory_space<hbm>> -> memref<80x128xf32, #tpu.memory_space<hbm>>
    tpu.wait_dma2 semaphore(%arg12 : memref<!tpu.dma_semaphore, #tpu.memory_space<semaphore_mem>>) src(%arg8 : memref<80x128xf32, #tpu.memory_space<vmem>>) dst(%dma_wait3A_2170 : memref<80x128xf32, #tpu.memory_space<hbm>>)
    %dma_start3A_2171 = arith.constant 9680 : i32
    %dma_start3A_2172 = tpu.memref_slice %arg6[%dma_start3A_2171] : memref<10000xi32, #tpu.memory_space<vmem>> -> memref<80xi32, #tpu.memory_space<vmem>>
    %dma_start3A_2173 = arith.constant 0 : i32
    %dma_start3A_2174 = arith.constant 0 : i32
    %dma_start3A_2175 = tpu.memref_slice %arg5[%dma_start3A_2173, %dma_start3A_2174] : memref<10000x128xf32, #tpu.memory_space<vmem_shared>> -> memref<10000x128xf32, #tpu.memory_space<vmem_shared>>
    tpu.enqueue_indirect_dma source(%dma_start3A_2175 : memref<10000x128xf32, #tpu.memory_space<vmem_shared>>) target(%arg8 : memref<80x128xf32, #tpu.memory_space<vmem>>) offsets(%dma_start3A_2172 : memref<80xi32, #tpu.memory_space<vmem>>) semaphore(%arg10 : memref<!tpu.dma_semaphore, #tpu.memory_space<semaphore_mem>>)
    %dma_wait3A_2176 = arith.constant 9600 : i32
    %dma_wait3A_2177 = tpu.memref_slice %arg6[%dma_wait3A_2176] : memref<10000xi32, #tpu.memory_space<vmem>> -> memref<80xi32, #tpu.memory_space<vmem>>
    %dma_wait3A_2178 = arith.constant 0 : i32
    %dma_wait3A_2179 = arith.constant 0 : i32
    %dma_wait3A_2180 = tpu.memref_slice %arg5[%dma_wait3A_2178, %dma_wait3A_2179] : memref<10000x128xf32, #tpu.memory_space<vmem_shared>> -> memref<10000x128xf32, #tpu.memory_space<vmem_shared>>
    tpu.wait_indirect_dma semaphore(%arg9 : memref<!tpu.dma_semaphore, #tpu.memory_space<semaphore_mem>>) src(%dma_wait3A_2180 : memref<10000x128xf32, #tpu.memory_space<vmem_shared>>) dst(%arg7 : memref<80x128xf32, #tpu.memory_space<vmem>>)
    %dma_start3A_2181 = arith.constant 9600 : i32
    %dma_start3A_2182 = tpu.memref_slice %arg4[%dma_start3A_2181, %multiple_of3A_5] : memref<10000x4096xf32, #tpu.memory_space<hbm>> -> memref<80x128xf32, #tpu.memory_space<hbm>>
    %dma_start3A_2183 = arith.constant 9600 : i32
    %dma_start3A_2184 = tpu.memref_slice %arg4[%dma_start3A_2183, %multiple_of3A_5] : memref<10000x4096xf32, #tpu.memory_space<hbm>> -> memref<80x128xf32, #tpu.memory_space<hbm>>
    tpu.enqueue_dma source(%arg7 : memref<80x128xf32, #tpu.memory_space<vmem>>) target(%dma_start3A_2184 : memref<80x128xf32, #tpu.memory_space<hbm>>) target_semaphore(%arg11 : memref<!tpu.dma_semaphore, #tpu.memory_space<semaphore_mem>>)
    %dma_wait3A_2185 = arith.constant 9600 : i32
    %dma_wait3A_2186 = tpu.memref_slice %arg4[%dma_wait3A_2185, %multiple_of3A_5] : memref<10000x4096xf32, #tpu.memory_space<hbm>> -> memref<80x128xf32, #tpu.memory_space<hbm>>
    %dma_wait3A_2187 = arith.constant 9600 : i32
    %dma_wait3A_2188 = tpu.memref_slice %arg4[%dma_wait3A_2187, %multiple_of3A_5] : memref<10000x4096xf32, #tpu.memory_space<hbm>> -> memref<80x128xf32, #tpu.memory_space<hbm>>
    tpu.wait_dma2 semaphore(%arg11 : memref<!tpu.dma_semaphore, #tpu.memory_space<semaphore_mem>>) src(%arg7 : memref<80x128xf32, #tpu.memory_space<vmem>>) dst(%dma_wait3A_2188 : memref<80x128xf32, #tpu.memory_space<hbm>>)
    %dma_start3A_2189 = arith.constant 9760 : i32
    %dma_start3A_2190 = tpu.memref_slice %arg6[%dma_start3A_2189] : memref<10000xi32, #tpu.memory_space<vmem>> -> memref<80xi32, #tpu.memory_space<vmem>>
    %dma_start3A_2191 = arith.constant 0 : i32
    %dma_start3A_2192 = arith.constant 0 : i32
    %dma_start3A_2193 = tpu.memref_slice %arg5[%dma_start3A_2191, %dma_start3A_2192] : memref<10000x128xf32, #tpu.memory_space<vmem_shared>> -> memref<10000x128xf32, #tpu.memory_space<vmem_shared>>
    tpu.enqueue_indirect_dma source(%dma_start3A_2193 : memref<10000x128xf32, #tpu.memory_space<vmem_shared>>) target(%arg7 : memref<80x128xf32, #tpu.memory_space<vmem>>) offsets(%dma_start3A_2190 : memref<80xi32, #tpu.memory_space<vmem>>) semaphore(%arg9 : memref<!tpu.dma_semaphore, #tpu.memory_space<semaphore_mem>>)
    %dma_wait3A_2194 = arith.constant 9680 : i32
    %dma_wait3A_2195 = tpu.memref_slice %arg6[%dma_wait3A_2194] : memref<10000xi32, #tpu.memory_space<vmem>> -> memref<80xi32, #tpu.memory_space<vmem>>
    %dma_wait3A_2196 = arith.constant 0 : i32
    %dma_wait3A_2197 = arith.constant 0 : i32
    %dma_wait3A_2198 = tpu.memref_slice %arg5[%dma_wait3A_2196, %dma_wait3A_2197] : memref<10000x128xf32, #tpu.memory_space<vmem_shared>> -> memref<10000x128xf32, #tpu.memory_space<vmem_shared>>
    tpu.wait_indirect_dma semaphore(%arg10 : memref<!tpu.dma_semaphore, #tpu.memory_space<semaphore_mem>>) src(%dma_wait3A_2198 : memref<10000x128xf32, #tpu.memory_space<vmem_shared>>) dst(%arg8 : memref<80x128xf32, #tpu.memory_space<vmem>>)
    %dma_start3A_2199 = arith.constant 9680 : i32
    %dma_start3A_2200 = tpu.memref_slice %arg4[%dma_start3A_2199, %multiple_of3A_5] : memref<10000x4096xf32, #tpu.memory_space<hbm>> -> memref<80x128xf32, #tpu.memory_space<hbm>>
    %dma_start3A_2201 = arith.constant 9680 : i32
    %dma_start3A_2202 = tpu.memref_slice %arg4[%dma_start3A_2201, %multiple_of3A_5] : memref<10000x4096xf32, #tpu.memory_space<hbm>> -> memref<80x128xf32, #tpu.memory_space<hbm>>
    tpu.enqueue_dma source(%arg8 : memref<80x128xf32, #tpu.memory_space<vmem>>) target(%dma_start3A_2202 : memref<80x128xf32, #tpu.memory_space<hbm>>) target_semaphore(%arg12 : memref<!tpu.dma_semaphore, #tpu.memory_space<semaphore_mem>>)
    %dma_wait3A_2203 = arith.constant 9680 : i32
    %dma_wait3A_2204 = tpu.memref_slice %arg4[%dma_wait3A_2203, %multiple_of3A_5] : memref<10000x4096xf32, #tpu.memory_space<hbm>> -> memref<80x128xf32, #tpu.memory_space<hbm>>
    %dma_wait3A_2205 = arith.constant 9680 : i32
    %dma_wait3A_2206 = tpu.memref_slice %arg4[%dma_wait3A_2205, %multiple_of3A_5] : memref<10000x4096xf32, #tpu.memory_space<hbm>> -> memref<80x128xf32, #tpu.memory_space<hbm>>
    tpu.wait_dma2 semaphore(%arg12 : memref<!tpu.dma_semaphore, #tpu.memory_space<semaphore_mem>>) src(%arg8 : memref<80x128xf32, #tpu.memory_space<vmem>>) dst(%dma_wait3A_2206 : memref<80x128xf32, #tpu.memory_space<hbm>>)
    %dma_start3A_2207 = arith.constant 9840 : i32
    %dma_start3A_2208 = tpu.memref_slice %arg6[%dma_start3A_2207] : memref<10000xi32, #tpu.memory_space<vmem>> -> memref<80xi32, #tpu.memory_space<vmem>>
    %dma_start3A_2209 = arith.constant 0 : i32
    %dma_start3A_2210 = arith.constant 0 : i32
    %dma_start3A_2211 = tpu.memref_slice %arg5[%dma_start3A_2209, %dma_start3A_2210] : memref<10000x128xf32, #tpu.memory_space<vmem_shared>> -> memref<10000x128xf32, #tpu.memory_space<vmem_shared>>
    tpu.enqueue_indirect_dma source(%dma_start3A_2211 : memref<10000x128xf32, #tpu.memory_space<vmem_shared>>) target(%arg8 : memref<80x128xf32, #tpu.memory_space<vmem>>) offsets(%dma_start3A_2208 : memref<80xi32, #tpu.memory_space<vmem>>) semaphore(%arg10 : memref<!tpu.dma_semaphore, #tpu.memory_space<semaphore_mem>>)
    %dma_wait3A_2212 = arith.constant 9760 : i32
    %dma_wait3A_2213 = tpu.memref_slice %arg6[%dma_wait3A_2212] : memref<10000xi32, #tpu.memory_space<vmem>> -> memref<80xi32, #tpu.memory_space<vmem>>
    %dma_wait3A_2214 = arith.constant 0 : i32
    %dma_wait3A_2215 = arith.constant 0 : i32
    %dma_wait3A_2216 = tpu.memref_slice %arg5[%dma_wait3A_2214, %dma_wait3A_2215] : memref<10000x128xf32, #tpu.memory_space<vmem_shared>> -> memref<10000x128xf32, #tpu.memory_space<vmem_shared>>
    tpu.wait_indirect_dma semaphore(%arg9 : memref<!tpu.dma_semaphore, #tpu.memory_space<semaphore_mem>>) src(%dma_wait3A_2216 : memref<10000x128xf32, #tpu.memory_space<vmem_shared>>) dst(%arg7 : memref<80x128xf32, #tpu.memory_space<vmem>>)
    %dma_start3A_2217 = arith.constant 9760 : i32
    %dma_start3A_2218 = tpu.memref_slice %arg4[%dma_start3A_2217, %multiple_of3A_5] : memref<10000x4096xf32, #tpu.memory_space<hbm>> -> memref<80x128xf32, #tpu.memory_space<hbm>>
    %dma_start3A_2219 = arith.constant 9760 : i32
    %dma_start3A_2220 = tpu.memref_slice %arg4[%dma_start3A_2219, %multiple_of3A_5] : memref<10000x4096xf32, #tpu.memory_space<hbm>> -> memref<80x128xf32, #tpu.memory_space<hbm>>
    tpu.enqueue_dma source(%arg7 : memref<80x128xf32, #tpu.memory_space<vmem>>) target(%dma_start3A_2220 : memref<80x128xf32, #tpu.memory_space<hbm>>) target_semaphore(%arg11 : memref<!tpu.dma_semaphore, #tpu.memory_space<semaphore_mem>>)
    %dma_wait3A_2221 = arith.constant 9760 : i32
    %dma_wait3A_2222 = tpu.memref_slice %arg4[%dma_wait3A_2221, %multiple_of3A_5] : memref<10000x4096xf32, #tpu.memory_space<hbm>> -> memref<80x128xf32, #tpu.memory_space<hbm>>
    %dma_wait3A_2223 = arith.constant 9760 : i32
    %dma_wait3A_2224 = tpu.memref_slice %arg4[%dma_wait3A_2223, %multiple_of3A_5] : memref<10000x4096xf32, #tpu.memory_space<hbm>> -> memref<80x128xf32, #tpu.memory_space<hbm>>
    tpu.wait_dma2 semaphore(%arg11 : memref<!tpu.dma_semaphore, #tpu.memory_space<semaphore_mem>>) src(%arg7 : memref<80x128xf32, #tpu.memory_space<vmem>>) dst(%dma_wait3A_2224 : memref<80x128xf32, #tpu.memory_space<hbm>>)
    %dma_start3A_2225 = arith.constant 9920 : i32
    %dma_start3A_2226 = tpu.memref_slice %arg6[%dma_start3A_2225] : memref<10000xi32, #tpu.memory_space<vmem>> -> memref<80xi32, #tpu.memory_space<vmem>>
    %dma_start3A_2227 = arith.constant 0 : i32
    %dma_start3A_2228 = arith.constant 0 : i32
    %dma_start3A_2229 = tpu.memref_slice %arg5[%dma_start3A_2227, %dma_start3A_2228] : memref<10000x128xf32, #tpu.memory_space<vmem_shared>> -> memref<10000x128xf32, #tpu.memory_space<vmem_shared>>
    tpu.enqueue_indirect_dma source(%dma_start3A_2229 : memref<10000x128xf32, #tpu.memory_space<vmem_shared>>) target(%arg7 : memref<80x128xf32, #tpu.memory_space<vmem>>) offsets(%dma_start3A_2226 : memref<80xi32, #tpu.memory_space<vmem>>) semaphore(%arg9 : memref<!tpu.dma_semaphore, #tpu.memory_space<semaphore_mem>>)
    %dma_wait3A_2230 = arith.constant 9840 : i32
    %dma_wait3A_2231 = tpu.memref_slice %arg6[%dma_wait3A_2230] : memref<10000xi32, #tpu.memory_space<vmem>> -> memref<80xi32, #tpu.memory_space<vmem>>
    %dma_wait3A_2232 = arith.constant 0 : i32
    %dma_wait3A_2233 = arith.constant 0 : i32
    %dma_wait3A_2234 = tpu.memref_slice %arg5[%dma_wait3A_2232, %dma_wait3A_2233] : memref<10000x128xf32, #tpu.memory_space<vmem_shared>> -> memref<10000x128xf32, #tpu.memory_space<vmem_shared>>
    tpu.wait_indirect_dma semaphore(%arg10 : memref<!tpu.dma_semaphore, #tpu.memory_space<semaphore_mem>>) src(%dma_wait3A_2234 : memref<10000x128xf32, #tpu.memory_space<vmem_shared>>) dst(%arg8 : memref<80x128xf32, #tpu.memory_space<vmem>>)
    %dma_start3A_2235 = arith.constant 9840 : i32
    %dma_start3A_2236 = tpu.memref_slice %arg4[%dma_start3A_2235, %multiple_of3A_5] : memref<10000x4096xf32, #tpu.memory_space<hbm>> -> memref<80x128xf32, #tpu.memory_space<hbm>>
    %dma_start3A_2237 = arith.constant 9840 : i32
    %dma_start3A_2238 = tpu.memref_slice %arg4[%dma_start3A_2237, %multiple_of3A_5] : memref<10000x4096xf32, #tpu.memory_space<hbm>> -> memref<80x128xf32, #tpu.memory_space<hbm>>
    tpu.enqueue_dma source(%arg8 : memref<80x128xf32, #tpu.memory_space<vmem>>) target(%dma_start3A_2238 : memref<80x128xf32, #tpu.memory_space<hbm>>) target_semaphore(%arg12 : memref<!tpu.dma_semaphore, #tpu.memory_space<semaphore_mem>>)
    %dma_wait3A_2239 = arith.constant 9920 : i32
    %dma_wait3A_2240 = tpu.memref_slice %arg6[%dma_wait3A_2239] : memref<10000xi32, #tpu.memory_space<vmem>> -> memref<80xi32, #tpu.memory_space<vmem>>
    %dma_wait3A_2241 = arith.constant 0 : i32
    %dma_wait3A_2242 = arith.constant 0 : i32
    %dma_wait3A_2243 = tpu.memref_slice %arg5[%dma_wait3A_2241, %dma_wait3A_2242] : memref<10000x128xf32, #tpu.memory_space<vmem_shared>> -> memref<10000x128xf32, #tpu.memory_space<vmem_shared>>
    tpu.wait_indirect_dma semaphore(%arg9 : memref<!tpu.dma_semaphore, #tpu.memory_space<semaphore_mem>>) src(%dma_wait3A_2243 : memref<10000x128xf32, #tpu.memory_space<vmem_shared>>) dst(%arg7 : memref<80x128xf32, #tpu.memory_space<vmem>>)
    %dma_start3A_2244 = arith.constant 9920 : i32
    %dma_start3A_2245 = tpu.memref_slice %arg4[%dma_start3A_2244, %multiple_of3A_5] : memref<10000x4096xf32, #tpu.memory_space<hbm>> -> memref<80x128xf32, #tpu.memory_space<hbm>>
    %dma_start3A_2246 = arith.constant 9920 : i32
    %dma_start3A_2247 = tpu.memref_slice %arg4[%dma_start3A_2246, %multiple_of3A_5] : memref<10000x4096xf32, #tpu.memory_space<hbm>> -> memref<80x128xf32, #tpu.memory_space<hbm>>
    tpu.enqueue_dma source(%arg7 : memref<80x128xf32, #tpu.memory_space<vmem>>) target(%dma_start3A_2247 : memref<80x128xf32, #tpu.memory_space<hbm>>) target_semaphore(%arg11 : memref<!tpu.dma_semaphore, #tpu.memory_space<semaphore_mem>>)
    %dma_wait3A_2248 = arith.constant 9920 : i32
    %dma_wait3A_2249 = tpu.memref_slice %arg4[%dma_wait3A_2248, %multiple_of3A_5] : memref<10000x4096xf32, #tpu.memory_space<hbm>> -> memref<80x128xf32, #tpu.memory_space<hbm>>
    %dma_wait3A_2250 = arith.constant 9920 : i32
    %dma_wait3A_2251 = tpu.memref_slice %arg4[%dma_wait3A_2250, %multiple_of3A_5] : memref<10000x4096xf32, #tpu.memory_space<hbm>> -> memref<80x128xf32, #tpu.memory_space<hbm>>
    tpu.wait_dma2 semaphore(%arg11 : memref<!tpu.dma_semaphore, #tpu.memory_space<semaphore_mem>>) src(%arg7 : memref<80x128xf32, #tpu.memory_space<vmem>>) dst(%dma_wait3A_2251 : memref<80x128xf32, #tpu.memory_space<hbm>>)
    %dma_wait3A_2252 = arith.constant 9840 : i32
    %dma_wait3A_2253 = tpu.memref_slice %arg4[%dma_wait3A_2252, %multiple_of3A_5] : memref<10000x4096xf32, #tpu.memory_space<hbm>> -> memref<80x128xf32, #tpu.memory_space<hbm>>
    %dma_wait3A_2254 = arith.constant 9840 : i32
    %dma_wait3A_2255 = tpu.memref_slice %arg4[%dma_wait3A_2254, %multiple_of3A_5] : memref<10000x4096xf32, #tpu.memory_space<hbm>> -> memref<80x128xf32, #tpu.memory_space<hbm>>
    tpu.wait_dma2 semaphore(%arg12 : memref<!tpu.dma_semaphore, #tpu.memory_space<semaphore_mem>>) src(%arg8 : memref<80x128xf32, #tpu.memory_space<vmem>>) dst(%dma_wait3A_2255 : memref<80x128xf32, #tpu.memory_space<hbm>>)
    return
  }
}

module attributes {stable_mosaic.version = 14 : i64} {
  func.func @_mm_body(%arg0: i32, %arg1: memref<400x4096xf32, #tpu.memory_space<vmem>>, %arg2: memref<4096x128xbf16, #tpu.memory_space<vmem>>, %arg3: memref<1x128xf32, #tpu.memory_space<vmem>>, %arg4: memref<10000x128xf32, #tpu.memory_space<any>>, %arg5: memref<400x128xf32, #tpu.memory_space<vmem>>) attributes {dimension_semantics = [#tpu.dimension_semantics<arbitrary>], iteration_bounds = array<i64: 25>, scalar_prefetch = 0 : i64, scratch_operands = 0 : i64, tpu.core_type = #tpu.core_type<tc>, window_params = [{transform_indices = @transform_0, window_bounds = array<i64: 400, 4096>}, {pipeline_mode = #tpu.pipeline_mode<synchronous>, transform_indices = @transform_1, window_bounds = array<i64: 4096, 128>}, {pipeline_mode = #tpu.pipeline_mode<synchronous>, transform_indices = @transform_2, window_bounds = array<i64: 1, 128>}, {}, {transform_indices = @transform_4, window_bounds = array<i64: 400, 128>}]} {
    %get3A = arith.constant 0 : index
    %get3A_0 = arith.constant 0 : index
    %get3A_1 = vector.load %arg1[%get3A, %get3A_0] : memref<400x4096xf32, #tpu.memory_space<vmem>>, vector<400x4096xf32>
    %convert_element_type3A = arith.truncf %get3A_1 : vector<400x4096xf32> to vector<400x4096xbf16>
    %get3A_2 = arith.constant 0 : index
    %get3A_3 = arith.constant 0 : index
    %get3A_4 = vector.load %arg2[%get3A_2, %get3A_3] : memref<4096x128xbf16, #tpu.memory_space<vmem>>, vector<4096x128xbf16>
    %dot_general3A = arith.constant dense<0.000000e+00> : vector<400x128xf32>
    %dot_general3A_5 = tpu.matmul %convert_element_type3A, %get3A_4, %dot_general3A {dimension_numbers = #tpu.dot_dimension_numbers<[1], [0], [0], [1], [0, 0, 1, 1], [], []>, transpose_lhs_hint = false} : vector<400x4096xbf16>, vector<4096x128xbf16>, vector<400x128xf32> -> vector<400x128xf32>
    %get3A_6 = arith.constant 0 : index
    %get3A_7 = arith.constant 0 : index
    %get3A_8 = vector.load %arg3[%get3A_6, %get3A_7] : memref<1x128xf32, #tpu.memory_space<vmem>>, vector<1x128xf32>
    %add3A = vector.broadcast %get3A_8 : vector<1x128xf32> to vector<400x128xf32>
    %add3A_9 = arith.addf %dot_general3A_5, %add3A : vector<400x128xf32>
    %swap3A = arith.constant 0 : index
    %swap3A_10 = arith.constant 0 : index
    %swap3A_11 = vector.load %arg5[%swap3A, %swap3A_10] : memref<400x128xf32, #tpu.memory_space<vmem>>, vector<400x128xf32>
    tpu.vector_store %arg5[%swap3A, %swap3A_10], %add3A_9 {strides = array<i32>} : memref<400x128xf32, #tpu.memory_space<vmem>>, vector<400x128xf32>,
    return
  }
  func.func @transform_0(%arg0: i32) -> (i32, i32) {
    %c0_i32 = arith.constant 0 : i32
    %c0_i32_0 = arith.constant 0 : i32
    return %arg0, %c0_i32 : i32, i32
  }
  func.func @transform_1(%arg0: i32) -> (i32, i32) {
    %c0_i32 = arith.constant 0 : i32
    %c0_i32_0 = arith.constant 0 : i32
    %c0_i32_1 = arith.constant 0 : i32
    return %c0_i32, %c0_i32_0 : i32, i32
  }
  func.func @transform_2(%arg0: i32) -> (i32, i32) {
    %c0_i32 = arith.constant 0 : i32
    %c0_i32_0 = arith.constant 0 : i32
    %c0_i32_1 = arith.constant 0 : i32
    return %c0_i32, %c0_i32_0 : i32, i32
  }
  func.func @transform_4(%arg0: i32) -> (i32, i32) {
    %add3A = arith.constant 0 : i32
    %add3A_0 = arith.addi %arg0, %add3A : i32
    %c0_i32 = arith.constant 0 : i32
    %c0_i32_1 = arith.constant 0 : i32
    return %add3A_0, %c0_i32 : i32, i32
  }
}

</mosaic_0001>

<sc_bundles>
// kernel: kernel.4.cloned.1.call-start
scs
__scs_entry_jumppad:
0x0: {  	(pc) =	sbr.rel $0x88, $3  }
0x1: {  	(tag) =	ssettag $0x0;
	lr =	simm.s32 $0x1  }
0x2: {  	[smem:$0x3F9D] =	sst lr;
	_ =	strace $0xD0000000  }
0x3: {  	_ = 	snop  }
0x4: {  	_ = 	snop  }
0x5: {  	_ = 	snop  }
0x6: {  	_ = 	snop  }
0x7: {  	_ = 	snop  }
__scs_overlays_trampoline_lowered:
0x8: {  	[smem:$0x3FAC] =	sst s0  }
0x9: {  	[smem:$0x3FAD] =	sst s1  }
0xa: {  	[smem:$0x3FAE] =	sst s2  }
0xb: {  	[smem:$0x3FAF] =	sst s3  }
0xc: {  	[smem:$0x3FB0] =	sst s4  }
0xd: {  	[smem:$0x3FB1] =	sst s5  }
0xe: {  	[smem:$0x3FB2] =	sst s6  }
0xf: {  	[smem:$0x3FB3] =	sst s7  }
0x10: {  	[smem:$0x3FB4] =	sst s8  }
0x11: {  	[smem:$0x3FB5] =	sst s9;
	s0 =	simm.s32 @!p0 $0x0  }
0x12: {  	s1 =	sld [smem:$0x3F9B];
	s0 =	simm.s32 @p0 $0x1  }
0x13: {  	[smem:$0x3FB6] =	sst s0;
	s0 =	simm.s32 @!p1 $0x0  }
0x14: {  	s2 =	sld [smem:$0x3F9A];
	s0 =	simm.s32 @p1 $0x1  }
0x15: {  	[smem:$0x3FB7] =	sst s0;
	s0 =	simm.s32 @!p2 $0x0  }
0x16: {  	s3 =	sld [smem:$0x3FDB];
	s0 =	simm.s32 @p2 $0x1  }
0x17: {  	s4 =	simm.s32 $0x1BF5;
	[smem:$0x3FB9] =	sst s0  }
0x18: {  	s0 =	sld [smem:$0x3F9C];
	_ =	swait.ge [sflag:s4], $0x0  }
0x19: {  	s7 =	sld [smem:$0x3F9D]  }
0x1a: {  	s8 =	sadd.s32 $0xFFFFE003, lr  }
0x1b: {  	s9 =	sadd.s32 $0xFFFFFEF7, lr;
	s5 =	simm.s32 $0xFFFFFFFF;
	p2 =	slt.u32 s8, $0xFFFFF086  }
0x1c: {  	p1 =	slt.u32 s9, $0xF7A;
	s5 =	simm.s32 @!p2 $0x0  }
0x1d: {  	s5 =	simm.s32 @p1 $0x1;
	p0 =	seq.s32 s7, s2  }
0x1e: {  	s7 =	smul.u32 @!p0 $0xF7A, s2;
	p2 =	seq.s32 @!p0 s5, $0x0  }
0x1f: {  	s9 =	smul.u32 $0xF7A, s1;
	s8 =	simm.s32 @!p0 $0x1BF5;
	p2 =	por !p2, p0  }
0x20: {  	[sflag:s8] =	ssyncset.s32 @!p0 $0xFFFFF086;
	s6 =	sadd.s32 @!p0 s3, s7;
	s7 =	simm.s32 @!p0 $0x108  }
0x21: {  	s3 =	sadd.s32 s3, s9;
	s6 =	sadd.s32 @!p0 $0x88, s6;
	s7 =	simm.s32 @p2 $0x1082  }
0x22: {  	[simem:s7], [sflag:s8] =	dma.local @!p0 [hbm:s6], $0xF7A  }
0x23: {  	s9 =	sor.u32 $0xD0000000, s2;
	s6 =	simm.s32 $0x108;
	_ =	swait.ge @!p0 [sflag:s8], $0x0  }
0x24: {  	s3 =	sadd.s32 $0x88, s3;
	s6 =	simm.s32 @!p1 $0x1082;
	[sflag:s4] =	ssyncset.s32 $0xFFFFF086  }
0x25: {  	[simem:s6], [sflag:s4] =	dma.local [hbm:s3], $0xF7A  }
0x26: {  	[smem:$0x3F9D] =	sst s1;
	(tag) =	ssettag s2;
	_ =	strace s9  }
0x27: {  	s1 =	sld [smem:$0x3FAD]  }
0x28: {  	s2 =	sld [smem:$0x3FAE]  }
0x29: {  	s4 =	sld [smem:$0x3FB0]  }
0x2a: {  	p0 =	seq.s32 s5, $0x0;
	s5 =	sld [smem:$0x3FB1]  }
0x2b: {  	s6 =	sld [smem:$0x3FB2]  }
0x2c: {  	s7 =	sld [smem:$0x3FB3]  }
0x2d: {  	s3 =	simm.s32 $0x108;
	s8 =	sld [smem:$0x3FB4]  }
0x2e: {  	s3 =	simm.s32 @!p0 $0x1082;
	s9 =	sld [smem:$0x3FB5]  }
0x2f: {  	lr =	sadd.s32 s0, s3;
	s0 =	sld [smem:$0x3FAC]  }
0x30: {  	s3 =	sld [smem:$0x3FAF]  }
0x31: {  	[smem:$0x3FB8] =	sst s10  }
0x32: {  	s10 =	sld [smem:$0x3FB6];
	_ =	sdelay $0x3  }
0x33: {  	p0 =	seq.s32 s10, $0x1;
	s10 =	sld [smem:$0x3FB8];
	_ =	sdelay $0x3  }
0x34: {  	[smem:$0x3FB8] =	sst s10  }
0x35: {  	s10 =	sld [smem:$0x3FB7];
	_ =	sdelay $0x3  }
0x36: {  	p1 =	seq.s32 s10, $0x1;
	s10 =	sld [smem:$0x3FB8];
	_ =	sdelay $0x3  }
0x37: {  	[smem:$0x3FB8] =	sst s10  }
0x38: {  	s10 =	sld [smem:$0x3FB9]  }
0x39: {  	_ = 	snop;
	(pc) =	sbr.ind lr, $3  }
0x3a: {  	_ = 	snop  }
0x3b: {  	_ = 	snop  }
0x3c: {  	p2 =	seq.s32 s10, $0x1;
	s10 =	sld [smem:$0x3FB8]  }
0x3d: {  	_ =	shalt  }
0x3e: {  	_ =	shalt  }
0x3f: {  	_ =	shalt  }
0x40: {  	_ =	shalt  }
0x41: {  	_ =	shalt  }
0x42: {  	_ =	shalt  }
0x43: {  	_ =	shalt  }
0x44: {  	_ =	shalt  }
0x45: {  	_ =	shalt  }
0x46: {  	_ =	shalt  }
0x47: {  	_ =	shalt  }
0x48: {  	_ =	shalt  }
0x49: {  	_ =	shalt  }
0x4a: {  	_ =	shalt  }
0x4b: {  	_ =	shalt  }
0x4c: {  	_ =	shalt  }
0x4d: {  	_ =	shalt  }
0x4e: {  	_ =	shalt  }
0x4f: {  	_ =	shalt  }
0x50: {  	_ =	shalt  }
0x51: {  	_ =	shalt  }
0x52: {  	_ =	shalt  }
0x53: {  	_ =	shalt  }
0x54: {  	_ =	shalt  }
0x55: {  	_ =	shalt  }
0x56: {  	_ =	shalt  }
0x57: {  	_ =	shalt  }
0x58: {  	_ =	shalt  }
0x59: {  	_ =	shalt  }
0x5a: {  	_ =	shalt  }
0x5b: {  	_ =	shalt  }
0x5c: {  	_ =	shalt  }
0x5d: {  	_ =	shalt  }
0x5e: {  	_ =	shalt  }
0x5f: {  	_ =	shalt  }
0x60: {  	_ =	shalt  }
0x61: {  	_ =	shalt  }
0x62: {  	_ =	shalt  }
0x63: {  	_ =	shalt  }
0x64: {  	_ =	shalt  }
0x65: {  	_ =	shalt  }
0x66: {  	_ =	shalt  }
0x67: {  	_ =	shalt  }
0x68: {  	_ =	shalt  }
0x69: {  	_ =	shalt  }
0x6a: {  	_ =	shalt  }
0x6b: {  	_ =	shalt  }
0x6c: {  	_ =	shalt  }
0x6d: {  	_ =	shalt  }
0x6e: {  	_ =	shalt  }
0x6f: {  	_ =	shalt  }
0x70: {  	_ =	shalt  }
0x71: {  	_ =	shalt  }
0x72: {  	_ =	shalt  }
0x73: {  	_ =	shalt  }
0x74: {  	_ =	shalt  }
0x75: {  	_ =	shalt  }
0x76: {  	_ =	shalt  }
0x77: {  	_ =	shalt  }
0x78: {  	_ =	shalt  }
0x79: {  	_ =	shalt  }
0x7a: {  	_ =	shalt  }
0x7b: {  	_ =	shalt  }
0x7c: {  	_ =	shalt  }
0x7d: {  	_ =	shalt  }
0x7e: {  	_ =	shalt  }
0x7f: {  	_ =	shalt  }
0x80: {  	_ =	shalt  }
0x81: {  	_ =	shalt  }
0x82: {  	_ =	shalt  }
0x83: {  	_ =	shalt  }
0x84: {  	_ =	shalt  }
0x85: {  	_ =	shalt  }
0x86: {  	_ =	shalt  }
0x87: {  	_ =	shalt  }
.Lfunc_end0:
.L_simem_size_0:
called_computation_lowered:
.L_overlay_start_0:
0x88: {  	s2 =	sld [smem:$0x3FD9]  }
0x89: {  	s3 =	sld [smem:$0x3FFE];
	_ =	sdelay $0x1  }
0x8a: {  	s1 =	srdreg.scid  }
0x8b: {  	s0 =	sand.u32 $0x1, s1  }
0x8c: {  	s17 =	sshll.u32 s0, $0xA;
	s2 =	sadd.s32 s3, s2  }
0x8d: {  	s2 =	sadd.s32 s2, s17  }
0x8e: {  	[smem:$0x3FC4] =	sst s2  }
0x8f: {  	_ = 	snop  }
0x90: {  	s2 =	sld [smem:$0x3FC9]  }
0x91: {  	s18 =	sld [smem:$0x3FD0];
	(tm) =	ssettm $0x1  }
0x92: {  	s4 =	sld [smem:$0x3FFB];
	_ =	sdelay $0x3  }
0x93: {  	_ =	strace s4  }
0x94: {  	s4 =	sld [smem:$0x3FFC];
	_ =	sdelay $0x3  }
0x95: {  	_ =	strace s4  }
0x96: {  	s4 =	sld [smem:$0x3FFD];
	_ =	sdelay $0x3  }
0x97: {  	_ =	strace s4  }
0x98: {  	_ =	strace $0x8FFFFFFF  }
0x99: {  	s19 =	sld [smem:$0x3FDB];
	_ =	sdelay $0x1  }
0x9a: {  	s5 =	simm.s32 $_scs_section_size  }
0x9b: {  	s6 =	simm.s32 $_size__tile_overlayer_lowered;
	s7 =	simm.s32 $_tile_overlayer_lowered  }
0x9c: {  	s22 =	simm.s32 $0x1BFF;
	s21 =	sshll.u32 s7, $0x1;
	s4 =	sadd.s32 s5, s19  }
0x9d: {  	s8 =	simm.s32 $0x0;
	s20 =	sshll.u32 s6, $0x1;
	s6 =	sadd.s32 s21, s4  }
0x9e: {  	[timem:s8], [sflag:s22] =	dma.local [hbm:s6], s20  }
0x9f: {  	_ =	swait.ge [sflag:s22], s20  }
0xa0: {  	s5 =	ssub.s32 $0x0, s20;
	[sflag:s22] =	ssyncset.done $0x0  }
0xa1: {  	[sflag:s22] =	ssyncadd.s32 s5;
	_ =	sdelay $0x1  }
0xa2: {  	s23 =	simm.s32 $0x1B8B  }
0xa3: {  	_ =	swait.ge [sflag:s23], $0x1  }
0xa4: {  	[sflag:s23] =	ssyncset.done $0x0  }
0xa5: {  	s25 =	simm.s32 $0x1B8E;
	s24 =	sld [smem:$0x3FFE];
	[sflag:s23] =	ssyncadd.s32 $0xFFFFFFFF  }
0xa6: {  	s26 =	simm.s32 $execute0_lowered;
	[smem:$0x3FD2] =	sst s25  }
0xa7: {  	s6 =	sshll.u32 s26, $0x1;
	_ =	strace $0x80000046;
	[dreg:$0x1] =	wrdreg $0xFFFFFFFF  }
0xa8: {  	s28 =	simm.s32 $_size_execute0_lowered;
	s4 =	sadd.s32 s4, s6;
	[dreg:$0x0] =	wrdreg $0x0  }
0xa9: {  	s6 =	sshll.u32 s28, $0x1;
	[dreg:$0x2] =	wrdreg s4  }
0xaa: {  	[dreg:$0x3] =	wrdreg s6  }
0xab: {  	[dreg:$0x4] =	wrdreg $0xC0  }
0xac: {  	_ =	task [dreg:s8], $0x5FFFF  }
0xad: {  	[dreg:$0x1] =	wrdreg $0xFFFFFFFF  }
0xae: {  	[dreg:$0x0] =	wrdreg $0x60  }
0xaf: {  	[dreg:$0x2] =	wrdreg s2  }
0xb0: {  	[dreg:$0x3] =	wrdreg s18  }
0xb1: {  	[dreg:$0x4] =	wrdreg s24  }
0xb2: {  	[dreg:$0x5] =	wrdreg $0x0  }
0xb3: {  	[dreg:$0x6] =	wrdreg $0x9  }
0xb4: {  	_ =	task.clear_ibuf [dreg:s8], $0x7FFFF;
	_ =	strace $0x90000046  }
0xb5: {  	s29 =	simm.s32 $0x9;
	_ =	strace $0x80000048  }
0xb6: {  	_ =	swait.ge [sflag:s29], $0x1  }
0xb7: {  	[sflag:s29] =	ssyncadd.s32 $0xFFFFFFFF  }
0xb8: {  	_ =	strace $0x90000048  }
0xb9: {  	_ =	sfence  }
0xba: {  	s30 =	sld [smem:$0x0];
	_ =	sdelay $0x2  }
0xbb: {  	s31 =	sshll.u32 s1, $0xD;
	s1 =	sshrl.u32 s1, $0x2  }
0xbc: {  	s3 =	sand.u32 $0x4000, s31;
	s1 =	sadd.s32 s1, s30  }
0xbd: {  	s0 =	sor.u32 s3, s0;
	s1 =	sshll.u32 s1, $0x11  }
0xbe: {  	s0 =	sor.u32 s1, s0  }
0xbf: {  	s0 =	sadd.s32 $0x8F2B, s0  }
0xc0: {  	[sflag:s0] =	ssyncadd.remote.s32 $0x1  }
0xc1: {  	_ =	sfence.sel $0xFFFF  }
0xc2: {  	[dreg:$0x0] =	wrdreg $0xFFFFFFFF;
	(pc) =	sbr.abs _section_cstart, $3  }
0xc3: {  	[dreg:$0x1] =	wrdreg $0xFFFFFFFF  }
0xc4: {  	_ =	task.clear_ibuf [dreg:s8], $0x2FFFF;
	_ =	strace $0x9FFFFFFF  }
0xc5: {  	(tm) =	ssettm $0x7FFFFFFF  }
tec
execute0_lowered:
.L_overlay_start_1:
0x0: {  	(tag) =	ssettag $0x1  }
0x1: {  	s0 =	rddreg [dreg:$0x0]  }
0x2: {  	s6 =	rddreg [dreg:$0x1]  }
0x3: {  	s10 =	srdreg.scid;
	s4 =	stileid.u32  }
0x4: {  	s5 =	rddreg [dreg:$0x2];
	s3 =	sand.u32 $0x1, s10;
	s11 =	sshll.u32 s4, $0x1  }
0x5: {  	s1 =	rddreg [dreg:$0x3];
	s7 =	sor.u32 s3, s11  }
0x6: {  	[dreg:$0x5] =	wrdreg s0;
	s8 =	smul.u32 $0x4E2, s7  }
0x7: {  	s2 =	simm.s32 $0x0;
	s0 =	rddreg [dreg:$0x4];
	s7 =	sshll.u32 s7, $0x7  }
0x8: {  	[smem:$0x7FF] =	sst s2;
	s5 =	sadd.s32 s7, s5;
	s6 =	sadd.s32 s6, s8  }
0x9: {  	_ =	strace $0x80000047;
	s12 =	sadd.s32 $0x800, s5;
	[dreg:$0x6] =	wrdreg s6  }
0xa: {  	s13 =	sadd.s32 $0xA800, s5;
	[dreg:$0x7] =	wrdreg s12  }
0xb: {  	s14 =	sadd.s32 $0x14800, s5;
	[dreg:$0x8] =	wrdreg s13  }
0xc: {  	s15 =	sadd.s32 $0x1E800, s5;
	[dreg:$0x9] =	wrdreg s14  }
0xd: {  	s16 =	sadd.s32 $0x28800, s5;
	[dreg:$0xa] =	wrdreg s15  }
0xe: {  	s17 =	sadd.s32 $0x32800, s5;
	[dreg:$0xb] =	wrdreg s16  }
0xf: {  	s18 =	sadd.s32 $0x3C800, s5;
	[dreg:$0xc] =	wrdreg s17  }
0x10: {  	s19 =	sadd.s32 $0x46800, s5;
	[dreg:$0xd] =	wrdreg s18  }
0x11: {  	s20 =	sadd.s32 $0x50800, s5;
	[dreg:$0xe] =	wrdreg s19  }
0x12: {  	s21 =	sadd.s32 $0x5A800, s5;
	[dreg:$0xf] =	wrdreg s20  }
0x13: {  	s22 =	sadd.s32 $0x64800, s5;
	[dreg:$0x10] =	wrdreg s21  }
0x14: {  	s23 =	sadd.s32 $0x6E800, s5;
	[dreg:$0x11] =	wrdreg s22  }
0x15: {  	s24 =	sadd.s32 $0x78800, s5;
	[dreg:$0x12] =	wrdreg s23  }
0x16: {  	s25 =	sadd.s32 $0x82800, s5;
	[dreg:$0x13] =	wrdreg s24  }
0x17: {  	s26 =	sadd.s32 $0x8C800, s5;
	[dreg:$0x14] =	wrdreg s25  }
0x18: {  	s29 =	sadd.s32 $0x96800, s5;
	[dreg:$0x15] =	wrdreg s26  }
0x19: {  	s30 =	sadd.s32 $0xA0800, s5;
	[dreg:$0x16] =	wrdreg s29  }
0x1a: {  	s31 =	sadd.s32 $0xAA800, s5;
	[dreg:$0x17] =	wrdreg s30  }
0x1b: {  	s7 =	sadd.s32 $0xB4800, s5;
	[dreg:$0x18] =	wrdreg s31  }
0x1c: {  	s8 =	sadd.s32 $0xBE800, s5;
	[dreg:$0x19] =	wrdreg s7  }
0x1d: {  	s9 =	sadd.s32 $0xC8800, s5;
	[dreg:$0x1a] =	wrdreg s8  }
0x1e: {  	s10 =	sadd.s32 $0xD2800, s5;
	[dreg:$0x1b] =	wrdreg s9  }
0x1f: {  	s11 =	sadd.s32 $0xDC800, s5;
	[dreg:$0x1c] =	wrdreg s10  }
0x20: {  	[dreg:$0x1d] =	wrdreg s11;
	s12 =	sadd.s32 $0xE6800, s5  }
0x21: {  	s13 =	sadd.s32 $0xF0800, s5;
	[dreg:$0x1e] =	wrdreg s12  }
0x22: {  	s14 =	sadd.s32 $0xFA800, s5;
	[dreg:$0x1f] =	wrdreg s13  }
0x23: {  	s15 =	sadd.s32 $0x104800, s5;
	[smem:$0x72B] =	sst s14  }
0x24: {  	s16 =	sadd.s32 $0x10E800, s5;
	[smem:$0x72C] =	sst s15  }
0x25: {  	s17 =	sadd.s32 $0x118800, s5;
	[smem:$0x72D] =	sst s16  }
0x26: {  	s18 =	sadd.s32 $0x122800, s5;
	[smem:$0x72E] =	sst s17  }
0x27: {  	s19 =	sadd.s32 $0x12C800, s5;
	[smem:$0x72F] =	sst s18  }
0x28: {  	s20 =	sadd.s32 $0x136800, s5;
	[smem:$0x730] =	sst s19  }
0x29: {  	s21 =	sadd.s32 $0x140800, s5;
	[smem:$0x731] =	sst s20  }
0x2a: {  	s22 =	sadd.s32 $0x14A800, s5;
	[smem:$0x732] =	sst s21  }
0x2b: {  	s23 =	sadd.s32 $0x154800, s5;
	[smem:$0x733] =	sst s22  }
0x2c: {  	s24 =	sadd.s32 $0x15E800, s5;
	[smem:$0x734] =	sst s23  }
0x2d: {  	s25 =	sadd.s32 $0x168800, s5;
	[smem:$0x735] =	sst s24  }
0x2e: {  	s26 =	sadd.s32 $0x172800, s5;
	[smem:$0x736] =	sst s25  }
0x2f: {  	s29 =	sadd.s32 $0x17C800, s5;
	[smem:$0x737] =	sst s26  }
0x30: {  	s30 =	sadd.s32 $0x186800, s5;
	[smem:$0x738] =	sst s29  }
0x31: {  	s31 =	sadd.s32 $0x190800, s5;
	[smem:$0x739] =	sst s30  }
0x32: {  	s7 =	sadd.s32 $0x19A800, s5;
	[smem:$0x73A] =	sst s31  }
0x33: {  	s8 =	sadd.s32 $0x1A4800, s5;
	[smem:$0x73B] =	sst s7  }
0x34: {  	s9 =	sadd.s32 $0x1AE800, s5;
	[smem:$0x73C] =	sst s8  }
0x35: {  	s10 =	sadd.s32 $0x1B8800, s5;
	[smem:$0x73D] =	sst s9  }
0x36: {  	s11 =	sadd.s32 $0x1C2800, s5;
	[smem:$0x73E] =	sst s10  }
0x37: {  	s6 =	simm.s32 $0x13BA0;
	[smem:$0x73F] =	sst s11  }
0x38: {  	s12 =	sadd.s32 $0x1CC800, s5;
	[smem:$0x798] =	sst s6  }
0x39: {  	s13 =	sadd.s32 $0x1D6800, s5;
	[smem:$0x740] =	sst s12  }
0x3a: {  	s14 =	sadd.s32 $0x1E0800, s5;
	[smem:$0x741] =	sst s13  }
0x3b: {  	s15 =	sadd.s32 $0x1EA800, s5;
	[smem:$0x742] =	sst s14  }
0x3c: {  	s16 =	sadd.s32 $0x1F4800, s5;
	[smem:$0x743] =	sst s15  }
0x3d: {  	s17 =	sadd.s32 $0x1FE800, s5;
	[smem:$0x744] =	sst s16  }
0x3e: {  	s18 =	sadd.s32 $0x208800, s5;
	[smem:$0x745] =	sst s17  }
0x3f: {  	s19 =	sadd.s32 $0x212800, s5;
	[smem:$0x746] =	sst s18  }
0x40: {  	s20 =	sadd.s32 $0x21C800, s5;
	[smem:$0x747] =	sst s19  }
0x41: {  	s21 =	sadd.s32 $0x226800, s5;
	[smem:$0x748] =	sst s20  }
0x42: {  	s22 =	sadd.s32 $0x230800, s5;
	[smem:$0x749] =	sst s21  }
0x43: {  	s23 =	sadd.s32 $0x23A800, s5;
	[smem:$0x74A] =	sst s22  }
0x44: {  	s24 =	sadd.s32 $0x244800, s5;
	[smem:$0x74B] =	sst s23  }
0x45: {  	s25 =	sadd.s32 $0x24E800, s5;
	[smem:$0x74C] =	sst s24  }
0x46: {  	s26 =	sadd.s32 $0x258800, s5;
	[smem:$0x74D] =	sst s25  }
0x47: {  	s29 =	sadd.s32 $0x262800, s5;
	[smem:$0x74E] =	sst s26  }
0x48: {  	s30 =	sadd.s32 $0x26C800, s5;
	[smem:$0x74F] =	sst s29  }
0x49: {  	s31 =	sadd.s32 $0x276800, s5;
	[smem:$0x750] =	sst s30  }
0x4a: {  	s7 =	sadd.s32 $0x280800, s5;
	[smem:$0x751] =	sst s31  }
0x4b: {  	s8 =	sadd.s32 $0x28A800, s5;
	[smem:$0x752] =	sst s7  }
0x4c: {  	s9 =	sadd.s32 $0x294800, s5;
	[smem:$0x753] =	sst s8  }
0x4d: {  	s10 =	sadd.s32 $0x29E800, s5;
	[smem:$0x754] =	sst s9  }
0x4e: {  	s11 =	sadd.s32 $0x2A8800, s5;
	[smem:$0x755] =	sst s10  }
0x4f: {  	s6 =	simm.s32 $0x14320;
	[smem:$0x756] =	sst s11  }
0x50: {  	s12 =	sadd.s32 $0x2B2800, s5;
	[smem:$0x7B0] =	sst s6  }
0x51: {  	s13 =	sadd.s32 $0x2BC800, s5;
	[smem:$0x757] =	sst s12  }
0x52: {  	s14 =	sadd.s32 $0x2C6800, s5;
	[smem:$0x758] =	sst s13  }
0x53: {  	s15 =	sadd.s32 $0x2D0800, s5;
	[smem:$0x759] =	sst s14  }
0x54: {  	s16 =	sadd.s32 $0x2DA800, s5;
	[smem:$0x75A] =	sst s15  }
0x55: {  	s17 =	sadd.s32 $0x2E4800, s5;
	[smem:$0x75B] =	sst s16  }
0x56: {  	s18 =	sadd.s32 $0x2EE800, s5;
	[smem:$0x75C] =	sst s17  }
0x57: {  	s19 =	sadd.s32 $0x2F8800, s5;
	[smem:$0x75D] =	sst s18  }
0x58: {  	s20 =	sadd.s32 $0x302800, s5;
	[smem:$0x75E] =	sst s19  }
0x59: {  	s21 =	sadd.s32 $0x30C800, s5;
	[smem:$0x75F] =	sst s20  }
0x5a: {  	s22 =	sadd.s32 $0x316800, s5;
	[smem:$0x760] =	sst s21  }
0x5b: {  	s23 =	sadd.s32 $0x320800, s5;
	[smem:$0x761] =	sst s22  }
0x5c: {  	s24 =	sadd.s32 $0x32A800, s5;
	[smem:$0x762] =	sst s23  }
0x5d: {  	s25 =	sadd.s32 $0x334800, s5;
	[smem:$0x763] =	sst s24  }
0x5e: {  	s26 =	sadd.s32 $0x33E800, s5;
	[smem:$0x764] =	sst s25  }
0x5f: {  	s29 =	sadd.s32 $0x348800, s5;
	[smem:$0x765] =	sst s26  }
0x60: {  	s30 =	sadd.s32 $0x352800, s5;
	[smem:$0x766] =	sst s29  }
0x61: {  	s31 =	sadd.s32 $0x35C800, s5;
	[smem:$0x767] =	sst s30  }
0x62: {  	s7 =	sadd.s32 $0x366800, s5;
	[smem:$0x768] =	sst s31  }
0x63: {  	s8 =	sadd.s32 $0x370800, s5;
	[smem:$0x769] =	sst s7  }
0x64: {  	s9 =	sadd.s32 $0x37A800, s5;
	[smem:$0x76A] =	sst s8  }
0x65: {  	s10 =	sadd.s32 $0x384800, s5;
	[smem:$0x76B] =	sst s9  }
0x66: {  	s11 =	sadd.s32 $0x38E800, s5;
	[smem:$0x76C] =	sst s10  }
0x67: {  	s6 =	simm.s32 $0x14AA0;
	[smem:$0x76D] =	sst s11  }
0x68: {  	s12 =	sadd.s32 $0x398800, s5;
	[smem:$0x7C8] =	sst s6  }
0x69: {  	s13 =	sadd.s32 $0x3A2800, s5;
	[smem:$0x76E] =	sst s12  }
0x6a: {  	s14 =	sadd.s32 $0x3AC800, s5;
	[smem:$0x76F] =	sst s13  }
0x6b: {  	s15 =	sadd.s32 $0x3B6800, s5;
	[smem:$0x770] =	sst s14  }
0x6c: {  	s16 =	sadd.s32 $0x3C0800, s5;
	[smem:$0x771] =	sst s15  }
0x6d: {  	s17 =	sadd.s32 $0x3CA800, s5;
	[smem:$0x772] =	sst s16  }
0x6e: {  	s18 =	sadd.s32 $0x3D4800, s5;
	[smem:$0x773] =	sst s17  }
0x6f: {  	s19 =	sadd.s32 $0x3DE800, s5;
	[smem:$0x774] =	sst s18  }
0x70: {  	s20 =	sadd.s32 $0x3E8800, s5;
	[smem:$0x775] =	sst s19  }
0x71: {  	s21 =	sadd.s32 $0x3F2800, s5;
	[smem:$0x776] =	sst s20  }
0x72: {  	s22 =	sadd.s32 $0x3FC800, s5;
	[smem:$0x777] =	sst s21  }
0x73: {  	s23 =	sadd.s32 $0x406800, s5;
	[smem:$0x778] =	sst s22  }
0x74: {  	s24 =	sadd.s32 $0x410800, s5;
	[smem:$0x779] =	sst s23  }
0x75: {  	s25 =	sadd.s32 $0x41A800, s5;
	[smem:$0x77A] =	sst s24  }
0x76: {  	s26 =	sadd.s32 $0x424800, s5;
	[smem:$0x77B] =	sst s25  }
0x77: {  	s29 =	sadd.s32 $0x42E800, s5;
	[smem:$0x77C] =	sst s26  }
0x78: {  	s30 =	sadd.s32 $0x438800, s5;
	[smem:$0x77D] =	sst s29  }
0x79: {  	s31 =	sadd.s32 $0x442800, s5;
	[smem:$0x77E] =	sst s30  }
0x7a: {  	s7 =	sadd.s32 $0x44C800, s5;
	[smem:$0x77F] =	sst s31  }
0x7b: {  	s8 =	sadd.s32 $0x456800, s5;
	[smem:$0x780] =	sst s7  }
0x7c: {  	s9 =	sadd.s32 $0x460800, s5;
	[smem:$0x781] =	sst s8  }
0x7d: {  	s10 =	sadd.s32 $0x46A800, s5;
	[smem:$0x782] =	sst s9  }
0x7e: {  	s11 =	sadd.s32 $0x474800, s5;
	[smem:$0x783] =	sst s10  }
0x7f: {  	s6 =	simm.s32 $0x15220;
	[smem:$0x784] =	sst s11  }
0x80: {  	s12 =	sadd.s32 $0x47E800, s5;
	[smem:$0x7E0] =	sst s6  }
0x81: {  	s13 =	sadd.s32 $0x488800, s5;
	[smem:$0x785] =	sst s12  }
0x82: {  	s14 =	sadd.s32 $0x492800, s5;
	[smem:$0x786] =	sst s13  }
0x83: {  	s15 =	sadd.s32 $0x49C800, s5;
	[smem:$0x787] =	sst s14  }
0x84: {  	s16 =	sadd.s32 $0x4A6800, s5;
	[smem:$0x788] =	sst s15  }
0x85: {  	s17 =	sadd.s32 $0x4B0800, s5;
	[smem:$0x789] =	sst s16  }
0x86: {  	s18 =	sadd.s32 $0x4BA800, s5;
	[smem:$0x78A] =	sst s17  }
0x87: {  	s19 =	sadd.s32 $0x4C4800, s5;
	[smem:$0x78B] =	sst s18  }
0x88: {  	s20 =	sadd.s32 $0x4CE800, s5;
	[smem:$0x78C] =	sst s19  }
0x89: {  	s5 =	sadd.s32 $0x4D8800, s5;
	[smem:$0x78D] =	sst s20  }
0x8a: {  	s21 =	simm.s32 $0x138D0;
	[smem:$0x78E] =	sst s5  }
0x8b: {  	s22 =	simm.s32 $0x13920;
	[smem:$0x78F] =	sst s21  }
0x8c: {  	s23 =	simm.s32 $0x13970;
	[smem:$0x790] =	sst s22  }
0x8d: {  	s24 =	simm.s32 $0x139C0;
	[smem:$0x791] =	sst s23  }
0x8e: {  	s25 =	simm.s32 $0x13A10;
	[smem:$0x792] =	sst s24  }
0x8f: {  	s26 =	simm.s32 $0x13A60;
	[smem:$0x793] =	sst s25  }
0x90: {  	s29 =	simm.s32 $0x13AB0;
	[smem:$0x794] =	sst s26  }
0x91: {  	s30 =	simm.s32 $0x13B00;
	[smem:$0x795] =	sst s29  }
0x92: {  	s31 =	simm.s32 $0x13B50;
	[smem:$0x796] =	sst s30  }
0x93: {  	s7 =	simm.s32 $0x13BF0;
	[smem:$0x797] =	sst s31  }
0x94: {  	s8 =	simm.s32 $0x13C40;
	[smem:$0x799] =	sst s7  }
0x95: {  	s9 =	simm.s32 $0x13C90;
	[smem:$0x79A] =	sst s8  }
0x96: {  	s10 =	simm.s32 $0x13CE0;
	[smem:$0x79B] =	sst s9  }
0x97: {  	s11 =	simm.s32 $0x13D30;
	[smem:$0x79C] =	sst s10  }
0x98: {  	[smem:$0x79D] =	sst s11;
	s12 =	simm.s32 $0x13D80  }
0x99: {  	s13 =	simm.s32 $0x13DD0;
	[smem:$0x79E] =	sst s12  }
0x9a: {  	s14 =	simm.s32 $0x13E20;
	[smem:$0x79F] =	sst s13  }
0x9b: {  	s15 =	simm.s32 $0x13E70;
	[smem:$0x7A0] =	sst s14  }
0x9c: {  	s16 =	simm.s32 $0x13EC0;
	[smem:$0x7A1] =	sst s15  }
0x9d: {  	s17 =	simm.s32 $0x13F10;
	[smem:$0x7A2] =	sst s16  }
0x9e: {  	s18 =	simm.s32 $0x13F60;
	[smem:$0x7A3] =	sst s17  }
0x9f: {  	s19 =	simm.s32 $0x13FB0;
	[smem:$0x7A4] =	sst s18  }
0xa0: {  	s20 =	simm.s32 $0x14000;
	[smem:$0x7A5] =	sst s19  }
0xa1: {  	s21 =	simm.s32 $0x14050;
	[smem:$0x7A6] =	sst s20  }
0xa2: {  	s22 =	simm.s32 $0x140A0;
	[smem:$0x7A7] =	sst s21  }
0xa3: {  	s23 =	simm.s32 $0x140F0;
	[smem:$0x7A8] =	sst s22  }
0xa4: {  	s24 =	simm.s32 $0x14140;
	[smem:$0x7A9] =	sst s23  }
0xa5: {  	s25 =	simm.s32 $0x14190;
	[smem:$0x7AA] =	sst s24  }
0xa6: {  	s26 =	simm.s32 $0x141E0;
	[smem:$0x7AB] =	sst s25  }
0xa7: {  	s29 =	simm.s32 $0x14230;
	[smem:$0x7AC] =	sst s26  }
0xa8: {  	s30 =	simm.s32 $0x14280;
	[smem:$0x7AD] =	sst s29  }
0xa9: {  	s31 =	simm.s32 $0x142D0;
	[smem:$0x7AE] =	sst s30  }
0xaa: {  	s7 =	simm.s32 $0x14370;
	[smem:$0x7AF] =	sst s31  }
0xab: {  	s8 =	simm.s32 $0x143C0;
	[smem:$0x7B1] =	sst s7  }
0xac: {  	s9 =	simm.s32 $0x14410;
	[smem:$0x7B2] =	sst s8  }
0xad: {  	s10 =	simm.s32 $0x14460;
	[smem:$0x7B3] =	sst s9  }
0xae: {  	s11 =	simm.s32 $0x144B0;
	[smem:$0x7B4] =	sst s10  }
0xaf: {  	[smem:$0x7B5] =	sst s11;
	s12 =	simm.s32 $0x14500  }
0xb0: {  	s13 =	simm.s32 $0x14550;
	[smem:$0x7B6] =	sst s12  }
0xb1: {  	s14 =	simm.s32 $0x145A0;
	[smem:$0x7B7] =	sst s13  }
0xb2: {  	s15 =	simm.s32 $0x145F0;
	[smem:$0x7B8] =	sst s14  }
0xb3: {  	s16 =	simm.s32 $0x14640;
	[smem:$0x7B9] =	sst s15  }
0xb4: {  	s17 =	simm.s32 $0x14690;
	[smem:$0x7BA] =	sst s16  }
0xb5: {  	s18 =	simm.s32 $0x146E0;
	[smem:$0x7BB] =	sst s17  }
0xb6: {  	s19 =	simm.s32 $0x14730;
	[smem:$0x7BC] =	sst s18  }
0xb7: {  	s20 =	simm.s32 $0x14780;
	[smem:$0x7BD] =	sst s19  }
0xb8: {  	s21 =	simm.s32 $0x147D0;
	[smem:$0x7BE] =	sst s20  }
0xb9: {  	s22 =	simm.s32 $0x14820;
	[smem:$0x7BF] =	sst s21  }
0xba: {  	s23 =	simm.s32 $0x14870;
	[smem:$0x7C0] =	sst s22  }
0xbb: {  	s24 =	simm.s32 $0x148C0;
	[smem:$0x7C1] =	sst s23  }
0xbc: {  	s25 =	simm.s32 $0x14910;
	[smem:$0x7C2] =	sst s24  }
0xbd: {  	s26 =	simm.s32 $0x14960;
	[smem:$0x7C3] =	sst s25  }
0xbe: {  	s29 =	simm.s32 $0x149B0;
	[smem:$0x7C4] =	sst s26  }
0xbf: {  	s30 =	simm.s32 $0x14A00;
	[smem:$0x7C5] =	sst s29  }
0xc0: {  	s31 =	simm.s32 $0x14A50;
	[smem:$0x7C6] =	sst s30  }
0xc1: {  	s7 =	simm.s32 $0x14AF0;
	[smem:$0x7C7] =	sst s31  }
0xc2: {  	s8 =	simm.s32 $0x14B40;
	[smem:$0x7C9] =	sst s7  }
0xc3: {  	s9 =	simm.s32 $0x14B90;
	[smem:$0x7CA] =	sst s8  }
0xc4: {  	s10 =	simm.s32 $0x14BE0;
	[smem:$0x7CB] =	sst s9  }
0xc5: {  	s11 =	simm.s32 $0x14C30;
	[smem:$0x7CC] =	sst s10  }
0xc6: {  	[smem:$0x7CD] =	sst s11;
	s12 =	simm.s32 $0x14C80  }
0xc7: {  	s13 =	simm.s32 $0x14CD0;
	[smem:$0x7CE] =	sst s12  }
0xc8: {  	s14 =	simm.s32 $0x14D20;
	[smem:$0x7CF] =	sst s13  }
0xc9: {  	s15 =	simm.s32 $0x14D70;
	[smem:$0x7D0] =	sst s14  }
0xca: {  	s16 =	simm.s32 $0x14DC0;
	[smem:$0x7D1] =	sst s15  }
0xcb: {  	s17 =	simm.s32 $0x14E10;
	[smem:$0x7D2] =	sst s16  }
0xcc: {  	s18 =	simm.s32 $0x14E60;
	[smem:$0x7D3] =	sst s17  }
0xcd: {  	s19 =	simm.s32 $0x14EB0;
	[smem:$0x7D4] =	sst s18  }
0xce: {  	s20 =	simm.s32 $0x14F00;
	[smem:$0x7D5] =	sst s19  }
0xcf: {  	s21 =	simm.s32 $0x14F50;
	[smem:$0x7D6] =	sst s20  }
0xd0: {  	s22 =	simm.s32 $0x14FA0;
	[smem:$0x7D7] =	sst s21  }
0xd1: {  	s23 =	simm.s32 $0x14FF0;
	[smem:$0x7D8] =	sst s22  }
0xd2: {  	s24 =	simm.s32 $0x15040;
	[smem:$0x7D9] =	sst s23  }
0xd3: {  	s25 =	simm.s32 $0x15090;
	[smem:$0x7DA] =	sst s24  }
0xd4: {  	s26 =	simm.s32 $0x150E0;
	[smem:$0x7DB] =	sst s25  }
0xd5: {  	s29 =	simm.s32 $0x15130;
	[smem:$0x7DC] =	sst s26  }
0xd6: {  	s30 =	simm.s32 $0x15180;
	[smem:$0x7DD] =	sst s29  }
0xd7: {  	s31 =	simm.s32 $0x151D0;
	[smem:$0x7DE] =	sst s30  }
0xd8: {  	s7 =	simm.s32 $0x15270;
	[smem:$0x7DF] =	sst s31  }
0xd9: {  	s8 =	simm.s32 $0x152C0;
	[smem:$0x7E1] =	sst s7  }
0xda: {  	s9 =	simm.s32 $0x15310;
	[smem:$0x7E2] =	sst s8  }
0xdb: {  	s10 =	simm.s32 $0x15360;
	[smem:$0x7E3] =	sst s9  }
0xdc: {  	s11 =	simm.s32 $0x153B0;
	[smem:$0x7E4] =	sst s10  }
0xdd: {  	[smem:$0x7E5] =	sst s11;
	s12 =	simm.s32 $0x15400  }
0xde: {  	s13 =	simm.s32 $0x15450;
	[smem:$0x7E6] =	sst s12  }
0xdf: {  	s14 =	simm.s32 $0x154A0;
	[smem:$0x7E7] =	sst s13  }
0xe0: {  	s15 =	simm.s32 $0x154F0;
	[smem:$0x7E8] =	sst s14  }
0xe1: {  	s16 =	simm.s32 $0x15540;
	[smem:$0x7E9] =	sst s15  }
0xe2: {  	s17 =	simm.s32 $0x15590;
	[smem:$0x7EA] =	sst s16  }
0xe3: {  	s18 =	simm.s32 $0x155E0;
	[smem:$0x7EB] =	sst s17  }
0xe4: {  	s19 =	simm.s32 $0x15630;
	[smem:$0x7EC] =	sst s18  }
0xe5: {  	s20 =	simm.s32 $0x15680;
	[smem:$0x7ED] =	sst s19  }
0xe6: {  	s28 =	simm.s32 $0x15F40;
	s21 =	simm.s32 $0x156D0;
	[smem:$0x7EE] =	sst s20  }
0xe7: {  	p0 =	sne.s32 s4, $0x0;
	s23 =	simm.s32 $0x15720;
	[smem:$0x7EF] =	sst s21  }
0xe8: {  	s4 =	simm.s32 $0x13880;
	s24 =	simm.s32 $0x15770;
	[smem:$0x7F0] =	sst s23  }
0xe9: {  	s3 =	ssub.s32 $0x2, s3;
	s25 =	simm.s32 $0x157C0;
	[smem:$0x7F1] =	sst s24  }
0xea: {  	s6 =	simm.s32 $0x50;
	s26 =	simm.s32 $0x15810;
	[smem:$0x7F2] =	sst s25  }
0xeb: {  	s5 =	simm.s32 $0x5;
	s29 =	simm.s32 $0x15860;
	[smem:$0x7F3] =	sst s26  }
0xec: {  	s22 =	sshrl.u32 s3, $0x1;
	s30 =	simm.s32 $0x158B0;
	[smem:$0x7F4] =	sst s29  }
0xed: {  	s31 =	simm.s32 $0x15900;
	s7 =	simm.s32 $0x16000;
	[smem:$0x7F5] =	sst s30  }
0xee: {  	s9 =	simm.s32 $0x15950;
	s8 =	simm.s32 $0x18800;
	[smem:$0x7F6] =	sst s31  }
0xef: {  	s10 =	simm.s32 $0x159A0;
	s11 =	simm.s32 $0x159F0;
	[smem:$0x7F7] =	sst s9  }
0xf0: {  	s3 =	ssub.s32 s3, s22;
	s9 =	simm.s32 $0x1;
	[smem:$0x7F8] =	sst s10  }
0xf1: {  	s10 =	simm.s32 $0x400;
	[smem:$0x7F9] =	sst s11;
	s12 =	simm.s32 $0x15A40  }
0xf2: {  	s11 =	simm.s32 $0x8000;
	s13 =	simm.s32 $0x15A90;
	s14 =	simm.s32 $0x15AE0  }
0xf3: {  	s15 =	simm.s32 $0x15B30;
	s16 =	simm.s32 $0x15BD0;
	s17 =	simm.s32 $0x15C20  }
0xf4: {  	s18 =	simm.s32 $0x15C70;
	s19 =	simm.s32 $0x15CC0;
	s20 =	simm.s32 $0x15D10  }
0xf5: {  	s21 =	simm.s32 $0x15D60;
	s22 =	simm.s32 $0x15DB0;
	s23 =	simm.s32 $0x15E00  }
0xf6: {  	s24 =	simm.s32 $0x15E50;
	s25 =	simm.s32 $0x15EA0;
	[smem:$0x7FA] =	sst s12  }
0xf7: {  	s26 =	simm.s32 $0x15EF0;
	s3 =	smax.u32 s3, $0x1;
	[smem:$0x7FB] =	sst s13  }
0xf8: {  	s12 =	simm.s32 $0x3;
	s13 =	simm.s32 $0x2;
	[smem:$0x7FC] =	sst s14  }
0xf9: {  	s14 =	simm.s32 $0x4;
	[smem:$0x7FD] =	sst s15;
	s15 =	simm.s32 $0x15B80  }
.LBB2_1:
0xfa: {  	s29 =	rddreg [dreg:$0x6]  }
0xfb: {  	[tilespmem:s4], [sflag:$0x5] =	stream.linear.gather [hbm4b:s29+s2], $0x2710, $0x38;
	[tilespmem:$0x1B000] =	vst v63  }
0xfc: {  	_ =	swait.ge [sflag:s5], $0x2710  }
0xfd: {  	s30 =	sshrl.u32 @!p0 s1, $0x3;
	[sflag:s5] =	ssyncset.done $0x0  }
0xfe: {  	s31 =	simm.s32 @!p0 $0x1C05;
	s29 =	rddreg [dreg:$0x5];
	[sflag:s5] =	ssyncadd.s32 $0xFFFFD8F0  }
0xff: {  	[spmem:s30], [sflag:s31] =	dma.local @!p0 [hbm:s29], $0x27100  }
0x100: {  	s29 =	simm.s32 @!p0 $0x5  }
0x101: {  	_ =	swait.ge @!p0 [sflag:s29], $0x27100  }
0x102: {  	[sflag:s29] =	ssyncset.done @!p0 $0x0  }
0x103: {  	[sflag:s29] =	ssyncadd.s32 @!p0 $0xFFFD8F00  }
0x104: {  	[bflag:$0x0] =	sbarrier.arrive $0xFFFF  }
0x105: {  	s30 =	sld [smem:$0x78F]  }
0x106: {  	[tilespmem:s7], [sflag:$0x1] =	stream.indirect.gather [spmem:s1], $0x80, s4, s6, $0xb8;
	[tilespmem:$0x1B000] =	vst v63  }
0x107: {  	_ = 	snop  }
0x108: {  	[tilespmem:s8], [sflag:$0x2] =	stream.indirect.gather [spmem:s1], $0x80, s30, s6, $0xb8;
	[tilespmem:$0x1B000] =	vst v63  }
0x109: {  	_ =	swait.ge [sflag:s9], $0x2800  }
0x10a: {  	[sflag:s9] =	ssyncset.done $0x0  }
0x10b: {  	s31 =	rddreg [dreg:$0x7];
	[sflag:s9] =	ssyncadd.s32 $0xFFFFD800  }
0x10c: {  	[hbm4b:s31+s10] =	stream.strided.scatter [tilespmem:s7], [sflag:$0x3], $0x2800, s11, s10, $0x38;
	[tilespmem:$0x1B000] =	vst v63  }
0x10d: {  	_ =	swait.ge [sflag:s12], $0x2800  }
0x10e: {  	s30 =	sld [smem:$0x790]  }
0x10f: {  	[sflag:s12] =	ssyncset.done $0x0  }
0x110: {  	[sflag:s12] =	ssyncadd.s32 $0xFFFFD800  }
0x111: {  	[tilespmem:s7], [sflag:$0x1] =	stream.indirect.gather [spmem:s1], $0x80, s30, s6, $0xb8;
	[tilespmem:$0x1B000] =	vst v63  }
0x112: {  	_ =	swait.ge [sflag:s13], $0x2800  }
0x113: {  	[sflag:s13] =	ssyncset.done $0x0  }
0x114: {  	s31 =	rddreg [dreg:$0x8];
	[sflag:s13] =	ssyncadd.s32 $0xFFFFD800  }
0x115: {  	[hbm4b:s31+s10] =	stream.strided.scatter [tilespmem:s8], [sflag:$0x4], $0x2800, s11, s10, $0x38;
	[tilespmem:$0x1B000] =	vst v63  }
0x116: {  	_ =	swait.ge [sflag:s14], $0x2800  }
0x117: {  	s30 =	sld [smem:$0x791]  }
0x118: {  	[sflag:s14] =	ssyncset.done $0x0  }
0x119: {  	[sflag:s14] =	ssyncadd.s32 $0xFFFFD800  }
0x11a: {  	[tilespmem:s8], [sflag:$0x2] =	stream.indirect.gather [spmem:s1], $0x80, s30, s6, $0xb8;
	[tilespmem:$0x1B000] =	vst v63  }
0x11b: {  	_ =	swait.ge [sflag:s9], $0x2800  }
0x11c: {  	[sflag:s9] =	ssyncset.done $0x0  }
0x11d: {  	s31 =	rddreg [dreg:$0x9];
	[sflag:s9] =	ssyncadd.s32 $0xFFFFD800  }
0x11e: {  	[hbm4b:s31+s10] =	stream.strided.scatter [tilespmem:s7], [sflag:$0x3], $0x2800, s11, s10, $0x38;
	[tilespmem:$0x1B000] =	vst v63  }
0x11f: {  	_ =	swait.ge [sflag:s12], $0x2800  }
0x120: {  	s30 =	sld [smem:$0x792]  }
0x121: {  	[sflag:s12] =	ssyncset.done $0x0  }
0x122: {  	[sflag:s12] =	ssyncadd.s32 $0xFFFFD800  }
0x123: {  	[tilespmem:s7], [sflag:$0x1] =	stream.indirect.gather [spmem:s1], $0x80, s30, s6, $0xb8;
	[tilespmem:$0x1B000] =	vst v63  }
0x124: {  	_ =	swait.ge [sflag:s13], $0x2800  }
0x125: {  	[sflag:s13] =	ssyncset.done $0x0  }
0x126: {  	s31 =	rddreg [dreg:$0xa];
	[sflag:s13] =	ssyncadd.s32 $0xFFFFD800  }
0x127: {  	[hbm4b:s31+s10] =	stream.strided.scatter [tilespmem:s8], [sflag:$0x4], $0x2800, s11, s10, $0x38;
	[tilespmem:$0x1B000] =	vst v63  }
0x128: {  	_ =	swait.ge [sflag:s14], $0x2800  }
0x129: {  	s30 =	sld [smem:$0x793]  }
0x12a: {  	[sflag:s14] =	ssyncset.done $0x0  }
0x12b: {  	[sflag:s14] =	ssyncadd.s32 $0xFFFFD800  }
0x12c: {  	[tilespmem:s8], [sflag:$0x2] =	stream.indirect.gather [spmem:s1], $0x80, s30, s6, $0xb8;
	[tilespmem:$0x1B000] =	vst v63  }
0x12d: {  	_ =	swait.ge [sflag:s9], $0x2800  }
0x12e: {  	[sflag:s9] =	ssyncset.done $0x0  }
0x12f: {  	s31 =	rddreg [dreg:$0xb];
	[sflag:s9] =	ssyncadd.s32 $0xFFFFD800  }
0x130: {  	[hbm4b:s31+s10] =	stream.strided.scatter [tilespmem:s7], [sflag:$0x3], $0x2800, s11, s10, $0x38;
	[tilespmem:$0x1B000] =	vst v63  }
0x131: {  	_ =	swait.ge [sflag:s12], $0x2800  }
0x132: {  	s30 =	sld [smem:$0x794]  }
0x133: {  	[sflag:s12] =	ssyncset.done $0x0  }
0x134: {  	[sflag:s12] =	ssyncadd.s32 $0xFFFFD800  }
0x135: {  	[tilespmem:s7], [sflag:$0x1] =	stream.indirect.gather [spmem:s1], $0x80, s30, s6, $0xb8;
	[tilespmem:$0x1B000] =	vst v63  }
0x136: {  	_ =	swait.ge [sflag:s13], $0x2800  }
0x137: {  	[sflag:s13] =	ssyncset.done $0x0  }
0x138: {  	s31 =	rddreg [dreg:$0xc];
	[sflag:s13] =	ssyncadd.s32 $0xFFFFD800  }
0x139: {  	[hbm4b:s31+s10] =	stream.strided.scatter [tilespmem:s8], [sflag:$0x4], $0x2800, s11, s10, $0x38;
	[tilespmem:$0x1B000] =	vst v63  }
0x13a: {  	_ =	swait.ge [sflag:s14], $0x2800  }
0x13b: {  	s30 =	sld [smem:$0x795]  }
0x13c: {  	[sflag:s14] =	ssyncset.done $0x0  }
0x13d: {  	[sflag:s14] =	ssyncadd.s32 $0xFFFFD800  }
0x13e: {  	[tilespmem:s8], [sflag:$0x2] =	stream.indirect.gather [spmem:s1], $0x80, s30, s6, $0xb8;
	[tilespmem:$0x1B000] =	vst v63  }
0x13f: {  	_ =	swait.ge [sflag:s9], $0x2800  }
0x140: {  	[sflag:s9] =	ssyncset.done $0x0  }
0x141: {  	s31 =	rddreg [dreg:$0xd];
	[sflag:s9] =	ssyncadd.s32 $0xFFFFD800  }
0x142: {  	[hbm4b:s31+s10] =	stream.strided.scatter [tilespmem:s7], [sflag:$0x3], $0x2800, s11, s10, $0x38;
	[tilespmem:$0x1B000] =	vst v63  }
0x143: {  	_ =	swait.ge [sflag:s12], $0x2800  }
0x144: {  	s30 =	sld [smem:$0x796]  }
0x145: {  	[sflag:s12] =	ssyncset.done $0x0  }
0x146: {  	[sflag:s12] =	ssyncadd.s32 $0xFFFFD800  }
0x147: {  	[tilespmem:s7], [sflag:$0x1] =	stream.indirect.gather [spmem:s1], $0x80, s30, s6, $0xb8;
	[tilespmem:$0x1B000] =	vst v63  }
0x148: {  	_ =	swait.ge [sflag:s13], $0x2800  }
0x149: {  	[sflag:s13] =	ssyncset.done $0x0  }
0x14a: {  	s31 =	rddreg [dreg:$0xe];
	[sflag:s13] =	ssyncadd.s32 $0xFFFFD800  }
0x14b: {  	[hbm4b:s31+s10] =	stream.strided.scatter [tilespmem:s8], [sflag:$0x4], $0x2800, s11, s10, $0x38;
	[tilespmem:$0x1B000] =	vst v63  }
0x14c: {  	_ =	swait.ge [sflag:s14], $0x2800  }
0x14d: {  	s30 =	sld [smem:$0x797]  }
0x14e: {  	[sflag:s14] =	ssyncset.done $0x0  }
0x14f: {  	[sflag:s14] =	ssyncadd.s32 $0xFFFFD800  }
0x150: {  	[tilespmem:s8], [sflag:$0x2] =	stream.indirect.gather [spmem:s1], $0x80, s30, s6, $0xb8;
	[tilespmem:$0x1B000] =	vst v63  }
0x151: {  	_ =	swait.ge [sflag:s9], $0x2800  }
0x152: {  	[sflag:s9] =	ssyncset.done $0x0  }
0x153: {  	s31 =	rddreg [dreg:$0xf];
	[sflag:s9] =	ssyncadd.s32 $0xFFFFD800  }
0x154: {  	[hbm4b:s31+s10] =	stream.strided.scatter [tilespmem:s7], [sflag:$0x3], $0x2800, s11, s10, $0x38;
	[tilespmem:$0x1B000] =	vst v63  }
0x155: {  	_ =	swait.ge [sflag:s12], $0x2800  }
0x156: {  	s30 =	sld [smem:$0x798]  }
0x157: {  	[sflag:s12] =	ssyncset.done $0x0  }
0x158: {  	[sflag:s12] =	ssyncadd.s32 $0xFFFFD800  }
0x159: {  	[tilespmem:s7], [sflag:$0x1] =	stream.indirect.gather [spmem:s1], $0x80, s30, s6, $0xb8;
	[tilespmem:$0x1B000] =	vst v63  }
0x15a: {  	_ =	swait.ge [sflag:s13], $0x2800  }
0x15b: {  	[sflag:s13] =	ssyncset.done $0x0  }
0x15c: {  	s31 =	rddreg [dreg:$0x10];
	[sflag:s13] =	ssyncadd.s32 $0xFFFFD800  }
0x15d: {  	[hbm4b:s31+s10] =	stream.strided.scatter [tilespmem:s8], [sflag:$0x4], $0x2800, s11, s10, $0x38;
	[tilespmem:$0x1B000] =	vst v63  }
0x15e: {  	_ =	swait.ge [sflag:s14], $0x2800  }
0x15f: {  	s30 =	sld [smem:$0x799]  }
0x160: {  	[sflag:s14] =	ssyncset.done $0x0  }
0x161: {  	[sflag:s14] =	ssyncadd.s32 $0xFFFFD800  }
0x162: {  	[tilespmem:s8], [sflag:$0x2] =	stream.indirect.gather [spmem:s1], $0x80, s30, s6, $0xb8;
	[tilespmem:$0x1B000] =	vst v63  }
0x163: {  	_ =	swait.ge [sflag:s9], $0x2800  }
0x164: {  	[sflag:s9] =	ssyncset.done $0x0  }
0x165: {  	s31 =	rddreg [dreg:$0x11];
	[sflag:s9] =	ssyncadd.s32 $0xFFFFD800  }
0x166: {  	[hbm4b:s31+s10] =	stream.strided.scatter [tilespmem:s7], [sflag:$0x3], $0x2800, s11, s10, $0x38;
	[tilespmem:$0x1B000] =	vst v63  }
0x167: {  	_ =	swait.ge [sflag:s12], $0x2800  }
0x168: {  	s30 =	sld [smem:$0x79A]  }
0x169: {  	[sflag:s12] =	ssyncset.done $0x0  }
0x16a: {  	[sflag:s12] =	ssyncadd.s32 $0xFFFFD800  }
0x16b: {  	[tilespmem:s7], [sflag:$0x1] =	stream.indirect.gather [spmem:s1], $0x80, s30, s6, $0xb8;
	[tilespmem:$0x1B000] =	vst v63  }
0x16c: {  	_ =	swait.ge [sflag:s13], $0x2800  }
0x16d: {  	[sflag:s13] =	ssyncset.done $0x0  }
0x16e: {  	s31 =	rddreg [dreg:$0x12];
	[sflag:s13] =	ssyncadd.s32 $0xFFFFD800  }
0x16f: {  	[hbm4b:s31+s10] =	stream.strided.scatter [tilespmem:s8], [sflag:$0x4], $0x2800, s11, s10, $0x38;
	[tilespmem:$0x1B000] =	vst v63  }
0x170: {  	_ =	swait.ge [sflag:s14], $0x2800  }
0x171: {  	s30 =	sld [smem:$0x79B]  }
0x172: {  	[sflag:s14] =	ssyncset.done $0x0  }
0x173: {  	[sflag:s14] =	ssyncadd.s32 $0xFFFFD800  }
0x174: {  	[tilespmem:s8], [sflag:$0x2] =	stream.indirect.gather [spmem:s1], $0x80, s30, s6, $0xb8;
	[tilespmem:$0x1B000] =	vst v63  }
0x175: {  	_ =	swait.ge [sflag:s9], $0x2800  }
0x176: {  	[sflag:s9] =	ssyncset.done $0x0  }
0x177: {  	s31 =	rddreg [dreg:$0x13];
	[sflag:s9] =	ssyncadd.s32 $0xFFFFD800  }
0x178: {  	[hbm4b:s31+s10] =	stream.strided.scatter [tilespmem:s7], [sflag:$0x3], $0x2800, s11, s10, $0x38;
	[tilespmem:$0x1B000] =	vst v63  }
0x179: {  	_ =	swait.ge [sflag:s12], $0x2800  }
0x17a: {  	s30 =	sld [smem:$0x79C]  }
0x17b: {  	[sflag:s12] =	ssyncset.done $0x0  }
0x17c: {  	[sflag:s12] =	ssyncadd.s32 $0xFFFFD800  }
0x17d: {  	[tilespmem:s7], [sflag:$0x1] =	stream.indirect.gather [spmem:s1], $0x80, s30, s6, $0xb8;
	[tilespmem:$0x1B000] =	vst v63  }
0x17e: {  	_ =	swait.ge [sflag:s13], $0x2800  }
0x17f: {  	[sflag:s13] =	ssyncset.done $0x0  }
0x180: {  	s31 =	rddreg [dreg:$0x14];
	[sflag:s13] =	ssyncadd.s32 $0xFFFFD800  }
0x181: {  	[hbm4b:s31+s10] =	stream.strided.scatter [tilespmem:s8], [sflag:$0x4], $0x2800, s11, s10, $0x38;
	[tilespmem:$0x1B000] =	vst v63  }
0x182: {  	_ =	swait.ge [sflag:s14], $0x2800  }
0x183: {  	s30 =	sld [smem:$0x79D]  }
0x184: {  	[sflag:s14] =	ssyncset.done $0x0  }
0x185: {  	[sflag:s14] =	ssyncadd.s32 $0xFFFFD800  }
0x186: {  	[tilespmem:s8], [sflag:$0x2] =	stream.indirect.gather [spmem:s1], $0x80, s30, s6, $0xb8;
	[tilespmem:$0x1B000] =	vst v63  }
0x187: {  	_ =	swait.ge [sflag:s9], $0x2800  }
0x188: {  	[sflag:s9] =	ssyncset.done $0x0  }
0x189: {  	s31 =	rddreg [dreg:$0x15];
	[sflag:s9] =	ssyncadd.s32 $0xFFFFD800  }
0x18a: {  	[hbm4b:s31+s10] =	stream.strided.scatter [tilespmem:s7], [sflag:$0x3], $0x2800, s11, s10, $0x38;
	[tilespmem:$0x1B000] =	vst v63  }
0x18b: {  	_ =	swait.ge [sflag:s12], $0x2800  }
0x18c: {  	s30 =	sld [smem:$0x79E]  }
0x18d: {  	[sflag:s12] =	ssyncset.done $0x0  }
0x18e: {  	[sflag:s12] =	ssyncadd.s32 $0xFFFFD800  }
0x18f: {  	[tilespmem:s7], [sflag:$0x1] =	stream.indirect.gather [spmem:s1], $0x80, s30, s6, $0xb8;
	[tilespmem:$0x1B000] =	vst v63  }
0x190: {  	_ =	swait.ge [sflag:s13], $0x2800  }
0x191: {  	[sflag:s13] =	ssyncset.done $0x0  }
0x192: {  	s31 =	rddreg [dreg:$0x16];
	[sflag:s13] =	ssyncadd.s32 $0xFFFFD800  }
0x193: {  	[hbm4b:s31+s10] =	stream.strided.scatter [tilespmem:s8], [sflag:$0x4], $0x2800, s11, s10, $0x38;
	[tilespmem:$0x1B000] =	vst v63  }
0x194: {  	_ =	swait.ge [sflag:s14], $0x2800  }
0x195: {  	s30 =	sld [smem:$0x79F]  }
0x196: {  	[sflag:s14] =	ssyncset.done $0x0  }
0x197: {  	[sflag:s14] =	ssyncadd.s32 $0xFFFFD800  }
0x198: {  	[tilespmem:s8], [sflag:$0x2] =	stream.indirect.gather [spmem:s1], $0x80, s30, s6, $0xb8;
	[tilespmem:$0x1B000] =	vst v63  }
0x199: {  	_ =	swait.ge [sflag:s9], $0x2800  }
0x19a: {  	[sflag:s9] =	ssyncset.done $0x0  }
0x19b: {  	s31 =	rddreg [dreg:$0x17];
	[sflag:s9] =	ssyncadd.s32 $0xFFFFD800  }
0x19c: {  	[hbm4b:s31+s10] =	stream.strided.scatter [tilespmem:s7], [sflag:$0x3], $0x2800, s11, s10, $0x38;
	[tilespmem:$0x1B000] =	vst v63  }
0x19d: {  	_ =	swait.ge [sflag:s12], $0x2800  }
0x19e: {  	s30 =	sld [smem:$0x7A0]  }
0x19f: {  	[sflag:s12] =	ssyncset.done $0x0  }
0x1a0: {  	[sflag:s12] =	ssyncadd.s32 $0xFFFFD800  }
0x1a1: {  	[tilespmem:s7], [sflag:$0x1] =	stream.indirect.gather [spmem:s1], $0x80, s30, s6, $0xb8;
	[tilespmem:$0x1B000] =	vst v63  }
0x1a2: {  	_ =	swait.ge [sflag:s13], $0x2800  }
0x1a3: {  	[sflag:s13] =	ssyncset.done $0x0  }
0x1a4: {  	s31 =	rddreg [dreg:$0x18];
	[sflag:s13] =	ssyncadd.s32 $0xFFFFD800  }
0x1a5: {  	[hbm4b:s31+s10] =	stream.strided.scatter [tilespmem:s8], [sflag:$0x4], $0x2800, s11, s10, $0x38;
	[tilespmem:$0x1B000] =	vst v63  }
0x1a6: {  	_ =	swait.ge [sflag:s14], $0x2800  }
0x1a7: {  	s30 =	sld [smem:$0x7A1]  }
0x1a8: {  	[sflag:s14] =	ssyncset.done $0x0  }
0x1a9: {  	[sflag:s14] =	ssyncadd.s32 $0xFFFFD800  }
0x1aa: {  	[tilespmem:s8], [sflag:$0x2] =	stream.indirect.gather [spmem:s1], $0x80, s30, s6, $0xb8;
	[tilespmem:$0x1B000] =	vst v63  }
0x1ab: {  	_ =	swait.ge [sflag:s9], $0x2800  }
0x1ac: {  	[sflag:s9] =	ssyncset.done $0x0  }
0x1ad: {  	s31 =	rddreg [dreg:$0x19];
	[sflag:s9] =	ssyncadd.s32 $0xFFFFD800  }
0x1ae: {  	[hbm4b:s31+s10] =	stream.strided.scatter [tilespmem:s7], [sflag:$0x3], $0x2800, s11, s10, $0x38;
	[tilespmem:$0x1B000] =	vst v63  }
0x1af: {  	_ =	swait.ge [sflag:s12], $0x2800  }
0x1b0: {  	s30 =	sld [smem:$0x7A2]  }
0x1b1: {  	[sflag:s12] =	ssyncset.done $0x0  }
0x1b2: {  	[sflag:s12] =	ssyncadd.s32 $0xFFFFD800  }
0x1b3: {  	[tilespmem:s7], [sflag:$0x1] =	stream.indirect.gather [spmem:s1], $0x80, s30, s6, $0xb8;
	[tilespmem:$0x1B000] =	vst v63  }
0x1b4: {  	_ =	swait.ge [sflag:s13], $0x2800  }
0x1b5: {  	[sflag:s13] =	ssyncset.done $0x0  }
0x1b6: {  	s31 =	rddreg [dreg:$0x1a];
	[sflag:s13] =	ssyncadd.s32 $0xFFFFD800  }
0x1b7: {  	[hbm4b:s31+s10] =	stream.strided.scatter [tilespmem:s8], [sflag:$0x4], $0x2800, s11, s10, $0x38;
	[tilespmem:$0x1B000] =	vst v63  }
0x1b8: {  	_ =	swait.ge [sflag:s14], $0x2800  }
0x1b9: {  	s30 =	sld [smem:$0x7A3]  }
0x1ba: {  	[sflag:s14] =	ssyncset.done $0x0  }
0x1bb: {  	[sflag:s14] =	ssyncadd.s32 $0xFFFFD800  }
0x1bc: {  	[tilespmem:s8], [sflag:$0x2] =	stream.indirect.gather [spmem:s1], $0x80, s30, s6, $0xb8;
	[tilespmem:$0x1B000] =	vst v63  }
0x1bd: {  	_ =	swait.ge [sflag:s9], $0x2800  }
0x1be: {  	[sflag:s9] =	ssyncset.done $0x0  }
0x1bf: {  	s31 =	rddreg [dreg:$0x1b];
	[sflag:s9] =	ssyncadd.s32 $0xFFFFD800  }
0x1c0: {  	[hbm4b:s31+s10] =	stream.strided.scatter [tilespmem:s7], [sflag:$0x3], $0x2800, s11, s10, $0x38;
	[tilespmem:$0x1B000] =	vst v63  }
0x1c1: {  	_ =	swait.ge [sflag:s12], $0x2800  }
0x1c2: {  	s30 =	sld [smem:$0x7A4]  }
0x1c3: {  	[sflag:s12] =	ssyncset.done $0x0  }
0x1c4: {  	[sflag:s12] =	ssyncadd.s32 $0xFFFFD800  }
0x1c5: {  	[tilespmem:s7], [sflag:$0x1] =	stream.indirect.gather [spmem:s1], $0x80, s30, s6, $0xb8;
	[tilespmem:$0x1B000] =	vst v63  }
0x1c6: {  	_ =	swait.ge [sflag:s13], $0x2800  }
0x1c7: {  	[sflag:s13] =	ssyncset.done $0x0  }
0x1c8: {  	s31 =	rddreg [dreg:$0x1c];
	[sflag:s13] =	ssyncadd.s32 $0xFFFFD800  }
0x1c9: {  	[hbm4b:s31+s10] =	stream.strided.scatter [tilespmem:s8], [sflag:$0x4], $0x2800, s11, s10, $0x38;
	[tilespmem:$0x1B000] =	vst v63  }
0x1ca: {  	_ =	swait.ge [sflag:s14], $0x2800  }
0x1cb: {  	s30 =	sld [smem:$0x7A5]  }
0x1cc: {  	[sflag:s14] =	ssyncset.done $0x0  }
0x1cd: {  	[sflag:s14] =	ssyncadd.s32 $0xFFFFD800  }
0x1ce: {  	[tilespmem:s8], [sflag:$0x2] =	stream.indirect.gather [spmem:s1], $0x80, s30, s6, $0xb8;
	[tilespmem:$0x1B000] =	vst v63  }
0x1cf: {  	_ =	swait.ge [sflag:s9], $0x2800  }
0x1d0: {  	[sflag:s9] =	ssyncset.done $0x0  }
0x1d1: {  	s31 =	rddreg [dreg:$0x1d];
	[sflag:s9] =	ssyncadd.s32 $0xFFFFD800  }
0x1d2: {  	[hbm4b:s31+s10] =	stream.strided.scatter [tilespmem:s7], [sflag:$0x3], $0x2800, s11, s10, $0x38;
	[tilespmem:$0x1B000] =	vst v63  }
0x1d3: {  	_ =	swait.ge [sflag:s12], $0x2800  }
0x1d4: {  	s30 =	sld [smem:$0x7A6]  }
0x1d5: {  	[sflag:s12] =	ssyncset.done $0x0  }
0x1d6: {  	[sflag:s12] =	ssyncadd.s32 $0xFFFFD800  }
0x1d7: {  	[tilespmem:s7], [sflag:$0x1] =	stream.indirect.gather [spmem:s1], $0x80, s30, s6, $0xb8;
	[tilespmem:$0x1B000] =	vst v63  }
0x1d8: {  	_ =	swait.ge [sflag:s13], $0x2800  }
0x1d9: {  	[sflag:s13] =	ssyncset.done $0x0  }
0x1da: {  	s31 =	rddreg [dreg:$0x1e];
	[sflag:s13] =	ssyncadd.s32 $0xFFFFD800  }
0x1db: {  	[hbm4b:s31+s10] =	stream.strided.scatter [tilespmem:s8], [sflag:$0x4], $0x2800, s11, s10, $0x38;
	[tilespmem:$0x1B000] =	vst v63  }
0x1dc: {  	_ =	swait.ge [sflag:s14], $0x2800  }
0x1dd: {  	s30 =	sld [smem:$0x7A7]  }
0x1de: {  	[sflag:s14] =	ssyncset.done $0x0  }
0x1df: {  	[sflag:s14] =	ssyncadd.s32 $0xFFFFD800  }
0x1e0: {  	[tilespmem:s8], [sflag:$0x2] =	stream.indirect.gather [spmem:s1], $0x80, s30, s6, $0xb8;
	[tilespmem:$0x1B000] =	vst v63  }
0x1e1: {  	_ =	swait.ge [sflag:s9], $0x2800  }
0x1e2: {  	[sflag:s9] =	ssyncset.done $0x0  }
0x1e3: {  	s31 =	rddreg [dreg:$0x1f];
	[sflag:s9] =	ssyncadd.s32 $0xFFFFD800  }
0x1e4: {  	[hbm4b:s31+s10] =	stream.strided.scatter [tilespmem:s7], [sflag:$0x3], $0x2800, s11, s10, $0x38;
	[tilespmem:$0x1B000] =	vst v63  }
0x1e5: {  	_ =	swait.ge [sflag:s12], $0x2800  }
0x1e6: {  	s30 =	sld [smem:$0x7A8]  }
0x1e7: {  	[sflag:s12] =	ssyncset.done $0x0  }
0x1e8: {  	[sflag:s12] =	ssyncadd.s32 $0xFFFFD800  }
0x1e9: {  	[tilespmem:s7], [sflag:$0x1] =	stream.indirect.gather [spmem:s1], $0x80, s30, s6, $0xb8;
	[tilespmem:$0x1B000] =	vst v63  }
0x1ea: {  	_ =	swait.ge [sflag:s13], $0x2800  }
0x1eb: {  	s31 =	sld [smem:$0x72B]  }
0x1ec: {  	[sflag:s13] =	ssyncset.done $0x0  }
0x1ed: {  	[sflag:s13] =	ssyncadd.s32 $0xFFFFD800  }
0x1ee: {  	[hbm4b:s31+s10] =	stream.strided.scatter [tilespmem:s8], [sflag:$0x4], $0x2800, s11, s10, $0x38;
	[tilespmem:$0x1B000] =	vst v63  }
0x1ef: {  	_ =	swait.ge [sflag:s14], $0x2800  }
0x1f0: {  	s30 =	sld [smem:$0x7A9]  }
0x1f1: {  	[sflag:s14] =	ssyncset.done $0x0  }
0x1f2: {  	[sflag:s14] =	ssyncadd.s32 $0xFFFFD800  }
0x1f3: {  	[tilespmem:s8], [sflag:$0x2] =	stream.indirect.gather [spmem:s1], $0x80, s30, s6, $0xb8;
	[tilespmem:$0x1B000] =	vst v63  }
0x1f4: {  	_ =	swait.ge [sflag:s9], $0x2800  }
0x1f5: {  	s31 =	sld [smem:$0x72C]  }
0x1f6: {  	[sflag:s9] =	ssyncset.done $0x0  }
0x1f7: {  	[sflag:s9] =	ssyncadd.s32 $0xFFFFD800  }
0x1f8: {  	[hbm4b:s31+s10] =	stream.strided.scatter [tilespmem:s7], [sflag:$0x3], $0x2800, s11, s10, $0x38;
	[tilespmem:$0x1B000] =	vst v63  }
0x1f9: {  	_ =	swait.ge [sflag:s12], $0x2800  }
0x1fa: {  	s30 =	sld [smem:$0x7AA]  }
0x1fb: {  	[sflag:s12] =	ssyncset.done $0x0  }
0x1fc: {  	[sflag:s12] =	ssyncadd.s32 $0xFFFFD800  }
0x1fd: {  	[tilespmem:s7], [sflag:$0x1] =	stream.indirect.gather [spmem:s1], $0x80, s30, s6, $0xb8;
	[tilespmem:$0x1B000] =	vst v63  }
0x1fe: {  	_ =	swait.ge [sflag:s13], $0x2800  }
0x1ff: {  	s31 =	sld [smem:$0x72D]  }
0x200: {  	[sflag:s13] =	ssyncset.done $0x0  }
0x201: {  	[sflag:s13] =	ssyncadd.s32 $0xFFFFD800  }
0x202: {  	[hbm4b:s31+s10] =	stream.strided.scatter [tilespmem:s8], [sflag:$0x4], $0x2800, s11, s10, $0x38;
	[tilespmem:$0x1B000] =	vst v63  }
0x203: {  	_ =	swait.ge [sflag:s14], $0x2800  }
0x204: {  	s30 =	sld [smem:$0x7AB]  }
0x205: {  	[sflag:s14] =	ssyncset.done $0x0  }
0x206: {  	[sflag:s14] =	ssyncadd.s32 $0xFFFFD800  }
0x207: {  	[tilespmem:s8], [sflag:$0x2] =	stream.indirect.gather [spmem:s1], $0x80, s30, s6, $0xb8;
	[tilespmem:$0x1B000] =	vst v63  }
0x208: {  	_ =	swait.ge [sflag:s9], $0x2800  }
0x209: {  	s31 =	sld [smem:$0x72E]  }
0x20a: {  	[sflag:s9] =	ssyncset.done $0x0  }
0x20b: {  	[sflag:s9] =	ssyncadd.s32 $0xFFFFD800  }
0x20c: {  	[hbm4b:s31+s10] =	stream.strided.scatter [tilespmem:s7], [sflag:$0x3], $0x2800, s11, s10, $0x38;
	[tilespmem:$0x1B000] =	vst v63  }
0x20d: {  	_ =	swait.ge [sflag:s12], $0x2800  }
0x20e: {  	s30 =	sld [smem:$0x7AC]  }
0x20f: {  	[sflag:s12] =	ssyncset.done $0x0  }
0x210: {  	[sflag:s12] =	ssyncadd.s32 $0xFFFFD800  }
0x211: {  	[tilespmem:s7], [sflag:$0x1] =	stream.indirect.gather [spmem:s1], $0x80, s30, s6, $0xb8;
	[tilespmem:$0x1B000] =	vst v63  }
0x212: {  	_ =	swait.ge [sflag:s13], $0x2800  }
0x213: {  	s31 =	sld [smem:$0x72F]  }
0x214: {  	[sflag:s13] =	ssyncset.done $0x0  }
0x215: {  	[sflag:s13] =	ssyncadd.s32 $0xFFFFD800  }
0x216: {  	[hbm4b:s31+s10] =	stream.strided.scatter [tilespmem:s8], [sflag:$0x4], $0x2800, s11, s10, $0x38;
	[tilespmem:$0x1B000] =	vst v63  }
0x217: {  	_ =	swait.ge [sflag:s14], $0x2800  }
0x218: {  	s30 =	sld [smem:$0x7AD]  }
0x219: {  	[sflag:s14] =	ssyncset.done $0x0  }
0x21a: {  	[sflag:s14] =	ssyncadd.s32 $0xFFFFD800  }
0x21b: {  	[tilespmem:s8], [sflag:$0x2] =	stream.indirect.gather [spmem:s1], $0x80, s30, s6, $0xb8;
	[tilespmem:$0x1B000] =	vst v63  }
0x21c: {  	_ =	swait.ge [sflag:s9], $0x2800  }
0x21d: {  	s31 =	sld [smem:$0x730]  }
0x21e: {  	[sflag:s9] =	ssyncset.done $0x0  }
0x21f: {  	[sflag:s9] =	ssyncadd.s32 $0xFFFFD800  }
0x220: {  	[hbm4b:s31+s10] =	stream.strided.scatter [tilespmem:s7], [sflag:$0x3], $0x2800, s11, s10, $0x38;
	[tilespmem:$0x1B000] =	vst v63  }
0x221: {  	_ =	swait.ge [sflag:s12], $0x2800  }
0x222: {  	s30 =	sld [smem:$0x7AE]  }
0x223: {  	[sflag:s12] =	ssyncset.done $0x0  }
0x224: {  	[sflag:s12] =	ssyncadd.s32 $0xFFFFD800  }
0x225: {  	[tilespmem:s7], [sflag:$0x1] =	stream.indirect.gather [spmem:s1], $0x80, s30, s6, $0xb8;
	[tilespmem:$0x1B000] =	vst v63  }
0x226: {  	_ =	swait.ge [sflag:s13], $0x2800  }
0x227: {  	s31 =	sld [smem:$0x731]  }
0x228: {  	[sflag:s13] =	ssyncset.done $0x0  }
0x229: {  	[sflag:s13] =	ssyncadd.s32 $0xFFFFD800  }
0x22a: {  	[hbm4b:s31+s10] =	stream.strided.scatter [tilespmem:s8], [sflag:$0x4], $0x2800, s11, s10, $0x38;
	[tilespmem:$0x1B000] =	vst v63  }
0x22b: {  	_ =	swait.ge [sflag:s14], $0x2800  }
0x22c: {  	s30 =	sld [smem:$0x7AF]  }
0x22d: {  	[sflag:s14] =	ssyncset.done $0x0  }
0x22e: {  	[sflag:s14] =	ssyncadd.s32 $0xFFFFD800  }
0x22f: {  	[tilespmem:s8], [sflag:$0x2] =	stream.indirect.gather [spmem:s1], $0x80, s30, s6, $0xb8;
	[tilespmem:$0x1B000] =	vst v63  }
0x230: {  	_ =	swait.ge [sflag:s9], $0x2800  }
0x231: {  	s31 =	sld [smem:$0x732]  }
0x232: {  	[sflag:s9] =	ssyncset.done $0x0  }
0x233: {  	[sflag:s9] =	ssyncadd.s32 $0xFFFFD800  }
0x234: {  	[hbm4b:s31+s10] =	stream.strided.scatter [tilespmem:s7], [sflag:$0x3], $0x2800, s11, s10, $0x38;
	[tilespmem:$0x1B000] =	vst v63  }
0x235: {  	_ =	swait.ge [sflag:s12], $0x2800  }
0x236: {  	s30 =	sld [smem:$0x7B0]  }
0x237: {  	[sflag:s12] =	ssyncset.done $0x0  }
0x238: {  	[sflag:s12] =	ssyncadd.s32 $0xFFFFD800  }
0x239: {  	[tilespmem:s7], [sflag:$0x1] =	stream.indirect.gather [spmem:s1], $0x80, s30, s6, $0xb8;
	[tilespmem:$0x1B000] =	vst v63  }
0x23a: {  	_ =	swait.ge [sflag:s13], $0x2800  }
0x23b: {  	s31 =	sld [smem:$0x733]  }
0x23c: {  	[sflag:s13] =	ssyncset.done $0x0  }
0x23d: {  	[sflag:s13] =	ssyncadd.s32 $0xFFFFD800  }
0x23e: {  	[hbm4b:s31+s10] =	stream.strided.scatter [tilespmem:s8], [sflag:$0x4], $0x2800, s11, s10, $0x38;
	[tilespmem:$0x1B000] =	vst v63  }
0x23f: {  	_ =	swait.ge [sflag:s14], $0x2800  }
0x240: {  	s30 =	sld [smem:$0x7B1]  }
0x241: {  	[sflag:s14] =	ssyncset.done $0x0  }
0x242: {  	[sflag:s14] =	ssyncadd.s32 $0xFFFFD800  }
0x243: {  	[tilespmem:s8], [sflag:$0x2] =	stream.indirect.gather [spmem:s1], $0x80, s30, s6, $0xb8;
	[tilespmem:$0x1B000] =	vst v63  }
0x244: {  	_ =	swait.ge [sflag:s9], $0x2800  }
0x245: {  	s31 =	sld [smem:$0x734]  }
0x246: {  	[sflag:s9] =	ssyncset.done $0x0  }
0x247: {  	[sflag:s9] =	ssyncadd.s32 $0xFFFFD800  }
0x248: {  	[hbm4b:s31+s10] =	stream.strided.scatter [tilespmem:s7], [sflag:$0x3], $0x2800, s11, s10, $0x38;
	[tilespmem:$0x1B000] =	vst v63  }
0x249: {  	_ =	swait.ge [sflag:s12], $0x2800  }
0x24a: {  	s30 =	sld [smem:$0x7B2]  }
0x24b: {  	[sflag:s12] =	ssyncset.done $0x0  }
0x24c: {  	[sflag:s12] =	ssyncadd.s32 $0xFFFFD800  }
0x24d: {  	[tilespmem:s7], [sflag:$0x1] =	stream.indirect.gather [spmem:s1], $0x80, s30, s6, $0xb8;
	[tilespmem:$0x1B000] =	vst v63  }
0x24e: {  	_ =	swait.ge [sflag:s13], $0x2800  }
0x24f: {  	s31 =	sld [smem:$0x735]  }
0x250: {  	[sflag:s13] =	ssyncset.done $0x0  }
0x251: {  	[sflag:s13] =	ssyncadd.s32 $0xFFFFD800  }
0x252: {  	[hbm4b:s31+s10] =	stream.strided.scatter [tilespmem:s8], [sflag:$0x4], $0x2800, s11, s10, $0x38;
	[tilespmem:$0x1B000] =	vst v63  }
0x253: {  	_ =	swait.ge [sflag:s14], $0x2800  }
0x254: {  	s30 =	sld [smem:$0x7B3]  }
0x255: {  	[sflag:s14] =	ssyncset.done $0x0  }
0x256: {  	[sflag:s14] =	ssyncadd.s32 $0xFFFFD800  }
0x257: {  	[tilespmem:s8], [sflag:$0x2] =	stream.indirect.gather [spmem:s1], $0x80, s30, s6, $0xb8;
	[tilespmem:$0x1B000] =	vst v63  }
0x258: {  	_ =	swait.ge [sflag:s9], $0x2800  }
0x259: {  	s31 =	sld [smem:$0x736]  }
0x25a: {  	[sflag:s9] =	ssyncset.done $0x0  }
0x25b: {  	[sflag:s9] =	ssyncadd.s32 $0xFFFFD800  }
0x25c: {  	[hbm4b:s31+s10] =	stream.strided.scatter [tilespmem:s7], [sflag:$0x3], $0x2800, s11, s10, $0x38;
	[tilespmem:$0x1B000] =	vst v63  }
0x25d: {  	_ =	swait.ge [sflag:s12], $0x2800  }
0x25e: {  	s30 =	sld [smem:$0x7B4]  }
0x25f: {  	[sflag:s12] =	ssyncset.done $0x0  }
0x260: {  	[sflag:s12] =	ssyncadd.s32 $0xFFFFD800  }
0x261: {  	[tilespmem:s7], [sflag:$0x1] =	stream.indirect.gather [spmem:s1], $0x80, s30, s6, $0xb8;
	[tilespmem:$0x1B000] =	vst v63  }
0x262: {  	_ =	swait.ge [sflag:s13], $0x2800  }
0x263: {  	s31 =	sld [smem:$0x737]  }
0x264: {  	[sflag:s13] =	ssyncset.done $0x0  }
0x265: {  	[sflag:s13] =	ssyncadd.s32 $0xFFFFD800  }
0x266: {  	[hbm4b:s31+s10] =	stream.strided.scatter [tilespmem:s8], [sflag:$0x4], $0x2800, s11, s10, $0x38;
	[tilespmem:$0x1B000] =	vst v63  }
0x267: {  	_ =	swait.ge [sflag:s14], $0x2800  }
0x268: {  	s30 =	sld [smem:$0x7B5]  }
0x269: {  	[sflag:s14] =	ssyncset.done $0x0  }
0x26a: {  	[sflag:s14] =	ssyncadd.s32 $0xFFFFD800  }
0x26b: {  	[tilespmem:s8], [sflag:$0x2] =	stream.indirect.gather [spmem:s1], $0x80, s30, s6, $0xb8;
	[tilespmem:$0x1B000] =	vst v63  }
0x26c: {  	_ =	swait.ge [sflag:s9], $0x2800  }
0x26d: {  	s31 =	sld [smem:$0x738]  }
0x26e: {  	[sflag:s9] =	ssyncset.done $0x0  }
0x26f: {  	[sflag:s9] =	ssyncadd.s32 $0xFFFFD800  }
0x270: {  	[hbm4b:s31+s10] =	stream.strided.scatter [tilespmem:s7], [sflag:$0x3], $0x2800, s11, s10, $0x38;
	[tilespmem:$0x1B000] =	vst v63  }
0x271: {  	_ =	swait.ge [sflag:s12], $0x2800  }
0x272: {  	s30 =	sld [smem:$0x7B6]  }
0x273: {  	[sflag:s12] =	ssyncset.done $0x0  }
0x274: {  	[sflag:s12] =	ssyncadd.s32 $0xFFFFD800  }
0x275: {  	[tilespmem:s7], [sflag:$0x1] =	stream.indirect.gather [spmem:s1], $0x80, s30, s6, $0xb8;
	[tilespmem:$0x1B000] =	vst v63  }
0x276: {  	_ =	swait.ge [sflag:s13], $0x2800  }
0x277: {  	s31 =	sld [smem:$0x739]  }
0x278: {  	[sflag:s13] =	ssyncset.done $0x0  }
0x279: {  	[sflag:s13] =	ssyncadd.s32 $0xFFFFD800  }
0x27a: {  	[hbm4b:s31+s10] =	stream.strided.scatter [tilespmem:s8], [sflag:$0x4], $0x2800, s11, s10, $0x38;
	[tilespmem:$0x1B000] =	vst v63  }
0x27b: {  	_ =	swait.ge [sflag:s14], $0x2800  }
0x27c: {  	s30 =	sld [smem:$0x7B7]  }
0x27d: {  	[sflag:s14] =	ssyncset.done $0x0  }
0x27e: {  	[sflag:s14] =	ssyncadd.s32 $0xFFFFD800  }
0x27f: {  	[tilespmem:s8], [sflag:$0x2] =	stream.indirect.gather [spmem:s1], $0x80, s30, s6, $0xb8;
	[tilespmem:$0x1B000] =	vst v63  }
0x280: {  	_ =	swait.ge [sflag:s9], $0x2800  }
0x281: {  	s31 =	sld [smem:$0x73A]  }
0x282: {  	[sflag:s9] =	ssyncset.done $0x0  }
0x283: {  	[sflag:s9] =	ssyncadd.s32 $0xFFFFD800  }
0x284: {  	[hbm4b:s31+s10] =	stream.strided.scatter [tilespmem:s7], [sflag:$0x3], $0x2800, s11, s10, $0x38;
	[tilespmem:$0x1B000] =	vst v63  }
0x285: {  	_ =	swait.ge [sflag:s12], $0x2800  }
0x286: {  	s30 =	sld [smem:$0x7B8]  }
0x287: {  	[sflag:s12] =	ssyncset.done $0x0  }
0x288: {  	[sflag:s12] =	ssyncadd.s32 $0xFFFFD800  }
0x289: {  	[tilespmem:s7], [sflag:$0x1] =	stream.indirect.gather [spmem:s1], $0x80, s30, s6, $0xb8;
	[tilespmem:$0x1B000] =	vst v63  }
0x28a: {  	_ =	swait.ge [sflag:s13], $0x2800  }
0x28b: {  	s31 =	sld [smem:$0x73B]  }
0x28c: {  	[sflag:s13] =	ssyncset.done $0x0  }
0x28d: {  	[sflag:s13] =	ssyncadd.s32 $0xFFFFD800  }
0x28e: {  	[hbm4b:s31+s10] =	stream.strided.scatter [tilespmem:s8], [sflag:$0x4], $0x2800, s11, s10, $0x38;
	[tilespmem:$0x1B000] =	vst v63  }
0x28f: {  	_ =	swait.ge [sflag:s14], $0x2800  }
0x290: {  	s30 =	sld [smem:$0x7B9]  }
0x291: {  	[sflag:s14] =	ssyncset.done $0x0  }
0x292: {  	[sflag:s14] =	ssyncadd.s32 $0xFFFFD800  }
0x293: {  	[tilespmem:s8], [sflag:$0x2] =	stream.indirect.gather [spmem:s1], $0x80, s30, s6, $0xb8;
	[tilespmem:$0x1B000] =	vst v63  }
0x294: {  	_ =	swait.ge [sflag:s9], $0x2800  }
0x295: {  	s31 =	sld [smem:$0x73C]  }
0x296: {  	[sflag:s9] =	ssyncset.done $0x0  }
0x297: {  	[sflag:s9] =	ssyncadd.s32 $0xFFFFD800  }
0x298: {  	[hbm4b:s31+s10] =	stream.strided.scatter [tilespmem:s7], [sflag:$0x3], $0x2800, s11, s10, $0x38;
	[tilespmem:$0x1B000] =	vst v63  }
0x299: {  	_ =	swait.ge [sflag:s12], $0x2800  }
0x29a: {  	s30 =	sld [smem:$0x7BA]  }
0x29b: {  	[sflag:s12] =	ssyncset.done $0x0  }
0x29c: {  	[sflag:s12] =	ssyncadd.s32 $0xFFFFD800  }
0x29d: {  	[tilespmem:s7], [sflag:$0x1] =	stream.indirect.gather [spmem:s1], $0x80, s30, s6, $0xb8;
	[tilespmem:$0x1B000] =	vst v63  }
0x29e: {  	_ =	swait.ge [sflag:s13], $0x2800  }
0x29f: {  	s31 =	sld [smem:$0x73D]  }
0x2a0: {  	[sflag:s13] =	ssyncset.done $0x0  }
0x2a1: {  	[sflag:s13] =	ssyncadd.s32 $0xFFFFD800  }
0x2a2: {  	[hbm4b:s31+s10] =	stream.strided.scatter [tilespmem:s8], [sflag:$0x4], $0x2800, s11, s10, $0x38;
	[tilespmem:$0x1B000] =	vst v63  }
0x2a3: {  	_ =	swait.ge [sflag:s14], $0x2800  }
0x2a4: {  	s30 =	sld [smem:$0x7BB]  }
0x2a5: {  	[sflag:s14] =	ssyncset.done $0x0  }
0x2a6: {  	[sflag:s14] =	ssyncadd.s32 $0xFFFFD800  }
0x2a7: {  	[tilespmem:s8], [sflag:$0x2] =	stream.indirect.gather [spmem:s1], $0x80, s30, s6, $0xb8;
	[tilespmem:$0x1B000] =	vst v63  }
0x2a8: {  	_ =	swait.ge [sflag:s9], $0x2800  }
0x2a9: {  	s31 =	sld [smem:$0x73E]  }
0x2aa: {  	[sflag:s9] =	ssyncset.done $0x0  }
0x2ab: {  	[sflag:s9] =	ssyncadd.s32 $0xFFFFD800  }
0x2ac: {  	[hbm4b:s31+s10] =	stream.strided.scatter [tilespmem:s7], [sflag:$0x3], $0x2800, s11, s10, $0x38;
	[tilespmem:$0x1B000] =	vst v63  }
0x2ad: {  	_ =	swait.ge [sflag:s12], $0x2800  }
0x2ae: {  	s30 =	sld [smem:$0x7BC]  }
0x2af: {  	[sflag:s12] =	ssyncset.done $0x0  }
0x2b0: {  	[sflag:s12] =	ssyncadd.s32 $0xFFFFD800  }
0x2b1: {  	[tilespmem:s7], [sflag:$0x1] =	stream.indirect.gather [spmem:s1], $0x80, s30, s6, $0xb8;
	[tilespmem:$0x1B000] =	vst v63  }
0x2b2: {  	_ =	swait.ge [sflag:s13], $0x2800  }
0x2b3: {  	s31 =	sld [smem:$0x73F]  }
0x2b4: {  	[sflag:s13] =	ssyncset.done $0x0  }
0x2b5: {  	[sflag:s13] =	ssyncadd.s32 $0xFFFFD800  }
0x2b6: {  	[hbm4b:s31+s10] =	stream.strided.scatter [tilespmem:s8], [sflag:$0x4], $0x2800, s11, s10, $0x38;
	[tilespmem:$0x1B000] =	vst v63  }
0x2b7: {  	_ =	swait.ge [sflag:s14], $0x2800  }
0x2b8: {  	s30 =	sld [smem:$0x7BD]  }
0x2b9: {  	[sflag:s14] =	ssyncset.done $0x0  }
0x2ba: {  	[sflag:s14] =	ssyncadd.s32 $0xFFFFD800  }
0x2bb: {  	[tilespmem:s8], [sflag:$0x2] =	stream.indirect.gather [spmem:s1], $0x80, s30, s6, $0xb8;
	[tilespmem:$0x1B000] =	vst v63  }
0x2bc: {  	_ =	swait.ge [sflag:s9], $0x2800  }
0x2bd: {  	s31 =	sld [smem:$0x740]  }
0x2be: {  	[sflag:s9] =	ssyncset.done $0x0  }
0x2bf: {  	[sflag:s9] =	ssyncadd.s32 $0xFFFFD800  }
0x2c0: {  	[hbm4b:s31+s10] =	stream.strided.scatter [tilespmem:s7], [sflag:$0x3], $0x2800, s11, s10, $0x38;
	[tilespmem:$0x1B000] =	vst v63  }
0x2c1: {  	_ =	swait.ge [sflag:s12], $0x2800  }
0x2c2: {  	s30 =	sld [smem:$0x7BE]  }
0x2c3: {  	[sflag:s12] =	ssyncset.done $0x0  }
0x2c4: {  	[sflag:s12] =	ssyncadd.s32 $0xFFFFD800  }
0x2c5: {  	[tilespmem:s7], [sflag:$0x1] =	stream.indirect.gather [spmem:s1], $0x80, s30, s6, $0xb8;
	[tilespmem:$0x1B000] =	vst v63  }
0x2c6: {  	_ =	swait.ge [sflag:s13], $0x2800  }
0x2c7: {  	s31 =	sld [smem:$0x741]  }
0x2c8: {  	[sflag:s13] =	ssyncset.done $0x0  }
0x2c9: {  	[sflag:s13] =	ssyncadd.s32 $0xFFFFD800  }
0x2ca: {  	[hbm4b:s31+s10] =	stream.strided.scatter [tilespmem:s8], [sflag:$0x4], $0x2800, s11, s10, $0x38;
	[tilespmem:$0x1B000] =	vst v63  }
0x2cb: {  	_ =	swait.ge [sflag:s14], $0x2800  }
0x2cc: {  	s30 =	sld [smem:$0x7BF]  }
0x2cd: {  	[sflag:s14] =	ssyncset.done $0x0  }
0x2ce: {  	[sflag:s14] =	ssyncadd.s32 $0xFFFFD800  }
0x2cf: {  	[tilespmem:s8], [sflag:$0x2] =	stream.indirect.gather [spmem:s1], $0x80, s30, s6, $0xb8;
	[tilespmem:$0x1B000] =	vst v63  }
0x2d0: {  	_ =	swait.ge [sflag:s9], $0x2800  }
0x2d1: {  	s31 =	sld [smem:$0x742]  }
0x2d2: {  	[sflag:s9] =	ssyncset.done $0x0  }
0x2d3: {  	[sflag:s9] =	ssyncadd.s32 $0xFFFFD800  }
0x2d4: {  	[hbm4b:s31+s10] =	stream.strided.scatter [tilespmem:s7], [sflag:$0x3], $0x2800, s11, s10, $0x38;
	[tilespmem:$0x1B000] =	vst v63  }
0x2d5: {  	_ =	swait.ge [sflag:s12], $0x2800  }
0x2d6: {  	s30 =	sld [smem:$0x7C0]  }
0x2d7: {  	[sflag:s12] =	ssyncset.done $0x0  }
0x2d8: {  	[sflag:s12] =	ssyncadd.s32 $0xFFFFD800  }
0x2d9: {  	[tilespmem:s7], [sflag:$0x1] =	stream.indirect.gather [spmem:s1], $0x80, s30, s6, $0xb8;
	[tilespmem:$0x1B000] =	vst v63  }
0x2da: {  	_ =	swait.ge [sflag:s13], $0x2800  }
0x2db: {  	s31 =	sld [smem:$0x743]  }
0x2dc: {  	[sflag:s13] =	ssyncset.done $0x0  }
0x2dd: {  	[sflag:s13] =	ssyncadd.s32 $0xFFFFD800  }
0x2de: {  	[hbm4b:s31+s10] =	stream.strided.scatter [tilespmem:s8], [sflag:$0x4], $0x2800, s11, s10, $0x38;
	[tilespmem:$0x1B000] =	vst v63  }
0x2df: {  	_ =	swait.ge [sflag:s14], $0x2800  }
0x2e0: {  	s30 =	sld [smem:$0x7C1]  }
0x2e1: {  	[sflag:s14] =	ssyncset.done $0x0  }
0x2e2: {  	[sflag:s14] =	ssyncadd.s32 $0xFFFFD800  }
0x2e3: {  	[tilespmem:s8], [sflag:$0x2] =	stream.indirect.gather [spmem:s1], $0x80, s30, s6, $0xb8;
	[tilespmem:$0x1B000] =	vst v63  }
0x2e4: {  	_ =	swait.ge [sflag:s9], $0x2800  }
0x2e5: {  	s31 =	sld [smem:$0x744]  }
0x2e6: {  	[sflag:s9] =	ssyncset.done $0x0  }
0x2e7: {  	[sflag:s9] =	ssyncadd.s32 $0xFFFFD800  }
0x2e8: {  	[hbm4b:s31+s10] =	stream.strided.scatter [tilespmem:s7], [sflag:$0x3], $0x2800, s11, s10, $0x38;
	[tilespmem:$0x1B000] =	vst v63  }
0x2e9: {  	_ =	swait.ge [sflag:s12], $0x2800  }
0x2ea: {  	s30 =	sld [smem:$0x7C2]  }
0x2eb: {  	[sflag:s12] =	ssyncset.done $0x0  }
0x2ec: {  	[sflag:s12] =	ssyncadd.s32 $0xFFFFD800  }
0x2ed: {  	[tilespmem:s7], [sflag:$0x1] =	stream.indirect.gather [spmem:s1], $0x80, s30, s6, $0xb8;
	[tilespmem:$0x1B000] =	vst v63  }
0x2ee: {  	_ =	swait.ge [sflag:s13], $0x2800  }
0x2ef: {  	s31 =	sld [smem:$0x745]  }
0x2f0: {  	[sflag:s13] =	ssyncset.done $0x0  }
0x2f1: {  	[sflag:s13] =	ssyncadd.s32 $0xFFFFD800  }
0x2f2: {  	[hbm4b:s31+s10] =	stream.strided.scatter [tilespmem:s8], [sflag:$0x4], $0x2800, s11, s10, $0x38;
	[tilespmem:$0x1B000] =	vst v63  }
0x2f3: {  	_ =	swait.ge [sflag:s14], $0x2800  }
0x2f4: {  	s30 =	sld [smem:$0x7C3]  }
0x2f5: {  	[sflag:s14] =	ssyncset.done $0x0  }
0x2f6: {  	[sflag:s14] =	ssyncadd.s32 $0xFFFFD800  }
0x2f7: {  	[tilespmem:s8], [sflag:$0x2] =	stream.indirect.gather [spmem:s1], $0x80, s30, s6, $0xb8;
	[tilespmem:$0x1B000] =	vst v63  }
0x2f8: {  	_ =	swait.ge [sflag:s9], $0x2800  }
0x2f9: {  	s31 =	sld [smem:$0x746]  }
0x2fa: {  	[sflag:s9] =	ssyncset.done $0x0  }
0x2fb: {  	[sflag:s9] =	ssyncadd.s32 $0xFFFFD800  }
0x2fc: {  	[hbm4b:s31+s10] =	stream.strided.scatter [tilespmem:s7], [sflag:$0x3], $0x2800, s11, s10, $0x38;
	[tilespmem:$0x1B000] =	vst v63  }
0x2fd: {  	_ =	swait.ge [sflag:s12], $0x2800  }
0x2fe: {  	s30 =	sld [smem:$0x7C4]  }
0x2ff: {  	[sflag:s12] =	ssyncset.done $0x0  }
0x300: {  	[sflag:s12] =	ssyncadd.s32 $0xFFFFD800  }
0x301: {  	[tilespmem:s7], [sflag:$0x1] =	stream.indirect.gather [spmem:s1], $0x80, s30, s6, $0xb8;
	[tilespmem:$0x1B000] =	vst v63  }
0x302: {  	_ =	swait.ge [sflag:s13], $0x2800  }
0x303: {  	s31 =	sld [smem:$0x747]  }
0x304: {  	[sflag:s13] =	ssyncset.done $0x0  }
0x305: {  	[sflag:s13] =	ssyncadd.s32 $0xFFFFD800  }
0x306: {  	[hbm4b:s31+s10] =	stream.strided.scatter [tilespmem:s8], [sflag:$0x4], $0x2800, s11, s10, $0x38;
	[tilespmem:$0x1B000] =	vst v63  }
0x307: {  	_ =	swait.ge [sflag:s14], $0x2800  }
0x308: {  	s30 =	sld [smem:$0x7C5]  }
0x309: {  	[sflag:s14] =	ssyncset.done $0x0  }
0x30a: {  	[sflag:s14] =	ssyncadd.s32 $0xFFFFD800  }
0x30b: {  	[tilespmem:s8], [sflag:$0x2] =	stream.indirect.gather [spmem:s1], $0x80, s30, s6, $0xb8;
	[tilespmem:$0x1B000] =	vst v63  }
0x30c: {  	_ =	swait.ge [sflag:s9], $0x2800  }
0x30d: {  	s31 =	sld [smem:$0x748]  }
0x30e: {  	[sflag:s9] =	ssyncset.done $0x0  }
0x30f: {  	[sflag:s9] =	ssyncadd.s32 $0xFFFFD800  }
0x310: {  	[hbm4b:s31+s10] =	stream.strided.scatter [tilespmem:s7], [sflag:$0x3], $0x2800, s11, s10, $0x38;
	[tilespmem:$0x1B000] =	vst v63  }
0x311: {  	_ =	swait.ge [sflag:s12], $0x2800  }
0x312: {  	s30 =	sld [smem:$0x7C6]  }
0x313: {  	[sflag:s12] =	ssyncset.done $0x0  }
0x314: {  	[sflag:s12] =	ssyncadd.s32 $0xFFFFD800  }
0x315: {  	[tilespmem:s7], [sflag:$0x1] =	stream.indirect.gather [spmem:s1], $0x80, s30, s6, $0xb8;
	[tilespmem:$0x1B000] =	vst v63  }
0x316: {  	_ =	swait.ge [sflag:s13], $0x2800  }
0x317: {  	s31 =	sld [smem:$0x749]  }
0x318: {  	[sflag:s13] =	ssyncset.done $0x0  }
0x319: {  	[sflag:s13] =	ssyncadd.s32 $0xFFFFD800  }
0x31a: {  	[hbm4b:s31+s10] =	stream.strided.scatter [tilespmem:s8], [sflag:$0x4], $0x2800, s11, s10, $0x38;
	[tilespmem:$0x1B000] =	vst v63  }
0x31b: {  	_ =	swait.ge [sflag:s14], $0x2800  }
0x31c: {  	s30 =	sld [smem:$0x7C7]  }
0x31d: {  	[sflag:s14] =	ssyncset.done $0x0  }
0x31e: {  	[sflag:s14] =	ssyncadd.s32 $0xFFFFD800  }
0x31f: {  	[tilespmem:s8], [sflag:$0x2] =	stream.indirect.gather [spmem:s1], $0x80, s30, s6, $0xb8;
	[tilespmem:$0x1B000] =	vst v63  }
0x320: {  	_ =	swait.ge [sflag:s9], $0x2800  }
0x321: {  	s31 =	sld [smem:$0x74A]  }
0x322: {  	[sflag:s9] =	ssyncset.done $0x0  }
0x323: {  	[sflag:s9] =	ssyncadd.s32 $0xFFFFD800  }
0x324: {  	[hbm4b:s31+s10] =	stream.strided.scatter [tilespmem:s7], [sflag:$0x3], $0x2800, s11, s10, $0x38;
	[tilespmem:$0x1B000] =	vst v63  }
0x325: {  	_ =	swait.ge [sflag:s12], $0x2800  }
0x326: {  	s30 =	sld [smem:$0x7C8]  }
0x327: {  	[sflag:s12] =	ssyncset.done $0x0  }
0x328: {  	[sflag:s12] =	ssyncadd.s32 $0xFFFFD800  }
0x329: {  	[tilespmem:s7], [sflag:$0x1] =	stream.indirect.gather [spmem:s1], $0x80, s30, s6, $0xb8;
	[tilespmem:$0x1B000] =	vst v63  }
0x32a: {  	_ =	swait.ge [sflag:s13], $0x2800  }
0x32b: {  	s31 =	sld [smem:$0x74B]  }
0x32c: {  	[sflag:s13] =	ssyncset.done $0x0  }
0x32d: {  	[sflag:s13] =	ssyncadd.s32 $0xFFFFD800  }
0x32e: {  	[hbm4b:s31+s10] =	stream.strided.scatter [tilespmem:s8], [sflag:$0x4], $0x2800, s11, s10, $0x38;
	[tilespmem:$0x1B000] =	vst v63  }
0x32f: {  	_ =	swait.ge [sflag:s14], $0x2800  }
0x330: {  	s30 =	sld [smem:$0x7C9]  }
0x331: {  	[sflag:s14] =	ssyncset.done $0x0  }
0x332: {  	[sflag:s14] =	ssyncadd.s32 $0xFFFFD800  }
0x333: {  	[tilespmem:s8], [sflag:$0x2] =	stream.indirect.gather [spmem:s1], $0x80, s30, s6, $0xb8;
	[tilespmem:$0x1B000] =	vst v63  }
0x334: {  	_ =	swait.ge [sflag:s9], $0x2800  }
0x335: {  	s31 =	sld [smem:$0x74C]  }
0x336: {  	[sflag:s9] =	ssyncset.done $0x0  }
0x337: {  	[sflag:s9] =	ssyncadd.s32 $0xFFFFD800  }
0x338: {  	[hbm4b:s31+s10] =	stream.strided.scatter [tilespmem:s7], [sflag:$0x3], $0x2800, s11, s10, $0x38;
	[tilespmem:$0x1B000] =	vst v63  }
0x339: {  	_ =	swait.ge [sflag:s12], $0x2800  }
0x33a: {  	s30 =	sld [smem:$0x7CA]  }
0x33b: {  	[sflag:s12] =	ssyncset.done $0x0  }
0x33c: {  	[sflag:s12] =	ssyncadd.s32 $0xFFFFD800  }
0x33d: {  	[tilespmem:s7], [sflag:$0x1] =	stream.indirect.gather [spmem:s1], $0x80, s30, s6, $0xb8;
	[tilespmem:$0x1B000] =	vst v63  }
0x33e: {  	_ =	swait.ge [sflag:s13], $0x2800  }
0x33f: {  	s31 =	sld [smem:$0x74D]  }
0x340: {  	[sflag:s13] =	ssyncset.done $0x0  }
0x341: {  	[sflag:s13] =	ssyncadd.s32 $0xFFFFD800  }
0x342: {  	[hbm4b:s31+s10] =	stream.strided.scatter [tilespmem:s8], [sflag:$0x4], $0x2800, s11, s10, $0x38;
	[tilespmem:$0x1B000] =	vst v63  }
0x343: {  	_ =	swait.ge [sflag:s14], $0x2800  }
0x344: {  	s30 =	sld [smem:$0x7CB]  }
0x345: {  	[sflag:s14] =	ssyncset.done $0x0  }
0x346: {  	[sflag:s14] =	ssyncadd.s32 $0xFFFFD800  }
0x347: {  	[tilespmem:s8], [sflag:$0x2] =	stream.indirect.gather [spmem:s1], $0x80, s30, s6, $0xb8;
	[tilespmem:$0x1B000] =	vst v63  }
0x348: {  	_ =	swait.ge [sflag:s9], $0x2800  }
0x349: {  	s31 =	sld [smem:$0x74E]  }
0x34a: {  	[sflag:s9] =	ssyncset.done $0x0  }
0x34b: {  	[sflag:s9] =	ssyncadd.s32 $0xFFFFD800  }
0x34c: {  	[hbm4b:s31+s10] =	stream.strided.scatter [tilespmem:s7], [sflag:$0x3], $0x2800, s11, s10, $0x38;
	[tilespmem:$0x1B000] =	vst v63  }
0x34d: {  	_ =	swait.ge [sflag:s12], $0x2800  }
0x34e: {  	s30 =	sld [smem:$0x7CC]  }
0x34f: {  	[sflag:s12] =	ssyncset.done $0x0  }
0x350: {  	[sflag:s12] =	ssyncadd.s32 $0xFFFFD800  }
0x351: {  	[tilespmem:s7], [sflag:$0x1] =	stream.indirect.gather [spmem:s1], $0x80, s30, s6, $0xb8;
	[tilespmem:$0x1B000] =	vst v63  }
0x352: {  	_ =	swait.ge [sflag:s13], $0x2800  }
0x353: {  	s31 =	sld [smem:$0x74F]  }
0x354: {  	[sflag:s13] =	ssyncset.done $0x0  }
0x355: {  	[sflag:s13] =	ssyncadd.s32 $0xFFFFD800  }
0x356: {  	[hbm4b:s31+s10] =	stream.strided.scatter [tilespmem:s8], [sflag:$0x4], $0x2800, s11, s10, $0x38;
	[tilespmem:$0x1B000] =	vst v63  }
0x357: {  	_ =	swait.ge [sflag:s14], $0x2800  }
0x358: {  	s30 =	sld [smem:$0x7CD]  }
0x359: {  	[sflag:s14] =	ssyncset.done $0x0  }
0x35a: {  	[sflag:s14] =	ssyncadd.s32 $0xFFFFD800  }
0x35b: {  	[tilespmem:s8], [sflag:$0x2] =	stream.indirect.gather [spmem:s1], $0x80, s30, s6, $0xb8;
	[tilespmem:$0x1B000] =	vst v63  }
0x35c: {  	_ =	swait.ge [sflag:s9], $0x2800  }
0x35d: {  	s31 =	sld [smem:$0x750]  }
0x35e: {  	[sflag:s9] =	ssyncset.done $0x0  }
0x35f: {  	[sflag:s9] =	ssyncadd.s32 $0xFFFFD800  }
0x360: {  	[hbm4b:s31+s10] =	stream.strided.scatter [tilespmem:s7], [sflag:$0x3], $0x2800, s11, s10, $0x38;
	[tilespmem:$0x1B000] =	vst v63  }
0x361: {  	_ =	swait.ge [sflag:s12], $0x2800  }
0x362: {  	s30 =	sld [smem:$0x7CE]  }
0x363: {  	[sflag:s12] =	ssyncset.done $0x0  }
0x364: {  	[sflag:s12] =	ssyncadd.s32 $0xFFFFD800  }
0x365: {  	[tilespmem:s7], [sflag:$0x1] =	stream.indirect.gather [spmem:s1], $0x80, s30, s6, $0xb8;
	[tilespmem:$0x1B000] =	vst v63  }
0x366: {  	_ =	swait.ge [sflag:s13], $0x2800  }
0x367: {  	s31 =	sld [smem:$0x751]  }
0x368: {  	[sflag:s13] =	ssyncset.done $0x0  }
0x369: {  	[sflag:s13] =	ssyncadd.s32 $0xFFFFD800  }
0x36a: {  	[hbm4b:s31+s10] =	stream.strided.scatter [tilespmem:s8], [sflag:$0x4], $0x2800, s11, s10, $0x38;
	[tilespmem:$0x1B000] =	vst v63  }
0x36b: {  	_ =	swait.ge [sflag:s14], $0x2800  }
0x36c: {  	s30 =	sld [smem:$0x7CF]  }
0x36d: {  	[sflag:s14] =	ssyncset.done $0x0  }
0x36e: {  	[sflag:s14] =	ssyncadd.s32 $0xFFFFD800  }
0x36f: {  	[tilespmem:s8], [sflag:$0x2] =	stream.indirect.gather [spmem:s1], $0x80, s30, s6, $0xb8;
	[tilespmem:$0x1B000] =	vst v63  }
0x370: {  	_ =	swait.ge [sflag:s9], $0x2800  }
0x371: {  	s31 =	sld [smem:$0x752]  }
0x372: {  	[sflag:s9] =	ssyncset.done $0x0  }
0x373: {  	[sflag:s9] =	ssyncadd.s32 $0xFFFFD800  }
0x374: {  	[hbm4b:s31+s10] =	stream.strided.scatter [tilespmem:s7], [sflag:$0x3], $0x2800, s11, s10, $0x38;
	[tilespmem:$0x1B000] =	vst v63  }
0x375: {  	_ =	swait.ge [sflag:s12], $0x2800  }
0x376: {  	s30 =	sld [smem:$0x7D0]  }
0x377: {  	[sflag:s12] =	ssyncset.done $0x0  }
0x378: {  	[sflag:s12] =	ssyncadd.s32 $0xFFFFD800  }
0x379: {  	[tilespmem:s7], [sflag:$0x1] =	stream.indirect.gather [spmem:s1], $0x80, s30, s6, $0xb8;
	[tilespmem:$0x1B000] =	vst v63  }
0x37a: {  	_ =	swait.ge [sflag:s13], $0x2800  }
0x37b: {  	s31 =	sld [smem:$0x753]  }
0x37c: {  	[sflag:s13] =	ssyncset.done $0x0  }
0x37d: {  	[sflag:s13] =	ssyncadd.s32 $0xFFFFD800  }
0x37e: {  	[hbm4b:s31+s10] =	stream.strided.scatter [tilespmem:s8], [sflag:$0x4], $0x2800, s11, s10, $0x38;
	[tilespmem:$0x1B000] =	vst v63  }
0x37f: {  	_ =	swait.ge [sflag:s14], $0x2800  }
0x380: {  	s30 =	sld [smem:$0x7D1]  }
0x381: {  	[sflag:s14] =	ssyncset.done $0x0  }
0x382: {  	[sflag:s14] =	ssyncadd.s32 $0xFFFFD800  }
0x383: {  	[tilespmem:s8], [sflag:$0x2] =	stream.indirect.gather [spmem:s1], $0x80, s30, s6, $0xb8;
	[tilespmem:$0x1B000] =	vst v63  }
0x384: {  	_ =	swait.ge [sflag:s9], $0x2800  }
0x385: {  	s31 =	sld [smem:$0x754]  }
0x386: {  	[sflag:s9] =	ssyncset.done $0x0  }
0x387: {  	[sflag:s9] =	ssyncadd.s32 $0xFFFFD800  }
0x388: {  	[hbm4b:s31+s10] =	stream.strided.scatter [tilespmem:s7], [sflag:$0x3], $0x2800, s11, s10, $0x38;
	[tilespmem:$0x1B000] =	vst v63  }
0x389: {  	_ =	swait.ge [sflag:s12], $0x2800  }
0x38a: {  	s30 =	sld [smem:$0x7D2]  }
0x38b: {  	[sflag:s12] =	ssyncset.done $0x0  }
0x38c: {  	[sflag:s12] =	ssyncadd.s32 $0xFFFFD800  }
0x38d: {  	[tilespmem:s7], [sflag:$0x1] =	stream.indirect.gather [spmem:s1], $0x80, s30, s6, $0xb8;
	[tilespmem:$0x1B000] =	vst v63  }
0x38e: {  	_ =	swait.ge [sflag:s13], $0x2800  }
0x38f: {  	s31 =	sld [smem:$0x755]  }
0x390: {  	[sflag:s13] =	ssyncset.done $0x0  }
0x391: {  	[sflag:s13] =	ssyncadd.s32 $0xFFFFD800  }
0x392: {  	[hbm4b:s31+s10] =	stream.strided.scatter [tilespmem:s8], [sflag:$0x4], $0x2800, s11, s10, $0x38;
	[tilespmem:$0x1B000] =	vst v63  }
0x393: {  	_ =	swait.ge [sflag:s14], $0x2800  }
0x394: {  	s30 =	sld [smem:$0x7D3]  }
0x395: {  	[sflag:s14] =	ssyncset.done $0x0  }
0x396: {  	[sflag:s14] =	ssyncadd.s32 $0xFFFFD800  }
0x397: {  	[tilespmem:s8], [sflag:$0x2] =	stream.indirect.gather [spmem:s1], $0x80, s30, s6, $0xb8;
	[tilespmem:$0x1B000] =	vst v63  }
0x398: {  	_ =	swait.ge [sflag:s9], $0x2800  }
0x399: {  	s31 =	sld [smem:$0x756]  }
0x39a: {  	[sflag:s9] =	ssyncset.done $0x0  }
0x39b: {  	[sflag:s9] =	ssyncadd.s32 $0xFFFFD800  }
0x39c: {  	[hbm4b:s31+s10] =	stream.strided.scatter [tilespmem:s7], [sflag:$0x3], $0x2800, s11, s10, $0x38;
	[tilespmem:$0x1B000] =	vst v63  }
0x39d: {  	_ =	swait.ge [sflag:s12], $0x2800  }
0x39e: {  	s30 =	sld [smem:$0x7D4]  }
0x39f: {  	[sflag:s12] =	ssyncset.done $0x0  }
0x3a0: {  	[sflag:s12] =	ssyncadd.s32 $0xFFFFD800  }
0x3a1: {  	[tilespmem:s7], [sflag:$0x1] =	stream.indirect.gather [spmem:s1], $0x80, s30, s6, $0xb8;
	[tilespmem:$0x1B000] =	vst v63  }
0x3a2: {  	_ =	swait.ge [sflag:s13], $0x2800  }
0x3a3: {  	s31 =	sld [smem:$0x757]  }
0x3a4: {  	[sflag:s13] =	ssyncset.done $0x0  }
0x3a5: {  	[sflag:s13] =	ssyncadd.s32 $0xFFFFD800  }
0x3a6: {  	[hbm4b:s31+s10] =	stream.strided.scatter [tilespmem:s8], [sflag:$0x4], $0x2800, s11, s10, $0x38;
	[tilespmem:$0x1B000] =	vst v63  }
0x3a7: {  	_ =	swait.ge [sflag:s14], $0x2800  }
0x3a8: {  	s30 =	sld [smem:$0x7D5]  }
0x3a9: {  	[sflag:s14] =	ssyncset.done $0x0  }
0x3aa: {  	[sflag:s14] =	ssyncadd.s32 $0xFFFFD800  }
0x3ab: {  	[tilespmem:s8], [sflag:$0x2] =	stream.indirect.gather [spmem:s1], $0x80, s30, s6, $0xb8;
	[tilespmem:$0x1B000] =	vst v63  }
0x3ac: {  	_ =	swait.ge [sflag:s9], $0x2800  }
0x3ad: {  	s31 =	sld [smem:$0x758]  }
0x3ae: {  	[sflag:s9] =	ssyncset.done $0x0  }
0x3af: {  	[sflag:s9] =	ssyncadd.s32 $0xFFFFD800  }
0x3b0: {  	[hbm4b:s31+s10] =	stream.strided.scatter [tilespmem:s7], [sflag:$0x3], $0x2800, s11, s10, $0x38;
	[tilespmem:$0x1B000] =	vst v63  }
0x3b1: {  	_ =	swait.ge [sflag:s12], $0x2800  }
0x3b2: {  	s30 =	sld [smem:$0x7D6]  }
0x3b3: {  	[sflag:s12] =	ssyncset.done $0x0  }
0x3b4: {  	[sflag:s12] =	ssyncadd.s32 $0xFFFFD800  }
0x3b5: {  	[tilespmem:s7], [sflag:$0x1] =	stream.indirect.gather [spmem:s1], $0x80, s30, s6, $0xb8;
	[tilespmem:$0x1B000] =	vst v63  }
0x3b6: {  	_ =	swait.ge [sflag:s13], $0x2800  }
0x3b7: {  	s31 =	sld [smem:$0x759]  }
0x3b8: {  	[sflag:s13] =	ssyncset.done $0x0  }
0x3b9: {  	[sflag:s13] =	ssyncadd.s32 $0xFFFFD800  }
0x3ba: {  	[hbm4b:s31+s10] =	stream.strided.scatter [tilespmem:s8], [sflag:$0x4], $0x2800, s11, s10, $0x38;
	[tilespmem:$0x1B000] =	vst v63  }
0x3bb: {  	_ =	swait.ge [sflag:s14], $0x2800  }
0x3bc: {  	s30 =	sld [smem:$0x7D7]  }
0x3bd: {  	[sflag:s14] =	ssyncset.done $0x0  }
0x3be: {  	[sflag:s14] =	ssyncadd.s32 $0xFFFFD800  }
0x3bf: {  	[tilespmem:s8], [sflag:$0x2] =	stream.indirect.gather [spmem:s1], $0x80, s30, s6, $0xb8;
	[tilespmem:$0x1B000] =	vst v63  }
0x3c0: {  	_ =	swait.ge [sflag:s9], $0x2800  }
0x3c1: {  	s31 =	sld [smem:$0x75A]  }
0x3c2: {  	[sflag:s9] =	ssyncset.done $0x0  }
0x3c3: {  	[sflag:s9] =	ssyncadd.s32 $0xFFFFD800  }
0x3c4: {  	[hbm4b:s31+s10] =	stream.strided.scatter [tilespmem:s7], [sflag:$0x3], $0x2800, s11, s10, $0x38;
	[tilespmem:$0x1B000] =	vst v63  }
0x3c5: {  	_ =	swait.ge [sflag:s12], $0x2800  }
0x3c6: {  	s30 =	sld [smem:$0x7D8]  }
0x3c7: {  	[sflag:s12] =	ssyncset.done $0x0  }
0x3c8: {  	[sflag:s12] =	ssyncadd.s32 $0xFFFFD800  }
0x3c9: {  	[tilespmem:s7], [sflag:$0x1] =	stream.indirect.gather [spmem:s1], $0x80, s30, s6, $0xb8;
	[tilespmem:$0x1B000] =	vst v63  }
0x3ca: {  	_ =	swait.ge [sflag:s13], $0x2800  }
0x3cb: {  	s31 =	sld [smem:$0x75B]  }
0x3cc: {  	[sflag:s13] =	ssyncset.done $0x0  }
0x3cd: {  	[sflag:s13] =	ssyncadd.s32 $0xFFFFD800  }
0x3ce: {  	[hbm4b:s31+s10] =	stream.strided.scatter [tilespmem:s8], [sflag:$0x4], $0x2800, s11, s10, $0x38;
	[tilespmem:$0x1B000] =	vst v63  }
0x3cf: {  	_ =	swait.ge [sflag:s14], $0x2800  }
0x3d0: {  	s30 =	sld [smem:$0x7D9]  }
0x3d1: {  	[sflag:s14] =	ssyncset.done $0x0  }
0x3d2: {  	[sflag:s14] =	ssyncadd.s32 $0xFFFFD800  }
0x3d3: {  	[tilespmem:s8], [sflag:$0x2] =	stream.indirect.gather [spmem:s1], $0x80, s30, s6, $0xb8;
	[tilespmem:$0x1B000] =	vst v63  }
0x3d4: {  	_ =	swait.ge [sflag:s9], $0x2800  }
0x3d5: {  	s31 =	sld [smem:$0x75C]  }
0x3d6: {  	[sflag:s9] =	ssyncset.done $0x0  }
0x3d7: {  	[sflag:s9] =	ssyncadd.s32 $0xFFFFD800  }
0x3d8: {  	[hbm4b:s31+s10] =	stream.strided.scatter [tilespmem:s7], [sflag:$0x3], $0x2800, s11, s10, $0x38;
	[tilespmem:$0x1B000] =	vst v63  }
0x3d9: {  	_ =	swait.ge [sflag:s12], $0x2800  }
0x3da: {  	s30 =	sld [smem:$0x7DA]  }
0x3db: {  	[sflag:s12] =	ssyncset.done $0x0  }
0x3dc: {  	[sflag:s12] =	ssyncadd.s32 $0xFFFFD800  }
0x3dd: {  	[tilespmem:s7], [sflag:$0x1] =	stream.indirect.gather [spmem:s1], $0x80, s30, s6, $0xb8;
	[tilespmem:$0x1B000] =	vst v63  }
0x3de: {  	_ =	swait.ge [sflag:s13], $0x2800  }
0x3df: {  	s31 =	sld [smem:$0x75D]  }
0x3e0: {  	[sflag:s13] =	ssyncset.done $0x0  }
0x3e1: {  	[sflag:s13] =	ssyncadd.s32 $0xFFFFD800  }
0x3e2: {  	[hbm4b:s31+s10] =	stream.strided.scatter [tilespmem:s8], [sflag:$0x4], $0x2800, s11, s10, $0x38;
	[tilespmem:$0x1B000] =	vst v63  }
0x3e3: {  	_ =	swait.ge [sflag:s14], $0x2800  }
0x3e4: {  	s30 =	sld [smem:$0x7DB]  }
0x3e5: {  	[sflag:s14] =	ssyncset.done $0x0  }
0x3e6: {  	[sflag:s14] =	ssyncadd.s32 $0xFFFFD800  }
0x3e7: {  	[tilespmem:s8], [sflag:$0x2] =	stream.indirect.gather [spmem:s1], $0x80, s30, s6, $0xb8;
	[tilespmem:$0x1B000] =	vst v63  }
0x3e8: {  	_ =	swait.ge [sflag:s9], $0x2800  }
0x3e9: {  	s31 =	sld [smem:$0x75E]  }
0x3ea: {  	[sflag:s9] =	ssyncset.done $0x0  }
0x3eb: {  	[sflag:s9] =	ssyncadd.s32 $0xFFFFD800  }
0x3ec: {  	[hbm4b:s31+s10] =	stream.strided.scatter [tilespmem:s7], [sflag:$0x3], $0x2800, s11, s10, $0x38;
	[tilespmem:$0x1B000] =	vst v63  }
0x3ed: {  	_ =	swait.ge [sflag:s12], $0x2800  }
0x3ee: {  	s30 =	sld [smem:$0x7DC]  }
0x3ef: {  	[sflag:s12] =	ssyncset.done $0x0  }
0x3f0: {  	[sflag:s12] =	ssyncadd.s32 $0xFFFFD800  }
0x3f1: {  	[tilespmem:s7], [sflag:$0x1] =	stream.indirect.gather [spmem:s1], $0x80, s30, s6, $0xb8;
	[tilespmem:$0x1B000] =	vst v63  }
0x3f2: {  	_ =	swait.ge [sflag:s13], $0x2800  }
0x3f3: {  	s31 =	sld [smem:$0x75F]  }
0x3f4: {  	[sflag:s13] =	ssyncset.done $0x0  }
0x3f5: {  	[sflag:s13] =	ssyncadd.s32 $0xFFFFD800  }
0x3f6: {  	[hbm4b:s31+s10] =	stream.strided.scatter [tilespmem:s8], [sflag:$0x4], $0x2800, s11, s10, $0x38;
	[tilespmem:$0x1B000] =	vst v63  }
0x3f7: {  	_ =	swait.ge [sflag:s14], $0x2800  }
0x3f8: {  	s30 =	sld [smem:$0x7DD]  }
0x3f9: {  	[sflag:s14] =	ssyncset.done $0x0  }
0x3fa: {  	[sflag:s14] =	ssyncadd.s32 $0xFFFFD800  }
0x3fb: {  	[tilespmem:s8], [sflag:$0x2] =	stream.indirect.gather [spmem:s1], $0x80, s30, s6, $0xb8;
	[tilespmem:$0x1B000] =	vst v63  }
0x3fc: {  	_ =	swait.ge [sflag:s9], $0x2800  }
0x3fd: {  	s31 =	sld [smem:$0x760]  }
0x3fe: {  	[sflag:s9] =	ssyncset.done $0x0  }
0x3ff: {  	[sflag:s9] =	ssyncadd.s32 $0xFFFFD800  }
0x400: {  	[hbm4b:s31+s10] =	stream.strided.scatter [tilespmem:s7], [sflag:$0x3], $0x2800, s11, s10, $0x38;
	[tilespmem:$0x1B000] =	vst v63  }
0x401: {  	_ =	swait.ge [sflag:s12], $0x2800  }
0x402: {  	s30 =	sld [smem:$0x7DE]  }
0x403: {  	[sflag:s12] =	ssyncset.done $0x0  }
0x404: {  	[sflag:s12] =	ssyncadd.s32 $0xFFFFD800  }
0x405: {  	[tilespmem:s7], [sflag:$0x1] =	stream.indirect.gather [spmem:s1], $0x80, s30, s6, $0xb8;
	[tilespmem:$0x1B000] =	vst v63  }
0x406: {  	_ =	swait.ge [sflag:s13], $0x2800  }
0x407: {  	s31 =	sld [smem:$0x761]  }
0x408: {  	[sflag:s13] =	ssyncset.done $0x0  }
0x409: {  	[sflag:s13] =	ssyncadd.s32 $0xFFFFD800  }
0x40a: {  	[hbm4b:s31+s10] =	stream.strided.scatter [tilespmem:s8], [sflag:$0x4], $0x2800, s11, s10, $0x38;
	[tilespmem:$0x1B000] =	vst v63  }
0x40b: {  	_ =	swait.ge [sflag:s14], $0x2800  }
0x40c: {  	s30 =	sld [smem:$0x7DF]  }
0x40d: {  	[sflag:s14] =	ssyncset.done $0x0  }
0x40e: {  	[sflag:s14] =	ssyncadd.s32 $0xFFFFD800  }
0x40f: {  	[tilespmem:s8], [sflag:$0x2] =	stream.indirect.gather [spmem:s1], $0x80, s30, s6, $0xb8;
	[tilespmem:$0x1B000] =	vst v63  }
0x410: {  	_ =	swait.ge [sflag:s9], $0x2800  }
0x411: {  	s31 =	sld [smem:$0x762]  }
0x412: {  	[sflag:s9] =	ssyncset.done $0x0  }
0x413: {  	[sflag:s9] =	ssyncadd.s32 $0xFFFFD800  }
0x414: {  	[hbm4b:s31+s10] =	stream.strided.scatter [tilespmem:s7], [sflag:$0x3], $0x2800, s11, s10, $0x38;
	[tilespmem:$0x1B000] =	vst v63  }
0x415: {  	_ =	swait.ge [sflag:s12], $0x2800  }
0x416: {  	s30 =	sld [smem:$0x7E0]  }
0x417: {  	[sflag:s12] =	ssyncset.done $0x0  }
0x418: {  	[sflag:s12] =	ssyncadd.s32 $0xFFFFD800  }
0x419: {  	[tilespmem:s7], [sflag:$0x1] =	stream.indirect.gather [spmem:s1], $0x80, s30, s6, $0xb8;
	[tilespmem:$0x1B000] =	vst v63  }
0x41a: {  	_ =	swait.ge [sflag:s13], $0x2800  }
0x41b: {  	s31 =	sld [smem:$0x763]  }
0x41c: {  	[sflag:s13] =	ssyncset.done $0x0  }
0x41d: {  	[sflag:s13] =	ssyncadd.s32 $0xFFFFD800  }
0x41e: {  	[hbm4b:s31+s10] =	stream.strided.scatter [tilespmem:s8], [sflag:$0x4], $0x2800, s11, s10, $0x38;
	[tilespmem:$0x1B000] =	vst v63  }
0x41f: {  	_ =	swait.ge [sflag:s14], $0x2800  }
0x420: {  	s30 =	sld [smem:$0x7E1]  }
0x421: {  	[sflag:s14] =	ssyncset.done $0x0  }
0x422: {  	[sflag:s14] =	ssyncadd.s32 $0xFFFFD800  }
0x423: {  	[tilespmem:s8], [sflag:$0x2] =	stream.indirect.gather [spmem:s1], $0x80, s30, s6, $0xb8;
	[tilespmem:$0x1B000] =	vst v63  }
0x424: {  	_ =	swait.ge [sflag:s9], $0x2800  }
0x425: {  	s31 =	sld [smem:$0x764]  }
0x426: {  	[sflag:s9] =	ssyncset.done $0x0  }
0x427: {  	[sflag:s9] =	ssyncadd.s32 $0xFFFFD800  }
0x428: {  	[hbm4b:s31+s10] =	stream.strided.scatter [tilespmem:s7], [sflag:$0x3], $0x2800, s11, s10, $0x38;
	[tilespmem:$0x1B000] =	vst v63  }
0x429: {  	_ =	swait.ge [sflag:s12], $0x2800  }
0x42a: {  	s30 =	sld [smem:$0x7E2]  }
0x42b: {  	[sflag:s12] =	ssyncset.done $0x0  }
0x42c: {  	[sflag:s12] =	ssyncadd.s32 $0xFFFFD800  }
0x42d: {  	[tilespmem:s7], [sflag:$0x1] =	stream.indirect.gather [spmem:s1], $0x80, s30, s6, $0xb8;
	[tilespmem:$0x1B000] =	vst v63  }
0x42e: {  	_ =	swait.ge [sflag:s13], $0x2800  }
0x42f: {  	s31 =	sld [smem:$0x765]  }
0x430: {  	[sflag:s13] =	ssyncset.done $0x0  }
0x431: {  	[sflag:s13] =	ssyncadd.s32 $0xFFFFD800  }
0x432: {  	[hbm4b:s31+s10] =	stream.strided.scatter [tilespmem:s8], [sflag:$0x4], $0x2800, s11, s10, $0x38;
	[tilespmem:$0x1B000] =	vst v63  }
0x433: {  	_ =	swait.ge [sflag:s14], $0x2800  }
0x434: {  	s30 =	sld [smem:$0x7E3]  }
0x435: {  	[sflag:s14] =	ssyncset.done $0x0  }
0x436: {  	[sflag:s14] =	ssyncadd.s32 $0xFFFFD800  }
0x437: {  	[tilespmem:s8], [sflag:$0x2] =	stream.indirect.gather [spmem:s1], $0x80, s30, s6, $0xb8;
	[tilespmem:$0x1B000] =	vst v63  }
0x438: {  	_ =	swait.ge [sflag:s9], $0x2800  }
0x439: {  	s31 =	sld [smem:$0x766]  }
0x43a: {  	[sflag:s9] =	ssyncset.done $0x0  }
0x43b: {  	[sflag:s9] =	ssyncadd.s32 $0xFFFFD800  }
0x43c: {  	[hbm4b:s31+s10] =	stream.strided.scatter [tilespmem:s7], [sflag:$0x3], $0x2800, s11, s10, $0x38;
	[tilespmem:$0x1B000] =	vst v63  }
0x43d: {  	_ =	swait.ge [sflag:s12], $0x2800  }
0x43e: {  	s30 =	sld [smem:$0x7E4]  }
0x43f: {  	[sflag:s12] =	ssyncset.done $0x0  }
0x440: {  	[sflag:s12] =	ssyncadd.s32 $0xFFFFD800  }
0x441: {  	[tilespmem:s7], [sflag:$0x1] =	stream.indirect.gather [spmem:s1], $0x80, s30, s6, $0xb8;
	[tilespmem:$0x1B000] =	vst v63  }
0x442: {  	_ =	swait.ge [sflag:s13], $0x2800  }
0x443: {  	s31 =	sld [smem:$0x767]  }
0x444: {  	[sflag:s13] =	ssyncset.done $0x0  }
0x445: {  	[sflag:s13] =	ssyncadd.s32 $0xFFFFD800  }
0x446: {  	[hbm4b:s31+s10] =	stream.strided.scatter [tilespmem:s8], [sflag:$0x4], $0x2800, s11, s10, $0x38;
	[tilespmem:$0x1B000] =	vst v63  }
0x447: {  	_ =	swait.ge [sflag:s14], $0x2800  }
0x448: {  	s30 =	sld [smem:$0x7E5]  }
0x449: {  	[sflag:s14] =	ssyncset.done $0x0  }
0x44a: {  	[sflag:s14] =	ssyncadd.s32 $0xFFFFD800  }
0x44b: {  	[tilespmem:s8], [sflag:$0x2] =	stream.indirect.gather [spmem:s1], $0x80, s30, s6, $0xb8;
	[tilespmem:$0x1B000] =	vst v63  }
0x44c: {  	_ =	swait.ge [sflag:s9], $0x2800  }
0x44d: {  	s31 =	sld [smem:$0x768]  }
0x44e: {  	[sflag:s9] =	ssyncset.done $0x0  }
0x44f: {  	[sflag:s9] =	ssyncadd.s32 $0xFFFFD800  }
0x450: {  	[hbm4b:s31+s10] =	stream.strided.scatter [tilespmem:s7], [sflag:$0x3], $0x2800, s11, s10, $0x38;
	[tilespmem:$0x1B000] =	vst v63  }
0x451: {  	_ =	swait.ge [sflag:s12], $0x2800  }
0x452: {  	s30 =	sld [smem:$0x7E6]  }
0x453: {  	[sflag:s12] =	ssyncset.done $0x0  }
0x454: {  	[sflag:s12] =	ssyncadd.s32 $0xFFFFD800  }
0x455: {  	[tilespmem:s7], [sflag:$0x1] =	stream.indirect.gather [spmem:s1], $0x80, s30, s6, $0xb8;
	[tilespmem:$0x1B000] =	vst v63  }
0x456: {  	_ =	swait.ge [sflag:s13], $0x2800  }
0x457: {  	s31 =	sld [smem:$0x769]  }
0x458: {  	[sflag:s13] =	ssyncset.done $0x0  }
0x459: {  	[sflag:s13] =	ssyncadd.s32 $0xFFFFD800  }
0x45a: {  	[hbm4b:s31+s10] =	stream.strided.scatter [tilespmem:s8], [sflag:$0x4], $0x2800, s11, s10, $0x38;
	[tilespmem:$0x1B000] =	vst v63  }
0x45b: {  	_ =	swait.ge [sflag:s14], $0x2800  }
0x45c: {  	s30 =	sld [smem:$0x7E7]  }
0x45d: {  	[sflag:s14] =	ssyncset.done $0x0  }
0x45e: {  	[sflag:s14] =	ssyncadd.s32 $0xFFFFD800  }
0x45f: {  	[tilespmem:s8], [sflag:$0x2] =	stream.indirect.gather [spmem:s1], $0x80, s30, s6, $0xb8;
	[tilespmem:$0x1B000] =	vst v63  }
0x460: {  	_ =	swait.ge [sflag:s9], $0x2800  }
0x461: {  	s31 =	sld [smem:$0x76A]  }
0x462: {  	[sflag:s9] =	ssyncset.done $0x0  }
0x463: {  	[sflag:s9] =	ssyncadd.s32 $0xFFFFD800  }
0x464: {  	[hbm4b:s31+s10] =	stream.strided.scatter [tilespmem:s7], [sflag:$0x3], $0x2800, s11, s10, $0x38;
	[tilespmem:$0x1B000] =	vst v63  }
0x465: {  	_ =	swait.ge [sflag:s12], $0x2800  }
0x466: {  	s30 =	sld [smem:$0x7E8]  }
0x467: {  	[sflag:s12] =	ssyncset.done $0x0  }
0x468: {  	[sflag:s12] =	ssyncadd.s32 $0xFFFFD800  }
0x469: {  	[tilespmem:s7], [sflag:$0x1] =	stream.indirect.gather [spmem:s1], $0x80, s30, s6, $0xb8;
	[tilespmem:$0x1B000] =	vst v63  }
0x46a: {  	_ =	swait.ge [sflag:s13], $0x2800  }
0x46b: {  	s31 =	sld [smem:$0x76B]  }
0x46c: {  	[sflag:s13] =	ssyncset.done $0x0  }
0x46d: {  	[sflag:s13] =	ssyncadd.s32 $0xFFFFD800  }
0x46e: {  	[hbm4b:s31+s10] =	stream.strided.scatter [tilespmem:s8], [sflag:$0x4], $0x2800, s11, s10, $0x38;
	[tilespmem:$0x1B000] =	vst v63  }
0x46f: {  	_ =	swait.ge [sflag:s14], $0x2800  }
0x470: {  	s30 =	sld [smem:$0x7E9]  }
0x471: {  	[sflag:s14] =	ssyncset.done $0x0  }
0x472: {  	[sflag:s14] =	ssyncadd.s32 $0xFFFFD800  }
0x473: {  	[tilespmem:s8], [sflag:$0x2] =	stream.indirect.gather [spmem:s1], $0x80, s30, s6, $0xb8;
	[tilespmem:$0x1B000] =	vst v63  }
0x474: {  	_ =	swait.ge [sflag:s9], $0x2800  }
0x475: {  	s31 =	sld [smem:$0x76C]  }
0x476: {  	[sflag:s9] =	ssyncset.done $0x0  }
0x477: {  	[sflag:s9] =	ssyncadd.s32 $0xFFFFD800  }
0x478: {  	[hbm4b:s31+s10] =	stream.strided.scatter [tilespmem:s7], [sflag:$0x3], $0x2800, s11, s10, $0x38;
	[tilespmem:$0x1B000] =	vst v63  }
0x479: {  	_ =	swait.ge [sflag:s12], $0x2800  }
0x47a: {  	s30 =	sld [smem:$0x7EA]  }
0x47b: {  	[sflag:s12] =	ssyncset.done $0x0  }
0x47c: {  	[sflag:s12] =	ssyncadd.s32 $0xFFFFD800  }
0x47d: {  	[tilespmem:s7], [sflag:$0x1] =	stream.indirect.gather [spmem:s1], $0x80, s30, s6, $0xb8;
	[tilespmem:$0x1B000] =	vst v63  }
0x47e: {  	_ =	swait.ge [sflag:s13], $0x2800  }
0x47f: {  	s31 =	sld [smem:$0x76D]  }
0x480: {  	[sflag:s13] =	ssyncset.done $0x0  }
0x481: {  	[sflag:s13] =	ssyncadd.s32 $0xFFFFD800  }
0x482: {  	[hbm4b:s31+s10] =	stream.strided.scatter [tilespmem:s8], [sflag:$0x4], $0x2800, s11, s10, $0x38;
	[tilespmem:$0x1B000] =	vst v63  }
0x483: {  	_ =	swait.ge [sflag:s14], $0x2800  }
0x484: {  	s30 =	sld [smem:$0x7EB]  }
0x485: {  	[sflag:s14] =	ssyncset.done $0x0  }
0x486: {  	[sflag:s14] =	ssyncadd.s32 $0xFFFFD800  }
0x487: {  	[tilespmem:s8], [sflag:$0x2] =	stream.indirect.gather [spmem:s1], $0x80, s30, s6, $0xb8;
	[tilespmem:$0x1B000] =	vst v63  }
0x488: {  	_ =	swait.ge [sflag:s9], $0x2800  }
0x489: {  	s31 =	sld [smem:$0x76E]  }
0x48a: {  	[sflag:s9] =	ssyncset.done $0x0  }
0x48b: {  	[sflag:s9] =	ssyncadd.s32 $0xFFFFD800  }
0x48c: {  	[hbm4b:s31+s10] =	stream.strided.scatter [tilespmem:s7], [sflag:$0x3], $0x2800, s11, s10, $0x38;
	[tilespmem:$0x1B000] =	vst v63  }
0x48d: {  	_ =	swait.ge [sflag:s12], $0x2800  }
0x48e: {  	s30 =	sld [smem:$0x7EC]  }
0x48f: {  	[sflag:s12] =	ssyncset.done $0x0  }
0x490: {  	[sflag:s12] =	ssyncadd.s32 $0xFFFFD800  }
0x491: {  	[tilespmem:s7], [sflag:$0x1] =	stream.indirect.gather [spmem:s1], $0x80, s30, s6, $0xb8;
	[tilespmem:$0x1B000] =	vst v63  }
0x492: {  	_ =	swait.ge [sflag:s13], $0x2800  }
0x493: {  	s31 =	sld [smem:$0x76F]  }
0x494: {  	[sflag:s13] =	ssyncset.done $0x0  }
0x495: {  	[sflag:s13] =	ssyncadd.s32 $0xFFFFD800  }
0x496: {  	[hbm4b:s31+s10] =	stream.strided.scatter [tilespmem:s8], [sflag:$0x4], $0x2800, s11, s10, $0x38;
	[tilespmem:$0x1B000] =	vst v63  }
0x497: {  	_ =	swait.ge [sflag:s14], $0x2800  }
0x498: {  	s30 =	sld [smem:$0x7ED]  }
0x499: {  	[sflag:s14] =	ssyncset.done $0x0  }
0x49a: {  	[sflag:s14] =	ssyncadd.s32 $0xFFFFD800  }
0x49b: {  	[tilespmem:s8], [sflag:$0x2] =	stream.indirect.gather [spmem:s1], $0x80, s30, s6, $0xb8;
	[tilespmem:$0x1B000] =	vst v63  }
0x49c: {  	_ =	swait.ge [sflag:s9], $0x2800  }
0x49d: {  	s31 =	sld [smem:$0x770]  }
0x49e: {  	[sflag:s9] =	ssyncset.done $0x0  }
0x49f: {  	[sflag:s9] =	ssyncadd.s32 $0xFFFFD800  }
0x4a0: {  	[hbm4b:s31+s10] =	stream.strided.scatter [tilespmem:s7], [sflag:$0x3], $0x2800, s11, s10, $0x38;
	[tilespmem:$0x1B000] =	vst v63  }
0x4a1: {  	_ =	swait.ge [sflag:s12], $0x2800  }
0x4a2: {  	s30 =	sld [smem:$0x7EE]  }
0x4a3: {  	[sflag:s12] =	ssyncset.done $0x0  }
0x4a4: {  	[sflag:s12] =	ssyncadd.s32 $0xFFFFD800  }
0x4a5: {  	[tilespmem:s7], [sflag:$0x1] =	stream.indirect.gather [spmem:s1], $0x80, s30, s6, $0xb8;
	[tilespmem:$0x1B000] =	vst v63  }
0x4a6: {  	_ =	swait.ge [sflag:s13], $0x2800  }
0x4a7: {  	s31 =	sld [smem:$0x771]  }
0x4a8: {  	[sflag:s13] =	ssyncset.done $0x0  }
0x4a9: {  	[sflag:s13] =	ssyncadd.s32 $0xFFFFD800  }
0x4aa: {  	[hbm4b:s31+s10] =	stream.strided.scatter [tilespmem:s8], [sflag:$0x4], $0x2800, s11, s10, $0x38;
	[tilespmem:$0x1B000] =	vst v63  }
0x4ab: {  	_ =	swait.ge [sflag:s14], $0x2800  }
0x4ac: {  	s30 =	sld [smem:$0x7EF]  }
0x4ad: {  	[sflag:s14] =	ssyncset.done $0x0  }
0x4ae: {  	[sflag:s14] =	ssyncadd.s32 $0xFFFFD800  }
0x4af: {  	[tilespmem:s8], [sflag:$0x2] =	stream.indirect.gather [spmem:s1], $0x80, s30, s6, $0xb8;
	[tilespmem:$0x1B000] =	vst v63  }
0x4b0: {  	_ =	swait.ge [sflag:s9], $0x2800  }
0x4b1: {  	s31 =	sld [smem:$0x772]  }
0x4b2: {  	[sflag:s9] =	ssyncset.done $0x0  }
0x4b3: {  	[sflag:s9] =	ssyncadd.s32 $0xFFFFD800  }
0x4b4: {  	[hbm4b:s31+s10] =	stream.strided.scatter [tilespmem:s7], [sflag:$0x3], $0x2800, s11, s10, $0x38;
	[tilespmem:$0x1B000] =	vst v63  }
0x4b5: {  	_ =	swait.ge [sflag:s12], $0x2800  }
0x4b6: {  	s30 =	sld [smem:$0x7F0]  }
0x4b7: {  	[sflag:s12] =	ssyncset.done $0x0  }
0x4b8: {  	[sflag:s12] =	ssyncadd.s32 $0xFFFFD800  }
0x4b9: {  	[tilespmem:s7], [sflag:$0x1] =	stream.indirect.gather [spmem:s1], $0x80, s30, s6, $0xb8;
	[tilespmem:$0x1B000] =	vst v63  }
0x4ba: {  	_ =	swait.ge [sflag:s13], $0x2800  }
0x4bb: {  	s31 =	sld [smem:$0x773]  }
0x4bc: {  	[sflag:s13] =	ssyncset.done $0x0  }
0x4bd: {  	[sflag:s13] =	ssyncadd.s32 $0xFFFFD800  }
0x4be: {  	[hbm4b:s31+s10] =	stream.strided.scatter [tilespmem:s8], [sflag:$0x4], $0x2800, s11, s10, $0x38;
	[tilespmem:$0x1B000] =	vst v63  }
0x4bf: {  	_ =	swait.ge [sflag:s14], $0x2800  }
0x4c0: {  	s30 =	sld [smem:$0x7F1]  }
0x4c1: {  	[sflag:s14] =	ssyncset.done $0x0  }
0x4c2: {  	[sflag:s14] =	ssyncadd.s32 $0xFFFFD800  }
0x4c3: {  	[tilespmem:s8], [sflag:$0x2] =	stream.indirect.gather [spmem:s1], $0x80, s30, s6, $0xb8;
	[tilespmem:$0x1B000] =	vst v63  }
0x4c4: {  	_ =	swait.ge [sflag:s9], $0x2800  }
0x4c5: {  	s31 =	sld [smem:$0x774]  }
0x4c6: {  	[sflag:s9] =	ssyncset.done $0x0  }
0x4c7: {  	[sflag:s9] =	ssyncadd.s32 $0xFFFFD800  }
0x4c8: {  	[hbm4b:s31+s10] =	stream.strided.scatter [tilespmem:s7], [sflag:$0x3], $0x2800, s11, s10, $0x38;
	[tilespmem:$0x1B000] =	vst v63  }
0x4c9: {  	_ =	swait.ge [sflag:s12], $0x2800  }
0x4ca: {  	s30 =	sld [smem:$0x7F2]  }
0x4cb: {  	[sflag:s12] =	ssyncset.done $0x0  }
0x4cc: {  	[sflag:s12] =	ssyncadd.s32 $0xFFFFD800  }
0x4cd: {  	[tilespmem:s7], [sflag:$0x1] =	stream.indirect.gather [spmem:s1], $0x80, s30, s6, $0xb8;
	[tilespmem:$0x1B000] =	vst v63  }
0x4ce: {  	_ =	swait.ge [sflag:s13], $0x2800  }
0x4cf: {  	s31 =	sld [smem:$0x775]  }
0x4d0: {  	[sflag:s13] =	ssyncset.done $0x0  }
0x4d1: {  	[sflag:s13] =	ssyncadd.s32 $0xFFFFD800  }
0x4d2: {  	[hbm4b:s31+s10] =	stream.strided.scatter [tilespmem:s8], [sflag:$0x4], $0x2800, s11, s10, $0x38;
	[tilespmem:$0x1B000] =	vst v63  }
0x4d3: {  	_ =	swait.ge [sflag:s14], $0x2800  }
0x4d4: {  	s30 =	sld [smem:$0x7F3]  }
0x4d5: {  	[sflag:s14] =	ssyncset.done $0x0  }
0x4d6: {  	[sflag:s14] =	ssyncadd.s32 $0xFFFFD800  }
0x4d7: {  	[tilespmem:s8], [sflag:$0x2] =	stream.indirect.gather [spmem:s1], $0x80, s30, s6, $0xb8;
	[tilespmem:$0x1B000] =	vst v63  }
0x4d8: {  	_ =	swait.ge [sflag:s9], $0x2800  }
0x4d9: {  	s31 =	sld [smem:$0x776]  }
0x4da: {  	[sflag:s9] =	ssyncset.done $0x0  }
0x4db: {  	[sflag:s9] =	ssyncadd.s32 $0xFFFFD800  }
0x4dc: {  	[hbm4b:s31+s10] =	stream.strided.scatter [tilespmem:s7], [sflag:$0x3], $0x2800, s11, s10, $0x38;
	[tilespmem:$0x1B000] =	vst v63  }
0x4dd: {  	_ =	swait.ge [sflag:s12], $0x2800  }
0x4de: {  	s30 =	sld [smem:$0x7F4]  }
0x4df: {  	[sflag:s12] =	ssyncset.done $0x0  }
0x4e0: {  	[sflag:s12] =	ssyncadd.s32 $0xFFFFD800  }
0x4e1: {  	[tilespmem:s7], [sflag:$0x1] =	stream.indirect.gather [spmem:s1], $0x80, s30, s6, $0xb8;
	[tilespmem:$0x1B000] =	vst v63  }
0x4e2: {  	_ =	swait.ge [sflag:s13], $0x2800  }
0x4e3: {  	s31 =	sld [smem:$0x777]  }
0x4e4: {  	[sflag:s13] =	ssyncset.done $0x0  }
0x4e5: {  	[sflag:s13] =	ssyncadd.s32 $0xFFFFD800  }
0x4e6: {  	[hbm4b:s31+s10] =	stream.strided.scatter [tilespmem:s8], [sflag:$0x4], $0x2800, s11, s10, $0x38;
	[tilespmem:$0x1B000] =	vst v63  }
0x4e7: {  	_ =	swait.ge [sflag:s14], $0x2800  }
0x4e8: {  	s30 =	sld [smem:$0x7F5]  }
0x4e9: {  	[sflag:s14] =	ssyncset.done $0x0  }
0x4ea: {  	[sflag:s14] =	ssyncadd.s32 $0xFFFFD800  }
0x4eb: {  	[tilespmem:s8], [sflag:$0x2] =	stream.indirect.gather [spmem:s1], $0x80, s30, s6, $0xb8;
	[tilespmem:$0x1B000] =	vst v63  }
0x4ec: {  	_ =	swait.ge [sflag:s9], $0x2800  }
0x4ed: {  	s31 =	sld [smem:$0x778]  }
0x4ee: {  	[sflag:s9] =	ssyncset.done $0x0  }
0x4ef: {  	[sflag:s9] =	ssyncadd.s32 $0xFFFFD800  }
0x4f0: {  	[hbm4b:s31+s10] =	stream.strided.scatter [tilespmem:s7], [sflag:$0x3], $0x2800, s11, s10, $0x38;
	[tilespmem:$0x1B000] =	vst v63  }
0x4f1: {  	_ =	swait.ge [sflag:s12], $0x2800  }
0x4f2: {  	s30 =	sld [smem:$0x7F6]  }
0x4f3: {  	[sflag:s12] =	ssyncset.done $0x0  }
0x4f4: {  	[sflag:s12] =	ssyncadd.s32 $0xFFFFD800  }
0x4f5: {  	[tilespmem:s7], [sflag:$0x1] =	stream.indirect.gather [spmem:s1], $0x80, s30, s6, $0xb8;
	[tilespmem:$0x1B000] =	vst v63  }
0x4f6: {  	_ =	swait.ge [sflag:s13], $0x2800  }
0x4f7: {  	s31 =	sld [smem:$0x779]  }
0x4f8: {  	[sflag:s13] =	ssyncset.done $0x0  }
0x4f9: {  	[sflag:s13] =	ssyncadd.s32 $0xFFFFD800  }
0x4fa: {  	[hbm4b:s31+s10] =	stream.strided.scatter [tilespmem:s8], [sflag:$0x4], $0x2800, s11, s10, $0x38;
	[tilespmem:$0x1B000] =	vst v63  }
0x4fb: {  	_ =	swait.ge [sflag:s14], $0x2800  }
0x4fc: {  	s30 =	sld [smem:$0x7F7]  }
0x4fd: {  	[sflag:s14] =	ssyncset.done $0x0  }
0x4fe: {  	[sflag:s14] =	ssyncadd.s32 $0xFFFFD800  }
0x4ff: {  	[tilespmem:s8], [sflag:$0x2] =	stream.indirect.gather [spmem:s1], $0x80, s30, s6, $0xb8;
	[tilespmem:$0x1B000] =	vst v63  }
0x500: {  	_ =	swait.ge [sflag:s9], $0x2800  }
0x501: {  	s31 =	sld [smem:$0x77A]  }
0x502: {  	[sflag:s9] =	ssyncset.done $0x0  }
0x503: {  	[sflag:s9] =	ssyncadd.s32 $0xFFFFD800  }
0x504: {  	[hbm4b:s31+s10] =	stream.strided.scatter [tilespmem:s7], [sflag:$0x3], $0x2800, s11, s10, $0x38;
	[tilespmem:$0x1B000] =	vst v63  }
0x505: {  	_ =	swait.ge [sflag:s12], $0x2800  }
0x506: {  	s30 =	sld [smem:$0x7F8]  }
0x507: {  	[sflag:s12] =	ssyncset.done $0x0  }
0x508: {  	[sflag:s12] =	ssyncadd.s32 $0xFFFFD800  }
0x509: {  	[tilespmem:s7], [sflag:$0x1] =	stream.indirect.gather [spmem:s1], $0x80, s30, s6, $0xb8;
	[tilespmem:$0x1B000] =	vst v63  }
0x50a: {  	_ =	swait.ge [sflag:s13], $0x2800  }
0x50b: {  	s31 =	sld [smem:$0x77B]  }
0x50c: {  	[sflag:s13] =	ssyncset.done $0x0  }
0x50d: {  	[sflag:s13] =	ssyncadd.s32 $0xFFFFD800  }
0x50e: {  	[hbm4b:s31+s10] =	stream.strided.scatter [tilespmem:s8], [sflag:$0x4], $0x2800, s11, s10, $0x38;
	[tilespmem:$0x1B000] =	vst v63  }
0x50f: {  	_ =	swait.ge [sflag:s14], $0x2800  }
0x510: {  	s30 =	sld [smem:$0x7F9]  }
0x511: {  	[sflag:s14] =	ssyncset.done $0x0  }
0x512: {  	[sflag:s14] =	ssyncadd.s32 $0xFFFFD800  }
0x513: {  	[tilespmem:s8], [sflag:$0x2] =	stream.indirect.gather [spmem:s1], $0x80, s30, s6, $0xb8;
	[tilespmem:$0x1B000] =	vst v63  }
0x514: {  	_ =	swait.ge [sflag:s9], $0x2800  }
0x515: {  	s31 =	sld [smem:$0x77C]  }
0x516: {  	[sflag:s9] =	ssyncset.done $0x0  }
0x517: {  	[sflag:s9] =	ssyncadd.s32 $0xFFFFD800  }
0x518: {  	[hbm4b:s31+s10] =	stream.strided.scatter [tilespmem:s7], [sflag:$0x3], $0x2800, s11, s10, $0x38;
	[tilespmem:$0x1B000] =	vst v63  }
0x519: {  	_ =	swait.ge [sflag:s12], $0x2800  }
0x51a: {  	s30 =	sld [smem:$0x7FA]  }
0x51b: {  	[sflag:s12] =	ssyncset.done $0x0  }
0x51c: {  	[sflag:s12] =	ssyncadd.s32 $0xFFFFD800  }
0x51d: {  	[tilespmem:s7], [sflag:$0x1] =	stream.indirect.gather [spmem:s1], $0x80, s30, s6, $0xb8;
	[tilespmem:$0x1B000] =	vst v63  }
0x51e: {  	_ =	swait.ge [sflag:s13], $0x2800  }
0x51f: {  	s31 =	sld [smem:$0x77D]  }
0x520: {  	[sflag:s13] =	ssyncset.done $0x0  }
0x521: {  	[sflag:s13] =	ssyncadd.s32 $0xFFFFD800  }
0x522: {  	[hbm4b:s31+s10] =	stream.strided.scatter [tilespmem:s8], [sflag:$0x4], $0x2800, s11, s10, $0x38;
	[tilespmem:$0x1B000] =	vst v63  }
0x523: {  	_ =	swait.ge [sflag:s14], $0x2800  }
0x524: {  	s30 =	sld [smem:$0x7FB]  }
0x525: {  	[sflag:s14] =	ssyncset.done $0x0  }
0x526: {  	[sflag:s14] =	ssyncadd.s32 $0xFFFFD800  }
0x527: {  	[tilespmem:s8], [sflag:$0x2] =	stream.indirect.gather [spmem:s1], $0x80, s30, s6, $0xb8;
	[tilespmem:$0x1B000] =	vst v63  }
0x528: {  	_ =	swait.ge [sflag:s9], $0x2800  }
0x529: {  	s31 =	sld [smem:$0x77E]  }
0x52a: {  	[sflag:s9] =	ssyncset.done $0x0  }
0x52b: {  	[sflag:s9] =	ssyncadd.s32 $0xFFFFD800  }
0x52c: {  	[hbm4b:s31+s10] =	stream.strided.scatter [tilespmem:s7], [sflag:$0x3], $0x2800, s11, s10, $0x38;
	[tilespmem:$0x1B000] =	vst v63  }
0x52d: {  	_ =	swait.ge [sflag:s12], $0x2800  }
0x52e: {  	s30 =	sld [smem:$0x7FC]  }
0x52f: {  	[sflag:s12] =	ssyncset.done $0x0  }
0x530: {  	[sflag:s12] =	ssyncadd.s32 $0xFFFFD800  }
0x531: {  	[tilespmem:s7], [sflag:$0x1] =	stream.indirect.gather [spmem:s1], $0x80, s30, s6, $0xb8;
	[tilespmem:$0x1B000] =	vst v63  }
0x532: {  	_ =	swait.ge [sflag:s13], $0x2800  }
0x533: {  	s31 =	sld [smem:$0x77F]  }
0x534: {  	[sflag:s13] =	ssyncset.done $0x0  }
0x535: {  	[sflag:s13] =	ssyncadd.s32 $0xFFFFD800  }
0x536: {  	[hbm4b:s31+s10] =	stream.strided.scatter [tilespmem:s8], [sflag:$0x4], $0x2800, s11, s10, $0x38;
	[tilespmem:$0x1B000] =	vst v63  }
0x537: {  	_ =	swait.ge [sflag:s14], $0x2800  }
0x538: {  	s30 =	sld [smem:$0x7FD]  }
0x539: {  	[sflag:s14] =	ssyncset.done $0x0  }
0x53a: {  	[sflag:s14] =	ssyncadd.s32 $0xFFFFD800  }
0x53b: {  	[tilespmem:s8], [sflag:$0x2] =	stream.indirect.gather [spmem:s1], $0x80, s30, s6, $0xb8;
	[tilespmem:$0x1B000] =	vst v63  }
0x53c: {  	_ =	swait.ge [sflag:s9], $0x2800  }
0x53d: {  	s31 =	sld [smem:$0x780]  }
0x53e: {  	[sflag:s9] =	ssyncset.done $0x0  }
0x53f: {  	[sflag:s9] =	ssyncadd.s32 $0xFFFFD800  }
0x540: {  	[hbm4b:s31+s10] =	stream.strided.scatter [tilespmem:s7], [sflag:$0x3], $0x2800, s11, s10, $0x38;
	[tilespmem:$0x1B000] =	vst v63  }
0x541: {  	_ =	swait.ge [sflag:s12], $0x2800  }
0x542: {  	[sflag:s12] =	ssyncset.done $0x0  }
0x543: {  	[sflag:s12] =	ssyncadd.s32 $0xFFFFD800  }
0x544: {  	[tilespmem:s7], [sflag:$0x1] =	stream.indirect.gather [spmem:s1], $0x80, s15, s6, $0xb8;
	[tilespmem:$0x1B000] =	vst v63  }
0x545: {  	_ =	swait.ge [sflag:s13], $0x2800  }
0x546: {  	s30 =	sld [smem:$0x781]  }
0x547: {  	[sflag:s13] =	ssyncset.done $0x0  }
0x548: {  	[sflag:s13] =	ssyncadd.s32 $0xFFFFD800  }
0x549: {  	[hbm4b:s30+s10] =	stream.strided.scatter [tilespmem:s8], [sflag:$0x4], $0x2800, s11, s10, $0x38;
	[tilespmem:$0x1B000] =	vst v63  }
0x54a: {  	_ =	swait.ge [sflag:s14], $0x2800  }
0x54b: {  	[sflag:s14] =	ssyncset.done $0x0  }
0x54c: {  	[sflag:s14] =	ssyncadd.s32 $0xFFFFD800  }
0x54d: {  	[tilespmem:s8], [sflag:$0x2] =	stream.indirect.gather [spmem:s1], $0x80, s16, s6, $0xb8;
	[tilespmem:$0x1B000] =	vst v63  }
0x54e: {  	_ =	swait.ge [sflag:s9], $0x2800  }
0x54f: {  	s31 =	sld [smem:$0x782]  }
0x550: {  	[sflag:s9] =	ssyncset.done $0x0  }
0x551: {  	[sflag:s9] =	ssyncadd.s32 $0xFFFFD800  }
0x552: {  	[hbm4b:s31+s10] =	stream.strided.scatter [tilespmem:s7], [sflag:$0x3], $0x2800, s11, s10, $0x38;
	[tilespmem:$0x1B000] =	vst v63  }
0x553: {  	_ =	swait.ge [sflag:s12], $0x2800  }
0x554: {  	[sflag:s12] =	ssyncset.done $0x0  }
0x555: {  	[sflag:s12] =	ssyncadd.s32 $0xFFFFD800  }
0x556: {  	[tilespmem:s7], [sflag:$0x1] =	stream.indirect.gather [spmem:s1], $0x80, s17, s6, $0xb8;
	[tilespmem:$0x1B000] =	vst v63  }
0x557: {  	_ =	swait.ge [sflag:s13], $0x2800  }
0x558: {  	s30 =	sld [smem:$0x783]  }
0x559: {  	[sflag:s13] =	ssyncset.done $0x0  }
0x55a: {  	[sflag:s13] =	ssyncadd.s32 $0xFFFFD800  }
0x55b: {  	[hbm4b:s30+s10] =	stream.strided.scatter [tilespmem:s8], [sflag:$0x4], $0x2800, s11, s10, $0x38;
	[tilespmem:$0x1B000] =	vst v63  }
0x55c: {  	_ =	swait.ge [sflag:s14], $0x2800  }
0x55d: {  	[sflag:s14] =	ssyncset.done $0x0  }
0x55e: {  	[sflag:s14] =	ssyncadd.s32 $0xFFFFD800  }
0x55f: {  	[tilespmem:s8], [sflag:$0x2] =	stream.indirect.gather [spmem:s1], $0x80, s18, s6, $0xb8;
	[tilespmem:$0x1B000] =	vst v63  }
0x560: {  	_ =	swait.ge [sflag:s9], $0x2800  }
0x561: {  	s31 =	sld [smem:$0x784]  }
0x562: {  	[sflag:s9] =	ssyncset.done $0x0  }
0x563: {  	[sflag:s9] =	ssyncadd.s32 $0xFFFFD800  }
0x564: {  	[hbm4b:s31+s10] =	stream.strided.scatter [tilespmem:s7], [sflag:$0x3], $0x2800, s11, s10, $0x38;
	[tilespmem:$0x1B000] =	vst v63  }
0x565: {  	_ =	swait.ge [sflag:s12], $0x2800  }
0x566: {  	[sflag:s12] =	ssyncset.done $0x0  }
0x567: {  	[sflag:s12] =	ssyncadd.s32 $0xFFFFD800  }
0x568: {  	[tilespmem:s7], [sflag:$0x1] =	stream.indirect.gather [spmem:s1], $0x80, s19, s6, $0xb8;
	[tilespmem:$0x1B000] =	vst v63  }
0x569: {  	_ =	swait.ge [sflag:s13], $0x2800  }
0x56a: {  	s30 =	sld [smem:$0x785]  }
0x56b: {  	[sflag:s13] =	ssyncset.done $0x0  }
0x56c: {  	[sflag:s13] =	ssyncadd.s32 $0xFFFFD800  }
0x56d: {  	[hbm4b:s30+s10] =	stream.strided.scatter [tilespmem:s8], [sflag:$0x4], $0x2800, s11, s10, $0x38;
	[tilespmem:$0x1B000] =	vst v63  }
0x56e: {  	_ =	swait.ge [sflag:s14], $0x2800  }
0x56f: {  	[sflag:s14] =	ssyncset.done $0x0  }
0x570: {  	[sflag:s14] =	ssyncadd.s32 $0xFFFFD800  }
0x571: {  	[tilespmem:s8], [sflag:$0x2] =	stream.indirect.gather [spmem:s1], $0x80, s20, s6, $0xb8;
	[tilespmem:$0x1B000] =	vst v63  }
0x572: {  	_ =	swait.ge [sflag:s9], $0x2800  }
0x573: {  	s31 =	sld [smem:$0x786]  }
0x574: {  	[sflag:s9] =	ssyncset.done $0x0  }
0x575: {  	[sflag:s9] =	ssyncadd.s32 $0xFFFFD800  }
0x576: {  	[hbm4b:s31+s10] =	stream.strided.scatter [tilespmem:s7], [sflag:$0x3], $0x2800, s11, s10, $0x38;
	[tilespmem:$0x1B000] =	vst v63  }
0x577: {  	_ =	swait.ge [sflag:s12], $0x2800  }
0x578: {  	[sflag:s12] =	ssyncset.done $0x0  }
0x579: {  	[sflag:s12] =	ssyncadd.s32 $0xFFFFD800  }
0x57a: {  	[tilespmem:s7], [sflag:$0x1] =	stream.indirect.gather [spmem:s1], $0x80, s21, s6, $0xb8;
	[tilespmem:$0x1B000] =	vst v63  }
0x57b: {  	_ =	swait.ge [sflag:s13], $0x2800  }
0x57c: {  	s30 =	sld [smem:$0x787]  }
0x57d: {  	[sflag:s13] =	ssyncset.done $0x0  }
0x57e: {  	[sflag:s13] =	ssyncadd.s32 $0xFFFFD800  }
0x57f: {  	[hbm4b:s30+s10] =	stream.strided.scatter [tilespmem:s8], [sflag:$0x4], $0x2800, s11, s10, $0x38;
	[tilespmem:$0x1B000] =	vst v63  }
0x580: {  	_ =	swait.ge [sflag:s14], $0x2800  }
0x581: {  	[sflag:s14] =	ssyncset.done $0x0  }
0x582: {  	[sflag:s14] =	ssyncadd.s32 $0xFFFFD800  }
0x583: {  	[tilespmem:s8], [sflag:$0x2] =	stream.indirect.gather [spmem:s1], $0x80, s22, s6, $0xb8;
	[tilespmem:$0x1B000] =	vst v63  }
0x584: {  	_ =	swait.ge [sflag:s9], $0x2800  }
0x585: {  	s31 =	sld [smem:$0x788]  }
0x586: {  	[sflag:s9] =	ssyncset.done $0x0  }
0x587: {  	[sflag:s9] =	ssyncadd.s32 $0xFFFFD800  }
0x588: {  	[hbm4b:s31+s10] =	stream.strided.scatter [tilespmem:s7], [sflag:$0x3], $0x2800, s11, s10, $0x38;
	[tilespmem:$0x1B000] =	vst v63  }
0x589: {  	_ =	swait.ge [sflag:s12], $0x2800  }
0x58a: {  	[sflag:s12] =	ssyncset.done $0x0  }
0x58b: {  	[sflag:s12] =	ssyncadd.s32 $0xFFFFD800  }
0x58c: {  	[tilespmem:s7], [sflag:$0x1] =	stream.indirect.gather [spmem:s1], $0x80, s23, s6, $0xb8;
	[tilespmem:$0x1B000] =	vst v63  }
0x58d: {  	_ =	swait.ge [sflag:s13], $0x2800  }
0x58e: {  	s30 =	sld [smem:$0x789]  }
0x58f: {  	[sflag:s13] =	ssyncset.done $0x0  }
0x590: {  	[sflag:s13] =	ssyncadd.s32 $0xFFFFD800  }
0x591: {  	[hbm4b:s30+s10] =	stream.strided.scatter [tilespmem:s8], [sflag:$0x4], $0x2800, s11, s10, $0x38;
	[tilespmem:$0x1B000] =	vst v63  }
0x592: {  	_ =	swait.ge [sflag:s14], $0x2800  }
0x593: {  	[sflag:s14] =	ssyncset.done $0x0  }
0x594: {  	[sflag:s14] =	ssyncadd.s32 $0xFFFFD800  }
0x595: {  	[tilespmem:s8], [sflag:$0x2] =	stream.indirect.gather [spmem:s1], $0x80, s24, s6, $0xb8;
	[tilespmem:$0x1B000] =	vst v63  }
0x596: {  	_ =	swait.ge [sflag:s9], $0x2800  }
0x597: {  	s31 =	sld [smem:$0x78A]  }
0x598: {  	[sflag:s9] =	ssyncset.done $0x0  }
0x599: {  	[sflag:s9] =	ssyncadd.s32 $0xFFFFD800  }
0x59a: {  	[hbm4b:s31+s10] =	stream.strided.scatter [tilespmem:s7], [sflag:$0x3], $0x2800, s11, s10, $0x38;
	[tilespmem:$0x1B000] =	vst v63  }
0x59b: {  	_ =	swait.ge [sflag:s12], $0x2800  }
0x59c: {  	[sflag:s12] =	ssyncset.done $0x0  }
0x59d: {  	[sflag:s12] =	ssyncadd.s32 $0xFFFFD800  }
0x59e: {  	[tilespmem:s7], [sflag:$0x1] =	stream.indirect.gather [spmem:s1], $0x80, s25, s6, $0xb8;
	[tilespmem:$0x1B000] =	vst v63  }
0x59f: {  	_ =	swait.ge [sflag:s13], $0x2800  }
0x5a0: {  	s30 =	sld [smem:$0x78B]  }
0x5a1: {  	[sflag:s13] =	ssyncset.done $0x0  }
0x5a2: {  	[sflag:s13] =	ssyncadd.s32 $0xFFFFD800  }
0x5a3: {  	[hbm4b:s30+s10] =	stream.strided.scatter [tilespmem:s8], [sflag:$0x4], $0x2800, s11, s10, $0x38;
	[tilespmem:$0x1B000] =	vst v63  }
0x5a4: {  	_ =	swait.ge [sflag:s14], $0x2800  }
0x5a5: {  	[sflag:s14] =	ssyncset.done $0x0  }
0x5a6: {  	[sflag:s14] =	ssyncadd.s32 $0xFFFFD800  }
0x5a7: {  	[tilespmem:s8], [sflag:$0x2] =	stream.indirect.gather [spmem:s1], $0x80, s26, s6, $0xb8;
	[tilespmem:$0x1B000] =	vst v63  }
0x5a8: {  	_ =	swait.ge [sflag:s9], $0x2800  }
0x5a9: {  	s31 =	sld [smem:$0x78C]  }
0x5aa: {  	[sflag:s9] =	ssyncset.done $0x0  }
0x5ab: {  	[sflag:s9] =	ssyncadd.s32 $0xFFFFD800  }
0x5ac: {  	[hbm4b:s31+s10] =	stream.strided.scatter [tilespmem:s7], [sflag:$0x3], $0x2800, s11, s10, $0x38;
	[tilespmem:$0x1B000] =	vst v63  }
0x5ad: {  	_ =	swait.ge [sflag:s12], $0x2800  }
0x5ae: {  	[sflag:s12] =	ssyncset.done $0x0  }
0x5af: {  	[sflag:s12] =	ssyncadd.s32 $0xFFFFD800  }
0x5b0: {  	[tilespmem:s7], [sflag:$0x1] =	stream.indirect.gather [spmem:s1], $0x80, s28, s6, $0xb8;
	[tilespmem:$0x1B000] =	vst v63  }
0x5b1: {  	_ =	swait.ge [sflag:s13], $0x2800  }
0x5b2: {  	s30 =	sld [smem:$0x78D]  }
0x5b3: {  	[sflag:s13] =	ssyncset.done $0x0  }
0x5b4: {  	[sflag:s13] =	ssyncadd.s32 $0xFFFFD800  }
0x5b5: {  	[hbm4b:s30+s10] =	stream.strided.scatter [tilespmem:s8], [sflag:$0x4], $0x2800, s11, s10, $0x38;
	[tilespmem:$0x1B000] =	vst v63  }
0x5b6: {  	_ =	swait.ge [sflag:s9], $0x2800  }
0x5b7: {  	s31 =	sld [smem:$0x78E]  }
0x5b8: {  	[sflag:s9] =	ssyncset.done $0x0  }
0x5b9: {  	s3 =	sadd.s32 $0xFFFFFFFF, s3;
	[sflag:s9] =	ssyncadd.s32 $0xFFFFD800  }
0x5ba: {  	[hbm4b:s31+s10] =	stream.strided.scatter [tilespmem:s7], [sflag:$0x3], $0x2800, s11, s10, $0x38;
	[tilespmem:$0x1B000] =	vst v63  }
0x5bb: {  	p1 =	sne.s32 s3, $0x0;
	_ =	swait.ge [sflag:s12], $0x2800  }
.Ltmp0:
0x5bc: {  	[sflag:s12] =	ssyncset.done $0x0;
	(pc) =	sbr.rel @p1 .LBB2_1-.Ltmp0, $4  }
0x5bd: {  	[sflag:s12] =	ssyncadd.s32 $0xFFFFD800  }
0x5be: {  	_ =	swait.ge [sflag:s14], $0x2800  }
0x5bf: {  	[sflag:s14] =	ssyncset.done $0x0  }
0x5c0: {  	[sflag:s14] =	ssyncadd.s32 $0xFFFFD800  }
0x5c1: {  	_ =	sfence.sel $0x180000  }
0x5c2: {  	[bflag:$0x0] =	sbarrier.arrive $0xFFFF  }
0x5c3: {  	_ =	strace $0x90000047  }
0x5c4: {  	s0 =	sadd.s32 @!p0 $0x100000, s0;
	[bflag:$0x2] =	sbarrier.arrive $0xFFFF  }
0x5c5: {  	[sflag:s0] =	ssyncadd.tile.s32 @!p0 $0x1;
	_ =	shalt  }
.Lfunc_end2:
_tile_overlayer_lowered:
.L_overlay_start_2:
0x5c6: {  	(tag) =	ssettag $0x2  }
0x5c7: {  	s0 =	rddreg [dreg:$0x0];
	s2 =	stileid.u32  }
0x5c8: {  	s1 =	rddreg [dreg:$0x1];
	p0 =	sne.s32 s2, $0x0  }
0x5c9: {  	s3 =	rddreg [dreg:$0x2];
	[bflag:$0x3] =	sbarrier.arrive $0xFFFF;
	s2 =	simm.s32 @!p0 $0x1C05  }
0x5ca: {  	[timem:s3], [sflag:s2] =	dma.local @!p0 [hbm:s0], s1  }
0x5cb: {  	s0 =	simm.s32 @!p0 $0x5  }
0x5cc: {  	_ =	swait.ge @!p0 [sflag:s0], s1  }
0x5cd: {  	s1 =	ssub.s32 @!p0 $0x0, s1;
	[sflag:s0] =	ssyncset.done @!p0 $0x0  }
0x5ce: {  	[sflag:s0] =	ssyncadd.s32 @!p0 s1  }
0x5cf: {  	[bflag:$0x3] =	sbarrier.arrive $0xFFFF  }
0x5d0: {  	_ =	shalt  }

</sc_bundles>
